<compile_context>
chip_gen: v7x
topology: tpu7x:2x2x1
jax: 0.10.2.dev20260603
libtpu: 0.0.44.dev20260713+nightly
codegen_flags: <defaults>
</compile_context>

<pallas_src>
import functools

import jax
import jax.numpy as jnp
from jax import lax
from jax.experimental import pallas as pl
from jax.experimental.pallas import tpu as pltpu
from jax.experimental.pallas import tpu_sc as plsc

N_NODES = 10000
N_EDGES = 320000
F = 128

NC = 2
NS = 16
NW = NC * NS
CH = 128
CPB = 8
NBLK = 10
EPWP = NBLK * CPB * CH
E_PAD = NW * EPWP
N_DUMMY = 512
N_ACC = N_NODES + N_DUMMY
CPS = 624
TAIL = N_NODES - CPS * NS
TAIL_OFF = CPS * NS

_mesh = plsc.VectorSubcoreMesh(core_axis_name="c", subcore_axis_name="s")


@functools.partial(
    pl.kernel,
    out_type=jax.ShapeDtypeStruct((NC, N_NODES, F), jnp.float32),
    mesh=_mesh,
    scratch_types=[
        pltpu.VMEM_SHARED((N_ACC, F), jnp.float32),
        pltpu.VMEM((CPB, CH), jnp.int32),
        pltpu.VMEM((CPB, CH), jnp.int32),
        pltpu.VMEM((CPB, CH), jnp.int32),
        pltpu.VMEM((CPB, CH), jnp.int32),
        pltpu.VMEM((CH, F), jnp.float32),
        pltpu.VMEM((CH, F), jnp.float32),
        pltpu.SemaphoreType.DMA,
        pltpu.SemaphoreType.DMA,
        pltpu.SemaphoreType.DMA,
        pltpu.SemaphoreType.DMA,
    ],
)
def _seg_sum(table, zeros, src4, dst4, out, acc, sA, dA, sB, dB, rows0, rows1,
             semiA, semiB, semg0, semg1):
    c = lax.axis_index("c")
    s = lax.axis_index("s")
    w = s * NC + c

    off = pl.multiple_of(s * CPS, 8)

    @pl.when(c == 0)
    def _():
        pltpu.sync_copy(table.at[pl.ds(off, CPS)], acc.at[pl.ds(off, CPS)])

        @pl.when(s == NS - 1)
        def _():
            pltpu.sync_copy(table.at[pl.ds(TAIL_OFF, TAIL)],
                            acc.at[pl.ds(TAIL_OFF, TAIL)])

    @pl.when(c == 1)
    def _():
        pltpu.sync_copy(zeros, acc.at[pl.ds(off, CPS)])

        @pl.when(s == NS - 1)
        def _():
            pltpu.sync_copy(zeros.at[pl.ds(0, TAIL)],
                            acc.at[pl.ds(TAIL_OFF, TAIL)])

    plsc.subcore_barrier()

    rows = (rows0, rows1)
    semg = (semg0, semg1)
    HC = CH // 2

    def gissue(sref, r, buf, sem):
        pltpu.async_copy(table.at[sref.at[r, pl.ds(0, HC)]],
                         buf.at[pl.ds(0, HC)], sem)
        pltpu.async_copy(table.at[sref.at[r, pl.ds(HC, HC)]],
                         buf.at[pl.ds(HC, HC)], sem)

    def gwait(sref, r, buf, sem):
        pltpu.make_async_copy(table.at[sref.at[r, pl.ds(0, HC)]],
                              buf.at[pl.ds(0, HC)], sem).wait()
        pltpu.make_async_copy(table.at[sref.at[r, pl.ds(HC, HC)]],
                              buf.at[pl.ds(HC, HC)], sem).wait()

    pltpu.async_copy(src4.at[w, 0], sA, semiA)
    pltpu.async_copy(dst4.at[w, 0], dA, semiA)
    pltpu.make_async_copy(src4.at[w, 0], sA, semiA).wait()
    pltpu.make_async_copy(dst4.at[w, 0], dA, semiA).wait()
    gissue(sA, 0, rows0, semg0)

    def pair(t, carry):
        be = 2 * t

        pltpu.async_copy(src4.at[w, be + 1], sB, semiB)
        pltpu.async_copy(dst4.at[w, be + 1], dB, semiB)
        for r in range(CPB):
            cur, nxt = rows[r % 2], rows[(r + 1) % 2]
            if r < CPB - 1:
                gissue(sA, r + 1, nxt, semg[(r + 1) % 2])
            else:
                pltpu.make_async_copy(src4.at[w, be + 1], sB, semiB).wait()
                pltpu.make_async_copy(dst4.at[w, be + 1], dB, semiB).wait()
                gissue(sB, 0, nxt, semg[(r + 1) % 2])
            gwait(sA, r, cur, semg[r % 2])
            pltpu.sync_copy(cur, acc.at[dA.at[r]], add=True)

        @pl.when(t < NBLK // 2 - 1)
        def _():
            pltpu.async_copy(src4.at[w, be + 2], sA, semiA)
            pltpu.async_copy(dst4.at[w, be + 2], dA, semiA)

        for r in range(CPB):
            cur, nxt = rows[r % 2], rows[(r + 1) % 2]
            if r < CPB - 1:
                gissue(sB, r + 1, nxt, semg[(r + 1) % 2])
            else:
                @pl.when(t < NBLK // 2 - 1)
                def _():
                    pltpu.make_async_copy(src4.at[w, be + 2], sA, semiA).wait()
                    pltpu.make_async_copy(dst4.at[w, be + 2], dA, semiA).wait()
                    gissue(sA, 0, nxt, semg[(r + 1) % 2])
            gwait(sB, r, cur, semg[r % 2])
            pltpu.sync_copy(cur, acc.at[dB.at[r]], add=True)
        return carry

    lax.fori_loop(0, NBLK // 2, pair, 0)
    plsc.subcore_barrier()

    pltpu.sync_copy(acc.at[pl.ds(off, CPS)], out.at[c, pl.ds(off, CPS)])

    @pl.when(s == NS - 1)
    def _():
        pltpu.sync_copy(acc.at[pl.ds(TAIL_OFF, TAIL)],
                        out.at[c, pl.ds(TAIL_OFF, TAIL)])


R = 2000


def _lin_relu_body(agg_ref, w_ref, b_ref, o_ref):
    a = agg_ref[0] + agg_ref[1]
    h = jnp.dot(a, w_ref[...], preferred_element_type=jnp.float32) + b_ref[...]
    o_ref[...] = jnp.maximum(h, 0.0)


def _lin_relu(agg, W, b):
    return pl.pallas_call(
        _lin_relu_body,
        grid=(N_NODES // R,),
        in_specs=[
            pl.BlockSpec((NC, R, F), lambda i: (0, i, 0)),
            pl.BlockSpec((F, F), lambda i: (0, 0)),
            pl.BlockSpec((1, F), lambda i: (0, 0)),
        ],
        out_specs=pl.BlockSpec((R, F), lambda i: (i, 0)),
        out_shape=jax.ShapeDtypeStruct((N_NODES, F), jnp.float32),
    )(agg, W, b)


def _final_body(agg_ref, w2_ref, b2_ref, wf1_ref, bf1_ref, wf2_ref,
                bf2_ref, o_ref, acc_ref):
    i = pl.program_id(0)
    a = agg_ref[0] + agg_ref[1]
    h2 = jnp.dot(a, w2_ref[...], preferred_element_type=jnp.float32) + b2_ref[...]
    h2 = jnp.maximum(h2, 0.0)
    part = jnp.sum(h2, axis=0, keepdims=True)

    @pl.when(i == 0)
    def _():
        acc_ref[0:1] = part

    @pl.when(i > 0)
    def _():
        acc_ref[0:1] = acc_ref[0:1] + part

    @pl.when(i == pl.num_programs(0) - 1)
    def _():
        hg = jnp.dot(acc_ref[0:1], wf1_ref[...],
                     preferred_element_type=jnp.float32) + bf1_ref[...]
        hg = jnp.maximum(hg, 0.0)
        z = jnp.sum(hg * wf2_ref[...], axis=1, keepdims=True) + bf2_ref[...]
        o_ref[...] = 1.0 / (1.0 + jnp.exp(-z))


def _final(agg, W2, b2, Wf1, bf1, Wf2, bf2):
    return pl.pallas_call(
        _final_body,
        grid=(N_NODES // R,),
        in_specs=[
            pl.BlockSpec((NC, R, F), lambda i: (0, i, 0)),
            pl.BlockSpec((F, F), lambda i: (0, 0)),
            pl.BlockSpec((1, F), lambda i: (0, 0)),
            pl.BlockSpec((F, F), lambda i: (0, 0)),
            pl.BlockSpec((1, F), lambda i: (0, 0)),
            pl.BlockSpec((1, F), lambda i: (0, 0)),
            pl.BlockSpec((1, 1), lambda i: (0, 0)),
        ],
        out_specs=pl.BlockSpec((1, 1), lambda i: (0, 0)),
        out_shape=jax.ShapeDtypeStruct((1, 1), jnp.float32),
        scratch_shapes=[pltpu.VMEM((8, F), jnp.float32)],
    )(agg, W2, b2, Wf1, bf1, Wf2, bf2)


def kernel(x, edge_index, W1, b1, W2, b2, Wf1, bf1, Wf2, bf2):
    ppw = EPWP - N_EDGES // NW
    pad_iota = jnp.arange(NW * ppw, dtype=jnp.int32).reshape(NW, ppw)
    src = jnp.concatenate(
        [edge_index[0].astype(jnp.int32).reshape(NW, N_EDGES // NW),
         pad_iota % N_NODES], axis=1).reshape(NW, NBLK, CPB, CH)
    dst = jnp.concatenate(
        [edge_index[1].astype(jnp.int32).reshape(NW, N_EDGES // NW),
         N_NODES + (pad_iota % N_DUMMY)], axis=1).reshape(NW, NBLK, CPB, CH)
    zeros = jnp.zeros((CPS, F), jnp.float32)

    agg1 = _seg_sum(x, zeros, src, dst)
    h1 = _lin_relu(agg1, W1, b1.reshape(1, F))
    agg2 = _seg_sum(h1, zeros, src, dst)
    return _final(agg2, W2, b2.reshape(1, F), Wf1, bf1.reshape(1, F),
                  Wf2.reshape(1, F), bf2.reshape(1, 1))

# --- scband reference (transcript-rebuilt; emitter-appended) ---
"""Pipeline reference for scband-ginnet-34634616275604 (READ-ONLY COPY).

The authoritative reference and input builder live on the scoring server;
editing this copy changes nothing except your own understanding.
"""

import jax, jax.numpy as jnp
import numpy as np

N_NODES = 10000
N_EDGES = 320000
IN_FEATS = 128
HIDDEN = 128

def setup_inputs(seed: int = 0) -> dict:
    key = jax.random.key(seed)
    ks = jax.random.split(key, 12)
    x = jax.random.normal(ks[0], (N_NODES, IN_FEATS), dtype=jnp.float32)
    edge_index = jax.random.randint(ks[1], (2, N_EDGES), 0, N_NODES, dtype=jnp.int64)
    s1 = 1.0 / np.sqrt(IN_FEATS)
    s2 = 1.0 / np.sqrt(HIDDEN)
    W1 = jax.random.uniform(ks[2], (IN_FEATS, HIDDEN), jnp.float32, -s1, s1)
    b1 = jax.random.uniform(ks[3], (HIDDEN,), jnp.float32, -s1, s1)
    W2 = jax.random.uniform(ks[4], (HIDDEN, HIDDEN), jnp.float32, -s2, s2)
    b2 = jax.random.uniform(ks[5], (HIDDEN,), jnp.float32, -s2, s2)
    Wf1 = jax.random.uniform(ks[6], (HIDDEN, HIDDEN), jnp.float32, -s2, s2)
    bf1 = jax.random.uniform(ks[7], (HIDDEN,), jnp.float32, -s2, s2)
    Wf2 = jax.random.uniform(ks[8], (HIDDEN, 1), jnp.float32, -s2, s2)
    bf2 = jax.random.uniform(ks[9], (1,), jnp.float32, -s2, s2)
    return {"x": x, "edge_index": edge_index, "W1": W1, "b1": b1, "W2": W2, "b2": b2, "Wf1": Wf1, "bf1": bf1, "Wf2": Wf2, "bf2": bf2}

def reference(x, edge_index, W1, b1, W2, b2, Wf1, bf1, Wf2, bf2):
    src = edge_index[0]
    dst = edge_index[1]
    n = x.shape[0]
    # GINConv 1 (sum aggregator, eps=0): h = Linear((1+eps)*x + sum_neighbors)
    agg1 = jax.ops.segment_sum(jnp.take(x, src, axis=0), dst, num_segments=n)
    h = jax.nn.relu((x + agg1) @ W1 + b1)
    # GINConv 2
    agg2 = jax.ops.segment_sum(jnp.take(h, src, axis=0), dst, num_segments=n)
    h = jax.nn.relu((h + agg2) @ W2 + b2)
    # SumPooling over all nodes (single graph)
    hg = jnp.sum(h, axis=0, keepdims=True)
    hg = jax.nn.relu(hg @ Wf1 + bf1)
    # dropout is identity in eval mode
    out = jax.nn.sigmoid(hg @ Wf2 + bf2)
    return out

if __name__ == "__main__":
    import jax
    _d = setup_inputs()
    print(jax.jit(kernel)(*tuple(_d.values())))

</pallas_src>

<mosaic_0001>
#map = affine_map<(d0, d1) -> (0, 0)>
#map1 = affine_map<(d0, d1) -> (0, 0, 0, 0)>
#map2 = affine_map<(d0, d1) -> (0, 0, 0)>
module attributes {stable_mosaic.version = 14 : i64} {
  func.func @_seg_sum(%arg0: i32, %arg1: i32, %arg2: memref<10000x128xf32, #tpu.memory_space<hbm>>, %arg3: memref<624x128xf32, #tpu.memory_space<hbm>>, %arg4: memref<32x10x8x128xi32, #tpu.memory_space<hbm>>, %arg5: memref<32x10x8x128xi32, #tpu.memory_space<hbm>>, %arg6: memref<2x10000x128xf32, #tpu.memory_space<hbm>>, %arg7: memref<10512x128xf32, #tpu.memory_space<vmem_shared>>, %arg8: memref<8x128xi32, #tpu.memory_space<vmem>>, %arg9: memref<8x128xi32, #tpu.memory_space<vmem>>, %arg10: memref<8x128xi32, #tpu.memory_space<vmem>>, %arg11: memref<8x128xi32, #tpu.memory_space<vmem>>, %arg12: memref<128x128xf32, #tpu.memory_space<vmem>>, %arg13: memref<128x128xf32, #tpu.memory_space<vmem>>, %arg14: memref<!tpu.dma_semaphore, #tpu.memory_space<semaphore_mem>>, %arg15: memref<!tpu.dma_semaphore, #tpu.memory_space<semaphore_mem>>, %arg16: memref<!tpu.dma_semaphore, #tpu.memory_space<semaphore_mem>>, %arg17: memref<!tpu.dma_semaphore, #tpu.memory_space<semaphore_mem>>) attributes {dimension_semantics = [#tpu.dimension_semantics<core_parallel>, #tpu.dimension_semantics<subcore_parallel>], iteration_bounds = array<i64: 2, 16>, scalar_prefetch = 0 : i64, scratch_operands = 11 : i64, tpu.core_type = #tpu.core_type<sc_vector_subcore>, window_params = [{transform_indices = #map}, {transform_indices = #map}, {transform_indices = #map1}, {transform_indices = #map1}, {transform_indices = #map2}]} {
    %mul3A = arith.constant 2 : i32
    %mul3A_0 = arith.muli %arg1, %mul3A : i32
    %add3A = arith.addi %mul3A_0, %arg0 : i32
    %mul3A_1 = arith.constant 624 : i32
    %mul3A_2 = arith.muli %arg1, %mul3A_1 : i32
    %multiple_of3A = tpu.assume_multiple %mul3A_2, 8 : i32
    %eq3A = arith.constant 0 : i32
    %eq3A_3 = arith.cmpi eq, %arg0, %eq3A : i32
    %convert_element_type3A = arith.extui %eq3A_3 : i1 to i32
    %cond3A = arith.constant 0 : i32
    %cond3A_4 = arith.cmpi ne, %convert_element_type3A, %cond3A : i32
    scf.if %cond3A_4 {
      "tpu.region"() ({
        %run_scoped3A = tpu.sem_alloc : memref<!tpu.dma_semaphore, #tpu.memory_space<semaphore_mem>>
        %dma_start3A_80 = arith.constant 0 : i32
        %dma_start3A_81 = tpu.memref_slice %arg7[%multiple_of3A, %dma_start3A_80] : memref<10512x128xf32, #tpu.memory_space<vmem_shared>> -> memref<624x128xf32, #tpu.memory_space<vmem_shared>>
        %dma_start3A_82 = arith.constant 0 : i32
        %dma_start3A_83 = tpu.memref_slice %arg2[%multiple_of3A, %dma_start3A_82] : memref<10000x128xf32, #tpu.memory_space<hbm>> -> memref<624x128xf32, #tpu.memory_space<hbm>>
        tpu.enqueue_dma source(%dma_start3A_83 : memref<624x128xf32, #tpu.memory_space<hbm>>) target(%dma_start3A_81 : memref<624x128xf32, #tpu.memory_space<vmem_shared>>) target_semaphore(%run_scoped3A : memref<!tpu.dma_semaphore, #tpu.memory_space<semaphore_mem>>)
        %dma_wait3A_84 = arith.constant 0 : i32
        %dma_wait3A_85 = tpu.memref_slice %arg7[%multiple_of3A, %dma_wait3A_84] : memref<10512x128xf32, #tpu.memory_space<vmem_shared>> -> memref<624x128xf32, #tpu.memory_space<vmem_shared>>
        %dma_wait3A_86 = arith.constant 0 : i32
        %dma_wait3A_87 = tpu.memref_slice %arg2[%multiple_of3A, %dma_wait3A_86] : memref<10000x128xf32, #tpu.memory_space<hbm>> -> memref<624x128xf32, #tpu.memory_space<hbm>>
        tpu.wait_dma2 semaphore(%run_scoped3A : memref<!tpu.dma_semaphore, #tpu.memory_space<semaphore_mem>>) src(%dma_wait3A_87 : memref<624x128xf32, #tpu.memory_space<hbm>>) dst(%dma_wait3A_85 : memref<624x128xf32, #tpu.memory_space<vmem_shared>>)
        tpu.yield
      }) : () -> ()
      %eq3A_75 = arith.constant 15 : i32
      %eq3A_76 = arith.cmpi eq, %arg1, %eq3A_75 : i32
      %convert_element_type3A_77 = arith.extui %eq3A_76 : i1 to i32
      %cond3A_78 = arith.constant 0 : i32
      %cond3A_79 = arith.cmpi ne, %convert_element_type3A_77, %cond3A_78 : i32
      scf.if %cond3A_79 {
        "tpu.region"() ({
          %run_scoped3A = tpu.sem_alloc : memref<!tpu.dma_semaphore, #tpu.memory_space<semaphore_mem>>
          %dma_start3A_80 = arith.constant 9984 : i32
          %dma_start3A_81 = arith.constant 0 : i32
          %dma_start3A_82 = tpu.memref_slice %arg7[%dma_start3A_80, %dma_start3A_81] : memref<10512x128xf32, #tpu.memory_space<vmem_shared>> -> memref<16x128xf32, #tpu.memory_space<vmem_shared>>
          %dma_start3A_83 = arith.constant 9984 : i32
          %dma_start3A_84 = arith.constant 0 : i32
          %dma_start3A_85 = tpu.memref_slice %arg2[%dma_start3A_83, %dma_start3A_84] : memref<10000x128xf32, #tpu.memory_space<hbm>> -> memref<16x128xf32, #tpu.memory_space<hbm>>
          tpu.enqueue_dma source(%dma_start3A_85 : memref<16x128xf32, #tpu.memory_space<hbm>>) target(%dma_start3A_82 : memref<16x128xf32, #tpu.memory_space<vmem_shared>>) target_semaphore(%run_scoped3A : memref<!tpu.dma_semaphore, #tpu.memory_space<semaphore_mem>>)
          %dma_wait3A_86 = arith.constant 9984 : i32
          %dma_wait3A_87 = arith.constant 0 : i32
          %dma_wait3A_88 = tpu.memref_slice %arg7[%dma_wait3A_86, %dma_wait3A_87] : memref<10512x128xf32, #tpu.memory_space<vmem_shared>> -> memref<16x128xf32, #tpu.memory_space<vmem_shared>>
          %dma_wait3A_89 = arith.constant 9984 : i32
          %dma_wait3A_90 = arith.constant 0 : i32
          %dma_wait3A_91 = tpu.memref_slice %arg2[%dma_wait3A_89, %dma_wait3A_90] : memref<10000x128xf32, #tpu.memory_space<hbm>> -> memref<16x128xf32, #tpu.memory_space<hbm>>
          tpu.wait_dma2 semaphore(%run_scoped3A : memref<!tpu.dma_semaphore, #tpu.memory_space<semaphore_mem>>) src(%dma_wait3A_91 : memref<16x128xf32, #tpu.memory_space<hbm>>) dst(%dma_wait3A_88 : memref<16x128xf32, #tpu.memory_space<vmem_shared>>)
          tpu.yield
        }) : () -> ()
      } else {
      }
    } else {
    }
    %eq3A_5 = arith.constant 1 : i32
    %eq3A_6 = arith.cmpi eq, %arg0, %eq3A_5 : i32
    %convert_element_type3A_7 = arith.extui %eq3A_6 : i1 to i32
    %cond3A_8 = arith.constant 0 : i32
    %cond3A_9 = arith.cmpi ne, %convert_element_type3A_7, %cond3A_8 : i32
    scf.if %cond3A_9 {
      "tpu.region"() ({
        %run_scoped3A = tpu.sem_alloc : memref<!tpu.dma_semaphore, #tpu.memory_space<semaphore_mem>>
        %dma_start3A_80 = arith.constant 0 : i32
        %dma_start3A_81 = tpu.memref_slice %arg7[%multiple_of3A, %dma_start3A_80] : memref<10512x128xf32, #tpu.memory_space<vmem_shared>> -> memref<624x128xf32, #tpu.memory_space<vmem_shared>>
        tpu.enqueue_dma source(%arg3 : memref<624x128xf32, #tpu.memory_space<hbm>>) target(%dma_start3A_81 : memref<624x128xf32, #tpu.memory_space<vmem_shared>>) target_semaphore(%run_scoped3A : memref<!tpu.dma_semaphore, #tpu.memory_space<semaphore_mem>>)
        %dma_wait3A_82 = arith.constant 0 : i32
        %dma_wait3A_83 = tpu.memref_slice %arg7[%multiple_of3A, %dma_wait3A_82] : memref<10512x128xf32, #tpu.memory_space<vmem_shared>> -> memref<624x128xf32, #tpu.memory_space<vmem_shared>>
        tpu.wait_dma2 semaphore(%run_scoped3A : memref<!tpu.dma_semaphore, #tpu.memory_space<semaphore_mem>>) src(%arg3 : memref<624x128xf32, #tpu.memory_space<hbm>>) dst(%dma_wait3A_83 : memref<624x128xf32, #tpu.memory_space<vmem_shared>>)
        tpu.yield
      }) : () -> ()
      %eq3A_75 = arith.constant 15 : i32
      %eq3A_76 = arith.cmpi eq, %arg1, %eq3A_75 : i32
      %convert_element_type3A_77 = arith.extui %eq3A_76 : i1 to i32
      %cond3A_78 = arith.constant 0 : i32
      %cond3A_79 = arith.cmpi ne, %convert_element_type3A_77, %cond3A_78 : i32
      scf.if %cond3A_79 {
        "tpu.region"() ({
          %run_scoped3A = tpu.sem_alloc : memref<!tpu.dma_semaphore, #tpu.memory_space<semaphore_mem>>
          %dma_start3A_80 = arith.constant 9984 : i32
          %dma_start3A_81 = arith.constant 0 : i32
          %dma_start3A_82 = tpu.memref_slice %arg7[%dma_start3A_80, %dma_start3A_81] : memref<10512x128xf32, #tpu.memory_space<vmem_shared>> -> memref<16x128xf32, #tpu.memory_space<vmem_shared>>
          %dma_start3A_83 = arith.constant 0 : i32
          %dma_start3A_84 = arith.constant 0 : i32
          %dma_start3A_85 = tpu.memref_slice %arg3[%dma_start3A_83, %dma_start3A_84] : memref<624x128xf32, #tpu.memory_space<hbm>> -> memref<16x128xf32, #tpu.memory_space<hbm>>
          tpu.enqueue_dma source(%dma_start3A_85 : memref<16x128xf32, #tpu.memory_space<hbm>>) target(%dma_start3A_82 : memref<16x128xf32, #tpu.memory_space<vmem_shared>>) target_semaphore(%run_scoped3A : memref<!tpu.dma_semaphore, #tpu.memory_space<semaphore_mem>>)
          %dma_wait3A_86 = arith.constant 9984 : i32
          %dma_wait3A_87 = arith.constant 0 : i32
          %dma_wait3A_88 = tpu.memref_slice %arg7[%dma_wait3A_86, %dma_wait3A_87] : memref<10512x128xf32, #tpu.memory_space<vmem_shared>> -> memref<16x128xf32, #tpu.memory_space<vmem_shared>>
          %dma_wait3A_89 = arith.constant 0 : i32
          %dma_wait3A_90 = arith.constant 0 : i32
          %dma_wait3A_91 = tpu.memref_slice %arg3[%dma_wait3A_89, %dma_wait3A_90] : memref<624x128xf32, #tpu.memory_space<hbm>> -> memref<16x128xf32, #tpu.memory_space<hbm>>
          tpu.wait_dma2 semaphore(%run_scoped3A : memref<!tpu.dma_semaphore, #tpu.memory_space<semaphore_mem>>) src(%dma_wait3A_91 : memref<16x128xf32, #tpu.memory_space<hbm>>) dst(%dma_wait3A_88 : memref<16x128xf32, #tpu.memory_space<vmem_shared>>)
          tpu.yield
        }) : () -> ()
      } else {
      }
    } else {
    }
    %barrier3A = arith.constant 0 : index
    tpu.barrier barrier_id(%barrier3A)
    %dma_start3A = arith.constant 0 : i32
    %dma_start3A_10 = arith.constant 0 : i32
    %dma_start3A_11 = arith.constant 0 : i32
    %dma_start3A_12 = tpu.memref_slice %arg4[%add3A, %dma_start3A, %dma_start3A_10, %dma_start3A_11] : memref<32x10x8x128xi32, #tpu.memory_space<hbm>> -> memref<1x1x8x128xi32, #tpu.memory_space<hbm>>
    %dma_start3A_13 = tpu.memref_squeeze %dma_start3A_12 : memref<1x1x8x128xi32, #tpu.memory_space<hbm>> -> memref<8x128xi32, #tpu.memory_space<hbm>>
    %dma_start3A_14 = arith.constant 0 : i32
    %dma_start3A_15 = arith.constant 0 : i32
    %dma_start3A_16 = tpu.memref_slice %arg4[%add3A, %dma_start3A, %dma_start3A_14, %dma_start3A_15] : memref<32x10x8x128xi32, #tpu.memory_space<hbm>> -> memref<1x1x8x128xi32, #tpu.memory_space<hbm>>
    %dma_start3A_17 = tpu.memref_squeeze %dma_start3A_16 : memref<1x1x8x128xi32, #tpu.memory_space<hbm>> -> memref<8x128xi32, #tpu.memory_space<hbm>>
    tpu.enqueue_dma source(%dma_start3A_17 : memref<8x128xi32, #tpu.memory_space<hbm>>) target(%arg8 : memref<8x128xi32, #tpu.memory_space<vmem>>) target_semaphore(%arg14 : memref<!tpu.dma_semaphore, #tpu.memory_space<semaphore_mem>>)
    %dma_start3A_18 = arith.constant 0 : i32
    %dma_start3A_19 = arith.constant 0 : i32
    %dma_start3A_20 = arith.constant 0 : i32
    %dma_start3A_21 = tpu.memref_slice %arg5[%add3A, %dma_start3A_18, %dma_start3A_19, %dma_start3A_20] : memref<32x10x8x128xi32, #tpu.memory_space<hbm>> -> memref<1x1x8x128xi32, #tpu.memory_space<hbm>>
    %dma_start3A_22 = tpu.memref_squeeze %dma_start3A_21 : memref<1x1x8x128xi32, #tpu.memory_space<hbm>> -> memref<8x128xi32, #tpu.memory_space<hbm>>
    %dma_start3A_23 = arith.constant 0 : i32
    %dma_start3A_24 = arith.constant 0 : i32
    %dma_start3A_25 = tpu.memref_slice %arg5[%add3A, %dma_start3A_18, %dma_start3A_23, %dma_start3A_24] : memref<32x10x8x128xi32, #tpu.memory_space<hbm>> -> memref<1x1x8x128xi32, #tpu.memory_space<hbm>>
    %dma_start3A_26 = tpu.memref_squeeze %dma_start3A_25 : memref<1x1x8x128xi32, #tpu.memory_space<hbm>> -> memref<8x128xi32, #tpu.memory_space<hbm>>
    tpu.enqueue_dma source(%dma_start3A_26 : memref<8x128xi32, #tpu.memory_space<hbm>>) target(%arg9 : memref<8x128xi32, #tpu.memory_space<vmem>>) target_semaphore(%arg14 : memref<!tpu.dma_semaphore, #tpu.memory_space<semaphore_mem>>)
    %dma_wait3A = arith.constant 0 : i32
    %dma_wait3A_27 = arith.constant 0 : i32
    %dma_wait3A_28 = arith.constant 0 : i32
    %dma_wait3A_29 = tpu.memref_slice %arg4[%add3A, %dma_wait3A, %dma_wait3A_27, %dma_wait3A_28] : memref<32x10x8x128xi32, #tpu.memory_space<hbm>> -> memref<1x1x8x128xi32, #tpu.memory_space<hbm>>
    %dma_wait3A_30 = tpu.memref_squeeze %dma_wait3A_29 : memref<1x1x8x128xi32, #tpu.memory_space<hbm>> -> memref<8x128xi32, #tpu.memory_space<hbm>>
    %dma_wait3A_31 = arith.constant 0 : i32
    %dma_wait3A_32 = arith.constant 0 : i32
    %dma_wait3A_33 = tpu.memref_slice %arg4[%add3A, %dma_wait3A, %dma_wait3A_31, %dma_wait3A_32] : memref<32x10x8x128xi32, #tpu.memory_space<hbm>> -> memref<1x1x8x128xi32, #tpu.memory_space<hbm>>
    %dma_wait3A_34 = tpu.memref_squeeze %dma_wait3A_33 : memref<1x1x8x128xi32, #tpu.memory_space<hbm>> -> memref<8x128xi32, #tpu.memory_space<hbm>>
    tpu.wait_dma2 semaphore(%arg14 : memref<!tpu.dma_semaphore, #tpu.memory_space<semaphore_mem>>) src(%dma_wait3A_34 : memref<8x128xi32, #tpu.memory_space<hbm>>) dst(%arg8 : memref<8x128xi32, #tpu.memory_space<vmem>>)
    %dma_wait3A_35 = arith.constant 0 : i32
    %dma_wait3A_36 = arith.constant 0 : i32
    %dma_wait3A_37 = arith.constant 0 : i32
    %dma_wait3A_38 = tpu.memref_slice %arg5[%add3A, %dma_wait3A_35, %dma_wait3A_36, %dma_wait3A_37] : memref<32x10x8x128xi32, #tpu.memory_space<hbm>> -> memref<1x1x8x128xi32, #tpu.memory_space<hbm>>
    %dma_wait3A_39 = tpu.memref_squeeze %dma_wait3A_38 : memref<1x1x8x128xi32, #tpu.memory_space<hbm>> -> memref<8x128xi32, #tpu.memory_space<hbm>>
    %dma_wait3A_40 = arith.constant 0 : i32
    %dma_wait3A_41 = arith.constant 0 : i32
    %dma_wait3A_42 = tpu.memref_slice %arg5[%add3A, %dma_wait3A_35, %dma_wait3A_40, %dma_wait3A_41] : memref<32x10x8x128xi32, #tpu.memory_space<hbm>> -> memref<1x1x8x128xi32, #tpu.memory_space<hbm>>
    %dma_wait3A_43 = tpu.memref_squeeze %dma_wait3A_42 : memref<1x1x8x128xi32, #tpu.memory_space<hbm>> -> memref<8x128xi32, #tpu.memory_space<hbm>>
    tpu.wait_dma2 semaphore(%arg14 : memref<!tpu.dma_semaphore, #tpu.memory_space<semaphore_mem>>) src(%dma_wait3A_43 : memref<8x128xi32, #tpu.memory_space<hbm>>) dst(%arg9 : memref<8x128xi32, #tpu.memory_space<vmem>>)
    %dma_start3A_44 = arith.constant 0 : i32
    %dma_start3A_45 = arith.constant 0 : i32
    %dma_start3A_46 = arith.constant 0 : i32
    %dma_start3A_47 = tpu.memref_slice %arg12[%dma_start3A_45, %dma_start3A_46] : memref<128x128xf32, #tpu.memory_space<vmem>> -> memref<64x128xf32, #tpu.memory_space<vmem>>
    %dma_start3A_48 = arith.constant 0 : i32
    %dma_start3A_49 = tpu.memref_slice %arg8[%dma_start3A_44, %dma_start3A_48] : memref<8x128xi32, #tpu.memory_space<vmem>> -> memref<1x64xi32, #tpu.memory_space<vmem>>
    %dma_start3A_50 = tpu.memref_squeeze %dma_start3A_49 : memref<1x64xi32, #tpu.memory_space<vmem>> -> memref<64xi32, #tpu.memory_space<vmem>>
    %dma_start3A_51 = arith.constant 0 : i32
    %dma_start3A_52 = arith.constant 0 : i32
    %dma_start3A_53 = tpu.memref_slice %arg2[%dma_start3A_51, %dma_start3A_52] : memref<10000x128xf32, #tpu.memory_space<hbm>> -> memref<10000x128xf32, #tpu.memory_space<hbm>>
    tpu.enqueue_indirect_dma source(%dma_start3A_53 : memref<10000x128xf32, #tpu.memory_space<hbm>>) target(%dma_start3A_47 : memref<64x128xf32, #tpu.memory_space<vmem>>) offsets(%dma_start3A_50 : memref<64xi32, #tpu.memory_space<vmem>>) semaphore(%arg16 : memref<!tpu.dma_semaphore, #tpu.memory_space<semaphore_mem>>)
    %dma_start3A_54 = arith.constant 0 : i32
    %dma_start3A_55 = arith.constant 64 : i32
    %dma_start3A_56 = arith.constant 0 : i32
    %dma_start3A_57 = tpu.memref_slice %arg12[%dma_start3A_55, %dma_start3A_56] : memref<128x128xf32, #tpu.memory_space<vmem>> -> memref<64x128xf32, #tpu.memory_space<vmem>>
    %dma_start3A_58 = arith.constant 64 : i32
    %dma_start3A_59 = tpu.memref_slice %arg8[%dma_start3A_54, %dma_start3A_58] : memref<8x128xi32, #tpu.memory_space<vmem>> -> memref<1x64xi32, #tpu.memory_space<vmem>>
    %dma_start3A_60 = tpu.memref_squeeze %dma_start3A_59 : memref<1x64xi32, #tpu.memory_space<vmem>> -> memref<64xi32, #tpu.memory_space<vmem>>
    %dma_start3A_61 = arith.constant 0 : i32
    %dma_start3A_62 = arith.constant 0 : i32
    %dma_start3A_63 = tpu.memref_slice %arg2[%dma_start3A_61, %dma_start3A_62] : memref<10000x128xf32, #tpu.memory_space<hbm>> -> memref<10000x128xf32, #tpu.memory_space<hbm>>
    tpu.enqueue_indirect_dma source(%dma_start3A_63 : memref<10000x128xf32, #tpu.memory_space<hbm>>) target(%dma_start3A_57 : memref<64x128xf32, #tpu.memory_space<vmem>>) offsets(%dma_start3A_60 : memref<64xi32, #tpu.memory_space<vmem>>) semaphore(%arg16 : memref<!tpu.dma_semaphore, #tpu.memory_space<semaphore_mem>>)
    %scan3A = arith.constant 0 : i32
    %scan3A_64 = arith.constant 0 : i32
    %scan3A_65 = arith.constant 5 : i32
    %scan3A_66 = arith.addi %scan3A_64, %scan3A_65 : i32
    %scan3A_67 = arith.constant 1 : i32
    scf.for %scan3A_75 = %scan3A_64 to %scan3A_66 step %scan3A_67  : i32 {
      %mul3A_76 = arith.constant 2 : i32
      %mul3A_77 = arith.muli %mul3A_76, %scan3A_75 : i32
      %add3A_78 = arith.constant 1 : i32
      %add3A_79 = arith.addi %mul3A_77, %add3A_78 : i32
      %dma_start3A_80 = arith.constant 0 : i32
      %dma_start3A_81 = arith.constant 0 : i32
      %dma_start3A_82 = tpu.memref_slice %arg4[%add3A, %add3A_79, %dma_start3A_80, %dma_start3A_81] : memref<32x10x8x128xi32, #tpu.memory_space<hbm>> -> memref<1x1x8x128xi32, #tpu.memory_space<hbm>>
      %dma_start3A_83 = tpu.memref_squeeze %dma_start3A_82 : memref<1x1x8x128xi32, #tpu.memory_space<hbm>> -> memref<8x128xi32, #tpu.memory_space<hbm>>
      %dma_start3A_84 = arith.constant 0 : i32
      %dma_start3A_85 = arith.constant 0 : i32
      %dma_start3A_86 = tpu.memref_slice %arg4[%add3A, %add3A_79, %dma_start3A_84, %dma_start3A_85] : memref<32x10x8x128xi32, #tpu.memory_space<hbm>> -> memref<1x1x8x128xi32, #tpu.memory_space<hbm>>
      %dma_start3A_87 = tpu.memref_squeeze %dma_start3A_86 : memref<1x1x8x128xi32, #tpu.memory_space<hbm>> -> memref<8x128xi32, #tpu.memory_space<hbm>>
      tpu.enqueue_dma source(%dma_start3A_87 : memref<8x128xi32, #tpu.memory_space<hbm>>) target(%arg10 : memref<8x128xi32, #tpu.memory_space<vmem>>) target_semaphore(%arg15 : memref<!tpu.dma_semaphore, #tpu.memory_space<semaphore_mem>>)
      %add3A_88 = arith.constant 1 : i32
      %add3A_89 = arith.addi %mul3A_77, %add3A_88 : i32
      %dma_start3A_90 = arith.constant 0 : i32
      %dma_start3A_91 = arith.constant 0 : i32
      %dma_start3A_92 = tpu.memref_slice %arg5[%add3A, %add3A_89, %dma_start3A_90, %dma_start3A_91] : memref<32x10x8x128xi32, #tpu.memory_space<hbm>> -> memref<1x1x8x128xi32, #tpu.memory_space<hbm>>
      %dma_start3A_93 = tpu.memref_squeeze %dma_start3A_92 : memref<1x1x8x128xi32, #tpu.memory_space<hbm>> -> memref<8x128xi32, #tpu.memory_space<hbm>>
      %dma_start3A_94 = arith.constant 0 : i32
      %dma_start3A_95 = arith.constant 0 : i32
      %dma_start3A_96 = tpu.memref_slice %arg5[%add3A, %add3A_89, %dma_start3A_94, %dma_start3A_95] : memref<32x10x8x128xi32, #tpu.memory_space<hbm>> -> memref<1x1x8x128xi32, #tpu.memory_space<hbm>>
      %dma_start3A_97 = tpu.memref_squeeze %dma_start3A_96 : memref<1x1x8x128xi32, #tpu.memory_space<hbm>> -> memref<8x128xi32, #tpu.memory_space<hbm>>
      tpu.enqueue_dma source(%dma_start3A_97 : memref<8x128xi32, #tpu.memory_space<hbm>>) target(%arg11 : memref<8x128xi32, #tpu.memory_space<vmem>>) target_semaphore(%arg15 : memref<!tpu.dma_semaphore, #tpu.memory_space<semaphore_mem>>)
      %dma_start3A_98 = arith.constant 1 : i32
      %dma_start3A_99 = arith.constant 0 : i32
      %dma_start3A_100 = arith.constant 0 : i32
      %dma_start3A_101 = tpu.memref_slice %arg13[%dma_start3A_99, %dma_start3A_100] : memref<128x128xf32, #tpu.memory_space<vmem>> -> memref<64x128xf32, #tpu.memory_space<vmem>>
      %dma_start3A_102 = arith.constant 0 : i32
      %dma_start3A_103 = tpu.memref_slice %arg8[%dma_start3A_98, %dma_start3A_102] : memref<8x128xi32, #tpu.memory_space<vmem>> -> memref<1x64xi32, #tpu.memory_space<vmem>>
      %dma_start3A_104 = tpu.memref_squeeze %dma_start3A_103 : memref<1x64xi32, #tpu.memory_space<vmem>> -> memref<64xi32, #tpu.memory_space<vmem>>
      %dma_start3A_105 = arith.constant 0 : i32
      %dma_start3A_106 = arith.constant 0 : i32
      %dma_start3A_107 = tpu.memref_slice %arg2[%dma_start3A_105, %dma_start3A_106] : memref<10000x128xf32, #tpu.memory_space<hbm>> -> memref<10000x128xf32, #tpu.memory_space<hbm>>
      tpu.enqueue_indirect_dma source(%dma_start3A_107 : memref<10000x128xf32, #tpu.memory_space<hbm>>) target(%dma_start3A_101 : memref<64x128xf32, #tpu.memory_space<vmem>>) offsets(%dma_start3A_104 : memref<64xi32, #tpu.memory_space<vmem>>) semaphore(%arg17 : memref<!tpu.dma_semaphore, #tpu.memory_space<semaphore_mem>>)
      %dma_start3A_108 = arith.constant 1 : i32
      %dma_start3A_109 = arith.constant 64 : i32
      %dma_start3A_110 = arith.constant 0 : i32
      %dma_start3A_111 = tpu.memref_slice %arg13[%dma_start3A_109, %dma_start3A_110] : memref<128x128xf32, #tpu.memory_space<vmem>> -> memref<64x128xf32, #tpu.memory_space<vmem>>
      %dma_start3A_112 = arith.constant 64 : i32
      %dma_start3A_113 = tpu.memref_slice %arg8[%dma_start3A_108, %dma_start3A_112] : memref<8x128xi32, #tpu.memory_space<vmem>> -> memref<1x64xi32, #tpu.memory_space<vmem>>
      %dma_start3A_114 = tpu.memref_squeeze %dma_start3A_113 : memref<1x64xi32, #tpu.memory_space<vmem>> -> memref<64xi32, #tpu.memory_space<vmem>>
      %dma_start3A_115 = arith.constant 0 : i32
      %dma_start3A_116 = arith.constant 0 : i32
      %dma_start3A_117 = tpu.memref_slice %arg2[%dma_start3A_115, %dma_start3A_116] : memref<10000x128xf32, #tpu.memory_space<hbm>> -> memref<10000x128xf32, #tpu.memory_space<hbm>>
      tpu.enqueue_indirect_dma source(%dma_start3A_117 : memref<10000x128xf32, #tpu.memory_space<hbm>>) target(%dma_start3A_111 : memref<64x128xf32, #tpu.memory_space<vmem>>) offsets(%dma_start3A_114 : memref<64xi32, #tpu.memory_space<vmem>>) semaphore(%arg17 : memref<!tpu.dma_semaphore, #tpu.memory_space<semaphore_mem>>)
      %dma_wait3A_118 = arith.constant 0 : i32
      %dma_wait3A_119 = arith.constant 0 : i32
      %dma_wait3A_120 = arith.constant 0 : i32
      %dma_wait3A_121 = tpu.memref_slice %arg12[%dma_wait3A_119, %dma_wait3A_120] : memref<128x128xf32, #tpu.memory_space<vmem>> -> memref<64x128xf32, #tpu.memory_space<vmem>>
      %dma_wait3A_122 = arith.constant 0 : i32
      %dma_wait3A_123 = tpu.memref_slice %arg8[%dma_wait3A_118, %dma_wait3A_122] : memref<8x128xi32, #tpu.memory_space<vmem>> -> memref<1x64xi32, #tpu.memory_space<vmem>>
      %dma_wait3A_124 = tpu.memref_squeeze %dma_wait3A_123 : memref<1x64xi32, #tpu.memory_space<vmem>> -> memref<64xi32, #tpu.memory_space<vmem>>
      %dma_wait3A_125 = arith.constant 0 : i32
      %dma_wait3A_126 = arith.constant 0 : i32
      %dma_wait3A_127 = tpu.memref_slice %arg2[%dma_wait3A_125, %dma_wait3A_126] : memref<10000x128xf32, #tpu.memory_space<hbm>> -> memref<10000x128xf32, #tpu.memory_space<hbm>>
      tpu.wait_indirect_dma semaphore(%arg16 : memref<!tpu.dma_semaphore, #tpu.memory_space<semaphore_mem>>) src(%dma_wait3A_127 : memref<10000x128xf32, #tpu.memory_space<hbm>>) dst(%dma_wait3A_121 : memref<64x128xf32, #tpu.memory_space<vmem>>)
      %dma_wait3A_128 = arith.constant 0 : i32
      %dma_wait3A_129 = arith.constant 64 : i32
      %dma_wait3A_130 = arith.constant 0 : i32
      %dma_wait3A_131 = tpu.memref_slice %arg12[%dma_wait3A_129, %dma_wait3A_130] : memref<128x128xf32, #tpu.memory_space<vmem>> -> memref<64x128xf32, #tpu.memory_space<vmem>>
      %dma_wait3A_132 = arith.constant 64 : i32
      %dma_wait3A_133 = tpu.memref_slice %arg8[%dma_wait3A_128, %dma_wait3A_132] : memref<8x128xi32, #tpu.memory_space<vmem>> -> memref<1x64xi32, #tpu.memory_space<vmem>>
      %dma_wait3A_134 = tpu.memref_squeeze %dma_wait3A_133 : memref<1x64xi32, #tpu.memory_space<vmem>> -> memref<64xi32, #tpu.memory_space<vmem>>
      %dma_wait3A_135 = arith.constant 0 : i32
      %dma_wait3A_136 = arith.constant 0 : i32
      %dma_wait3A_137 = tpu.memref_slice %arg2[%dma_wait3A_135, %dma_wait3A_136] : memref<10000x128xf32, #tpu.memory_space<hbm>> -> memref<10000x128xf32, #tpu.memory_space<hbm>>
      tpu.wait_indirect_dma semaphore(%arg16 : memref<!tpu.dma_semaphore, #tpu.memory_space<semaphore_mem>>) src(%dma_wait3A_137 : memref<10000x128xf32, #tpu.memory_space<hbm>>) dst(%dma_wait3A_131 : memref<64x128xf32, #tpu.memory_space<vmem>>)
      %run_scoped3A = arith.constant 0 : i32
      "tpu.region"() ({
        %run_scoped3A_762 = tpu.sem_alloc : memref<!tpu.dma_semaphore, #tpu.memory_space<semaphore_mem>>
        %dma_start3A_763 = arith.constant 0 : i32
        %dma_start3A_764 = tpu.memref_slice %arg9[%run_scoped3A, %dma_start3A_763] : memref<8x128xi32, #tpu.memory_space<vmem>> -> memref<1x128xi32, #tpu.memory_space<vmem>>
        %dma_start3A_765 = tpu.memref_squeeze %dma_start3A_764 : memref<1x128xi32, #tpu.memory_space<vmem>> -> memref<128xi32, #tpu.memory_space<vmem>>
        %dma_start3A_766 = arith.constant 0 : i32
        %dma_start3A_767 = arith.constant 0 : i32
        %dma_start3A_768 = tpu.memref_slice %arg7[%dma_start3A_766, %dma_start3A_767] : memref<10512x128xf32, #tpu.memory_space<vmem_shared>> -> memref<10512x128xf32, #tpu.memory_space<vmem_shared>>
        tpu.enqueue_indirect_dma source(%arg12 : memref<128x128xf32, #tpu.memory_space<vmem>>) target(%dma_start3A_768 : memref<10512x128xf32, #tpu.memory_space<vmem_shared>>) offsets(%dma_start3A_765 : memref<128xi32, #tpu.memory_space<vmem>>) semaphore(%run_scoped3A_762 : memref<!tpu.dma_semaphore, #tpu.memory_space<semaphore_mem>>) {add = true}
        %dma_wait3A_769 = arith.constant 0 : i32
        %dma_wait3A_770 = tpu.memref_slice %arg9[%run_scoped3A, %dma_wait3A_769] : memref<8x128xi32, #tpu.memory_space<vmem>> -> memref<1x128xi32, #tpu.memory_space<vmem>>
        %dma_wait3A_771 = tpu.memref_squeeze %dma_wait3A_770 : memref<1x128xi32, #tpu.memory_space<vmem>> -> memref<128xi32, #tpu.memory_space<vmem>>
        %dma_wait3A_772 = arith.constant 0 : i32
        %dma_wait3A_773 = arith.constant 0 : i32
        %dma_wait3A_774 = tpu.memref_slice %arg7[%dma_wait3A_772, %dma_wait3A_773] : memref<10512x128xf32, #tpu.memory_space<vmem_shared>> -> memref<10512x128xf32, #tpu.memory_space<vmem_shared>>
        tpu.wait_indirect_dma semaphore(%run_scoped3A_762 : memref<!tpu.dma_semaphore, #tpu.memory_space<semaphore_mem>>) src(%arg12 : memref<128x128xf32, #tpu.memory_space<vmem>>) dst(%dma_wait3A_774 : memref<10512x128xf32, #tpu.memory_space<vmem_shared>>)
        tpu.yield
      }) : () -> ()
      %dma_start3A_138 = arith.constant 2 : i32
      %dma_start3A_139 = arith.constant 0 : i32
      %dma_start3A_140 = arith.constant 0 : i32
      %dma_start3A_141 = tpu.memref_slice %arg12[%dma_start3A_139, %dma_start3A_140] : memref<128x128xf32, #tpu.memory_space<vmem>> -> memref<64x128xf32, #tpu.memory_space<vmem>>
      %dma_start3A_142 = arith.constant 0 : i32
      %dma_start3A_143 = tpu.memref_slice %arg8[%dma_start3A_138, %dma_start3A_142] : memref<8x128xi32, #tpu.memory_space<vmem>> -> memref<1x64xi32, #tpu.memory_space<vmem>>
      %dma_start3A_144 = tpu.memref_squeeze %dma_start3A_143 : memref<1x64xi32, #tpu.memory_space<vmem>> -> memref<64xi32, #tpu.memory_space<vmem>>
      %dma_start3A_145 = arith.constant 0 : i32
      %dma_start3A_146 = arith.constant 0 : i32
      %dma_start3A_147 = tpu.memref_slice %arg2[%dma_start3A_145, %dma_start3A_146] : memref<10000x128xf32, #tpu.memory_space<hbm>> -> memref<10000x128xf32, #tpu.memory_space<hbm>>
      tpu.enqueue_indirect_dma source(%dma_start3A_147 : memref<10000x128xf32, #tpu.memory_space<hbm>>) target(%dma_start3A_141 : memref<64x128xf32, #tpu.memory_space<vmem>>) offsets(%dma_start3A_144 : memref<64xi32, #tpu.memory_space<vmem>>) semaphore(%arg16 : memref<!tpu.dma_semaphore, #tpu.memory_space<semaphore_mem>>)
      %dma_start3A_148 = arith.constant 2 : i32
      %dma_start3A_149 = arith.constant 64 : i32
      %dma_start3A_150 = arith.constant 0 : i32
      %dma_start3A_151 = tpu.memref_slice %arg12[%dma_start3A_149, %dma_start3A_150] : memref<128x128xf32, #tpu.memory_space<vmem>> -> memref<64x128xf32, #tpu.memory_space<vmem>>
      %dma_start3A_152 = arith.constant 64 : i32
      %dma_start3A_153 = tpu.memref_slice %arg8[%dma_start3A_148, %dma_start3A_152] : memref<8x128xi32, #tpu.memory_space<vmem>> -> memref<1x64xi32, #tpu.memory_space<vmem>>
      %dma_start3A_154 = tpu.memref_squeeze %dma_start3A_153 : memref<1x64xi32, #tpu.memory_space<vmem>> -> memref<64xi32, #tpu.memory_space<vmem>>
      %dma_start3A_155 = arith.constant 0 : i32
      %dma_start3A_156 = arith.constant 0 : i32
      %dma_start3A_157 = tpu.memref_slice %arg2[%dma_start3A_155, %dma_start3A_156] : memref<10000x128xf32, #tpu.memory_space<hbm>> -> memref<10000x128xf32, #tpu.memory_space<hbm>>
      tpu.enqueue_indirect_dma source(%dma_start3A_157 : memref<10000x128xf32, #tpu.memory_space<hbm>>) target(%dma_start3A_151 : memref<64x128xf32, #tpu.memory_space<vmem>>) offsets(%dma_start3A_154 : memref<64xi32, #tpu.memory_space<vmem>>) semaphore(%arg16 : memref<!tpu.dma_semaphore, #tpu.memory_space<semaphore_mem>>)
      %dma_wait3A_158 = arith.constant 1 : i32
      %dma_wait3A_159 = arith.constant 0 : i32
      %dma_wait3A_160 = arith.constant 0 : i32
      %dma_wait3A_161 = tpu.memref_slice %arg13[%dma_wait3A_159, %dma_wait3A_160] : memref<128x128xf32, #tpu.memory_space<vmem>> -> memref<64x128xf32, #tpu.memory_space<vmem>>
      %dma_wait3A_162 = arith.constant 0 : i32
      %dma_wait3A_163 = tpu.memref_slice %arg8[%dma_wait3A_158, %dma_wait3A_162] : memref<8x128xi32, #tpu.memory_space<vmem>> -> memref<1x64xi32, #tpu.memory_space<vmem>>
      %dma_wait3A_164 = tpu.memref_squeeze %dma_wait3A_163 : memref<1x64xi32, #tpu.memory_space<vmem>> -> memref<64xi32, #tpu.memory_space<vmem>>
      %dma_wait3A_165 = arith.constant 0 : i32
      %dma_wait3A_166 = arith.constant 0 : i32
      %dma_wait3A_167 = tpu.memref_slice %arg2[%dma_wait3A_165, %dma_wait3A_166] : memref<10000x128xf32, #tpu.memory_space<hbm>> -> memref<10000x128xf32, #tpu.memory_space<hbm>>
      tpu.wait_indirect_dma semaphore(%arg17 : memref<!tpu.dma_semaphore, #tpu.memory_space<semaphore_mem>>) src(%dma_wait3A_167 : memref<10000x128xf32, #tpu.memory_space<hbm>>) dst(%dma_wait3A_161 : memref<64x128xf32, #tpu.memory_space<vmem>>)
      %dma_wait3A_168 = arith.constant 1 : i32
      %dma_wait3A_169 = arith.constant 64 : i32
      %dma_wait3A_170 = arith.constant 0 : i32
      %dma_wait3A_171 = tpu.memref_slice %arg13[%dma_wait3A_169, %dma_wait3A_170] : memref<128x128xf32, #tpu.memory_space<vmem>> -> memref<64x128xf32, #tpu.memory_space<vmem>>
      %dma_wait3A_172 = arith.constant 64 : i32
      %dma_wait3A_173 = tpu.memref_slice %arg8[%dma_wait3A_168, %dma_wait3A_172] : memref<8x128xi32, #tpu.memory_space<vmem>> -> memref<1x64xi32, #tpu.memory_space<vmem>>
      %dma_wait3A_174 = tpu.memref_squeeze %dma_wait3A_173 : memref<1x64xi32, #tpu.memory_space<vmem>> -> memref<64xi32, #tpu.memory_space<vmem>>
      %dma_wait3A_175 = arith.constant 0 : i32
      %dma_wait3A_176 = arith.constant 0 : i32
      %dma_wait3A_177 = tpu.memref_slice %arg2[%dma_wait3A_175, %dma_wait3A_176] : memref<10000x128xf32, #tpu.memory_space<hbm>> -> memref<10000x128xf32, #tpu.memory_space<hbm>>
      tpu.wait_indirect_dma semaphore(%arg17 : memref<!tpu.dma_semaphore, #tpu.memory_space<semaphore_mem>>) src(%dma_wait3A_177 : memref<10000x128xf32, #tpu.memory_space<hbm>>) dst(%dma_wait3A_171 : memref<64x128xf32, #tpu.memory_space<vmem>>)
      %run_scoped3A_178 = arith.constant 1 : i32
      "tpu.region"() ({
        %run_scoped3A_762 = tpu.sem_alloc : memref<!tpu.dma_semaphore, #tpu.memory_space<semaphore_mem>>
        %dma_start3A_763 = arith.constant 0 : i32
        %dma_start3A_764 = tpu.memref_slice %arg9[%run_scoped3A_178, %dma_start3A_763] : memref<8x128xi32, #tpu.memory_space<vmem>> -> memref<1x128xi32, #tpu.memory_space<vmem>>
        %dma_start3A_765 = tpu.memref_squeeze %dma_start3A_764 : memref<1x128xi32, #tpu.memory_space<vmem>> -> memref<128xi32, #tpu.memory_space<vmem>>
        %dma_start3A_766 = arith.constant 0 : i32
        %dma_start3A_767 = arith.constant 0 : i32
        %dma_start3A_768 = tpu.memref_slice %arg7[%dma_start3A_766, %dma_start3A_767] : memref<10512x128xf32, #tpu.memory_space<vmem_shared>> -> memref<10512x128xf32, #tpu.memory_space<vmem_shared>>
        tpu.enqueue_indirect_dma source(%arg13 : memref<128x128xf32, #tpu.memory_space<vmem>>) target(%dma_start3A_768 : memref<10512x128xf32, #tpu.memory_space<vmem_shared>>) offsets(%dma_start3A_765 : memref<128xi32, #tpu.memory_space<vmem>>) semaphore(%run_scoped3A_762 : memref<!tpu.dma_semaphore, #tpu.memory_space<semaphore_mem>>) {add = true}
        %dma_wait3A_769 = arith.constant 0 : i32
        %dma_wait3A_770 = tpu.memref_slice %arg9[%run_scoped3A_178, %dma_wait3A_769] : memref<8x128xi32, #tpu.memory_space<vmem>> -> memref<1x128xi32, #tpu.memory_space<vmem>>
        %dma_wait3A_771 = tpu.memref_squeeze %dma_wait3A_770 : memref<1x128xi32, #tpu.memory_space<vmem>> -> memref<128xi32, #tpu.memory_space<vmem>>
        %dma_wait3A_772 = arith.constant 0 : i32
        %dma_wait3A_773 = arith.constant 0 : i32
        %dma_wait3A_774 = tpu.memref_slice %arg7[%dma_wait3A_772, %dma_wait3A_773] : memref<10512x128xf32, #tpu.memory_space<vmem_shared>> -> memref<10512x128xf32, #tpu.memory_space<vmem_shared>>
        tpu.wait_indirect_dma semaphore(%run_scoped3A_762 : memref<!tpu.dma_semaphore, #tpu.memory_space<semaphore_mem>>) src(%arg13 : memref<128x128xf32, #tpu.memory_space<vmem>>) dst(%dma_wait3A_774 : memref<10512x128xf32, #tpu.memory_space<vmem_shared>>)
        tpu.yield
      }) : () -> ()
      %dma_start3A_179 = arith.constant 3 : i32
      %dma_start3A_180 = arith.constant 0 : i32
      %dma_start3A_181 = arith.constant 0 : i32
      %dma_start3A_182 = tpu.memref_slice %arg13[%dma_start3A_180, %dma_start3A_181] : memref<128x128xf32, #tpu.memory_space<vmem>> -> memref<64x128xf32, #tpu.memory_space<vmem>>
      %dma_start3A_183 = arith.constant 0 : i32
      %dma_start3A_184 = tpu.memref_slice %arg8[%dma_start3A_179, %dma_start3A_183] : memref<8x128xi32, #tpu.memory_space<vmem>> -> memref<1x64xi32, #tpu.memory_space<vmem>>
      %dma_start3A_185 = tpu.memref_squeeze %dma_start3A_184 : memref<1x64xi32, #tpu.memory_space<vmem>> -> memref<64xi32, #tpu.memory_space<vmem>>
      %dma_start3A_186 = arith.constant 0 : i32
      %dma_start3A_187 = arith.constant 0 : i32
      %dma_start3A_188 = tpu.memref_slice %arg2[%dma_start3A_186, %dma_start3A_187] : memref<10000x128xf32, #tpu.memory_space<hbm>> -> memref<10000x128xf32, #tpu.memory_space<hbm>>
      tpu.enqueue_indirect_dma source(%dma_start3A_188 : memref<10000x128xf32, #tpu.memory_space<hbm>>) target(%dma_start3A_182 : memref<64x128xf32, #tpu.memory_space<vmem>>) offsets(%dma_start3A_185 : memref<64xi32, #tpu.memory_space<vmem>>) semaphore(%arg17 : memref<!tpu.dma_semaphore, #tpu.memory_space<semaphore_mem>>)
      %dma_start3A_189 = arith.constant 3 : i32
      %dma_start3A_190 = arith.constant 64 : i32
      %dma_start3A_191 = arith.constant 0 : i32
      %dma_start3A_192 = tpu.memref_slice %arg13[%dma_start3A_190, %dma_start3A_191] : memref<128x128xf32, #tpu.memory_space<vmem>> -> memref<64x128xf32, #tpu.memory_space<vmem>>
      %dma_start3A_193 = arith.constant 64 : i32
      %dma_start3A_194 = tpu.memref_slice %arg8[%dma_start3A_189, %dma_start3A_193] : memref<8x128xi32, #tpu.memory_space<vmem>> -> memref<1x64xi32, #tpu.memory_space<vmem>>
      %dma_start3A_195 = tpu.memref_squeeze %dma_start3A_194 : memref<1x64xi32, #tpu.memory_space<vmem>> -> memref<64xi32, #tpu.memory_space<vmem>>
      %dma_start3A_196 = arith.constant 0 : i32
      %dma_start3A_197 = arith.constant 0 : i32
      %dma_start3A_198 = tpu.memref_slice %arg2[%dma_start3A_196, %dma_start3A_197] : memref<10000x128xf32, #tpu.memory_space<hbm>> -> memref<10000x128xf32, #tpu.memory_space<hbm>>
      tpu.enqueue_indirect_dma source(%dma_start3A_198 : memref<10000x128xf32, #tpu.memory_space<hbm>>) target(%dma_start3A_192 : memref<64x128xf32, #tpu.memory_space<vmem>>) offsets(%dma_start3A_195 : memref<64xi32, #tpu.memory_space<vmem>>) semaphore(%arg17 : memref<!tpu.dma_semaphore, #tpu.memory_space<semaphore_mem>>)
      %dma_wait3A_199 = arith.constant 2 : i32
      %dma_wait3A_200 = arith.constant 0 : i32
      %dma_wait3A_201 = arith.constant 0 : i32
      %dma_wait3A_202 = tpu.memref_slice %arg12[%dma_wait3A_200, %dma_wait3A_201] : memref<128x128xf32, #tpu.memory_space<vmem>> -> memref<64x128xf32, #tpu.memory_space<vmem>>
      %dma_wait3A_203 = arith.constant 0 : i32
      %dma_wait3A_204 = tpu.memref_slice %arg8[%dma_wait3A_199, %dma_wait3A_203] : memref<8x128xi32, #tpu.memory_space<vmem>> -> memref<1x64xi32, #tpu.memory_space<vmem>>
      %dma_wait3A_205 = tpu.memref_squeeze %dma_wait3A_204 : memref<1x64xi32, #tpu.memory_space<vmem>> -> memref<64xi32, #tpu.memory_space<vmem>>
      %dma_wait3A_206 = arith.constant 0 : i32
      %dma_wait3A_207 = arith.constant 0 : i32
      %dma_wait3A_208 = tpu.memref_slice %arg2[%dma_wait3A_206, %dma_wait3A_207] : memref<10000x128xf32, #tpu.memory_space<hbm>> -> memref<10000x128xf32, #tpu.memory_space<hbm>>
      tpu.wait_indirect_dma semaphore(%arg16 : memref<!tpu.dma_semaphore, #tpu.memory_space<semaphore_mem>>) src(%dma_wait3A_208 : memref<10000x128xf32, #tpu.memory_space<hbm>>) dst(%dma_wait3A_202 : memref<64x128xf32, #tpu.memory_space<vmem>>)
      %dma_wait3A_209 = arith.constant 2 : i32
      %dma_wait3A_210 = arith.constant 64 : i32
      %dma_wait3A_211 = arith.constant 0 : i32
      %dma_wait3A_212 = tpu.memref_slice %arg12[%dma_wait3A_210, %dma_wait3A_211] : memref<128x128xf32, #tpu.memory_space<vmem>> -> memref<64x128xf32, #tpu.memory_space<vmem>>
      %dma_wait3A_213 = arith.constant 64 : i32
      %dma_wait3A_214 = tpu.memref_slice %arg8[%dma_wait3A_209, %dma_wait3A_213] : memref<8x128xi32, #tpu.memory_space<vmem>> -> memref<1x64xi32, #tpu.memory_space<vmem>>
      %dma_wait3A_215 = tpu.memref_squeeze %dma_wait3A_214 : memref<1x64xi32, #tpu.memory_space<vmem>> -> memref<64xi32, #tpu.memory_space<vmem>>
      %dma_wait3A_216 = arith.constant 0 : i32
      %dma_wait3A_217 = arith.constant 0 : i32
      %dma_wait3A_218 = tpu.memref_slice %arg2[%dma_wait3A_216, %dma_wait3A_217] : memref<10000x128xf32, #tpu.memory_space<hbm>> -> memref<10000x128xf32, #tpu.memory_space<hbm>>
      tpu.wait_indirect_dma semaphore(%arg16 : memref<!tpu.dma_semaphore, #tpu.memory_space<semaphore_mem>>) src(%dma_wait3A_218 : memref<10000x128xf32, #tpu.memory_space<hbm>>) dst(%dma_wait3A_212 : memref<64x128xf32, #tpu.memory_space<vmem>>)
      %run_scoped3A_219 = arith.constant 2 : i32
      "tpu.region"() ({
        %run_scoped3A_762 = tpu.sem_alloc : memref<!tpu.dma_semaphore, #tpu.memory_space<semaphore_mem>>
        %dma_start3A_763 = arith.constant 0 : i32
        %dma_start3A_764 = tpu.memref_slice %arg9[%run_scoped3A_219, %dma_start3A_763] : memref<8x128xi32, #tpu.memory_space<vmem>> -> memref<1x128xi32, #tpu.memory_space<vmem>>
        %dma_start3A_765 = tpu.memref_squeeze %dma_start3A_764 : memref<1x128xi32, #tpu.memory_space<vmem>> -> memref<128xi32, #tpu.memory_space<vmem>>
        %dma_start3A_766 = arith.constant 0 : i32
        %dma_start3A_767 = arith.constant 0 : i32
        %dma_start3A_768 = tpu.memref_slice %arg7[%dma_start3A_766, %dma_start3A_767] : memref<10512x128xf32, #tpu.memory_space<vmem_shared>> -> memref<10512x128xf32, #tpu.memory_space<vmem_shared>>
        tpu.enqueue_indirect_dma source(%arg12 : memref<128x128xf32, #tpu.memory_space<vmem>>) target(%dma_start3A_768 : memref<10512x128xf32, #tpu.memory_space<vmem_shared>>) offsets(%dma_start3A_765 : memref<128xi32, #tpu.memory_space<vmem>>) semaphore(%run_scoped3A_762 : memref<!tpu.dma_semaphore, #tpu.memory_space<semaphore_mem>>) {add = true}
        %dma_wait3A_769 = arith.constant 0 : i32
        %dma_wait3A_770 = tpu.memref_slice %arg9[%run_scoped3A_219, %dma_wait3A_769] : memref<8x128xi32, #tpu.memory_space<vmem>> -> memref<1x128xi32, #tpu.memory_space<vmem>>
        %dma_wait3A_771 = tpu.memref_squeeze %dma_wait3A_770 : memref<1x128xi32, #tpu.memory_space<vmem>> -> memref<128xi32, #tpu.memory_space<vmem>>
        %dma_wait3A_772 = arith.constant 0 : i32
        %dma_wait3A_773 = arith.constant 0 : i32
        %dma_wait3A_774 = tpu.memref_slice %arg7[%dma_wait3A_772, %dma_wait3A_773] : memref<10512x128xf32, #tpu.memory_space<vmem_shared>> -> memref<10512x128xf32, #tpu.memory_space<vmem_shared>>
        tpu.wait_indirect_dma semaphore(%run_scoped3A_762 : memref<!tpu.dma_semaphore, #tpu.memory_space<semaphore_mem>>) src(%arg12 : memref<128x128xf32, #tpu.memory_space<vmem>>) dst(%dma_wait3A_774 : memref<10512x128xf32, #tpu.memory_space<vmem_shared>>)
        tpu.yield
      }) : () -> ()
      %dma_start3A_220 = arith.constant 4 : i32
      %dma_start3A_221 = arith.constant 0 : i32
      %dma_start3A_222 = arith.constant 0 : i32
      %dma_start3A_223 = tpu.memref_slice %arg12[%dma_start3A_221, %dma_start3A_222] : memref<128x128xf32, #tpu.memory_space<vmem>> -> memref<64x128xf32, #tpu.memory_space<vmem>>
      %dma_start3A_224 = arith.constant 0 : i32
      %dma_start3A_225 = tpu.memref_slice %arg8[%dma_start3A_220, %dma_start3A_224] : memref<8x128xi32, #tpu.memory_space<vmem>> -> memref<1x64xi32, #tpu.memory_space<vmem>>
      %dma_start3A_226 = tpu.memref_squeeze %dma_start3A_225 : memref<1x64xi32, #tpu.memory_space<vmem>> -> memref<64xi32, #tpu.memory_space<vmem>>
      %dma_start3A_227 = arith.constant 0 : i32
      %dma_start3A_228 = arith.constant 0 : i32
      %dma_start3A_229 = tpu.memref_slice %arg2[%dma_start3A_227, %dma_start3A_228] : memref<10000x128xf32, #tpu.memory_space<hbm>> -> memref<10000x128xf32, #tpu.memory_space<hbm>>
      tpu.enqueue_indirect_dma source(%dma_start3A_229 : memref<10000x128xf32, #tpu.memory_space<hbm>>) target(%dma_start3A_223 : memref<64x128xf32, #tpu.memory_space<vmem>>) offsets(%dma_start3A_226 : memref<64xi32, #tpu.memory_space<vmem>>) semaphore(%arg16 : memref<!tpu.dma_semaphore, #tpu.memory_space<semaphore_mem>>)
      %dma_start3A_230 = arith.constant 4 : i32
      %dma_start3A_231 = arith.constant 64 : i32
      %dma_start3A_232 = arith.constant 0 : i32
      %dma_start3A_233 = tpu.memref_slice %arg12[%dma_start3A_231, %dma_start3A_232] : memref<128x128xf32, #tpu.memory_space<vmem>> -> memref<64x128xf32, #tpu.memory_space<vmem>>
      %dma_start3A_234 = arith.constant 64 : i32
      %dma_start3A_235 = tpu.memref_slice %arg8[%dma_start3A_230, %dma_start3A_234] : memref<8x128xi32, #tpu.memory_space<vmem>> -> memref<1x64xi32, #tpu.memory_space<vmem>>
      %dma_start3A_236 = tpu.memref_squeeze %dma_start3A_235 : memref<1x64xi32, #tpu.memory_space<vmem>> -> memref<64xi32, #tpu.memory_space<vmem>>
      %dma_start3A_237 = arith.constant 0 : i32
      %dma_start3A_238 = arith.constant 0 : i32
      %dma_start3A_239 = tpu.memref_slice %arg2[%dma_start3A_237, %dma_start3A_238] : memref<10000x128xf32, #tpu.memory_space<hbm>> -> memref<10000x128xf32, #tpu.memory_space<hbm>>
      tpu.enqueue_indirect_dma source(%dma_start3A_239 : memref<10000x128xf32, #tpu.memory_space<hbm>>) target(%dma_start3A_233 : memref<64x128xf32, #tpu.memory_space<vmem>>) offsets(%dma_start3A_236 : memref<64xi32, #tpu.memory_space<vmem>>) semaphore(%arg16 : memref<!tpu.dma_semaphore, #tpu.memory_space<semaphore_mem>>)
      %dma_wait3A_240 = arith.constant 3 : i32
      %dma_wait3A_241 = arith.constant 0 : i32
      %dma_wait3A_242 = arith.constant 0 : i32
      %dma_wait3A_243 = tpu.memref_slice %arg13[%dma_wait3A_241, %dma_wait3A_242] : memref<128x128xf32, #tpu.memory_space<vmem>> -> memref<64x128xf32, #tpu.memory_space<vmem>>
      %dma_wait3A_244 = arith.constant 0 : i32
      %dma_wait3A_245 = tpu.memref_slice %arg8[%dma_wait3A_240, %dma_wait3A_244] : memref<8x128xi32, #tpu.memory_space<vmem>> -> memref<1x64xi32, #tpu.memory_space<vmem>>
      %dma_wait3A_246 = tpu.memref_squeeze %dma_wait3A_245 : memref<1x64xi32, #tpu.memory_space<vmem>> -> memref<64xi32, #tpu.memory_space<vmem>>
      %dma_wait3A_247 = arith.constant 0 : i32
      %dma_wait3A_248 = arith.constant 0 : i32
      %dma_wait3A_249 = tpu.memref_slice %arg2[%dma_wait3A_247, %dma_wait3A_248] : memref<10000x128xf32, #tpu.memory_space<hbm>> -> memref<10000x128xf32, #tpu.memory_space<hbm>>
      tpu.wait_indirect_dma semaphore(%arg17 : memref<!tpu.dma_semaphore, #tpu.memory_space<semaphore_mem>>) src(%dma_wait3A_249 : memref<10000x128xf32, #tpu.memory_space<hbm>>) dst(%dma_wait3A_243 : memref<64x128xf32, #tpu.memory_space<vmem>>)
      %dma_wait3A_250 = arith.constant 3 : i32
      %dma_wait3A_251 = arith.constant 64 : i32
      %dma_wait3A_252 = arith.constant 0 : i32
      %dma_wait3A_253 = tpu.memref_slice %arg13[%dma_wait3A_251, %dma_wait3A_252] : memref<128x128xf32, #tpu.memory_space<vmem>> -> memref<64x128xf32, #tpu.memory_space<vmem>>
      %dma_wait3A_254 = arith.constant 64 : i32
      %dma_wait3A_255 = tpu.memref_slice %arg8[%dma_wait3A_250, %dma_wait3A_254] : memref<8x128xi32, #tpu.memory_space<vmem>> -> memref<1x64xi32, #tpu.memory_space<vmem>>
      %dma_wait3A_256 = tpu.memref_squeeze %dma_wait3A_255 : memref<1x64xi32, #tpu.memory_space<vmem>> -> memref<64xi32, #tpu.memory_space<vmem>>
      %dma_wait3A_257 = arith.constant 0 : i32
      %dma_wait3A_258 = arith.constant 0 : i32
      %dma_wait3A_259 = tpu.memref_slice %arg2[%dma_wait3A_257, %dma_wait3A_258] : memref<10000x128xf32, #tpu.memory_space<hbm>> -> memref<10000x128xf32, #tpu.memory_space<hbm>>
      tpu.wait_indirect_dma semaphore(%arg17 : memref<!tpu.dma_semaphore, #tpu.memory_space<semaphore_mem>>) src(%dma_wait3A_259 : memref<10000x128xf32, #tpu.memory_space<hbm>>) dst(%dma_wait3A_253 : memref<64x128xf32, #tpu.memory_space<vmem>>)
      %run_scoped3A_260 = arith.constant 3 : i32
      "tpu.region"() ({
        %run_scoped3A_762 = tpu.sem_alloc : memref<!tpu.dma_semaphore, #tpu.memory_space<semaphore_mem>>
        %dma_start3A_763 = arith.constant 0 : i32
        %dma_start3A_764 = tpu.memref_slice %arg9[%run_scoped3A_260, %dma_start3A_763] : memref<8x128xi32, #tpu.memory_space<vmem>> -> memref<1x128xi32, #tpu.memory_space<vmem>>
        %dma_start3A_765 = tpu.memref_squeeze %dma_start3A_764 : memref<1x128xi32, #tpu.memory_space<vmem>> -> memref<128xi32, #tpu.memory_space<vmem>>
        %dma_start3A_766 = arith.constant 0 : i32
        %dma_start3A_767 = arith.constant 0 : i32
        %dma_start3A_768 = tpu.memref_slice %arg7[%dma_start3A_766, %dma_start3A_767] : memref<10512x128xf32, #tpu.memory_space<vmem_shared>> -> memref<10512x128xf32, #tpu.memory_space<vmem_shared>>
        tpu.enqueue_indirect_dma source(%arg13 : memref<128x128xf32, #tpu.memory_space<vmem>>) target(%dma_start3A_768 : memref<10512x128xf32, #tpu.memory_space<vmem_shared>>) offsets(%dma_start3A_765 : memref<128xi32, #tpu.memory_space<vmem>>) semaphore(%run_scoped3A_762 : memref<!tpu.dma_semaphore, #tpu.memory_space<semaphore_mem>>) {add = true}
        %dma_wait3A_769 = arith.constant 0 : i32
        %dma_wait3A_770 = tpu.memref_slice %arg9[%run_scoped3A_260, %dma_wait3A_769] : memref<8x128xi32, #tpu.memory_space<vmem>> -> memref<1x128xi32, #tpu.memory_space<vmem>>
        %dma_wait3A_771 = tpu.memref_squeeze %dma_wait3A_770 : memref<1x128xi32, #tpu.memory_space<vmem>> -> memref<128xi32, #tpu.memory_space<vmem>>
        %dma_wait3A_772 = arith.constant 0 : i32
        %dma_wait3A_773 = arith.constant 0 : i32
        %dma_wait3A_774 = tpu.memref_slice %arg7[%dma_wait3A_772, %dma_wait3A_773] : memref<10512x128xf32, #tpu.memory_space<vmem_shared>> -> memref<10512x128xf32, #tpu.memory_space<vmem_shared>>
        tpu.wait_indirect_dma semaphore(%run_scoped3A_762 : memref<!tpu.dma_semaphore, #tpu.memory_space<semaphore_mem>>) src(%arg13 : memref<128x128xf32, #tpu.memory_space<vmem>>) dst(%dma_wait3A_774 : memref<10512x128xf32, #tpu.memory_space<vmem_shared>>)
        tpu.yield
      }) : () -> ()
      %dma_start3A_261 = arith.constant 5 : i32
      %dma_start3A_262 = arith.constant 0 : i32
      %dma_start3A_263 = arith.constant 0 : i32
      %dma_start3A_264 = tpu.memref_slice %arg13[%dma_start3A_262, %dma_start3A_263] : memref<128x128xf32, #tpu.memory_space<vmem>> -> memref<64x128xf32, #tpu.memory_space<vmem>>
      %dma_start3A_265 = arith.constant 0 : i32
      %dma_start3A_266 = tpu.memref_slice %arg8[%dma_start3A_261, %dma_start3A_265] : memref<8x128xi32, #tpu.memory_space<vmem>> -> memref<1x64xi32, #tpu.memory_space<vmem>>
      %dma_start3A_267 = tpu.memref_squeeze %dma_start3A_266 : memref<1x64xi32, #tpu.memory_space<vmem>> -> memref<64xi32, #tpu.memory_space<vmem>>
      %dma_start3A_268 = arith.constant 0 : i32
      %dma_start3A_269 = arith.constant 0 : i32
      %dma_start3A_270 = tpu.memref_slice %arg2[%dma_start3A_268, %dma_start3A_269] : memref<10000x128xf32, #tpu.memory_space<hbm>> -> memref<10000x128xf32, #tpu.memory_space<hbm>>
      tpu.enqueue_indirect_dma source(%dma_start3A_270 : memref<10000x128xf32, #tpu.memory_space<hbm>>) target(%dma_start3A_264 : memref<64x128xf32, #tpu.memory_space<vmem>>) offsets(%dma_start3A_267 : memref<64xi32, #tpu.memory_space<vmem>>) semaphore(%arg17 : memref<!tpu.dma_semaphore, #tpu.memory_space<semaphore_mem>>)
      %dma_start3A_271 = arith.constant 5 : i32
      %dma_start3A_272 = arith.constant 64 : i32
      %dma_start3A_273 = arith.constant 0 : i32
      %dma_start3A_274 = tpu.memref_slice %arg13[%dma_start3A_272, %dma_start3A_273] : memref<128x128xf32, #tpu.memory_space<vmem>> -> memref<64x128xf32, #tpu.memory_space<vmem>>
      %dma_start3A_275 = arith.constant 64 : i32
      %dma_start3A_276 = tpu.memref_slice %arg8[%dma_start3A_271, %dma_start3A_275] : memref<8x128xi32, #tpu.memory_space<vmem>> -> memref<1x64xi32, #tpu.memory_space<vmem>>
      %dma_start3A_277 = tpu.memref_squeeze %dma_start3A_276 : memref<1x64xi32, #tpu.memory_space<vmem>> -> memref<64xi32, #tpu.memory_space<vmem>>
      %dma_start3A_278 = arith.constant 0 : i32
      %dma_start3A_279 = arith.constant 0 : i32
      %dma_start3A_280 = tpu.memref_slice %arg2[%dma_start3A_278, %dma_start3A_279] : memref<10000x128xf32, #tpu.memory_space<hbm>> -> memref<10000x128xf32, #tpu.memory_space<hbm>>
      tpu.enqueue_indirect_dma source(%dma_start3A_280 : memref<10000x128xf32, #tpu.memory_space<hbm>>) target(%dma_start3A_274 : memref<64x128xf32, #tpu.memory_space<vmem>>) offsets(%dma_start3A_277 : memref<64xi32, #tpu.memory_space<vmem>>) semaphore(%arg17 : memref<!tpu.dma_semaphore, #tpu.memory_space<semaphore_mem>>)
      %dma_wait3A_281 = arith.constant 4 : i32
      %dma_wait3A_282 = arith.constant 0 : i32
      %dma_wait3A_283 = arith.constant 0 : i32
      %dma_wait3A_284 = tpu.memref_slice %arg12[%dma_wait3A_282, %dma_wait3A_283] : memref<128x128xf32, #tpu.memory_space<vmem>> -> memref<64x128xf32, #tpu.memory_space<vmem>>
      %dma_wait3A_285 = arith.constant 0 : i32
      %dma_wait3A_286 = tpu.memref_slice %arg8[%dma_wait3A_281, %dma_wait3A_285] : memref<8x128xi32, #tpu.memory_space<vmem>> -> memref<1x64xi32, #tpu.memory_space<vmem>>
      %dma_wait3A_287 = tpu.memref_squeeze %dma_wait3A_286 : memref<1x64xi32, #tpu.memory_space<vmem>> -> memref<64xi32, #tpu.memory_space<vmem>>
      %dma_wait3A_288 = arith.constant 0 : i32
      %dma_wait3A_289 = arith.constant 0 : i32
      %dma_wait3A_290 = tpu.memref_slice %arg2[%dma_wait3A_288, %dma_wait3A_289] : memref<10000x128xf32, #tpu.memory_space<hbm>> -> memref<10000x128xf32, #tpu.memory_space<hbm>>
      tpu.wait_indirect_dma semaphore(%arg16 : memref<!tpu.dma_semaphore, #tpu.memory_space<semaphore_mem>>) src(%dma_wait3A_290 : memref<10000x128xf32, #tpu.memory_space<hbm>>) dst(%dma_wait3A_284 : memref<64x128xf32, #tpu.memory_space<vmem>>)
      %dma_wait3A_291 = arith.constant 4 : i32
      %dma_wait3A_292 = arith.constant 64 : i32
      %dma_wait3A_293 = arith.constant 0 : i32
      %dma_wait3A_294 = tpu.memref_slice %arg12[%dma_wait3A_292, %dma_wait3A_293] : memref<128x128xf32, #tpu.memory_space<vmem>> -> memref<64x128xf32, #tpu.memory_space<vmem>>
      %dma_wait3A_295 = arith.constant 64 : i32
      %dma_wait3A_296 = tpu.memref_slice %arg8[%dma_wait3A_291, %dma_wait3A_295] : memref<8x128xi32, #tpu.memory_space<vmem>> -> memref<1x64xi32, #tpu.memory_space<vmem>>
      %dma_wait3A_297 = tpu.memref_squeeze %dma_wait3A_296 : memref<1x64xi32, #tpu.memory_space<vmem>> -> memref<64xi32, #tpu.memory_space<vmem>>
      %dma_wait3A_298 = arith.constant 0 : i32
      %dma_wait3A_299 = arith.constant 0 : i32
      %dma_wait3A_300 = tpu.memref_slice %arg2[%dma_wait3A_298, %dma_wait3A_299] : memref<10000x128xf32, #tpu.memory_space<hbm>> -> memref<10000x128xf32, #tpu.memory_space<hbm>>
      tpu.wait_indirect_dma semaphore(%arg16 : memref<!tpu.dma_semaphore, #tpu.memory_space<semaphore_mem>>) src(%dma_wait3A_300 : memref<10000x128xf32, #tpu.memory_space<hbm>>) dst(%dma_wait3A_294 : memref<64x128xf32, #tpu.memory_space<vmem>>)
      %run_scoped3A_301 = arith.constant 4 : i32
      "tpu.region"() ({
        %run_scoped3A_762 = tpu.sem_alloc : memref<!tpu.dma_semaphore, #tpu.memory_space<semaphore_mem>>
        %dma_start3A_763 = arith.constant 0 : i32
        %dma_start3A_764 = tpu.memref_slice %arg9[%run_scoped3A_301, %dma_start3A_763] : memref<8x128xi32, #tpu.memory_space<vmem>> -> memref<1x128xi32, #tpu.memory_space<vmem>>
        %dma_start3A_765 = tpu.memref_squeeze %dma_start3A_764 : memref<1x128xi32, #tpu.memory_space<vmem>> -> memref<128xi32, #tpu.memory_space<vmem>>
        %dma_start3A_766 = arith.constant 0 : i32
        %dma_start3A_767 = arith.constant 0 : i32
        %dma_start3A_768 = tpu.memref_slice %arg7[%dma_start3A_766, %dma_start3A_767] : memref<10512x128xf32, #tpu.memory_space<vmem_shared>> -> memref<10512x128xf32, #tpu.memory_space<vmem_shared>>
        tpu.enqueue_indirect_dma source(%arg12 : memref<128x128xf32, #tpu.memory_space<vmem>>) target(%dma_start3A_768 : memref<10512x128xf32, #tpu.memory_space<vmem_shared>>) offsets(%dma_start3A_765 : memref<128xi32, #tpu.memory_space<vmem>>) semaphore(%run_scoped3A_762 : memref<!tpu.dma_semaphore, #tpu.memory_space<semaphore_mem>>) {add = true}
        %dma_wait3A_769 = arith.constant 0 : i32
        %dma_wait3A_770 = tpu.memref_slice %arg9[%run_scoped3A_301, %dma_wait3A_769] : memref<8x128xi32, #tpu.memory_space<vmem>> -> memref<1x128xi32, #tpu.memory_space<vmem>>
        %dma_wait3A_771 = tpu.memref_squeeze %dma_wait3A_770 : memref<1x128xi32, #tpu.memory_space<vmem>> -> memref<128xi32, #tpu.memory_space<vmem>>
        %dma_wait3A_772 = arith.constant 0 : i32
        %dma_wait3A_773 = arith.constant 0 : i32
        %dma_wait3A_774 = tpu.memref_slice %arg7[%dma_wait3A_772, %dma_wait3A_773] : memref<10512x128xf32, #tpu.memory_space<vmem_shared>> -> memref<10512x128xf32, #tpu.memory_space<vmem_shared>>
        tpu.wait_indirect_dma semaphore(%run_scoped3A_762 : memref<!tpu.dma_semaphore, #tpu.memory_space<semaphore_mem>>) src(%arg12 : memref<128x128xf32, #tpu.memory_space<vmem>>) dst(%dma_wait3A_774 : memref<10512x128xf32, #tpu.memory_space<vmem_shared>>)
        tpu.yield
      }) : () -> ()
      %dma_start3A_302 = arith.constant 6 : i32
      %dma_start3A_303 = arith.constant 0 : i32
      %dma_start3A_304 = arith.constant 0 : i32
      %dma_start3A_305 = tpu.memref_slice %arg12[%dma_start3A_303, %dma_start3A_304] : memref<128x128xf32, #tpu.memory_space<vmem>> -> memref<64x128xf32, #tpu.memory_space<vmem>>
      %dma_start3A_306 = arith.constant 0 : i32
      %dma_start3A_307 = tpu.memref_slice %arg8[%dma_start3A_302, %dma_start3A_306] : memref<8x128xi32, #tpu.memory_space<vmem>> -> memref<1x64xi32, #tpu.memory_space<vmem>>
      %dma_start3A_308 = tpu.memref_squeeze %dma_start3A_307 : memref<1x64xi32, #tpu.memory_space<vmem>> -> memref<64xi32, #tpu.memory_space<vmem>>
      %dma_start3A_309 = arith.constant 0 : i32
      %dma_start3A_310 = arith.constant 0 : i32
      %dma_start3A_311 = tpu.memref_slice %arg2[%dma_start3A_309, %dma_start3A_310] : memref<10000x128xf32, #tpu.memory_space<hbm>> -> memref<10000x128xf32, #tpu.memory_space<hbm>>
      tpu.enqueue_indirect_dma source(%dma_start3A_311 : memref<10000x128xf32, #tpu.memory_space<hbm>>) target(%dma_start3A_305 : memref<64x128xf32, #tpu.memory_space<vmem>>) offsets(%dma_start3A_308 : memref<64xi32, #tpu.memory_space<vmem>>) semaphore(%arg16 : memref<!tpu.dma_semaphore, #tpu.memory_space<semaphore_mem>>)
      %dma_start3A_312 = arith.constant 6 : i32
      %dma_start3A_313 = arith.constant 64 : i32
      %dma_start3A_314 = arith.constant 0 : i32
      %dma_start3A_315 = tpu.memref_slice %arg12[%dma_start3A_313, %dma_start3A_314] : memref<128x128xf32, #tpu.memory_space<vmem>> -> memref<64x128xf32, #tpu.memory_space<vmem>>
      %dma_start3A_316 = arith.constant 64 : i32
      %dma_start3A_317 = tpu.memref_slice %arg8[%dma_start3A_312, %dma_start3A_316] : memref<8x128xi32, #tpu.memory_space<vmem>> -> memref<1x64xi32, #tpu.memory_space<vmem>>
      %dma_start3A_318 = tpu.memref_squeeze %dma_start3A_317 : memref<1x64xi32, #tpu.memory_space<vmem>> -> memref<64xi32, #tpu.memory_space<vmem>>
      %dma_start3A_319 = arith.constant 0 : i32
      %dma_start3A_320 = arith.constant 0 : i32
      %dma_start3A_321 = tpu.memref_slice %arg2[%dma_start3A_319, %dma_start3A_320] : memref<10000x128xf32, #tpu.memory_space<hbm>> -> memref<10000x128xf32, #tpu.memory_space<hbm>>
      tpu.enqueue_indirect_dma source(%dma_start3A_321 : memref<10000x128xf32, #tpu.memory_space<hbm>>) target(%dma_start3A_315 : memref<64x128xf32, #tpu.memory_space<vmem>>) offsets(%dma_start3A_318 : memref<64xi32, #tpu.memory_space<vmem>>) semaphore(%arg16 : memref<!tpu.dma_semaphore, #tpu.memory_space<semaphore_mem>>)
      %dma_wait3A_322 = arith.constant 5 : i32
      %dma_wait3A_323 = arith.constant 0 : i32
      %dma_wait3A_324 = arith.constant 0 : i32
      %dma_wait3A_325 = tpu.memref_slice %arg13[%dma_wait3A_323, %dma_wait3A_324] : memref<128x128xf32, #tpu.memory_space<vmem>> -> memref<64x128xf32, #tpu.memory_space<vmem>>
      %dma_wait3A_326 = arith.constant 0 : i32
      %dma_wait3A_327 = tpu.memref_slice %arg8[%dma_wait3A_322, %dma_wait3A_326] : memref<8x128xi32, #tpu.memory_space<vmem>> -> memref<1x64xi32, #tpu.memory_space<vmem>>
      %dma_wait3A_328 = tpu.memref_squeeze %dma_wait3A_327 : memref<1x64xi32, #tpu.memory_space<vmem>> -> memref<64xi32, #tpu.memory_space<vmem>>
      %dma_wait3A_329 = arith.constant 0 : i32
      %dma_wait3A_330 = arith.constant 0 : i32
      %dma_wait3A_331 = tpu.memref_slice %arg2[%dma_wait3A_329, %dma_wait3A_330] : memref<10000x128xf32, #tpu.memory_space<hbm>> -> memref<10000x128xf32, #tpu.memory_space<hbm>>
      tpu.wait_indirect_dma semaphore(%arg17 : memref<!tpu.dma_semaphore, #tpu.memory_space<semaphore_mem>>) src(%dma_wait3A_331 : memref<10000x128xf32, #tpu.memory_space<hbm>>) dst(%dma_wait3A_325 : memref<64x128xf32, #tpu.memory_space<vmem>>)
      %dma_wait3A_332 = arith.constant 5 : i32
      %dma_wait3A_333 = arith.constant 64 : i32
      %dma_wait3A_334 = arith.constant 0 : i32
      %dma_wait3A_335 = tpu.memref_slice %arg13[%dma_wait3A_333, %dma_wait3A_334] : memref<128x128xf32, #tpu.memory_space<vmem>> -> memref<64x128xf32, #tpu.memory_space<vmem>>
      %dma_wait3A_336 = arith.constant 64 : i32
      %dma_wait3A_337 = tpu.memref_slice %arg8[%dma_wait3A_332, %dma_wait3A_336] : memref<8x128xi32, #tpu.memory_space<vmem>> -> memref<1x64xi32, #tpu.memory_space<vmem>>
      %dma_wait3A_338 = tpu.memref_squeeze %dma_wait3A_337 : memref<1x64xi32, #tpu.memory_space<vmem>> -> memref<64xi32, #tpu.memory_space<vmem>>
      %dma_wait3A_339 = arith.constant 0 : i32
      %dma_wait3A_340 = arith.constant 0 : i32
      %dma_wait3A_341 = tpu.memref_slice %arg2[%dma_wait3A_339, %dma_wait3A_340] : memref<10000x128xf32, #tpu.memory_space<hbm>> -> memref<10000x128xf32, #tpu.memory_space<hbm>>
      tpu.wait_indirect_dma semaphore(%arg17 : memref<!tpu.dma_semaphore, #tpu.memory_space<semaphore_mem>>) src(%dma_wait3A_341 : memref<10000x128xf32, #tpu.memory_space<hbm>>) dst(%dma_wait3A_335 : memref<64x128xf32, #tpu.memory_space<vmem>>)
      %run_scoped3A_342 = arith.constant 5 : i32
      "tpu.region"() ({
        %run_scoped3A_762 = tpu.sem_alloc : memref<!tpu.dma_semaphore, #tpu.memory_space<semaphore_mem>>
        %dma_start3A_763 = arith.constant 0 : i32
        %dma_start3A_764 = tpu.memref_slice %arg9[%run_scoped3A_342, %dma_start3A_763] : memref<8x128xi32, #tpu.memory_space<vmem>> -> memref<1x128xi32, #tpu.memory_space<vmem>>
        %dma_start3A_765 = tpu.memref_squeeze %dma_start3A_764 : memref<1x128xi32, #tpu.memory_space<vmem>> -> memref<128xi32, #tpu.memory_space<vmem>>
        %dma_start3A_766 = arith.constant 0 : i32
        %dma_start3A_767 = arith.constant 0 : i32
        %dma_start3A_768 = tpu.memref_slice %arg7[%dma_start3A_766, %dma_start3A_767] : memref<10512x128xf32, #tpu.memory_space<vmem_shared>> -> memref<10512x128xf32, #tpu.memory_space<vmem_shared>>
        tpu.enqueue_indirect_dma source(%arg13 : memref<128x128xf32, #tpu.memory_space<vmem>>) target(%dma_start3A_768 : memref<10512x128xf32, #tpu.memory_space<vmem_shared>>) offsets(%dma_start3A_765 : memref<128xi32, #tpu.memory_space<vmem>>) semaphore(%run_scoped3A_762 : memref<!tpu.dma_semaphore, #tpu.memory_space<semaphore_mem>>) {add = true}
        %dma_wait3A_769 = arith.constant 0 : i32
        %dma_wait3A_770 = tpu.memref_slice %arg9[%run_scoped3A_342, %dma_wait3A_769] : memref<8x128xi32, #tpu.memory_space<vmem>> -> memref<1x128xi32, #tpu.memory_space<vmem>>
        %dma_wait3A_771 = tpu.memref_squeeze %dma_wait3A_770 : memref<1x128xi32, #tpu.memory_space<vmem>> -> memref<128xi32, #tpu.memory_space<vmem>>
        %dma_wait3A_772 = arith.constant 0 : i32
        %dma_wait3A_773 = arith.constant 0 : i32
        %dma_wait3A_774 = tpu.memref_slice %arg7[%dma_wait3A_772, %dma_wait3A_773] : memref<10512x128xf32, #tpu.memory_space<vmem_shared>> -> memref<10512x128xf32, #tpu.memory_space<vmem_shared>>
        tpu.wait_indirect_dma semaphore(%run_scoped3A_762 : memref<!tpu.dma_semaphore, #tpu.memory_space<semaphore_mem>>) src(%arg13 : memref<128x128xf32, #tpu.memory_space<vmem>>) dst(%dma_wait3A_774 : memref<10512x128xf32, #tpu.memory_space<vmem_shared>>)
        tpu.yield
      }) : () -> ()
      %dma_start3A_343 = arith.constant 7 : i32
      %dma_start3A_344 = arith.constant 0 : i32
      %dma_start3A_345 = arith.constant 0 : i32
      %dma_start3A_346 = tpu.memref_slice %arg13[%dma_start3A_344, %dma_start3A_345] : memref<128x128xf32, #tpu.memory_space<vmem>> -> memref<64x128xf32, #tpu.memory_space<vmem>>
      %dma_start3A_347 = arith.constant 0 : i32
      %dma_start3A_348 = tpu.memref_slice %arg8[%dma_start3A_343, %dma_start3A_347] : memref<8x128xi32, #tpu.memory_space<vmem>> -> memref<1x64xi32, #tpu.memory_space<vmem>>
      %dma_start3A_349 = tpu.memref_squeeze %dma_start3A_348 : memref<1x64xi32, #tpu.memory_space<vmem>> -> memref<64xi32, #tpu.memory_space<vmem>>
      %dma_start3A_350 = arith.constant 0 : i32
      %dma_start3A_351 = arith.constant 0 : i32
      %dma_start3A_352 = tpu.memref_slice %arg2[%dma_start3A_350, %dma_start3A_351] : memref<10000x128xf32, #tpu.memory_space<hbm>> -> memref<10000x128xf32, #tpu.memory_space<hbm>>
      tpu.enqueue_indirect_dma source(%dma_start3A_352 : memref<10000x128xf32, #tpu.memory_space<hbm>>) target(%dma_start3A_346 : memref<64x128xf32, #tpu.memory_space<vmem>>) offsets(%dma_start3A_349 : memref<64xi32, #tpu.memory_space<vmem>>) semaphore(%arg17 : memref<!tpu.dma_semaphore, #tpu.memory_space<semaphore_mem>>)
      %dma_start3A_353 = arith.constant 7 : i32
      %dma_start3A_354 = arith.constant 64 : i32
      %dma_start3A_355 = arith.constant 0 : i32
      %dma_start3A_356 = tpu.memref_slice %arg13[%dma_start3A_354, %dma_start3A_355] : memref<128x128xf32, #tpu.memory_space<vmem>> -> memref<64x128xf32, #tpu.memory_space<vmem>>
      %dma_start3A_357 = arith.constant 64 : i32
      %dma_start3A_358 = tpu.memref_slice %arg8[%dma_start3A_353, %dma_start3A_357] : memref<8x128xi32, #tpu.memory_space<vmem>> -> memref<1x64xi32, #tpu.memory_space<vmem>>
      %dma_start3A_359 = tpu.memref_squeeze %dma_start3A_358 : memref<1x64xi32, #tpu.memory_space<vmem>> -> memref<64xi32, #tpu.memory_space<vmem>>
      %dma_start3A_360 = arith.constant 0 : i32
      %dma_start3A_361 = arith.constant 0 : i32
      %dma_start3A_362 = tpu.memref_slice %arg2[%dma_start3A_360, %dma_start3A_361] : memref<10000x128xf32, #tpu.memory_space<hbm>> -> memref<10000x128xf32, #tpu.memory_space<hbm>>
      tpu.enqueue_indirect_dma source(%dma_start3A_362 : memref<10000x128xf32, #tpu.memory_space<hbm>>) target(%dma_start3A_356 : memref<64x128xf32, #tpu.memory_space<vmem>>) offsets(%dma_start3A_359 : memref<64xi32, #tpu.memory_space<vmem>>) semaphore(%arg17 : memref<!tpu.dma_semaphore, #tpu.memory_space<semaphore_mem>>)
      %dma_wait3A_363 = arith.constant 6 : i32
      %dma_wait3A_364 = arith.constant 0 : i32
      %dma_wait3A_365 = arith.constant 0 : i32
      %dma_wait3A_366 = tpu.memref_slice %arg12[%dma_wait3A_364, %dma_wait3A_365] : memref<128x128xf32, #tpu.memory_space<vmem>> -> memref<64x128xf32, #tpu.memory_space<vmem>>
      %dma_wait3A_367 = arith.constant 0 : i32
      %dma_wait3A_368 = tpu.memref_slice %arg8[%dma_wait3A_363, %dma_wait3A_367] : memref<8x128xi32, #tpu.memory_space<vmem>> -> memref<1x64xi32, #tpu.memory_space<vmem>>
      %dma_wait3A_369 = tpu.memref_squeeze %dma_wait3A_368 : memref<1x64xi32, #tpu.memory_space<vmem>> -> memref<64xi32, #tpu.memory_space<vmem>>
      %dma_wait3A_370 = arith.constant 0 : i32
      %dma_wait3A_371 = arith.constant 0 : i32
      %dma_wait3A_372 = tpu.memref_slice %arg2[%dma_wait3A_370, %dma_wait3A_371] : memref<10000x128xf32, #tpu.memory_space<hbm>> -> memref<10000x128xf32, #tpu.memory_space<hbm>>
      tpu.wait_indirect_dma semaphore(%arg16 : memref<!tpu.dma_semaphore, #tpu.memory_space<semaphore_mem>>) src(%dma_wait3A_372 : memref<10000x128xf32, #tpu.memory_space<hbm>>) dst(%dma_wait3A_366 : memref<64x128xf32, #tpu.memory_space<vmem>>)
      %dma_wait3A_373 = arith.constant 6 : i32
      %dma_wait3A_374 = arith.constant 64 : i32
      %dma_wait3A_375 = arith.constant 0 : i32
      %dma_wait3A_376 = tpu.memref_slice %arg12[%dma_wait3A_374, %dma_wait3A_375] : memref<128x128xf32, #tpu.memory_space<vmem>> -> memref<64x128xf32, #tpu.memory_space<vmem>>
      %dma_wait3A_377 = arith.constant 64 : i32
      %dma_wait3A_378 = tpu.memref_slice %arg8[%dma_wait3A_373, %dma_wait3A_377] : memref<8x128xi32, #tpu.memory_space<vmem>> -> memref<1x64xi32, #tpu.memory_space<vmem>>
      %dma_wait3A_379 = tpu.memref_squeeze %dma_wait3A_378 : memref<1x64xi32, #tpu.memory_space<vmem>> -> memref<64xi32, #tpu.memory_space<vmem>>
      %dma_wait3A_380 = arith.constant 0 : i32
      %dma_wait3A_381 = arith.constant 0 : i32
      %dma_wait3A_382 = tpu.memref_slice %arg2[%dma_wait3A_380, %dma_wait3A_381] : memref<10000x128xf32, #tpu.memory_space<hbm>> -> memref<10000x128xf32, #tpu.memory_space<hbm>>
      tpu.wait_indirect_dma semaphore(%arg16 : memref<!tpu.dma_semaphore, #tpu.memory_space<semaphore_mem>>) src(%dma_wait3A_382 : memref<10000x128xf32, #tpu.memory_space<hbm>>) dst(%dma_wait3A_376 : memref<64x128xf32, #tpu.memory_space<vmem>>)
      %run_scoped3A_383 = arith.constant 6 : i32
      "tpu.region"() ({
        %run_scoped3A_762 = tpu.sem_alloc : memref<!tpu.dma_semaphore, #tpu.memory_space<semaphore_mem>>
        %dma_start3A_763 = arith.constant 0 : i32
        %dma_start3A_764 = tpu.memref_slice %arg9[%run_scoped3A_383, %dma_start3A_763] : memref<8x128xi32, #tpu.memory_space<vmem>> -> memref<1x128xi32, #tpu.memory_space<vmem>>
        %dma_start3A_765 = tpu.memref_squeeze %dma_start3A_764 : memref<1x128xi32, #tpu.memory_space<vmem>> -> memref<128xi32, #tpu.memory_space<vmem>>
        %dma_start3A_766 = arith.constant 0 : i32
        %dma_start3A_767 = arith.constant 0 : i32
        %dma_start3A_768 = tpu.memref_slice %arg7[%dma_start3A_766, %dma_start3A_767] : memref<10512x128xf32, #tpu.memory_space<vmem_shared>> -> memref<10512x128xf32, #tpu.memory_space<vmem_shared>>
        tpu.enqueue_indirect_dma source(%arg12 : memref<128x128xf32, #tpu.memory_space<vmem>>) target(%dma_start3A_768 : memref<10512x128xf32, #tpu.memory_space<vmem_shared>>) offsets(%dma_start3A_765 : memref<128xi32, #tpu.memory_space<vmem>>) semaphore(%run_scoped3A_762 : memref<!tpu.dma_semaphore, #tpu.memory_space<semaphore_mem>>) {add = true}
        %dma_wait3A_769 = arith.constant 0 : i32
        %dma_wait3A_770 = tpu.memref_slice %arg9[%run_scoped3A_383, %dma_wait3A_769] : memref<8x128xi32, #tpu.memory_space<vmem>> -> memref<1x128xi32, #tpu.memory_space<vmem>>
        %dma_wait3A_771 = tpu.memref_squeeze %dma_wait3A_770 : memref<1x128xi32, #tpu.memory_space<vmem>> -> memref<128xi32, #tpu.memory_space<vmem>>
        %dma_wait3A_772 = arith.constant 0 : i32
        %dma_wait3A_773 = arith.constant 0 : i32
        %dma_wait3A_774 = tpu.memref_slice %arg7[%dma_wait3A_772, %dma_wait3A_773] : memref<10512x128xf32, #tpu.memory_space<vmem_shared>> -> memref<10512x128xf32, #tpu.memory_space<vmem_shared>>
        tpu.wait_indirect_dma semaphore(%run_scoped3A_762 : memref<!tpu.dma_semaphore, #tpu.memory_space<semaphore_mem>>) src(%arg12 : memref<128x128xf32, #tpu.memory_space<vmem>>) dst(%dma_wait3A_774 : memref<10512x128xf32, #tpu.memory_space<vmem_shared>>)
        tpu.yield
      }) : () -> ()
      %add3A_384 = arith.constant 1 : i32
      %add3A_385 = arith.addi %mul3A_77, %add3A_384 : i32
      %dma_wait3A_386 = arith.constant 0 : i32
      %dma_wait3A_387 = arith.constant 0 : i32
      %dma_wait3A_388 = tpu.memref_slice %arg4[%add3A, %add3A_385, %dma_wait3A_386, %dma_wait3A_387] : memref<32x10x8x128xi32, #tpu.memory_space<hbm>> -> memref<1x1x8x128xi32, #tpu.memory_space<hbm>>
      %dma_wait3A_389 = tpu.memref_squeeze %dma_wait3A_388 : memref<1x1x8x128xi32, #tpu.memory_space<hbm>> -> memref<8x128xi32, #tpu.memory_space<hbm>>
      %dma_wait3A_390 = arith.constant 0 : i32
      %dma_wait3A_391 = arith.constant 0 : i32
      %dma_wait3A_392 = tpu.memref_slice %arg4[%add3A, %add3A_385, %dma_wait3A_390, %dma_wait3A_391] : memref<32x10x8x128xi32, #tpu.memory_space<hbm>> -> memref<1x1x8x128xi32, #tpu.memory_space<hbm>>
      %dma_wait3A_393 = tpu.memref_squeeze %dma_wait3A_392 : memref<1x1x8x128xi32, #tpu.memory_space<hbm>> -> memref<8x128xi32, #tpu.memory_space<hbm>>
      tpu.wait_dma2 semaphore(%arg15 : memref<!tpu.dma_semaphore, #tpu.memory_space<semaphore_mem>>) src(%dma_wait3A_393 : memref<8x128xi32, #tpu.memory_space<hbm>>) dst(%arg10 : memref<8x128xi32, #tpu.memory_space<vmem>>)
      %add3A_394 = arith.constant 1 : i32
      %add3A_395 = arith.addi %mul3A_77, %add3A_394 : i32
      %dma_wait3A_396 = arith.constant 0 : i32
      %dma_wait3A_397 = arith.constant 0 : i32
      %dma_wait3A_398 = tpu.memref_slice %arg5[%add3A, %add3A_395, %dma_wait3A_396, %dma_wait3A_397] : memref<32x10x8x128xi32, #tpu.memory_space<hbm>> -> memref<1x1x8x128xi32, #tpu.memory_space<hbm>>
      %dma_wait3A_399 = tpu.memref_squeeze %dma_wait3A_398 : memref<1x1x8x128xi32, #tpu.memory_space<hbm>> -> memref<8x128xi32, #tpu.memory_space<hbm>>
      %dma_wait3A_400 = arith.constant 0 : i32
      %dma_wait3A_401 = arith.constant 0 : i32
      %dma_wait3A_402 = tpu.memref_slice %arg5[%add3A, %add3A_395, %dma_wait3A_400, %dma_wait3A_401] : memref<32x10x8x128xi32, #tpu.memory_space<hbm>> -> memref<1x1x8x128xi32, #tpu.memory_space<hbm>>
      %dma_wait3A_403 = tpu.memref_squeeze %dma_wait3A_402 : memref<1x1x8x128xi32, #tpu.memory_space<hbm>> -> memref<8x128xi32, #tpu.memory_space<hbm>>
      tpu.wait_dma2 semaphore(%arg15 : memref<!tpu.dma_semaphore, #tpu.memory_space<semaphore_mem>>) src(%dma_wait3A_403 : memref<8x128xi32, #tpu.memory_space<hbm>>) dst(%arg11 : memref<8x128xi32, #tpu.memory_space<vmem>>)
      %dma_start3A_404 = arith.constant 0 : i32
      %dma_start3A_405 = arith.constant 0 : i32
      %dma_start3A_406 = arith.constant 0 : i32
      %dma_start3A_407 = tpu.memref_slice %arg12[%dma_start3A_405, %dma_start3A_406] : memref<128x128xf32, #tpu.memory_space<vmem>> -> memref<64x128xf32, #tpu.memory_space<vmem>>
      %dma_start3A_408 = arith.constant 0 : i32
      %dma_start3A_409 = tpu.memref_slice %arg10[%dma_start3A_404, %dma_start3A_408] : memref<8x128xi32, #tpu.memory_space<vmem>> -> memref<1x64xi32, #tpu.memory_space<vmem>>
      %dma_start3A_410 = tpu.memref_squeeze %dma_start3A_409 : memref<1x64xi32, #tpu.memory_space<vmem>> -> memref<64xi32, #tpu.memory_space<vmem>>
      %dma_start3A_411 = arith.constant 0 : i32
      %dma_start3A_412 = arith.constant 0 : i32
      %dma_start3A_413 = tpu.memref_slice %arg2[%dma_start3A_411, %dma_start3A_412] : memref<10000x128xf32, #tpu.memory_space<hbm>> -> memref<10000x128xf32, #tpu.memory_space<hbm>>
      tpu.enqueue_indirect_dma source(%dma_start3A_413 : memref<10000x128xf32, #tpu.memory_space<hbm>>) target(%dma_start3A_407 : memref<64x128xf32, #tpu.memory_space<vmem>>) offsets(%dma_start3A_410 : memref<64xi32, #tpu.memory_space<vmem>>) semaphore(%arg16 : memref<!tpu.dma_semaphore, #tpu.memory_space<semaphore_mem>>)
      %dma_start3A_414 = arith.constant 0 : i32
      %dma_start3A_415 = arith.constant 64 : i32
      %dma_start3A_416 = arith.constant 0 : i32
      %dma_start3A_417 = tpu.memref_slice %arg12[%dma_start3A_415, %dma_start3A_416] : memref<128x128xf32, #tpu.memory_space<vmem>> -> memref<64x128xf32, #tpu.memory_space<vmem>>
      %dma_start3A_418 = arith.constant 64 : i32
      %dma_start3A_419 = tpu.memref_slice %arg10[%dma_start3A_414, %dma_start3A_418] : memref<8x128xi32, #tpu.memory_space<vmem>> -> memref<1x64xi32, #tpu.memory_space<vmem>>
      %dma_start3A_420 = tpu.memref_squeeze %dma_start3A_419 : memref<1x64xi32, #tpu.memory_space<vmem>> -> memref<64xi32, #tpu.memory_space<vmem>>
      %dma_start3A_421 = arith.constant 0 : i32
      %dma_start3A_422 = arith.constant 0 : i32
      %dma_start3A_423 = tpu.memref_slice %arg2[%dma_start3A_421, %dma_start3A_422] : memref<10000x128xf32, #tpu.memory_space<hbm>> -> memref<10000x128xf32, #tpu.memory_space<hbm>>
      tpu.enqueue_indirect_dma source(%dma_start3A_423 : memref<10000x128xf32, #tpu.memory_space<hbm>>) target(%dma_start3A_417 : memref<64x128xf32, #tpu.memory_space<vmem>>) offsets(%dma_start3A_420 : memref<64xi32, #tpu.memory_space<vmem>>) semaphore(%arg16 : memref<!tpu.dma_semaphore, #tpu.memory_space<semaphore_mem>>)
      %dma_wait3A_424 = arith.constant 7 : i32
      %dma_wait3A_425 = arith.constant 0 : i32
      %dma_wait3A_426 = arith.constant 0 : i32
      %dma_wait3A_427 = tpu.memref_slice %arg13[%dma_wait3A_425, %dma_wait3A_426] : memref<128x128xf32, #tpu.memory_space<vmem>> -> memref<64x128xf32, #tpu.memory_space<vmem>>
      %dma_wait3A_428 = arith.constant 0 : i32
      %dma_wait3A_429 = tpu.memref_slice %arg8[%dma_wait3A_424, %dma_wait3A_428] : memref<8x128xi32, #tpu.memory_space<vmem>> -> memref<1x64xi32, #tpu.memory_space<vmem>>
      %dma_wait3A_430 = tpu.memref_squeeze %dma_wait3A_429 : memref<1x64xi32, #tpu.memory_space<vmem>> -> memref<64xi32, #tpu.memory_space<vmem>>
      %dma_wait3A_431 = arith.constant 0 : i32
      %dma_wait3A_432 = arith.constant 0 : i32
      %dma_wait3A_433 = tpu.memref_slice %arg2[%dma_wait3A_431, %dma_wait3A_432] : memref<10000x128xf32, #tpu.memory_space<hbm>> -> memref<10000x128xf32, #tpu.memory_space<hbm>>
      tpu.wait_indirect_dma semaphore(%arg17 : memref<!tpu.dma_semaphore, #tpu.memory_space<semaphore_mem>>) src(%dma_wait3A_433 : memref<10000x128xf32, #tpu.memory_space<hbm>>) dst(%dma_wait3A_427 : memref<64x128xf32, #tpu.memory_space<vmem>>)
      %dma_wait3A_434 = arith.constant 7 : i32
      %dma_wait3A_435 = arith.constant 64 : i32
      %dma_wait3A_436 = arith.constant 0 : i32
      %dma_wait3A_437 = tpu.memref_slice %arg13[%dma_wait3A_435, %dma_wait3A_436] : memref<128x128xf32, #tpu.memory_space<vmem>> -> memref<64x128xf32, #tpu.memory_space<vmem>>
      %dma_wait3A_438 = arith.constant 64 : i32
      %dma_wait3A_439 = tpu.memref_slice %arg8[%dma_wait3A_434, %dma_wait3A_438] : memref<8x128xi32, #tpu.memory_space<vmem>> -> memref<1x64xi32, #tpu.memory_space<vmem>>
      %dma_wait3A_440 = tpu.memref_squeeze %dma_wait3A_439 : memref<1x64xi32, #tpu.memory_space<vmem>> -> memref<64xi32, #tpu.memory_space<vmem>>
      %dma_wait3A_441 = arith.constant 0 : i32
      %dma_wait3A_442 = arith.constant 0 : i32
      %dma_wait3A_443 = tpu.memref_slice %arg2[%dma_wait3A_441, %dma_wait3A_442] : memref<10000x128xf32, #tpu.memory_space<hbm>> -> memref<10000x128xf32, #tpu.memory_space<hbm>>
      tpu.wait_indirect_dma semaphore(%arg17 : memref<!tpu.dma_semaphore, #tpu.memory_space<semaphore_mem>>) src(%dma_wait3A_443 : memref<10000x128xf32, #tpu.memory_space<hbm>>) dst(%dma_wait3A_437 : memref<64x128xf32, #tpu.memory_space<vmem>>)
      %run_scoped3A_444 = arith.constant 7 : i32
      "tpu.region"() ({
        %run_scoped3A_762 = tpu.sem_alloc : memref<!tpu.dma_semaphore, #tpu.memory_space<semaphore_mem>>
        %dma_start3A_763 = arith.constant 0 : i32
        %dma_start3A_764 = tpu.memref_slice %arg9[%run_scoped3A_444, %dma_start3A_763] : memref<8x128xi32, #tpu.memory_space<vmem>> -> memref<1x128xi32, #tpu.memory_space<vmem>>
        %dma_start3A_765 = tpu.memref_squeeze %dma_start3A_764 : memref<1x128xi32, #tpu.memory_space<vmem>> -> memref<128xi32, #tpu.memory_space<vmem>>
        %dma_start3A_766 = arith.constant 0 : i32
        %dma_start3A_767 = arith.constant 0 : i32
        %dma_start3A_768 = tpu.memref_slice %arg7[%dma_start3A_766, %dma_start3A_767] : memref<10512x128xf32, #tpu.memory_space<vmem_shared>> -> memref<10512x128xf32, #tpu.memory_space<vmem_shared>>
        tpu.enqueue_indirect_dma source(%arg13 : memref<128x128xf32, #tpu.memory_space<vmem>>) target(%dma_start3A_768 : memref<10512x128xf32, #tpu.memory_space<vmem_shared>>) offsets(%dma_start3A_765 : memref<128xi32, #tpu.memory_space<vmem>>) semaphore(%run_scoped3A_762 : memref<!tpu.dma_semaphore, #tpu.memory_space<semaphore_mem>>) {add = true}
        %dma_wait3A_769 = arith.constant 0 : i32
        %dma_wait3A_770 = tpu.memref_slice %arg9[%run_scoped3A_444, %dma_wait3A_769] : memref<8x128xi32, #tpu.memory_space<vmem>> -> memref<1x128xi32, #tpu.memory_space<vmem>>
        %dma_wait3A_771 = tpu.memref_squeeze %dma_wait3A_770 : memref<1x128xi32, #tpu.memory_space<vmem>> -> memref<128xi32, #tpu.memory_space<vmem>>
        %dma_wait3A_772 = arith.constant 0 : i32
        %dma_wait3A_773 = arith.constant 0 : i32
        %dma_wait3A_774 = tpu.memref_slice %arg7[%dma_wait3A_772, %dma_wait3A_773] : memref<10512x128xf32, #tpu.memory_space<vmem_shared>> -> memref<10512x128xf32, #tpu.memory_space<vmem_shared>>
        tpu.wait_indirect_dma semaphore(%run_scoped3A_762 : memref<!tpu.dma_semaphore, #tpu.memory_space<semaphore_mem>>) src(%arg13 : memref<128x128xf32, #tpu.memory_space<vmem>>) dst(%dma_wait3A_774 : memref<10512x128xf32, #tpu.memory_space<vmem_shared>>)
        tpu.yield
      }) : () -> ()
      %lt3A = arith.constant 4 : i32
      %lt3A_445 = arith.cmpi slt, %scan3A_75, %lt3A : i32
      %convert_element_type3A_446 = arith.extui %lt3A_445 : i1 to i32
      %cond3A_447 = arith.constant 0 : i32
      %cond3A_448 = arith.cmpi ne, %convert_element_type3A_446, %cond3A_447 : i32
      scf.if %cond3A_448 {
        %add3A_762 = arith.constant 2 : i32
        %add3A_763 = arith.addi %mul3A_77, %add3A_762 : i32
        %dma_start3A_764 = arith.constant 0 : i32
        %dma_start3A_765 = arith.constant 0 : i32
        %dma_start3A_766 = tpu.memref_slice %arg4[%add3A, %add3A_763, %dma_start3A_764, %dma_start3A_765] : memref<32x10x8x128xi32, #tpu.memory_space<hbm>> -> memref<1x1x8x128xi32, #tpu.memory_space<hbm>>
        %dma_start3A_767 = tpu.memref_squeeze %dma_start3A_766 : memref<1x1x8x128xi32, #tpu.memory_space<hbm>> -> memref<8x128xi32, #tpu.memory_space<hbm>>
        %dma_start3A_768 = arith.constant 0 : i32
        %dma_start3A_769 = arith.constant 0 : i32
        %dma_start3A_770 = tpu.memref_slice %arg4[%add3A, %add3A_763, %dma_start3A_768, %dma_start3A_769] : memref<32x10x8x128xi32, #tpu.memory_space<hbm>> -> memref<1x1x8x128xi32, #tpu.memory_space<hbm>>
        %dma_start3A_771 = tpu.memref_squeeze %dma_start3A_770 : memref<1x1x8x128xi32, #tpu.memory_space<hbm>> -> memref<8x128xi32, #tpu.memory_space<hbm>>
        tpu.enqueue_dma source(%dma_start3A_771 : memref<8x128xi32, #tpu.memory_space<hbm>>) target(%arg8 : memref<8x128xi32, #tpu.memory_space<vmem>>) target_semaphore(%arg14 : memref<!tpu.dma_semaphore, #tpu.memory_space<semaphore_mem>>)
        %add3A_772 = arith.constant 2 : i32
        %add3A_773 = arith.addi %mul3A_77, %add3A_772 : i32
        %dma_start3A_774 = arith.constant 0 : i32
        %dma_start3A_775 = arith.constant 0 : i32
        %dma_start3A_776 = tpu.memref_slice %arg5[%add3A, %add3A_773, %dma_start3A_774, %dma_start3A_775] : memref<32x10x8x128xi32, #tpu.memory_space<hbm>> -> memref<1x1x8x128xi32, #tpu.memory_space<hbm>>
        %dma_start3A_777 = tpu.memref_squeeze %dma_start3A_776 : memref<1x1x8x128xi32, #tpu.memory_space<hbm>> -> memref<8x128xi32, #tpu.memory_space<hbm>>
        %dma_start3A_778 = arith.constant 0 : i32
        %dma_start3A_779 = arith.constant 0 : i32
        %dma_start3A_780 = tpu.memref_slice %arg5[%add3A, %add3A_773, %dma_start3A_778, %dma_start3A_779] : memref<32x10x8x128xi32, #tpu.memory_space<hbm>> -> memref<1x1x8x128xi32, #tpu.memory_space<hbm>>
        %dma_start3A_781 = tpu.memref_squeeze %dma_start3A_780 : memref<1x1x8x128xi32, #tpu.memory_space<hbm>> -> memref<8x128xi32, #tpu.memory_space<hbm>>
        tpu.enqueue_dma source(%dma_start3A_781 : memref<8x128xi32, #tpu.memory_space<hbm>>) target(%arg9 : memref<8x128xi32, #tpu.memory_space<vmem>>) target_semaphore(%arg14 : memref<!tpu.dma_semaphore, #tpu.memory_space<semaphore_mem>>)
      } else {
      }
      %dma_start3A_449 = arith.constant 1 : i32
      %dma_start3A_450 = arith.constant 0 : i32
      %dma_start3A_451 = arith.constant 0 : i32
      %dma_start3A_452 = tpu.memref_slice %arg13[%dma_start3A_450, %dma_start3A_451] : memref<128x128xf32, #tpu.memory_space<vmem>> -> memref<64x128xf32, #tpu.memory_space<vmem>>
      %dma_start3A_453 = arith.constant 0 : i32
      %dma_start3A_454 = tpu.memref_slice %arg10[%dma_start3A_449, %dma_start3A_453] : memref<8x128xi32, #tpu.memory_space<vmem>> -> memref<1x64xi32, #tpu.memory_space<vmem>>
      %dma_start3A_455 = tpu.memref_squeeze %dma_start3A_454 : memref<1x64xi32, #tpu.memory_space<vmem>> -> memref<64xi32, #tpu.memory_space<vmem>>
      %dma_start3A_456 = arith.constant 0 : i32
      %dma_start3A_457 = arith.constant 0 : i32
      %dma_start3A_458 = tpu.memref_slice %arg2[%dma_start3A_456, %dma_start3A_457] : memref<10000x128xf32, #tpu.memory_space<hbm>> -> memref<10000x128xf32, #tpu.memory_space<hbm>>
      tpu.enqueue_indirect_dma source(%dma_start3A_458 : memref<10000x128xf32, #tpu.memory_space<hbm>>) target(%dma_start3A_452 : memref<64x128xf32, #tpu.memory_space<vmem>>) offsets(%dma_start3A_455 : memref<64xi32, #tpu.memory_space<vmem>>) semaphore(%arg17 : memref<!tpu.dma_semaphore, #tpu.memory_space<semaphore_mem>>)
      %dma_start3A_459 = arith.constant 1 : i32
      %dma_start3A_460 = arith.constant 64 : i32
      %dma_start3A_461 = arith.constant 0 : i32
      %dma_start3A_462 = tpu.memref_slice %arg13[%dma_start3A_460, %dma_start3A_461] : memref<128x128xf32, #tpu.memory_space<vmem>> -> memref<64x128xf32, #tpu.memory_space<vmem>>
      %dma_start3A_463 = arith.constant 64 : i32
      %dma_start3A_464 = tpu.memref_slice %arg10[%dma_start3A_459, %dma_start3A_463] : memref<8x128xi32, #tpu.memory_space<vmem>> -> memref<1x64xi32, #tpu.memory_space<vmem>>
      %dma_start3A_465 = tpu.memref_squeeze %dma_start3A_464 : memref<1x64xi32, #tpu.memory_space<vmem>> -> memref<64xi32, #tpu.memory_space<vmem>>
      %dma_start3A_466 = arith.constant 0 : i32
      %dma_start3A_467 = arith.constant 0 : i32
      %dma_start3A_468 = tpu.memref_slice %arg2[%dma_start3A_466, %dma_start3A_467] : memref<10000x128xf32, #tpu.memory_space<hbm>> -> memref<10000x128xf32, #tpu.memory_space<hbm>>
      tpu.enqueue_indirect_dma source(%dma_start3A_468 : memref<10000x128xf32, #tpu.memory_space<hbm>>) target(%dma_start3A_462 : memref<64x128xf32, #tpu.memory_space<vmem>>) offsets(%dma_start3A_465 : memref<64xi32, #tpu.memory_space<vmem>>) semaphore(%arg17 : memref<!tpu.dma_semaphore, #tpu.memory_space<semaphore_mem>>)
      %dma_wait3A_469 = arith.constant 0 : i32
      %dma_wait3A_470 = arith.constant 0 : i32
      %dma_wait3A_471 = arith.constant 0 : i32
      %dma_wait3A_472 = tpu.memref_slice %arg12[%dma_wait3A_470, %dma_wait3A_471] : memref<128x128xf32, #tpu.memory_space<vmem>> -> memref<64x128xf32, #tpu.memory_space<vmem>>
      %dma_wait3A_473 = arith.constant 0 : i32
      %dma_wait3A_474 = tpu.memref_slice %arg10[%dma_wait3A_469, %dma_wait3A_473] : memref<8x128xi32, #tpu.memory_space<vmem>> -> memref<1x64xi32, #tpu.memory_space<vmem>>
      %dma_wait3A_475 = tpu.memref_squeeze %dma_wait3A_474 : memref<1x64xi32, #tpu.memory_space<vmem>> -> memref<64xi32, #tpu.memory_space<vmem>>
      %dma_wait3A_476 = arith.constant 0 : i32
      %dma_wait3A_477 = arith.constant 0 : i32
      %dma_wait3A_478 = tpu.memref_slice %arg2[%dma_wait3A_476, %dma_wait3A_477] : memref<10000x128xf32, #tpu.memory_space<hbm>> -> memref<10000x128xf32, #tpu.memory_space<hbm>>
      tpu.wait_indirect_dma semaphore(%arg16 : memref<!tpu.dma_semaphore, #tpu.memory_space<semaphore_mem>>) src(%dma_wait3A_478 : memref<10000x128xf32, #tpu.memory_space<hbm>>) dst(%dma_wait3A_472 : memref<64x128xf32, #tpu.memory_space<vmem>>)
      %dma_wait3A_479 = arith.constant 0 : i32
      %dma_wait3A_480 = arith.constant 64 : i32
      %dma_wait3A_481 = arith.constant 0 : i32
      %dma_wait3A_482 = tpu.memref_slice %arg12[%dma_wait3A_480, %dma_wait3A_481] : memref<128x128xf32, #tpu.memory_space<vmem>> -> memref<64x128xf32, #tpu.memory_space<vmem>>
      %dma_wait3A_483 = arith.constant 64 : i32
      %dma_wait3A_484 = tpu.memref_slice %arg10[%dma_wait3A_479, %dma_wait3A_483] : memref<8x128xi32, #tpu.memory_space<vmem>> -> memref<1x64xi32, #tpu.memory_space<vmem>>
      %dma_wait3A_485 = tpu.memref_squeeze %dma_wait3A_484 : memref<1x64xi32, #tpu.memory_space<vmem>> -> memref<64xi32, #tpu.memory_space<vmem>>
      %dma_wait3A_486 = arith.constant 0 : i32
      %dma_wait3A_487 = arith.constant 0 : i32
      %dma_wait3A_488 = tpu.memref_slice %arg2[%dma_wait3A_486, %dma_wait3A_487] : memref<10000x128xf32, #tpu.memory_space<hbm>> -> memref<10000x128xf32, #tpu.memory_space<hbm>>
      tpu.wait_indirect_dma semaphore(%arg16 : memref<!tpu.dma_semaphore, #tpu.memory_space<semaphore_mem>>) src(%dma_wait3A_488 : memref<10000x128xf32, #tpu.memory_space<hbm>>) dst(%dma_wait3A_482 : memref<64x128xf32, #tpu.memory_space<vmem>>)
      %run_scoped3A_489 = arith.constant 0 : i32
      "tpu.region"() ({
        %run_scoped3A_762 = tpu.sem_alloc : memref<!tpu.dma_semaphore, #tpu.memory_space<semaphore_mem>>
        %dma_start3A_763 = arith.constant 0 : i32
        %dma_start3A_764 = tpu.memref_slice %arg11[%run_scoped3A_489, %dma_start3A_763] : memref<8x128xi32, #tpu.memory_space<vmem>> -> memref<1x128xi32, #tpu.memory_space<vmem>>
        %dma_start3A_765 = tpu.memref_squeeze %dma_start3A_764 : memref<1x128xi32, #tpu.memory_space<vmem>> -> memref<128xi32, #tpu.memory_space<vmem>>
        %dma_start3A_766 = arith.constant 0 : i32
        %dma_start3A_767 = arith.constant 0 : i32
        %dma_start3A_768 = tpu.memref_slice %arg7[%dma_start3A_766, %dma_start3A_767] : memref<10512x128xf32, #tpu.memory_space<vmem_shared>> -> memref<10512x128xf32, #tpu.memory_space<vmem_shared>>
        tpu.enqueue_indirect_dma source(%arg12 : memref<128x128xf32, #tpu.memory_space<vmem>>) target(%dma_start3A_768 : memref<10512x128xf32, #tpu.memory_space<vmem_shared>>) offsets(%dma_start3A_765 : memref<128xi32, #tpu.memory_space<vmem>>) semaphore(%run_scoped3A_762 : memref<!tpu.dma_semaphore, #tpu.memory_space<semaphore_mem>>) {add = true}
        %dma_wait3A_769 = arith.constant 0 : i32
        %dma_wait3A_770 = tpu.memref_slice %arg11[%run_scoped3A_489, %dma_wait3A_769] : memref<8x128xi32, #tpu.memory_space<vmem>> -> memref<1x128xi32, #tpu.memory_space<vmem>>
        %dma_wait3A_771 = tpu.memref_squeeze %dma_wait3A_770 : memref<1x128xi32, #tpu.memory_space<vmem>> -> memref<128xi32, #tpu.memory_space<vmem>>
        %dma_wait3A_772 = arith.constant 0 : i32
        %dma_wait3A_773 = arith.constant 0 : i32
        %dma_wait3A_774 = tpu.memref_slice %arg7[%dma_wait3A_772, %dma_wait3A_773] : memref<10512x128xf32, #tpu.memory_space<vmem_shared>> -> memref<10512x128xf32, #tpu.memory_space<vmem_shared>>
        tpu.wait_indirect_dma semaphore(%run_scoped3A_762 : memref<!tpu.dma_semaphore, #tpu.memory_space<semaphore_mem>>) src(%arg12 : memref<128x128xf32, #tpu.memory_space<vmem>>) dst(%dma_wait3A_774 : memref<10512x128xf32, #tpu.memory_space<vmem_shared>>)
        tpu.yield
      }) : () -> ()
      %dma_start3A_490 = arith.constant 2 : i32
      %dma_start3A_491 = arith.constant 0 : i32
      %dma_start3A_492 = arith.constant 0 : i32
      %dma_start3A_493 = tpu.memref_slice %arg12[%dma_start3A_491, %dma_start3A_492] : memref<128x128xf32, #tpu.memory_space<vmem>> -> memref<64x128xf32, #tpu.memory_space<vmem>>
      %dma_start3A_494 = arith.constant 0 : i32
      %dma_start3A_495 = tpu.memref_slice %arg10[%dma_start3A_490, %dma_start3A_494] : memref<8x128xi32, #tpu.memory_space<vmem>> -> memref<1x64xi32, #tpu.memory_space<vmem>>
      %dma_start3A_496 = tpu.memref_squeeze %dma_start3A_495 : memref<1x64xi32, #tpu.memory_space<vmem>> -> memref<64xi32, #tpu.memory_space<vmem>>
      %dma_start3A_497 = arith.constant 0 : i32
      %dma_start3A_498 = arith.constant 0 : i32
      %dma_start3A_499 = tpu.memref_slice %arg2[%dma_start3A_497, %dma_start3A_498] : memref<10000x128xf32, #tpu.memory_space<hbm>> -> memref<10000x128xf32, #tpu.memory_space<hbm>>
      tpu.enqueue_indirect_dma source(%dma_start3A_499 : memref<10000x128xf32, #tpu.memory_space<hbm>>) target(%dma_start3A_493 : memref<64x128xf32, #tpu.memory_space<vmem>>) offsets(%dma_start3A_496 : memref<64xi32, #tpu.memory_space<vmem>>) semaphore(%arg16 : memref<!tpu.dma_semaphore, #tpu.memory_space<semaphore_mem>>)
      %dma_start3A_500 = arith.constant 2 : i32
      %dma_start3A_501 = arith.constant 64 : i32
      %dma_start3A_502 = arith.constant 0 : i32
      %dma_start3A_503 = tpu.memref_slice %arg12[%dma_start3A_501, %dma_start3A_502] : memref<128x128xf32, #tpu.memory_space<vmem>> -> memref<64x128xf32, #tpu.memory_space<vmem>>
      %dma_start3A_504 = arith.constant 64 : i32
      %dma_start3A_505 = tpu.memref_slice %arg10[%dma_start3A_500, %dma_start3A_504] : memref<8x128xi32, #tpu.memory_space<vmem>> -> memref<1x64xi32, #tpu.memory_space<vmem>>
      %dma_start3A_506 = tpu.memref_squeeze %dma_start3A_505 : memref<1x64xi32, #tpu.memory_space<vmem>> -> memref<64xi32, #tpu.memory_space<vmem>>
      %dma_start3A_507 = arith.constant 0 : i32
      %dma_start3A_508 = arith.constant 0 : i32
      %dma_start3A_509 = tpu.memref_slice %arg2[%dma_start3A_507, %dma_start3A_508] : memref<10000x128xf32, #tpu.memory_space<hbm>> -> memref<10000x128xf32, #tpu.memory_space<hbm>>
      tpu.enqueue_indirect_dma source(%dma_start3A_509 : memref<10000x128xf32, #tpu.memory_space<hbm>>) target(%dma_start3A_503 : memref<64x128xf32, #tpu.memory_space<vmem>>) offsets(%dma_start3A_506 : memref<64xi32, #tpu.memory_space<vmem>>) semaphore(%arg16 : memref<!tpu.dma_semaphore, #tpu.memory_space<semaphore_mem>>)
      %dma_wait3A_510 = arith.constant 1 : i32
      %dma_wait3A_511 = arith.constant 0 : i32
      %dma_wait3A_512 = arith.constant 0 : i32
      %dma_wait3A_513 = tpu.memref_slice %arg13[%dma_wait3A_511, %dma_wait3A_512] : memref<128x128xf32, #tpu.memory_space<vmem>> -> memref<64x128xf32, #tpu.memory_space<vmem>>
      %dma_wait3A_514 = arith.constant 0 : i32
      %dma_wait3A_515 = tpu.memref_slice %arg10[%dma_wait3A_510, %dma_wait3A_514] : memref<8x128xi32, #tpu.memory_space<vmem>> -> memref<1x64xi32, #tpu.memory_space<vmem>>
      %dma_wait3A_516 = tpu.memref_squeeze %dma_wait3A_515 : memref<1x64xi32, #tpu.memory_space<vmem>> -> memref<64xi32, #tpu.memory_space<vmem>>
      %dma_wait3A_517 = arith.constant 0 : i32
      %dma_wait3A_518 = arith.constant 0 : i32
      %dma_wait3A_519 = tpu.memref_slice %arg2[%dma_wait3A_517, %dma_wait3A_518] : memref<10000x128xf32, #tpu.memory_space<hbm>> -> memref<10000x128xf32, #tpu.memory_space<hbm>>
      tpu.wait_indirect_dma semaphore(%arg17 : memref<!tpu.dma_semaphore, #tpu.memory_space<semaphore_mem>>) src(%dma_wait3A_519 : memref<10000x128xf32, #tpu.memory_space<hbm>>) dst(%dma_wait3A_513 : memref<64x128xf32, #tpu.memory_space<vmem>>)
      %dma_wait3A_520 = arith.constant 1 : i32
      %dma_wait3A_521 = arith.constant 64 : i32
      %dma_wait3A_522 = arith.constant 0 : i32
      %dma_wait3A_523 = tpu.memref_slice %arg13[%dma_wait3A_521, %dma_wait3A_522] : memref<128x128xf32, #tpu.memory_space<vmem>> -> memref<64x128xf32, #tpu.memory_space<vmem>>
      %dma_wait3A_524 = arith.constant 64 : i32
      %dma_wait3A_525 = tpu.memref_slice %arg10[%dma_wait3A_520, %dma_wait3A_524] : memref<8x128xi32, #tpu.memory_space<vmem>> -> memref<1x64xi32, #tpu.memory_space<vmem>>
      %dma_wait3A_526 = tpu.memref_squeeze %dma_wait3A_525 : memref<1x64xi32, #tpu.memory_space<vmem>> -> memref<64xi32, #tpu.memory_space<vmem>>
      %dma_wait3A_527 = arith.constant 0 : i32
      %dma_wait3A_528 = arith.constant 0 : i32
      %dma_wait3A_529 = tpu.memref_slice %arg2[%dma_wait3A_527, %dma_wait3A_528] : memref<10000x128xf32, #tpu.memory_space<hbm>> -> memref<10000x128xf32, #tpu.memory_space<hbm>>
      tpu.wait_indirect_dma semaphore(%arg17 : memref<!tpu.dma_semaphore, #tpu.memory_space<semaphore_mem>>) src(%dma_wait3A_529 : memref<10000x128xf32, #tpu.memory_space<hbm>>) dst(%dma_wait3A_523 : memref<64x128xf32, #tpu.memory_space<vmem>>)
      %run_scoped3A_530 = arith.constant 1 : i32
      "tpu.region"() ({
        %run_scoped3A_762 = tpu.sem_alloc : memref<!tpu.dma_semaphore, #tpu.memory_space<semaphore_mem>>
        %dma_start3A_763 = arith.constant 0 : i32
        %dma_start3A_764 = tpu.memref_slice %arg11[%run_scoped3A_530, %dma_start3A_763] : memref<8x128xi32, #tpu.memory_space<vmem>> -> memref<1x128xi32, #tpu.memory_space<vmem>>
        %dma_start3A_765 = tpu.memref_squeeze %dma_start3A_764 : memref<1x128xi32, #tpu.memory_space<vmem>> -> memref<128xi32, #tpu.memory_space<vmem>>
        %dma_start3A_766 = arith.constant 0 : i32
        %dma_start3A_767 = arith.constant 0 : i32
        %dma_start3A_768 = tpu.memref_slice %arg7[%dma_start3A_766, %dma_start3A_767] : memref<10512x128xf32, #tpu.memory_space<vmem_shared>> -> memref<10512x128xf32, #tpu.memory_space<vmem_shared>>
        tpu.enqueue_indirect_dma source(%arg13 : memref<128x128xf32, #tpu.memory_space<vmem>>) target(%dma_start3A_768 : memref<10512x128xf32, #tpu.memory_space<vmem_shared>>) offsets(%dma_start3A_765 : memref<128xi32, #tpu.memory_space<vmem>>) semaphore(%run_scoped3A_762 : memref<!tpu.dma_semaphore, #tpu.memory_space<semaphore_mem>>) {add = true}
        %dma_wait3A_769 = arith.constant 0 : i32
        %dma_wait3A_770 = tpu.memref_slice %arg11[%run_scoped3A_530, %dma_wait3A_769] : memref<8x128xi32, #tpu.memory_space<vmem>> -> memref<1x128xi32, #tpu.memory_space<vmem>>
        %dma_wait3A_771 = tpu.memref_squeeze %dma_wait3A_770 : memref<1x128xi32, #tpu.memory_space<vmem>> -> memref<128xi32, #tpu.memory_space<vmem>>
        %dma_wait3A_772 = arith.constant 0 : i32
        %dma_wait3A_773 = arith.constant 0 : i32
        %dma_wait3A_774 = tpu.memref_slice %arg7[%dma_wait3A_772, %dma_wait3A_773] : memref<10512x128xf32, #tpu.memory_space<vmem_shared>> -> memref<10512x128xf32, #tpu.memory_space<vmem_shared>>
        tpu.wait_indirect_dma semaphore(%run_scoped3A_762 : memref<!tpu.dma_semaphore, #tpu.memory_space<semaphore_mem>>) src(%arg13 : memref<128x128xf32, #tpu.memory_space<vmem>>) dst(%dma_wait3A_774 : memref<10512x128xf32, #tpu.memory_space<vmem_shared>>)
        tpu.yield
      }) : () -> ()
      %dma_start3A_531 = arith.constant 3 : i32
      %dma_start3A_532 = arith.constant 0 : i32
      %dma_start3A_533 = arith.constant 0 : i32
      %dma_start3A_534 = tpu.memref_slice %arg13[%dma_start3A_532, %dma_start3A_533] : memref<128x128xf32, #tpu.memory_space<vmem>> -> memref<64x128xf32, #tpu.memory_space<vmem>>
      %dma_start3A_535 = arith.constant 0 : i32
      %dma_start3A_536 = tpu.memref_slice %arg10[%dma_start3A_531, %dma_start3A_535] : memref<8x128xi32, #tpu.memory_space<vmem>> -> memref<1x64xi32, #tpu.memory_space<vmem>>
      %dma_start3A_537 = tpu.memref_squeeze %dma_start3A_536 : memref<1x64xi32, #tpu.memory_space<vmem>> -> memref<64xi32, #tpu.memory_space<vmem>>
      %dma_start3A_538 = arith.constant 0 : i32
      %dma_start3A_539 = arith.constant 0 : i32
      %dma_start3A_540 = tpu.memref_slice %arg2[%dma_start3A_538, %dma_start3A_539] : memref<10000x128xf32, #tpu.memory_space<hbm>> -> memref<10000x128xf32, #tpu.memory_space<hbm>>
      tpu.enqueue_indirect_dma source(%dma_start3A_540 : memref<10000x128xf32, #tpu.memory_space<hbm>>) target(%dma_start3A_534 : memref<64x128xf32, #tpu.memory_space<vmem>>) offsets(%dma_start3A_537 : memref<64xi32, #tpu.memory_space<vmem>>) semaphore(%arg17 : memref<!tpu.dma_semaphore, #tpu.memory_space<semaphore_mem>>)
      %dma_start3A_541 = arith.constant 3 : i32
      %dma_start3A_542 = arith.constant 64 : i32
      %dma_start3A_543 = arith.constant 0 : i32
      %dma_start3A_544 = tpu.memref_slice %arg13[%dma_start3A_542, %dma_start3A_543] : memref<128x128xf32, #tpu.memory_space<vmem>> -> memref<64x128xf32, #tpu.memory_space<vmem>>
      %dma_start3A_545 = arith.constant 64 : i32
      %dma_start3A_546 = tpu.memref_slice %arg10[%dma_start3A_541, %dma_start3A_545] : memref<8x128xi32, #tpu.memory_space<vmem>> -> memref<1x64xi32, #tpu.memory_space<vmem>>
      %dma_start3A_547 = tpu.memref_squeeze %dma_start3A_546 : memref<1x64xi32, #tpu.memory_space<vmem>> -> memref<64xi32, #tpu.memory_space<vmem>>
      %dma_start3A_548 = arith.constant 0 : i32
      %dma_start3A_549 = arith.constant 0 : i32
      %dma_start3A_550 = tpu.memref_slice %arg2[%dma_start3A_548, %dma_start3A_549] : memref<10000x128xf32, #tpu.memory_space<hbm>> -> memref<10000x128xf32, #tpu.memory_space<hbm>>
      tpu.enqueue_indirect_dma source(%dma_start3A_550 : memref<10000x128xf32, #tpu.memory_space<hbm>>) target(%dma_start3A_544 : memref<64x128xf32, #tpu.memory_space<vmem>>) offsets(%dma_start3A_547 : memref<64xi32, #tpu.memory_space<vmem>>) semaphore(%arg17 : memref<!tpu.dma_semaphore, #tpu.memory_space<semaphore_mem>>)
      %dma_wait3A_551 = arith.constant 2 : i32
      %dma_wait3A_552 = arith.constant 0 : i32
      %dma_wait3A_553 = arith.constant 0 : i32
      %dma_wait3A_554 = tpu.memref_slice %arg12[%dma_wait3A_552, %dma_wait3A_553] : memref<128x128xf32, #tpu.memory_space<vmem>> -> memref<64x128xf32, #tpu.memory_space<vmem>>
      %dma_wait3A_555 = arith.constant 0 : i32
      %dma_wait3A_556 = tpu.memref_slice %arg10[%dma_wait3A_551, %dma_wait3A_555] : memref<8x128xi32, #tpu.memory_space<vmem>> -> memref<1x64xi32, #tpu.memory_space<vmem>>
      %dma_wait3A_557 = tpu.memref_squeeze %dma_wait3A_556 : memref<1x64xi32, #tpu.memory_space<vmem>> -> memref<64xi32, #tpu.memory_space<vmem>>
      %dma_wait3A_558 = arith.constant 0 : i32
      %dma_wait3A_559 = arith.constant 0 : i32
      %dma_wait3A_560 = tpu.memref_slice %arg2[%dma_wait3A_558, %dma_wait3A_559] : memref<10000x128xf32, #tpu.memory_space<hbm>> -> memref<10000x128xf32, #tpu.memory_space<hbm>>
      tpu.wait_indirect_dma semaphore(%arg16 : memref<!tpu.dma_semaphore, #tpu.memory_space<semaphore_mem>>) src(%dma_wait3A_560 : memref<10000x128xf32, #tpu.memory_space<hbm>>) dst(%dma_wait3A_554 : memref<64x128xf32, #tpu.memory_space<vmem>>)
      %dma_wait3A_561 = arith.constant 2 : i32
      %dma_wait3A_562 = arith.constant 64 : i32
      %dma_wait3A_563 = arith.constant 0 : i32
      %dma_wait3A_564 = tpu.memref_slice %arg12[%dma_wait3A_562, %dma_wait3A_563] : memref<128x128xf32, #tpu.memory_space<vmem>> -> memref<64x128xf32, #tpu.memory_space<vmem>>
      %dma_wait3A_565 = arith.constant 64 : i32
      %dma_wait3A_566 = tpu.memref_slice %arg10[%dma_wait3A_561, %dma_wait3A_565] : memref<8x128xi32, #tpu.memory_space<vmem>> -> memref<1x64xi32, #tpu.memory_space<vmem>>
      %dma_wait3A_567 = tpu.memref_squeeze %dma_wait3A_566 : memref<1x64xi32, #tpu.memory_space<vmem>> -> memref<64xi32, #tpu.memory_space<vmem>>
      %dma_wait3A_568 = arith.constant 0 : i32
      %dma_wait3A_569 = arith.constant 0 : i32
      %dma_wait3A_570 = tpu.memref_slice %arg2[%dma_wait3A_568, %dma_wait3A_569] : memref<10000x128xf32, #tpu.memory_space<hbm>> -> memref<10000x128xf32, #tpu.memory_space<hbm>>
      tpu.wait_indirect_dma semaphore(%arg16 : memref<!tpu.dma_semaphore, #tpu.memory_space<semaphore_mem>>) src(%dma_wait3A_570 : memref<10000x128xf32, #tpu.memory_space<hbm>>) dst(%dma_wait3A_564 : memref<64x128xf32, #tpu.memory_space<vmem>>)
      %run_scoped3A_571 = arith.constant 2 : i32
      "tpu.region"() ({
        %run_scoped3A_762 = tpu.sem_alloc : memref<!tpu.dma_semaphore, #tpu.memory_space<semaphore_mem>>
        %dma_start3A_763 = arith.constant 0 : i32
        %dma_start3A_764 = tpu.memref_slice %arg11[%run_scoped3A_571, %dma_start3A_763] : memref<8x128xi32, #tpu.memory_space<vmem>> -> memref<1x128xi32, #tpu.memory_space<vmem>>
        %dma_start3A_765 = tpu.memref_squeeze %dma_start3A_764 : memref<1x128xi32, #tpu.memory_space<vmem>> -> memref<128xi32, #tpu.memory_space<vmem>>
        %dma_start3A_766 = arith.constant 0 : i32
        %dma_start3A_767 = arith.constant 0 : i32
        %dma_start3A_768 = tpu.memref_slice %arg7[%dma_start3A_766, %dma_start3A_767] : memref<10512x128xf32, #tpu.memory_space<vmem_shared>> -> memref<10512x128xf32, #tpu.memory_space<vmem_shared>>
        tpu.enqueue_indirect_dma source(%arg12 : memref<128x128xf32, #tpu.memory_space<vmem>>) target(%dma_start3A_768 : memref<10512x128xf32, #tpu.memory_space<vmem_shared>>) offsets(%dma_start3A_765 : memref<128xi32, #tpu.memory_space<vmem>>) semaphore(%run_scoped3A_762 : memref<!tpu.dma_semaphore, #tpu.memory_space<semaphore_mem>>) {add = true}
        %dma_wait3A_769 = arith.constant 0 : i32
        %dma_wait3A_770 = tpu.memref_slice %arg11[%run_scoped3A_571, %dma_wait3A_769] : memref<8x128xi32, #tpu.memory_space<vmem>> -> memref<1x128xi32, #tpu.memory_space<vmem>>
        %dma_wait3A_771 = tpu.memref_squeeze %dma_wait3A_770 : memref<1x128xi32, #tpu.memory_space<vmem>> -> memref<128xi32, #tpu.memory_space<vmem>>
        %dma_wait3A_772 = arith.constant 0 : i32
        %dma_wait3A_773 = arith.constant 0 : i32
        %dma_wait3A_774 = tpu.memref_slice %arg7[%dma_wait3A_772, %dma_wait3A_773] : memref<10512x128xf32, #tpu.memory_space<vmem_shared>> -> memref<10512x128xf32, #tpu.memory_space<vmem_shared>>
        tpu.wait_indirect_dma semaphore(%run_scoped3A_762 : memref<!tpu.dma_semaphore, #tpu.memory_space<semaphore_mem>>) src(%arg12 : memref<128x128xf32, #tpu.memory_space<vmem>>) dst(%dma_wait3A_774 : memref<10512x128xf32, #tpu.memory_space<vmem_shared>>)
        tpu.yield
      }) : () -> ()
      %dma_start3A_572 = arith.constant 4 : i32
      %dma_start3A_573 = arith.constant 0 : i32
      %dma_start3A_574 = arith.constant 0 : i32
      %dma_start3A_575 = tpu.memref_slice %arg12[%dma_start3A_573, %dma_start3A_574] : memref<128x128xf32, #tpu.memory_space<vmem>> -> memref<64x128xf32, #tpu.memory_space<vmem>>
      %dma_start3A_576 = arith.constant 0 : i32
      %dma_start3A_577 = tpu.memref_slice %arg10[%dma_start3A_572, %dma_start3A_576] : memref<8x128xi32, #tpu.memory_space<vmem>> -> memref<1x64xi32, #tpu.memory_space<vmem>>
      %dma_start3A_578 = tpu.memref_squeeze %dma_start3A_577 : memref<1x64xi32, #tpu.memory_space<vmem>> -> memref<64xi32, #tpu.memory_space<vmem>>
      %dma_start3A_579 = arith.constant 0 : i32
      %dma_start3A_580 = arith.constant 0 : i32
      %dma_start3A_581 = tpu.memref_slice %arg2[%dma_start3A_579, %dma_start3A_580] : memref<10000x128xf32, #tpu.memory_space<hbm>> -> memref<10000x128xf32, #tpu.memory_space<hbm>>
      tpu.enqueue_indirect_dma source(%dma_start3A_581 : memref<10000x128xf32, #tpu.memory_space<hbm>>) target(%dma_start3A_575 : memref<64x128xf32, #tpu.memory_space<vmem>>) offsets(%dma_start3A_578 : memref<64xi32, #tpu.memory_space<vmem>>) semaphore(%arg16 : memref<!tpu.dma_semaphore, #tpu.memory_space<semaphore_mem>>)
      %dma_start3A_582 = arith.constant 4 : i32
      %dma_start3A_583 = arith.constant 64 : i32
      %dma_start3A_584 = arith.constant 0 : i32
      %dma_start3A_585 = tpu.memref_slice %arg12[%dma_start3A_583, %dma_start3A_584] : memref<128x128xf32, #tpu.memory_space<vmem>> -> memref<64x128xf32, #tpu.memory_space<vmem>>
      %dma_start3A_586 = arith.constant 64 : i32
      %dma_start3A_587 = tpu.memref_slice %arg10[%dma_start3A_582, %dma_start3A_586] : memref<8x128xi32, #tpu.memory_space<vmem>> -> memref<1x64xi32, #tpu.memory_space<vmem>>
      %dma_start3A_588 = tpu.memref_squeeze %dma_start3A_587 : memref<1x64xi32, #tpu.memory_space<vmem>> -> memref<64xi32, #tpu.memory_space<vmem>>
      %dma_start3A_589 = arith.constant 0 : i32
      %dma_start3A_590 = arith.constant 0 : i32
      %dma_start3A_591 = tpu.memref_slice %arg2[%dma_start3A_589, %dma_start3A_590] : memref<10000x128xf32, #tpu.memory_space<hbm>> -> memref<10000x128xf32, #tpu.memory_space<hbm>>
      tpu.enqueue_indirect_dma source(%dma_start3A_591 : memref<10000x128xf32, #tpu.memory_space<hbm>>) target(%dma_start3A_585 : memref<64x128xf32, #tpu.memory_space<vmem>>) offsets(%dma_start3A_588 : memref<64xi32, #tpu.memory_space<vmem>>) semaphore(%arg16 : memref<!tpu.dma_semaphore, #tpu.memory_space<semaphore_mem>>)
      %dma_wait3A_592 = arith.constant 3 : i32
      %dma_wait3A_593 = arith.constant 0 : i32
      %dma_wait3A_594 = arith.constant 0 : i32
      %dma_wait3A_595 = tpu.memref_slice %arg13[%dma_wait3A_593, %dma_wait3A_594] : memref<128x128xf32, #tpu.memory_space<vmem>> -> memref<64x128xf32, #tpu.memory_space<vmem>>
      %dma_wait3A_596 = arith.constant 0 : i32
      %dma_wait3A_597 = tpu.memref_slice %arg10[%dma_wait3A_592, %dma_wait3A_596] : memref<8x128xi32, #tpu.memory_space<vmem>> -> memref<1x64xi32, #tpu.memory_space<vmem>>
      %dma_wait3A_598 = tpu.memref_squeeze %dma_wait3A_597 : memref<1x64xi32, #tpu.memory_space<vmem>> -> memref<64xi32, #tpu.memory_space<vmem>>
      %dma_wait3A_599 = arith.constant 0 : i32
      %dma_wait3A_600 = arith.constant 0 : i32
      %dma_wait3A_601 = tpu.memref_slice %arg2[%dma_wait3A_599, %dma_wait3A_600] : memref<10000x128xf32, #tpu.memory_space<hbm>> -> memref<10000x128xf32, #tpu.memory_space<hbm>>
      tpu.wait_indirect_dma semaphore(%arg17 : memref<!tpu.dma_semaphore, #tpu.memory_space<semaphore_mem>>) src(%dma_wait3A_601 : memref<10000x128xf32, #tpu.memory_space<hbm>>) dst(%dma_wait3A_595 : memref<64x128xf32, #tpu.memory_space<vmem>>)
      %dma_wait3A_602 = arith.constant 3 : i32
      %dma_wait3A_603 = arith.constant 64 : i32
      %dma_wait3A_604 = arith.constant 0 : i32
      %dma_wait3A_605 = tpu.memref_slice %arg13[%dma_wait3A_603, %dma_wait3A_604] : memref<128x128xf32, #tpu.memory_space<vmem>> -> memref<64x128xf32, #tpu.memory_space<vmem>>
      %dma_wait3A_606 = arith.constant 64 : i32
      %dma_wait3A_607 = tpu.memref_slice %arg10[%dma_wait3A_602, %dma_wait3A_606] : memref<8x128xi32, #tpu.memory_space<vmem>> -> memref<1x64xi32, #tpu.memory_space<vmem>>
      %dma_wait3A_608 = tpu.memref_squeeze %dma_wait3A_607 : memref<1x64xi32, #tpu.memory_space<vmem>> -> memref<64xi32, #tpu.memory_space<vmem>>
      %dma_wait3A_609 = arith.constant 0 : i32
      %dma_wait3A_610 = arith.constant 0 : i32
      %dma_wait3A_611 = tpu.memref_slice %arg2[%dma_wait3A_609, %dma_wait3A_610] : memref<10000x128xf32, #tpu.memory_space<hbm>> -> memref<10000x128xf32, #tpu.memory_space<hbm>>
      tpu.wait_indirect_dma semaphore(%arg17 : memref<!tpu.dma_semaphore, #tpu.memory_space<semaphore_mem>>) src(%dma_wait3A_611 : memref<10000x128xf32, #tpu.memory_space<hbm>>) dst(%dma_wait3A_605 : memref<64x128xf32, #tpu.memory_space<vmem>>)
      %run_scoped3A_612 = arith.constant 3 : i32
      "tpu.region"() ({
        %run_scoped3A_762 = tpu.sem_alloc : memref<!tpu.dma_semaphore, #tpu.memory_space<semaphore_mem>>
        %dma_start3A_763 = arith.constant 0 : i32
        %dma_start3A_764 = tpu.memref_slice %arg11[%run_scoped3A_612, %dma_start3A_763] : memref<8x128xi32, #tpu.memory_space<vmem>> -> memref<1x128xi32, #tpu.memory_space<vmem>>
        %dma_start3A_765 = tpu.memref_squeeze %dma_start3A_764 : memref<1x128xi32, #tpu.memory_space<vmem>> -> memref<128xi32, #tpu.memory_space<vmem>>
        %dma_start3A_766 = arith.constant 0 : i32
        %dma_start3A_767 = arith.constant 0 : i32
        %dma_start3A_768 = tpu.memref_slice %arg7[%dma_start3A_766, %dma_start3A_767] : memref<10512x128xf32, #tpu.memory_space<vmem_shared>> -> memref<10512x128xf32, #tpu.memory_space<vmem_shared>>
        tpu.enqueue_indirect_dma source(%arg13 : memref<128x128xf32, #tpu.memory_space<vmem>>) target(%dma_start3A_768 : memref<10512x128xf32, #tpu.memory_space<vmem_shared>>) offsets(%dma_start3A_765 : memref<128xi32, #tpu.memory_space<vmem>>) semaphore(%run_scoped3A_762 : memref<!tpu.dma_semaphore, #tpu.memory_space<semaphore_mem>>) {add = true}
        %dma_wait3A_769 = arith.constant 0 : i32
        %dma_wait3A_770 = tpu.memref_slice %arg11[%run_scoped3A_612, %dma_wait3A_769] : memref<8x128xi32, #tpu.memory_space<vmem>> -> memref<1x128xi32, #tpu.memory_space<vmem>>
        %dma_wait3A_771 = tpu.memref_squeeze %dma_wait3A_770 : memref<1x128xi32, #tpu.memory_space<vmem>> -> memref<128xi32, #tpu.memory_space<vmem>>
        %dma_wait3A_772 = arith.constant 0 : i32
        %dma_wait3A_773 = arith.constant 0 : i32
        %dma_wait3A_774 = tpu.memref_slice %arg7[%dma_wait3A_772, %dma_wait3A_773] : memref<10512x128xf32, #tpu.memory_space<vmem_shared>> -> memref<10512x128xf32, #tpu.memory_space<vmem_shared>>
        tpu.wait_indirect_dma semaphore(%run_scoped3A_762 : memref<!tpu.dma_semaphore, #tpu.memory_space<semaphore_mem>>) src(%arg13 : memref<128x128xf32, #tpu.memory_space<vmem>>) dst(%dma_wait3A_774 : memref<10512x128xf32, #tpu.memory_space<vmem_shared>>)
        tpu.yield
      }) : () -> ()
      %dma_start3A_613 = arith.constant 5 : i32
      %dma_start3A_614 = arith.constant 0 : i32
      %dma_start3A_615 = arith.constant 0 : i32
      %dma_start3A_616 = tpu.memref_slice %arg13[%dma_start3A_614, %dma_start3A_615] : memref<128x128xf32, #tpu.memory_space<vmem>> -> memref<64x128xf32, #tpu.memory_space<vmem>>
      %dma_start3A_617 = arith.constant 0 : i32
      %dma_start3A_618 = tpu.memref_slice %arg10[%dma_start3A_613, %dma_start3A_617] : memref<8x128xi32, #tpu.memory_space<vmem>> -> memref<1x64xi32, #tpu.memory_space<vmem>>
      %dma_start3A_619 = tpu.memref_squeeze %dma_start3A_618 : memref<1x64xi32, #tpu.memory_space<vmem>> -> memref<64xi32, #tpu.memory_space<vmem>>
      %dma_start3A_620 = arith.constant 0 : i32
      %dma_start3A_621 = arith.constant 0 : i32
      %dma_start3A_622 = tpu.memref_slice %arg2[%dma_start3A_620, %dma_start3A_621] : memref<10000x128xf32, #tpu.memory_space<hbm>> -> memref<10000x128xf32, #tpu.memory_space<hbm>>
      tpu.enqueue_indirect_dma source(%dma_start3A_622 : memref<10000x128xf32, #tpu.memory_space<hbm>>) target(%dma_start3A_616 : memref<64x128xf32, #tpu.memory_space<vmem>>) offsets(%dma_start3A_619 : memref<64xi32, #tpu.memory_space<vmem>>) semaphore(%arg17 : memref<!tpu.dma_semaphore, #tpu.memory_space<semaphore_mem>>)
      %dma_start3A_623 = arith.constant 5 : i32
      %dma_start3A_624 = arith.constant 64 : i32
      %dma_start3A_625 = arith.constant 0 : i32
      %dma_start3A_626 = tpu.memref_slice %arg13[%dma_start3A_624, %dma_start3A_625] : memref<128x128xf32, #tpu.memory_space<vmem>> -> memref<64x128xf32, #tpu.memory_space<vmem>>
      %dma_start3A_627 = arith.constant 64 : i32
      %dma_start3A_628 = tpu.memref_slice %arg10[%dma_start3A_623, %dma_start3A_627] : memref<8x128xi32, #tpu.memory_space<vmem>> -> memref<1x64xi32, #tpu.memory_space<vmem>>
      %dma_start3A_629 = tpu.memref_squeeze %dma_start3A_628 : memref<1x64xi32, #tpu.memory_space<vmem>> -> memref<64xi32, #tpu.memory_space<vmem>>
      %dma_start3A_630 = arith.constant 0 : i32
      %dma_start3A_631 = arith.constant 0 : i32
      %dma_start3A_632 = tpu.memref_slice %arg2[%dma_start3A_630, %dma_start3A_631] : memref<10000x128xf32, #tpu.memory_space<hbm>> -> memref<10000x128xf32, #tpu.memory_space<hbm>>
      tpu.enqueue_indirect_dma source(%dma_start3A_632 : memref<10000x128xf32, #tpu.memory_space<hbm>>) target(%dma_start3A_626 : memref<64x128xf32, #tpu.memory_space<vmem>>) offsets(%dma_start3A_629 : memref<64xi32, #tpu.memory_space<vmem>>) semaphore(%arg17 : memref<!tpu.dma_semaphore, #tpu.memory_space<semaphore_mem>>)
      %dma_wait3A_633 = arith.constant 4 : i32
      %dma_wait3A_634 = arith.constant 0 : i32
      %dma_wait3A_635 = arith.constant 0 : i32
      %dma_wait3A_636 = tpu.memref_slice %arg12[%dma_wait3A_634, %dma_wait3A_635] : memref<128x128xf32, #tpu.memory_space<vmem>> -> memref<64x128xf32, #tpu.memory_space<vmem>>
      %dma_wait3A_637 = arith.constant 0 : i32
      %dma_wait3A_638 = tpu.memref_slice %arg10[%dma_wait3A_633, %dma_wait3A_637] : memref<8x128xi32, #tpu.memory_space<vmem>> -> memref<1x64xi32, #tpu.memory_space<vmem>>
      %dma_wait3A_639 = tpu.memref_squeeze %dma_wait3A_638 : memref<1x64xi32, #tpu.memory_space<vmem>> -> memref<64xi32, #tpu.memory_space<vmem>>
      %dma_wait3A_640 = arith.constant 0 : i32
      %dma_wait3A_641 = arith.constant 0 : i32
      %dma_wait3A_642 = tpu.memref_slice %arg2[%dma_wait3A_640, %dma_wait3A_641] : memref<10000x128xf32, #tpu.memory_space<hbm>> -> memref<10000x128xf32, #tpu.memory_space<hbm>>
      tpu.wait_indirect_dma semaphore(%arg16 : memref<!tpu.dma_semaphore, #tpu.memory_space<semaphore_mem>>) src(%dma_wait3A_642 : memref<10000x128xf32, #tpu.memory_space<hbm>>) dst(%dma_wait3A_636 : memref<64x128xf32, #tpu.memory_space<vmem>>)
      %dma_wait3A_643 = arith.constant 4 : i32
      %dma_wait3A_644 = arith.constant 64 : i32
      %dma_wait3A_645 = arith.constant 0 : i32
      %dma_wait3A_646 = tpu.memref_slice %arg12[%dma_wait3A_644, %dma_wait3A_645] : memref<128x128xf32, #tpu.memory_space<vmem>> -> memref<64x128xf32, #tpu.memory_space<vmem>>
      %dma_wait3A_647 = arith.constant 64 : i32
      %dma_wait3A_648 = tpu.memref_slice %arg10[%dma_wait3A_643, %dma_wait3A_647] : memref<8x128xi32, #tpu.memory_space<vmem>> -> memref<1x64xi32, #tpu.memory_space<vmem>>
      %dma_wait3A_649 = tpu.memref_squeeze %dma_wait3A_648 : memref<1x64xi32, #tpu.memory_space<vmem>> -> memref<64xi32, #tpu.memory_space<vmem>>
      %dma_wait3A_650 = arith.constant 0 : i32
      %dma_wait3A_651 = arith.constant 0 : i32
      %dma_wait3A_652 = tpu.memref_slice %arg2[%dma_wait3A_650, %dma_wait3A_651] : memref<10000x128xf32, #tpu.memory_space<hbm>> -> memref<10000x128xf32, #tpu.memory_space<hbm>>
      tpu.wait_indirect_dma semaphore(%arg16 : memref<!tpu.dma_semaphore, #tpu.memory_space<semaphore_mem>>) src(%dma_wait3A_652 : memref<10000x128xf32, #tpu.memory_space<hbm>>) dst(%dma_wait3A_646 : memref<64x128xf32, #tpu.memory_space<vmem>>)
      %run_scoped3A_653 = arith.constant 4 : i32
      "tpu.region"() ({
        %run_scoped3A_762 = tpu.sem_alloc : memref<!tpu.dma_semaphore, #tpu.memory_space<semaphore_mem>>
        %dma_start3A_763 = arith.constant 0 : i32
        %dma_start3A_764 = tpu.memref_slice %arg11[%run_scoped3A_653, %dma_start3A_763] : memref<8x128xi32, #tpu.memory_space<vmem>> -> memref<1x128xi32, #tpu.memory_space<vmem>>
        %dma_start3A_765 = tpu.memref_squeeze %dma_start3A_764 : memref<1x128xi32, #tpu.memory_space<vmem>> -> memref<128xi32, #tpu.memory_space<vmem>>
        %dma_start3A_766 = arith.constant 0 : i32
        %dma_start3A_767 = arith.constant 0 : i32
        %dma_start3A_768 = tpu.memref_slice %arg7[%dma_start3A_766, %dma_start3A_767] : memref<10512x128xf32, #tpu.memory_space<vmem_shared>> -> memref<10512x128xf32, #tpu.memory_space<vmem_shared>>
        tpu.enqueue_indirect_dma source(%arg12 : memref<128x128xf32, #tpu.memory_space<vmem>>) target(%dma_start3A_768 : memref<10512x128xf32, #tpu.memory_space<vmem_shared>>) offsets(%dma_start3A_765 : memref<128xi32, #tpu.memory_space<vmem>>) semaphore(%run_scoped3A_762 : memref<!tpu.dma_semaphore, #tpu.memory_space<semaphore_mem>>) {add = true}
        %dma_wait3A_769 = arith.constant 0 : i32
        %dma_wait3A_770 = tpu.memref_slice %arg11[%run_scoped3A_653, %dma_wait3A_769] : memref<8x128xi32, #tpu.memory_space<vmem>> -> memref<1x128xi32, #tpu.memory_space<vmem>>
        %dma_wait3A_771 = tpu.memref_squeeze %dma_wait3A_770 : memref<1x128xi32, #tpu.memory_space<vmem>> -> memref<128xi32, #tpu.memory_space<vmem>>
        %dma_wait3A_772 = arith.constant 0 : i32
        %dma_wait3A_773 = arith.constant 0 : i32
        %dma_wait3A_774 = tpu.memref_slice %arg7[%dma_wait3A_772, %dma_wait3A_773] : memref<10512x128xf32, #tpu.memory_space<vmem_shared>> -> memref<10512x128xf32, #tpu.memory_space<vmem_shared>>
        tpu.wait_indirect_dma semaphore(%run_scoped3A_762 : memref<!tpu.dma_semaphore, #tpu.memory_space<semaphore_mem>>) src(%arg12 : memref<128x128xf32, #tpu.memory_space<vmem>>) dst(%dma_wait3A_774 : memref<10512x128xf32, #tpu.memory_space<vmem_shared>>)
        tpu.yield
      }) : () -> ()
      %dma_start3A_654 = arith.constant 6 : i32
      %dma_start3A_655 = arith.constant 0 : i32
      %dma_start3A_656 = arith.constant 0 : i32
      %dma_start3A_657 = tpu.memref_slice %arg12[%dma_start3A_655, %dma_start3A_656] : memref<128x128xf32, #tpu.memory_space<vmem>> -> memref<64x128xf32, #tpu.memory_space<vmem>>
      %dma_start3A_658 = arith.constant 0 : i32
      %dma_start3A_659 = tpu.memref_slice %arg10[%dma_start3A_654, %dma_start3A_658] : memref<8x128xi32, #tpu.memory_space<vmem>> -> memref<1x64xi32, #tpu.memory_space<vmem>>
      %dma_start3A_660 = tpu.memref_squeeze %dma_start3A_659 : memref<1x64xi32, #tpu.memory_space<vmem>> -> memref<64xi32, #tpu.memory_space<vmem>>
      %dma_start3A_661 = arith.constant 0 : i32
      %dma_start3A_662 = arith.constant 0 : i32
      %dma_start3A_663 = tpu.memref_slice %arg2[%dma_start3A_661, %dma_start3A_662] : memref<10000x128xf32, #tpu.memory_space<hbm>> -> memref<10000x128xf32, #tpu.memory_space<hbm>>
      tpu.enqueue_indirect_dma source(%dma_start3A_663 : memref<10000x128xf32, #tpu.memory_space<hbm>>) target(%dma_start3A_657 : memref<64x128xf32, #tpu.memory_space<vmem>>) offsets(%dma_start3A_660 : memref<64xi32, #tpu.memory_space<vmem>>) semaphore(%arg16 : memref<!tpu.dma_semaphore, #tpu.memory_space<semaphore_mem>>)
      %dma_start3A_664 = arith.constant 6 : i32
      %dma_start3A_665 = arith.constant 64 : i32
      %dma_start3A_666 = arith.constant 0 : i32
      %dma_start3A_667 = tpu.memref_slice %arg12[%dma_start3A_665, %dma_start3A_666] : memref<128x128xf32, #tpu.memory_space<vmem>> -> memref<64x128xf32, #tpu.memory_space<vmem>>
      %dma_start3A_668 = arith.constant 64 : i32
      %dma_start3A_669 = tpu.memref_slice %arg10[%dma_start3A_664, %dma_start3A_668] : memref<8x128xi32, #tpu.memory_space<vmem>> -> memref<1x64xi32, #tpu.memory_space<vmem>>
      %dma_start3A_670 = tpu.memref_squeeze %dma_start3A_669 : memref<1x64xi32, #tpu.memory_space<vmem>> -> memref<64xi32, #tpu.memory_space<vmem>>
      %dma_start3A_671 = arith.constant 0 : i32
      %dma_start3A_672 = arith.constant 0 : i32
      %dma_start3A_673 = tpu.memref_slice %arg2[%dma_start3A_671, %dma_start3A_672] : memref<10000x128xf32, #tpu.memory_space<hbm>> -> memref<10000x128xf32, #tpu.memory_space<hbm>>
      tpu.enqueue_indirect_dma source(%dma_start3A_673 : memref<10000x128xf32, #tpu.memory_space<hbm>>) target(%dma_start3A_667 : memref<64x128xf32, #tpu.memory_space<vmem>>) offsets(%dma_start3A_670 : memref<64xi32, #tpu.memory_space<vmem>>) semaphore(%arg16 : memref<!tpu.dma_semaphore, #tpu.memory_space<semaphore_mem>>)
      %dma_wait3A_674 = arith.constant 5 : i32
      %dma_wait3A_675 = arith.constant 0 : i32
      %dma_wait3A_676 = arith.constant 0 : i32
      %dma_wait3A_677 = tpu.memref_slice %arg13[%dma_wait3A_675, %dma_wait3A_676] : memref<128x128xf32, #tpu.memory_space<vmem>> -> memref<64x128xf32, #tpu.memory_space<vmem>>
      %dma_wait3A_678 = arith.constant 0 : i32
      %dma_wait3A_679 = tpu.memref_slice %arg10[%dma_wait3A_674, %dma_wait3A_678] : memref<8x128xi32, #tpu.memory_space<vmem>> -> memref<1x64xi32, #tpu.memory_space<vmem>>
      %dma_wait3A_680 = tpu.memref_squeeze %dma_wait3A_679 : memref<1x64xi32, #tpu.memory_space<vmem>> -> memref<64xi32, #tpu.memory_space<vmem>>
      %dma_wait3A_681 = arith.constant 0 : i32
      %dma_wait3A_682 = arith.constant 0 : i32
      %dma_wait3A_683 = tpu.memref_slice %arg2[%dma_wait3A_681, %dma_wait3A_682] : memref<10000x128xf32, #tpu.memory_space<hbm>> -> memref<10000x128xf32, #tpu.memory_space<hbm>>
      tpu.wait_indirect_dma semaphore(%arg17 : memref<!tpu.dma_semaphore, #tpu.memory_space<semaphore_mem>>) src(%dma_wait3A_683 : memref<10000x128xf32, #tpu.memory_space<hbm>>) dst(%dma_wait3A_677 : memref<64x128xf32, #tpu.memory_space<vmem>>)
      %dma_wait3A_684 = arith.constant 5 : i32
      %dma_wait3A_685 = arith.constant 64 : i32
      %dma_wait3A_686 = arith.constant 0 : i32
      %dma_wait3A_687 = tpu.memref_slice %arg13[%dma_wait3A_685, %dma_wait3A_686] : memref<128x128xf32, #tpu.memory_space<vmem>> -> memref<64x128xf32, #tpu.memory_space<vmem>>
      %dma_wait3A_688 = arith.constant 64 : i32
      %dma_wait3A_689 = tpu.memref_slice %arg10[%dma_wait3A_684, %dma_wait3A_688] : memref<8x128xi32, #tpu.memory_space<vmem>> -> memref<1x64xi32, #tpu.memory_space<vmem>>
      %dma_wait3A_690 = tpu.memref_squeeze %dma_wait3A_689 : memref<1x64xi32, #tpu.memory_space<vmem>> -> memref<64xi32, #tpu.memory_space<vmem>>
      %dma_wait3A_691 = arith.constant 0 : i32
      %dma_wait3A_692 = arith.constant 0 : i32
      %dma_wait3A_693 = tpu.memref_slice %arg2[%dma_wait3A_691, %dma_wait3A_692] : memref<10000x128xf32, #tpu.memory_space<hbm>> -> memref<10000x128xf32, #tpu.memory_space<hbm>>
      tpu.wait_indirect_dma semaphore(%arg17 : memref<!tpu.dma_semaphore, #tpu.memory_space<semaphore_mem>>) src(%dma_wait3A_693 : memref<10000x128xf32, #tpu.memory_space<hbm>>) dst(%dma_wait3A_687 : memref<64x128xf32, #tpu.memory_space<vmem>>)
      %run_scoped3A_694 = arith.constant 5 : i32
      "tpu.region"() ({
        %run_scoped3A_762 = tpu.sem_alloc : memref<!tpu.dma_semaphore, #tpu.memory_space<semaphore_mem>>
        %dma_start3A_763 = arith.constant 0 : i32
        %dma_start3A_764 = tpu.memref_slice %arg11[%run_scoped3A_694, %dma_start3A_763] : memref<8x128xi32, #tpu.memory_space<vmem>> -> memref<1x128xi32, #tpu.memory_space<vmem>>
        %dma_start3A_765 = tpu.memref_squeeze %dma_start3A_764 : memref<1x128xi32, #tpu.memory_space<vmem>> -> memref<128xi32, #tpu.memory_space<vmem>>
        %dma_start3A_766 = arith.constant 0 : i32
        %dma_start3A_767 = arith.constant 0 : i32
        %dma_start3A_768 = tpu.memref_slice %arg7[%dma_start3A_766, %dma_start3A_767] : memref<10512x128xf32, #tpu.memory_space<vmem_shared>> -> memref<10512x128xf32, #tpu.memory_space<vmem_shared>>
        tpu.enqueue_indirect_dma source(%arg13 : memref<128x128xf32, #tpu.memory_space<vmem>>) target(%dma_start3A_768 : memref<10512x128xf32, #tpu.memory_space<vmem_shared>>) offsets(%dma_start3A_765 : memref<128xi32, #tpu.memory_space<vmem>>) semaphore(%run_scoped3A_762 : memref<!tpu.dma_semaphore, #tpu.memory_space<semaphore_mem>>) {add = true}
        %dma_wait3A_769 = arith.constant 0 : i32
        %dma_wait3A_770 = tpu.memref_slice %arg11[%run_scoped3A_694, %dma_wait3A_769] : memref<8x128xi32, #tpu.memory_space<vmem>> -> memref<1x128xi32, #tpu.memory_space<vmem>>
        %dma_wait3A_771 = tpu.memref_squeeze %dma_wait3A_770 : memref<1x128xi32, #tpu.memory_space<vmem>> -> memref<128xi32, #tpu.memory_space<vmem>>
        %dma_wait3A_772 = arith.constant 0 : i32
        %dma_wait3A_773 = arith.constant 0 : i32
        %dma_wait3A_774 = tpu.memref_slice %arg7[%dma_wait3A_772, %dma_wait3A_773] : memref<10512x128xf32, #tpu.memory_space<vmem_shared>> -> memref<10512x128xf32, #tpu.memory_space<vmem_shared>>
        tpu.wait_indirect_dma semaphore(%run_scoped3A_762 : memref<!tpu.dma_semaphore, #tpu.memory_space<semaphore_mem>>) src(%arg13 : memref<128x128xf32, #tpu.memory_space<vmem>>) dst(%dma_wait3A_774 : memref<10512x128xf32, #tpu.memory_space<vmem_shared>>)
        tpu.yield
      }) : () -> ()
      %dma_start3A_695 = arith.constant 7 : i32
      %dma_start3A_696 = arith.constant 0 : i32
      %dma_start3A_697 = arith.constant 0 : i32
      %dma_start3A_698 = tpu.memref_slice %arg13[%dma_start3A_696, %dma_start3A_697] : memref<128x128xf32, #tpu.memory_space<vmem>> -> memref<64x128xf32, #tpu.memory_space<vmem>>
      %dma_start3A_699 = arith.constant 0 : i32
      %dma_start3A_700 = tpu.memref_slice %arg10[%dma_start3A_695, %dma_start3A_699] : memref<8x128xi32, #tpu.memory_space<vmem>> -> memref<1x64xi32, #tpu.memory_space<vmem>>
      %dma_start3A_701 = tpu.memref_squeeze %dma_start3A_700 : memref<1x64xi32, #tpu.memory_space<vmem>> -> memref<64xi32, #tpu.memory_space<vmem>>
      %dma_start3A_702 = arith.constant 0 : i32
      %dma_start3A_703 = arith.constant 0 : i32
      %dma_start3A_704 = tpu.memref_slice %arg2[%dma_start3A_702, %dma_start3A_703] : memref<10000x128xf32, #tpu.memory_space<hbm>> -> memref<10000x128xf32, #tpu.memory_space<hbm>>
      tpu.enqueue_indirect_dma source(%dma_start3A_704 : memref<10000x128xf32, #tpu.memory_space<hbm>>) target(%dma_start3A_698 : memref<64x128xf32, #tpu.memory_space<vmem>>) offsets(%dma_start3A_701 : memref<64xi32, #tpu.memory_space<vmem>>) semaphore(%arg17 : memref<!tpu.dma_semaphore, #tpu.memory_space<semaphore_mem>>)
      %dma_start3A_705 = arith.constant 7 : i32
      %dma_start3A_706 = arith.constant 64 : i32
      %dma_start3A_707 = arith.constant 0 : i32
      %dma_start3A_708 = tpu.memref_slice %arg13[%dma_start3A_706, %dma_start3A_707] : memref<128x128xf32, #tpu.memory_space<vmem>> -> memref<64x128xf32, #tpu.memory_space<vmem>>
      %dma_start3A_709 = arith.constant 64 : i32
      %dma_start3A_710 = tpu.memref_slice %arg10[%dma_start3A_705, %dma_start3A_709] : memref<8x128xi32, #tpu.memory_space<vmem>> -> memref<1x64xi32, #tpu.memory_space<vmem>>
      %dma_start3A_711 = tpu.memref_squeeze %dma_start3A_710 : memref<1x64xi32, #tpu.memory_space<vmem>> -> memref<64xi32, #tpu.memory_space<vmem>>
      %dma_start3A_712 = arith.constant 0 : i32
      %dma_start3A_713 = arith.constant 0 : i32
      %dma_start3A_714 = tpu.memref_slice %arg2[%dma_start3A_712, %dma_start3A_713] : memref<10000x128xf32, #tpu.memory_space<hbm>> -> memref<10000x128xf32, #tpu.memory_space<hbm>>
      tpu.enqueue_indirect_dma source(%dma_start3A_714 : memref<10000x128xf32, #tpu.memory_space<hbm>>) target(%dma_start3A_708 : memref<64x128xf32, #tpu.memory_space<vmem>>) offsets(%dma_start3A_711 : memref<64xi32, #tpu.memory_space<vmem>>) semaphore(%arg17 : memref<!tpu.dma_semaphore, #tpu.memory_space<semaphore_mem>>)
      %dma_wait3A_715 = arith.constant 6 : i32
      %dma_wait3A_716 = arith.constant 0 : i32
      %dma_wait3A_717 = arith.constant 0 : i32
      %dma_wait3A_718 = tpu.memref_slice %arg12[%dma_wait3A_716, %dma_wait3A_717] : memref<128x128xf32, #tpu.memory_space<vmem>> -> memref<64x128xf32, #tpu.memory_space<vmem>>
      %dma_wait3A_719 = arith.constant 0 : i32
      %dma_wait3A_720 = tpu.memref_slice %arg10[%dma_wait3A_715, %dma_wait3A_719] : memref<8x128xi32, #tpu.memory_space<vmem>> -> memref<1x64xi32, #tpu.memory_space<vmem>>
      %dma_wait3A_721 = tpu.memref_squeeze %dma_wait3A_720 : memref<1x64xi32, #tpu.memory_space<vmem>> -> memref<64xi32, #tpu.memory_space<vmem>>
      %dma_wait3A_722 = arith.constant 0 : i32
      %dma_wait3A_723 = arith.constant 0 : i32
      %dma_wait3A_724 = tpu.memref_slice %arg2[%dma_wait3A_722, %dma_wait3A_723] : memref<10000x128xf32, #tpu.memory_space<hbm>> -> memref<10000x128xf32, #tpu.memory_space<hbm>>
      tpu.wait_indirect_dma semaphore(%arg16 : memref<!tpu.dma_semaphore, #tpu.memory_space<semaphore_mem>>) src(%dma_wait3A_724 : memref<10000x128xf32, #tpu.memory_space<hbm>>) dst(%dma_wait3A_718 : memref<64x128xf32, #tpu.memory_space<vmem>>)
      %dma_wait3A_725 = arith.constant 6 : i32
      %dma_wait3A_726 = arith.constant 64 : i32
      %dma_wait3A_727 = arith.constant 0 : i32
      %dma_wait3A_728 = tpu.memref_slice %arg12[%dma_wait3A_726, %dma_wait3A_727] : memref<128x128xf32, #tpu.memory_space<vmem>> -> memref<64x128xf32, #tpu.memory_space<vmem>>
      %dma_wait3A_729 = arith.constant 64 : i32
      %dma_wait3A_730 = tpu.memref_slice %arg10[%dma_wait3A_725, %dma_wait3A_729] : memref<8x128xi32, #tpu.memory_space<vmem>> -> memref<1x64xi32, #tpu.memory_space<vmem>>
      %dma_wait3A_731 = tpu.memref_squeeze %dma_wait3A_730 : memref<1x64xi32, #tpu.memory_space<vmem>> -> memref<64xi32, #tpu.memory_space<vmem>>
      %dma_wait3A_732 = arith.constant 0 : i32
      %dma_wait3A_733 = arith.constant 0 : i32
      %dma_wait3A_734 = tpu.memref_slice %arg2[%dma_wait3A_732, %dma_wait3A_733] : memref<10000x128xf32, #tpu.memory_space<hbm>> -> memref<10000x128xf32, #tpu.memory_space<hbm>>
      tpu.wait_indirect_dma semaphore(%arg16 : memref<!tpu.dma_semaphore, #tpu.memory_space<semaphore_mem>>) src(%dma_wait3A_734 : memref<10000x128xf32, #tpu.memory_space<hbm>>) dst(%dma_wait3A_728 : memref<64x128xf32, #tpu.memory_space<vmem>>)
      %run_scoped3A_735 = arith.constant 6 : i32
      "tpu.region"() ({
        %run_scoped3A_762 = tpu.sem_alloc : memref<!tpu.dma_semaphore, #tpu.memory_space<semaphore_mem>>
        %dma_start3A_763 = arith.constant 0 : i32
        %dma_start3A_764 = tpu.memref_slice %arg11[%run_scoped3A_735, %dma_start3A_763] : memref<8x128xi32, #tpu.memory_space<vmem>> -> memref<1x128xi32, #tpu.memory_space<vmem>>
        %dma_start3A_765 = tpu.memref_squeeze %dma_start3A_764 : memref<1x128xi32, #tpu.memory_space<vmem>> -> memref<128xi32, #tpu.memory_space<vmem>>
        %dma_start3A_766 = arith.constant 0 : i32
        %dma_start3A_767 = arith.constant 0 : i32
        %dma_start3A_768 = tpu.memref_slice %arg7[%dma_start3A_766, %dma_start3A_767] : memref<10512x128xf32, #tpu.memory_space<vmem_shared>> -> memref<10512x128xf32, #tpu.memory_space<vmem_shared>>
        tpu.enqueue_indirect_dma source(%arg12 : memref<128x128xf32, #tpu.memory_space<vmem>>) target(%dma_start3A_768 : memref<10512x128xf32, #tpu.memory_space<vmem_shared>>) offsets(%dma_start3A_765 : memref<128xi32, #tpu.memory_space<vmem>>) semaphore(%run_scoped3A_762 : memref<!tpu.dma_semaphore, #tpu.memory_space<semaphore_mem>>) {add = true}
        %dma_wait3A_769 = arith.constant 0 : i32
        %dma_wait3A_770 = tpu.memref_slice %arg11[%run_scoped3A_735, %dma_wait3A_769] : memref<8x128xi32, #tpu.memory_space<vmem>> -> memref<1x128xi32, #tpu.memory_space<vmem>>
        %dma_wait3A_771 = tpu.memref_squeeze %dma_wait3A_770 : memref<1x128xi32, #tpu.memory_space<vmem>> -> memref<128xi32, #tpu.memory_space<vmem>>
        %dma_wait3A_772 = arith.constant 0 : i32
        %dma_wait3A_773 = arith.constant 0 : i32
        %dma_wait3A_774 = tpu.memref_slice %arg7[%dma_wait3A_772, %dma_wait3A_773] : memref<10512x128xf32, #tpu.memory_space<vmem_shared>> -> memref<10512x128xf32, #tpu.memory_space<vmem_shared>>
        tpu.wait_indirect_dma semaphore(%run_scoped3A_762 : memref<!tpu.dma_semaphore, #tpu.memory_space<semaphore_mem>>) src(%arg12 : memref<128x128xf32, #tpu.memory_space<vmem>>) dst(%dma_wait3A_774 : memref<10512x128xf32, #tpu.memory_space<vmem_shared>>)
        tpu.yield
      }) : () -> ()
      %lt3A_736 = arith.constant 4 : i32
      %lt3A_737 = arith.cmpi slt, %scan3A_75, %lt3A_736 : i32
      %convert_element_type3A_738 = arith.extui %lt3A_737 : i1 to i32
      %cond3A_739 = arith.constant 0 : i32
      %cond3A_740 = arith.cmpi ne, %convert_element_type3A_738, %cond3A_739 : i32
      scf.if %cond3A_740 {
        %add3A_762 = arith.constant 2 : i32
        %add3A_763 = arith.addi %mul3A_77, %add3A_762 : i32
        %dma_wait3A_764 = arith.constant 0 : i32
        %dma_wait3A_765 = arith.constant 0 : i32
        %dma_wait3A_766 = tpu.memref_slice %arg4[%add3A, %add3A_763, %dma_wait3A_764, %dma_wait3A_765] : memref<32x10x8x128xi32, #tpu.memory_space<hbm>> -> memref<1x1x8x128xi32, #tpu.memory_space<hbm>>
        %dma_wait3A_767 = tpu.memref_squeeze %dma_wait3A_766 : memref<1x1x8x128xi32, #tpu.memory_space<hbm>> -> memref<8x128xi32, #tpu.memory_space<hbm>>
        %dma_wait3A_768 = arith.constant 0 : i32
        %dma_wait3A_769 = arith.constant 0 : i32
        %dma_wait3A_770 = tpu.memref_slice %arg4[%add3A, %add3A_763, %dma_wait3A_768, %dma_wait3A_769] : memref<32x10x8x128xi32, #tpu.memory_space<hbm>> -> memref<1x1x8x128xi32, #tpu.memory_space<hbm>>
        %dma_wait3A_771 = tpu.memref_squeeze %dma_wait3A_770 : memref<1x1x8x128xi32, #tpu.memory_space<hbm>> -> memref<8x128xi32, #tpu.memory_space<hbm>>
        tpu.wait_dma2 semaphore(%arg14 : memref<!tpu.dma_semaphore, #tpu.memory_space<semaphore_mem>>) src(%dma_wait3A_771 : memref<8x128xi32, #tpu.memory_space<hbm>>) dst(%arg8 : memref<8x128xi32, #tpu.memory_space<vmem>>)
        %add3A_772 = arith.constant 2 : i32
        %add3A_773 = arith.addi %mul3A_77, %add3A_772 : i32
        %dma_wait3A_774 = arith.constant 0 : i32
        %dma_wait3A_775 = arith.constant 0 : i32
        %dma_wait3A_776 = tpu.memref_slice %arg5[%add3A, %add3A_773, %dma_wait3A_774, %dma_wait3A_775] : memref<32x10x8x128xi32, #tpu.memory_space<hbm>> -> memref<1x1x8x128xi32, #tpu.memory_space<hbm>>
        %dma_wait3A_777 = tpu.memref_squeeze %dma_wait3A_776 : memref<1x1x8x128xi32, #tpu.memory_space<hbm>> -> memref<8x128xi32, #tpu.memory_space<hbm>>
        %dma_wait3A_778 = arith.constant 0 : i32
        %dma_wait3A_779 = arith.constant 0 : i32
        %dma_wait3A_780 = tpu.memref_slice %arg5[%add3A, %add3A_773, %dma_wait3A_778, %dma_wait3A_779] : memref<32x10x8x128xi32, #tpu.memory_space<hbm>> -> memref<1x1x8x128xi32, #tpu.memory_space<hbm>>
        %dma_wait3A_781 = tpu.memref_squeeze %dma_wait3A_780 : memref<1x1x8x128xi32, #tpu.memory_space<hbm>> -> memref<8x128xi32, #tpu.memory_space<hbm>>
        tpu.wait_dma2 semaphore(%arg14 : memref<!tpu.dma_semaphore, #tpu.memory_space<semaphore_mem>>) src(%dma_wait3A_781 : memref<8x128xi32, #tpu.memory_space<hbm>>) dst(%arg9 : memref<8x128xi32, #tpu.memory_space<vmem>>)
        %dma_start3A_782 = arith.constant 0 : i32
        %dma_start3A_783 = arith.constant 0 : i32
        %dma_start3A_784 = arith.constant 0 : i32
        %dma_start3A_785 = tpu.memref_slice %arg12[%dma_start3A_783, %dma_start3A_784] : memref<128x128xf32, #tpu.memory_space<vmem>> -> memref<64x128xf32, #tpu.memory_space<vmem>>
        %dma_start3A_786 = arith.constant 0 : i32
        %dma_start3A_787 = tpu.memref_slice %arg8[%dma_start3A_782, %dma_start3A_786] : memref<8x128xi32, #tpu.memory_space<vmem>> -> memref<1x64xi32, #tpu.memory_space<vmem>>
        %dma_start3A_788 = tpu.memref_squeeze %dma_start3A_787 : memref<1x64xi32, #tpu.memory_space<vmem>> -> memref<64xi32, #tpu.memory_space<vmem>>
        %dma_start3A_789 = arith.constant 0 : i32
        %dma_start3A_790 = arith.constant 0 : i32
        %dma_start3A_791 = tpu.memref_slice %arg2[%dma_start3A_789, %dma_start3A_790] : memref<10000x128xf32, #tpu.memory_space<hbm>> -> memref<10000x128xf32, #tpu.memory_space<hbm>>
        tpu.enqueue_indirect_dma source(%dma_start3A_791 : memref<10000x128xf32, #tpu.memory_space<hbm>>) target(%dma_start3A_785 : memref<64x128xf32, #tpu.memory_space<vmem>>) offsets(%dma_start3A_788 : memref<64xi32, #tpu.memory_space<vmem>>) semaphore(%arg16 : memref<!tpu.dma_semaphore, #tpu.memory_space<semaphore_mem>>)
        %dma_start3A_792 = arith.constant 0 : i32
        %dma_start3A_793 = arith.constant 64 : i32
        %dma_start3A_794 = arith.constant 0 : i32
        %dma_start3A_795 = tpu.memref_slice %arg12[%dma_start3A_793, %dma_start3A_794] : memref<128x128xf32, #tpu.memory_space<vmem>> -> memref<64x128xf32, #tpu.memory_space<vmem>>
        %dma_start3A_796 = arith.constant 64 : i32
        %dma_start3A_797 = tpu.memref_slice %arg8[%dma_start3A_792, %dma_start3A_796] : memref<8x128xi32, #tpu.memory_space<vmem>> -> memref<1x64xi32, #tpu.memory_space<vmem>>
        %dma_start3A_798 = tpu.memref_squeeze %dma_start3A_797 : memref<1x64xi32, #tpu.memory_space<vmem>> -> memref<64xi32, #tpu.memory_space<vmem>>
        %dma_start3A_799 = arith.constant 0 : i32
        %dma_start3A_800 = arith.constant 0 : i32
        %dma_start3A_801 = tpu.memref_slice %arg2[%dma_start3A_799, %dma_start3A_800] : memref<10000x128xf32, #tpu.memory_space<hbm>> -> memref<10000x128xf32, #tpu.memory_space<hbm>>
        tpu.enqueue_indirect_dma source(%dma_start3A_801 : memref<10000x128xf32, #tpu.memory_space<hbm>>) target(%dma_start3A_795 : memref<64x128xf32, #tpu.memory_space<vmem>>) offsets(%dma_start3A_798 : memref<64xi32, #tpu.memory_space<vmem>>) semaphore(%arg16 : memref<!tpu.dma_semaphore, #tpu.memory_space<semaphore_mem>>)
      } else {
      }
      %dma_wait3A_741 = arith.constant 7 : i32
      %dma_wait3A_742 = arith.constant 0 : i32
      %dma_wait3A_743 = arith.constant 0 : i32
      %dma_wait3A_744 = tpu.memref_slice %arg13[%dma_wait3A_742, %dma_wait3A_743] : memref<128x128xf32, #tpu.memory_space<vmem>> -> memref<64x128xf32, #tpu.memory_space<vmem>>
      %dma_wait3A_745 = arith.constant 0 : i32
      %dma_wait3A_746 = tpu.memref_slice %arg10[%dma_wait3A_741, %dma_wait3A_745] : memref<8x128xi32, #tpu.memory_space<vmem>> -> memref<1x64xi32, #tpu.memory_space<vmem>>
      %dma_wait3A_747 = tpu.memref_squeeze %dma_wait3A_746 : memref<1x64xi32, #tpu.memory_space<vmem>> -> memref<64xi32, #tpu.memory_space<vmem>>
      %dma_wait3A_748 = arith.constant 0 : i32
      %dma_wait3A_749 = arith.constant 0 : i32
      %dma_wait3A_750 = tpu.memref_slice %arg2[%dma_wait3A_748, %dma_wait3A_749] : memref<10000x128xf32, #tpu.memory_space<hbm>> -> memref<10000x128xf32, #tpu.memory_space<hbm>>
      tpu.wait_indirect_dma semaphore(%arg17 : memref<!tpu.dma_semaphore, #tpu.memory_space<semaphore_mem>>) src(%dma_wait3A_750 : memref<10000x128xf32, #tpu.memory_space<hbm>>) dst(%dma_wait3A_744 : memref<64x128xf32, #tpu.memory_space<vmem>>)
      %dma_wait3A_751 = arith.constant 7 : i32
      %dma_wait3A_752 = arith.constant 64 : i32
      %dma_wait3A_753 = arith.constant 0 : i32
      %dma_wait3A_754 = tpu.memref_slice %arg13[%dma_wait3A_752, %dma_wait3A_753] : memref<128x128xf32, #tpu.memory_space<vmem>> -> memref<64x128xf32, #tpu.memory_space<vmem>>
      %dma_wait3A_755 = arith.constant 64 : i32
      %dma_wait3A_756 = tpu.memref_slice %arg10[%dma_wait3A_751, %dma_wait3A_755] : memref<8x128xi32, #tpu.memory_space<vmem>> -> memref<1x64xi32, #tpu.memory_space<vmem>>
      %dma_wait3A_757 = tpu.memref_squeeze %dma_wait3A_756 : memref<1x64xi32, #tpu.memory_space<vmem>> -> memref<64xi32, #tpu.memory_space<vmem>>
      %dma_wait3A_758 = arith.constant 0 : i32
      %dma_wait3A_759 = arith.constant 0 : i32
      %dma_wait3A_760 = tpu.memref_slice %arg2[%dma_wait3A_758, %dma_wait3A_759] : memref<10000x128xf32, #tpu.memory_space<hbm>> -> memref<10000x128xf32, #tpu.memory_space<hbm>>
      tpu.wait_indirect_dma semaphore(%arg17 : memref<!tpu.dma_semaphore, #tpu.memory_space<semaphore_mem>>) src(%dma_wait3A_760 : memref<10000x128xf32, #tpu.memory_space<hbm>>) dst(%dma_wait3A_754 : memref<64x128xf32, #tpu.memory_space<vmem>>)
      %run_scoped3A_761 = arith.constant 7 : i32
      "tpu.region"() ({
        %run_scoped3A_762 = tpu.sem_alloc : memref<!tpu.dma_semaphore, #tpu.memory_space<semaphore_mem>>
        %dma_start3A_763 = arith.constant 0 : i32
        %dma_start3A_764 = tpu.memref_slice %arg11[%run_scoped3A_761, %dma_start3A_763] : memref<8x128xi32, #tpu.memory_space<vmem>> -> memref<1x128xi32, #tpu.memory_space<vmem>>
        %dma_start3A_765 = tpu.memref_squeeze %dma_start3A_764 : memref<1x128xi32, #tpu.memory_space<vmem>> -> memref<128xi32, #tpu.memory_space<vmem>>
        %dma_start3A_766 = arith.constant 0 : i32
        %dma_start3A_767 = arith.constant 0 : i32
        %dma_start3A_768 = tpu.memref_slice %arg7[%dma_start3A_766, %dma_start3A_767] : memref<10512x128xf32, #tpu.memory_space<vmem_shared>> -> memref<10512x128xf32, #tpu.memory_space<vmem_shared>>
        tpu.enqueue_indirect_dma source(%arg13 : memref<128x128xf32, #tpu.memory_space<vmem>>) target(%dma_start3A_768 : memref<10512x128xf32, #tpu.memory_space<vmem_shared>>) offsets(%dma_start3A_765 : memref<128xi32, #tpu.memory_space<vmem>>) semaphore(%run_scoped3A_762 : memref<!tpu.dma_semaphore, #tpu.memory_space<semaphore_mem>>) {add = true}
        %dma_wait3A_769 = arith.constant 0 : i32
        %dma_wait3A_770 = tpu.memref_slice %arg11[%run_scoped3A_761, %dma_wait3A_769] : memref<8x128xi32, #tpu.memory_space<vmem>> -> memref<1x128xi32, #tpu.memory_space<vmem>>
        %dma_wait3A_771 = tpu.memref_squeeze %dma_wait3A_770 : memref<1x128xi32, #tpu.memory_space<vmem>> -> memref<128xi32, #tpu.memory_space<vmem>>
        %dma_wait3A_772 = arith.constant 0 : i32
        %dma_wait3A_773 = arith.constant 0 : i32
        %dma_wait3A_774 = tpu.memref_slice %arg7[%dma_wait3A_772, %dma_wait3A_773] : memref<10512x128xf32, #tpu.memory_space<vmem_shared>> -> memref<10512x128xf32, #tpu.memory_space<vmem_shared>>
        tpu.wait_indirect_dma semaphore(%run_scoped3A_762 : memref<!tpu.dma_semaphore, #tpu.memory_space<semaphore_mem>>) src(%arg13 : memref<128x128xf32, #tpu.memory_space<vmem>>) dst(%dma_wait3A_774 : memref<10512x128xf32, #tpu.memory_space<vmem_shared>>)
        tpu.yield
      }) : () -> ()
    }
    %scan3A_68 = arith.constant 5 : i32
    %barrier3A_69 = arith.constant 0 : index
    tpu.barrier barrier_id(%barrier3A_69)
    "tpu.region"() ({
      %run_scoped3A = tpu.sem_alloc : memref<!tpu.dma_semaphore, #tpu.memory_space<semaphore_mem>>
      %dma_start3A_75 = arith.constant 0 : i32
      %dma_start3A_76 = tpu.memref_slice %arg6[%arg0, %multiple_of3A, %dma_start3A_75] : memref<2x10000x128xf32, #tpu.memory_space<hbm>> -> memref<1x624x128xf32, #tpu.memory_space<hbm>>
      %dma_start3A_77 = tpu.memref_squeeze %dma_start3A_76 : memref<1x624x128xf32, #tpu.memory_space<hbm>> -> memref<624x128xf32, #tpu.memory_space<hbm>>
      %dma_start3A_78 = arith.constant 0 : i32
      %dma_start3A_79 = tpu.memref_slice %arg7[%multiple_of3A, %dma_start3A_78] : memref<10512x128xf32, #tpu.memory_space<vmem_shared>> -> memref<624x128xf32, #tpu.memory_space<vmem_shared>>
      tpu.enqueue_dma source(%dma_start3A_79 : memref<624x128xf32, #tpu.memory_space<vmem_shared>>) target(%dma_start3A_77 : memref<624x128xf32, #tpu.memory_space<hbm>>) target_semaphore(%run_scoped3A : memref<!tpu.dma_semaphore, #tpu.memory_space<semaphore_mem>>)
      %dma_wait3A_80 = arith.constant 0 : i32
      %dma_wait3A_81 = tpu.memref_slice %arg6[%arg0, %multiple_of3A, %dma_wait3A_80] : memref<2x10000x128xf32, #tpu.memory_space<hbm>> -> memref<1x624x128xf32, #tpu.memory_space<hbm>>
      %dma_wait3A_82 = tpu.memref_squeeze %dma_wait3A_81 : memref<1x624x128xf32, #tpu.memory_space<hbm>> -> memref<624x128xf32, #tpu.memory_space<hbm>>
      %dma_wait3A_83 = arith.constant 0 : i32
      %dma_wait3A_84 = tpu.memref_slice %arg7[%multiple_of3A, %dma_wait3A_83] : memref<10512x128xf32, #tpu.memory_space<vmem_shared>> -> memref<624x128xf32, #tpu.memory_space<vmem_shared>>
      tpu.wait_dma2 semaphore(%run_scoped3A : memref<!tpu.dma_semaphore, #tpu.memory_space<semaphore_mem>>) src(%dma_wait3A_84 : memref<624x128xf32, #tpu.memory_space<vmem_shared>>) dst(%dma_wait3A_82 : memref<624x128xf32, #tpu.memory_space<hbm>>)
      tpu.yield
    }) : () -> ()
    %eq3A_70 = arith.constant 15 : i32
    %eq3A_71 = arith.cmpi eq, %arg1, %eq3A_70 : i32
    %convert_element_type3A_72 = arith.extui %eq3A_71 : i1 to i32
    %cond3A_73 = arith.constant 0 : i32
    %cond3A_74 = arith.cmpi ne, %convert_element_type3A_72, %cond3A_73 : i32
    scf.if %cond3A_74 {
      "tpu.region"() ({
        %run_scoped3A = tpu.sem_alloc : memref<!tpu.dma_semaphore, #tpu.memory_space<semaphore_mem>>
        %dma_start3A_75 = arith.constant 9984 : i32
        %dma_start3A_76 = arith.constant 0 : i32
        %dma_start3A_77 = tpu.memref_slice %arg6[%arg0, %dma_start3A_75, %dma_start3A_76] : memref<2x10000x128xf32, #tpu.memory_space<hbm>> -> memref<1x16x128xf32, #tpu.memory_space<hbm>>
        %dma_start3A_78 = tpu.memref_squeeze %dma_start3A_77 : memref<1x16x128xf32, #tpu.memory_space<hbm>> -> memref<16x128xf32, #tpu.memory_space<hbm>>
        %dma_start3A_79 = arith.constant 9984 : i32
        %dma_start3A_80 = arith.constant 0 : i32
        %dma_start3A_81 = tpu.memref_slice %arg7[%dma_start3A_79, %dma_start3A_80] : memref<10512x128xf32, #tpu.memory_space<vmem_shared>> -> memref<16x128xf32, #tpu.memory_space<vmem_shared>>
        tpu.enqueue_dma source(%dma_start3A_81 : memref<16x128xf32, #tpu.memory_space<vmem_shared>>) target(%dma_start3A_78 : memref<16x128xf32, #tpu.memory_space<hbm>>) target_semaphore(%run_scoped3A : memref<!tpu.dma_semaphore, #tpu.memory_space<semaphore_mem>>)
        %dma_wait3A_82 = arith.constant 9984 : i32
        %dma_wait3A_83 = arith.constant 0 : i32
        %dma_wait3A_84 = tpu.memref_slice %arg6[%arg0, %dma_wait3A_82, %dma_wait3A_83] : memref<2x10000x128xf32, #tpu.memory_space<hbm>> -> memref<1x16x128xf32, #tpu.memory_space<hbm>>
        %dma_wait3A_85 = tpu.memref_squeeze %dma_wait3A_84 : memref<1x16x128xf32, #tpu.memory_space<hbm>> -> memref<16x128xf32, #tpu.memory_space<hbm>>
        %dma_wait3A_86 = arith.constant 9984 : i32
        %dma_wait3A_87 = arith.constant 0 : i32
        %dma_wait3A_88 = tpu.memref_slice %arg7[%dma_wait3A_86, %dma_wait3A_87] : memref<10512x128xf32, #tpu.memory_space<vmem_shared>> -> memref<16x128xf32, #tpu.memory_space<vmem_shared>>
        tpu.wait_dma2 semaphore(%run_scoped3A : memref<!tpu.dma_semaphore, #tpu.memory_space<semaphore_mem>>) src(%dma_wait3A_88 : memref<16x128xf32, #tpu.memory_space<vmem_shared>>) dst(%dma_wait3A_85 : memref<16x128xf32, #tpu.memory_space<hbm>>)
        tpu.yield
      }) : () -> ()
    } else {
    }
    return
  }
}

#map = affine_map<(d0, d1) -> (0, 0)>
#map1 = affine_map<(d0, d1) -> (0, 0, 0, 0)>
#map2 = affine_map<(d0, d1) -> (0, 0, 0)>
module attributes {stable_mosaic.version = 14 : i64} {
  func.func @_seg_sum(%arg0: i32, %arg1: i32, %arg2: memref<10000x128xf32, #tpu.memory_space<hbm>>, %arg3: memref<624x128xf32, #tpu.memory_space<hbm>>, %arg4: memref<32x10x8x128xi32, #tpu.memory_space<hbm>>, %arg5: memref<32x10x8x128xi32, #tpu.memory_space<hbm>>, %arg6: memref<2x10000x128xf32, #tpu.memory_space<hbm>>, %arg7: memref<10512x128xf32, #tpu.memory_space<vmem_shared>>, %arg8: memref<8x128xi32, #tpu.memory_space<vmem>>, %arg9: memref<8x128xi32, #tpu.memory_space<vmem>>, %arg10: memref<8x128xi32, #tpu.memory_space<vmem>>, %arg11: memref<8x128xi32, #tpu.memory_space<vmem>>, %arg12: memref<128x128xf32, #tpu.memory_space<vmem>>, %arg13: memref<128x128xf32, #tpu.memory_space<vmem>>, %arg14: memref<!tpu.dma_semaphore, #tpu.memory_space<semaphore_mem>>, %arg15: memref<!tpu.dma_semaphore, #tpu.memory_space<semaphore_mem>>, %arg16: memref<!tpu.dma_semaphore, #tpu.memory_space<semaphore_mem>>, %arg17: memref<!tpu.dma_semaphore, #tpu.memory_space<semaphore_mem>>) attributes {dimension_semantics = [#tpu.dimension_semantics<core_parallel>, #tpu.dimension_semantics<subcore_parallel>], iteration_bounds = array<i64: 2, 16>, scalar_prefetch = 0 : i64, scratch_operands = 11 : i64, tpu.core_type = #tpu.core_type<sc_vector_subcore>, window_params = [{transform_indices = #map}, {transform_indices = #map}, {transform_indices = #map1}, {transform_indices = #map1}, {transform_indices = #map2}]} {
    %mul3A = arith.constant 2 : i32
    %mul3A_0 = arith.muli %arg1, %mul3A : i32
    %add3A = arith.addi %mul3A_0, %arg0 : i32
    %mul3A_1 = arith.constant 624 : i32
    %mul3A_2 = arith.muli %arg1, %mul3A_1 : i32
    %multiple_of3A = tpu.assume_multiple %mul3A_2, 8 : i32
    %eq3A = arith.constant 0 : i32
    %eq3A_3 = arith.cmpi eq, %arg0, %eq3A : i32
    %convert_element_type3A = arith.extui %eq3A_3 : i1 to i32
    %cond3A = arith.constant 0 : i32
    %cond3A_4 = arith.cmpi ne, %convert_element_type3A, %cond3A : i32
    scf.if %cond3A_4 {
      "tpu.region"() ({
        %run_scoped3A = tpu.sem_alloc : memref<!tpu.dma_semaphore, #tpu.memory_space<semaphore_mem>>
        %dma_start3A_80 = arith.constant 0 : i32
        %dma_start3A_81 = tpu.memref_slice %arg7[%multiple_of3A, %dma_start3A_80] : memref<10512x128xf32, #tpu.memory_space<vmem_shared>> -> memref<624x128xf32, #tpu.memory_space<vmem_shared>>
        %dma_start3A_82 = arith.constant 0 : i32
        %dma_start3A_83 = tpu.memref_slice %arg2[%multiple_of3A, %dma_start3A_82] : memref<10000x128xf32, #tpu.memory_space<hbm>> -> memref<624x128xf32, #tpu.memory_space<hbm>>
        tpu.enqueue_dma source(%dma_start3A_83 : memref<624x128xf32, #tpu.memory_space<hbm>>) target(%dma_start3A_81 : memref<624x128xf32, #tpu.memory_space<vmem_shared>>) target_semaphore(%run_scoped3A : memref<!tpu.dma_semaphore, #tpu.memory_space<semaphore_mem>>)
        %dma_wait3A_84 = arith.constant 0 : i32
        %dma_wait3A_85 = tpu.memref_slice %arg7[%multiple_of3A, %dma_wait3A_84] : memref<10512x128xf32, #tpu.memory_space<vmem_shared>> -> memref<624x128xf32, #tpu.memory_space<vmem_shared>>
        %dma_wait3A_86 = arith.constant 0 : i32
        %dma_wait3A_87 = tpu.memref_slice %arg2[%multiple_of3A, %dma_wait3A_86] : memref<10000x128xf32, #tpu.memory_space<hbm>> -> memref<624x128xf32, #tpu.memory_space<hbm>>
        tpu.wait_dma2 semaphore(%run_scoped3A : memref<!tpu.dma_semaphore, #tpu.memory_space<semaphore_mem>>) src(%dma_wait3A_87 : memref<624x128xf32, #tpu.memory_space<hbm>>) dst(%dma_wait3A_85 : memref<624x128xf32, #tpu.memory_space<vmem_shared>>)
        tpu.yield
      }) : () -> ()
      %eq3A_75 = arith.constant 15 : i32
      %eq3A_76 = arith.cmpi eq, %arg1, %eq3A_75 : i32
      %convert_element_type3A_77 = arith.extui %eq3A_76 : i1 to i32
      %cond3A_78 = arith.constant 0 : i32
      %cond3A_79 = arith.cmpi ne, %convert_element_type3A_77, %cond3A_78 : i32
      scf.if %cond3A_79 {
        "tpu.region"() ({
          %run_scoped3A = tpu.sem_alloc : memref<!tpu.dma_semaphore, #tpu.memory_space<semaphore_mem>>
          %dma_start3A_80 = arith.constant 9984 : i32
          %dma_start3A_81 = arith.constant 0 : i32
          %dma_start3A_82 = tpu.memref_slice %arg7[%dma_start3A_80, %dma_start3A_81] : memref<10512x128xf32, #tpu.memory_space<vmem_shared>> -> memref<16x128xf32, #tpu.memory_space<vmem_shared>>
          %dma_start3A_83 = arith.constant 9984 : i32
          %dma_start3A_84 = arith.constant 0 : i32
          %dma_start3A_85 = tpu.memref_slice %arg2[%dma_start3A_83, %dma_start3A_84] : memref<10000x128xf32, #tpu.memory_space<hbm>> -> memref<16x128xf32, #tpu.memory_space<hbm>>
          tpu.enqueue_dma source(%dma_start3A_85 : memref<16x128xf32, #tpu.memory_space<hbm>>) target(%dma_start3A_82 : memref<16x128xf32, #tpu.memory_space<vmem_shared>>) target_semaphore(%run_scoped3A : memref<!tpu.dma_semaphore, #tpu.memory_space<semaphore_mem>>)
          %dma_wait3A_86 = arith.constant 9984 : i32
          %dma_wait3A_87 = arith.constant 0 : i32
          %dma_wait3A_88 = tpu.memref_slice %arg7[%dma_wait3A_86, %dma_wait3A_87] : memref<10512x128xf32, #tpu.memory_space<vmem_shared>> -> memref<16x128xf32, #tpu.memory_space<vmem_shared>>
          %dma_wait3A_89 = arith.constant 9984 : i32
          %dma_wait3A_90 = arith.constant 0 : i32
          %dma_wait3A_91 = tpu.memref_slice %arg2[%dma_wait3A_89, %dma_wait3A_90] : memref<10000x128xf32, #tpu.memory_space<hbm>> -> memref<16x128xf32, #tpu.memory_space<hbm>>
          tpu.wait_dma2 semaphore(%run_scoped3A : memref<!tpu.dma_semaphore, #tpu.memory_space<semaphore_mem>>) src(%dma_wait3A_91 : memref<16x128xf32, #tpu.memory_space<hbm>>) dst(%dma_wait3A_88 : memref<16x128xf32, #tpu.memory_space<vmem_shared>>)
          tpu.yield
        }) : () -> ()
      } else {
      }
    } else {
    }
    %eq3A_5 = arith.constant 1 : i32
    %eq3A_6 = arith.cmpi eq, %arg0, %eq3A_5 : i32
    %convert_element_type3A_7 = arith.extui %eq3A_6 : i1 to i32
    %cond3A_8 = arith.constant 0 : i32
    %cond3A_9 = arith.cmpi ne, %convert_element_type3A_7, %cond3A_8 : i32
    scf.if %cond3A_9 {
      "tpu.region"() ({
        %run_scoped3A = tpu.sem_alloc : memref<!tpu.dma_semaphore, #tpu.memory_space<semaphore_mem>>
        %dma_start3A_80 = arith.constant 0 : i32
        %dma_start3A_81 = tpu.memref_slice %arg7[%multiple_of3A, %dma_start3A_80] : memref<10512x128xf32, #tpu.memory_space<vmem_shared>> -> memref<624x128xf32, #tpu.memory_space<vmem_shared>>
        tpu.enqueue_dma source(%arg3 : memref<624x128xf32, #tpu.memory_space<hbm>>) target(%dma_start3A_81 : memref<624x128xf32, #tpu.memory_space<vmem_shared>>) target_semaphore(%run_scoped3A : memref<!tpu.dma_semaphore, #tpu.memory_space<semaphore_mem>>)
        %dma_wait3A_82 = arith.constant 0 : i32
        %dma_wait3A_83 = tpu.memref_slice %arg7[%multiple_of3A, %dma_wait3A_82] : memref<10512x128xf32, #tpu.memory_space<vmem_shared>> -> memref<624x128xf32, #tpu.memory_space<vmem_shared>>
        tpu.wait_dma2 semaphore(%run_scoped3A : memref<!tpu.dma_semaphore, #tpu.memory_space<semaphore_mem>>) src(%arg3 : memref<624x128xf32, #tpu.memory_space<hbm>>) dst(%dma_wait3A_83 : memref<624x128xf32, #tpu.memory_space<vmem_shared>>)
        tpu.yield
      }) : () -> ()
      %eq3A_75 = arith.constant 15 : i32
      %eq3A_76 = arith.cmpi eq, %arg1, %eq3A_75 : i32
      %convert_element_type3A_77 = arith.extui %eq3A_76 : i1 to i32
      %cond3A_78 = arith.constant 0 : i32
      %cond3A_79 = arith.cmpi ne, %convert_element_type3A_77, %cond3A_78 : i32
      scf.if %cond3A_79 {
        "tpu.region"() ({
          %run_scoped3A = tpu.sem_alloc : memref<!tpu.dma_semaphore, #tpu.memory_space<semaphore_mem>>
          %dma_start3A_80 = arith.constant 9984 : i32
          %dma_start3A_81 = arith.constant 0 : i32
          %dma_start3A_82 = tpu.memref_slice %arg7[%dma_start3A_80, %dma_start3A_81] : memref<10512x128xf32, #tpu.memory_space<vmem_shared>> -> memref<16x128xf32, #tpu.memory_space<vmem_shared>>
          %dma_start3A_83 = arith.constant 0 : i32
          %dma_start3A_84 = arith.constant 0 : i32
          %dma_start3A_85 = tpu.memref_slice %arg3[%dma_start3A_83, %dma_start3A_84] : memref<624x128xf32, #tpu.memory_space<hbm>> -> memref<16x128xf32, #tpu.memory_space<hbm>>
          tpu.enqueue_dma source(%dma_start3A_85 : memref<16x128xf32, #tpu.memory_space<hbm>>) target(%dma_start3A_82 : memref<16x128xf32, #tpu.memory_space<vmem_shared>>) target_semaphore(%run_scoped3A : memref<!tpu.dma_semaphore, #tpu.memory_space<semaphore_mem>>)
          %dma_wait3A_86 = arith.constant 9984 : i32
          %dma_wait3A_87 = arith.constant 0 : i32
          %dma_wait3A_88 = tpu.memref_slice %arg7[%dma_wait3A_86, %dma_wait3A_87] : memref<10512x128xf32, #tpu.memory_space<vmem_shared>> -> memref<16x128xf32, #tpu.memory_space<vmem_shared>>
          %dma_wait3A_89 = arith.constant 0 : i32
          %dma_wait3A_90 = arith.constant 0 : i32
          %dma_wait3A_91 = tpu.memref_slice %arg3[%dma_wait3A_89, %dma_wait3A_90] : memref<624x128xf32, #tpu.memory_space<hbm>> -> memref<16x128xf32, #tpu.memory_space<hbm>>
          tpu.wait_dma2 semaphore(%run_scoped3A : memref<!tpu.dma_semaphore, #tpu.memory_space<semaphore_mem>>) src(%dma_wait3A_91 : memref<16x128xf32, #tpu.memory_space<hbm>>) dst(%dma_wait3A_88 : memref<16x128xf32, #tpu.memory_space<vmem_shared>>)
          tpu.yield
        }) : () -> ()
      } else {
      }
    } else {
    }
    %barrier3A = arith.constant 0 : index
    tpu.barrier barrier_id(%barrier3A)
    %dma_start3A = arith.constant 0 : i32
    %dma_start3A_10 = arith.constant 0 : i32
    %dma_start3A_11 = arith.constant 0 : i32
    %dma_start3A_12 = tpu.memref_slice %arg4[%add3A, %dma_start3A, %dma_start3A_10, %dma_start3A_11] : memref<32x10x8x128xi32, #tpu.memory_space<hbm>> -> memref<1x1x8x128xi32, #tpu.memory_space<hbm>>
    %dma_start3A_13 = tpu.memref_squeeze %dma_start3A_12 : memref<1x1x8x128xi32, #tpu.memory_space<hbm>> -> memref<8x128xi32, #tpu.memory_space<hbm>>
    %dma_start3A_14 = arith.constant 0 : i32
    %dma_start3A_15 = arith.constant 0 : i32
    %dma_start3A_16 = tpu.memref_slice %arg4[%add3A, %dma_start3A, %dma_start3A_14, %dma_start3A_15] : memref<32x10x8x128xi32, #tpu.memory_space<hbm>> -> memref<1x1x8x128xi32, #tpu.memory_space<hbm>>
    %dma_start3A_17 = tpu.memref_squeeze %dma_start3A_16 : memref<1x1x8x128xi32, #tpu.memory_space<hbm>> -> memref<8x128xi32, #tpu.memory_space<hbm>>
    tpu.enqueue_dma source(%dma_start3A_17 : memref<8x128xi32, #tpu.memory_space<hbm>>) target(%arg8 : memref<8x128xi32, #tpu.memory_space<vmem>>) target_semaphore(%arg14 : memref<!tpu.dma_semaphore, #tpu.memory_space<semaphore_mem>>)
    %dma_start3A_18 = arith.constant 0 : i32
    %dma_start3A_19 = arith.constant 0 : i32
    %dma_start3A_20 = arith.constant 0 : i32
    %dma_start3A_21 = tpu.memref_slice %arg5[%add3A, %dma_start3A_18, %dma_start3A_19, %dma_start3A_20] : memref<32x10x8x128xi32, #tpu.memory_space<hbm>> -> memref<1x1x8x128xi32, #tpu.memory_space<hbm>>
    %dma_start3A_22 = tpu.memref_squeeze %dma_start3A_21 : memref<1x1x8x128xi32, #tpu.memory_space<hbm>> -> memref<8x128xi32, #tpu.memory_space<hbm>>
    %dma_start3A_23 = arith.constant 0 : i32
    %dma_start3A_24 = arith.constant 0 : i32
    %dma_start3A_25 = tpu.memref_slice %arg5[%add3A, %dma_start3A_18, %dma_start3A_23, %dma_start3A_24] : memref<32x10x8x128xi32, #tpu.memory_space<hbm>> -> memref<1x1x8x128xi32, #tpu.memory_space<hbm>>
    %dma_start3A_26 = tpu.memref_squeeze %dma_start3A_25 : memref<1x1x8x128xi32, #tpu.memory_space<hbm>> -> memref<8x128xi32, #tpu.memory_space<hbm>>
    tpu.enqueue_dma source(%dma_start3A_26 : memref<8x128xi32, #tpu.memory_space<hbm>>) target(%arg9 : memref<8x128xi32, #tpu.memory_space<vmem>>) target_semaphore(%arg14 : memref<!tpu.dma_semaphore, #tpu.memory_space<semaphore_mem>>)
    %dma_wait3A = arith.constant 0 : i32
    %dma_wait3A_27 = arith.constant 0 : i32
    %dma_wait3A_28 = arith.constant 0 : i32
    %dma_wait3A_29 = tpu.memref_slice %arg4[%add3A, %dma_wait3A, %dma_wait3A_27, %dma_wait3A_28] : memref<32x10x8x128xi32, #tpu.memory_space<hbm>> -> memref<1x1x8x128xi32, #tpu.memory_space<hbm>>
    %dma_wait3A_30 = tpu.memref_squeeze %dma_wait3A_29 : memref<1x1x8x128xi32, #tpu.memory_space<hbm>> -> memref<8x128xi32, #tpu.memory_space<hbm>>
    %dma_wait3A_31 = arith.constant 0 : i32
    %dma_wait3A_32 = arith.constant 0 : i32
    %dma_wait3A_33 = tpu.memref_slice %arg4[%add3A, %dma_wait3A, %dma_wait3A_31, %dma_wait3A_32] : memref<32x10x8x128xi32, #tpu.memory_space<hbm>> -> memref<1x1x8x128xi32, #tpu.memory_space<hbm>>
    %dma_wait3A_34 = tpu.memref_squeeze %dma_wait3A_33 : memref<1x1x8x128xi32, #tpu.memory_space<hbm>> -> memref<8x128xi32, #tpu.memory_space<hbm>>
    tpu.wait_dma2 semaphore(%arg14 : memref<!tpu.dma_semaphore, #tpu.memory_space<semaphore_mem>>) src(%dma_wait3A_34 : memref<8x128xi32, #tpu.memory_space<hbm>>) dst(%arg8 : memref<8x128xi32, #tpu.memory_space<vmem>>)
    %dma_wait3A_35 = arith.constant 0 : i32
    %dma_wait3A_36 = arith.constant 0 : i32
    %dma_wait3A_37 = arith.constant 0 : i32
    %dma_wait3A_38 = tpu.memref_slice %arg5[%add3A, %dma_wait3A_35, %dma_wait3A_36, %dma_wait3A_37] : memref<32x10x8x128xi32, #tpu.memory_space<hbm>> -> memref<1x1x8x128xi32, #tpu.memory_space<hbm>>
    %dma_wait3A_39 = tpu.memref_squeeze %dma_wait3A_38 : memref<1x1x8x128xi32, #tpu.memory_space<hbm>> -> memref<8x128xi32, #tpu.memory_space<hbm>>
    %dma_wait3A_40 = arith.constant 0 : i32
    %dma_wait3A_41 = arith.constant 0 : i32
    %dma_wait3A_42 = tpu.memref_slice %arg5[%add3A, %dma_wait3A_35, %dma_wait3A_40, %dma_wait3A_41] : memref<32x10x8x128xi32, #tpu.memory_space<hbm>> -> memref<1x1x8x128xi32, #tpu.memory_space<hbm>>
    %dma_wait3A_43 = tpu.memref_squeeze %dma_wait3A_42 : memref<1x1x8x128xi32, #tpu.memory_space<hbm>> -> memref<8x128xi32, #tpu.memory_space<hbm>>
    tpu.wait_dma2 semaphore(%arg14 : memref<!tpu.dma_semaphore, #tpu.memory_space<semaphore_mem>>) src(%dma_wait3A_43 : memref<8x128xi32, #tpu.memory_space<hbm>>) dst(%arg9 : memref<8x128xi32, #tpu.memory_space<vmem>>)
    %dma_start3A_44 = arith.constant 0 : i32
    %dma_start3A_45 = arith.constant 0 : i32
    %dma_start3A_46 = arith.constant 0 : i32
    %dma_start3A_47 = tpu.memref_slice %arg12[%dma_start3A_45, %dma_start3A_46] : memref<128x128xf32, #tpu.memory_space<vmem>> -> memref<64x128xf32, #tpu.memory_space<vmem>>
    %dma_start3A_48 = arith.constant 0 : i32
    %dma_start3A_49 = tpu.memref_slice %arg8[%dma_start3A_44, %dma_start3A_48] : memref<8x128xi32, #tpu.memory_space<vmem>> -> memref<1x64xi32, #tpu.memory_space<vmem>>
    %dma_start3A_50 = tpu.memref_squeeze %dma_start3A_49 : memref<1x64xi32, #tpu.memory_space<vmem>> -> memref<64xi32, #tpu.memory_space<vmem>>
    %dma_start3A_51 = arith.constant 0 : i32
    %dma_start3A_52 = arith.constant 0 : i32
    %dma_start3A_53 = tpu.memref_slice %arg2[%dma_start3A_51, %dma_start3A_52] : memref<10000x128xf32, #tpu.memory_space<hbm>> -> memref<10000x128xf32, #tpu.memory_space<hbm>>
    tpu.enqueue_indirect_dma source(%dma_start3A_53 : memref<10000x128xf32, #tpu.memory_space<hbm>>) target(%dma_start3A_47 : memref<64x128xf32, #tpu.memory_space<vmem>>) offsets(%dma_start3A_50 : memref<64xi32, #tpu.memory_space<vmem>>) semaphore(%arg16 : memref<!tpu.dma_semaphore, #tpu.memory_space<semaphore_mem>>)
    %dma_start3A_54 = arith.constant 0 : i32
    %dma_start3A_55 = arith.constant 64 : i32
    %dma_start3A_56 = arith.constant 0 : i32
    %dma_start3A_57 = tpu.memref_slice %arg12[%dma_start3A_55, %dma_start3A_56] : memref<128x128xf32, #tpu.memory_space<vmem>> -> memref<64x128xf32, #tpu.memory_space<vmem>>
    %dma_start3A_58 = arith.constant 64 : i32
    %dma_start3A_59 = tpu.memref_slice %arg8[%dma_start3A_54, %dma_start3A_58] : memref<8x128xi32, #tpu.memory_space<vmem>> -> memref<1x64xi32, #tpu.memory_space<vmem>>
    %dma_start3A_60 = tpu.memref_squeeze %dma_start3A_59 : memref<1x64xi32, #tpu.memory_space<vmem>> -> memref<64xi32, #tpu.memory_space<vmem>>
    %dma_start3A_61 = arith.constant 0 : i32
    %dma_start3A_62 = arith.constant 0 : i32
    %dma_start3A_63 = tpu.memref_slice %arg2[%dma_start3A_61, %dma_start3A_62] : memref<10000x128xf32, #tpu.memory_space<hbm>> -> memref<10000x128xf32, #tpu.memory_space<hbm>>
    tpu.enqueue_indirect_dma source(%dma_start3A_63 : memref<10000x128xf32, #tpu.memory_space<hbm>>) target(%dma_start3A_57 : memref<64x128xf32, #tpu.memory_space<vmem>>) offsets(%dma_start3A_60 : memref<64xi32, #tpu.memory_space<vmem>>) semaphore(%arg16 : memref<!tpu.dma_semaphore, #tpu.memory_space<semaphore_mem>>)
    %scan3A = arith.constant 0 : i32
    %scan3A_64 = arith.constant 0 : i32
    %scan3A_65 = arith.constant 5 : i32
    %scan3A_66 = arith.addi %scan3A_64, %scan3A_65 : i32
    %scan3A_67 = arith.constant 1 : i32
    scf.for %scan3A_75 = %scan3A_64 to %scan3A_66 step %scan3A_67  : i32 {
      %mul3A_76 = arith.constant 2 : i32
      %mul3A_77 = arith.muli %mul3A_76, %scan3A_75 : i32
      %add3A_78 = arith.constant 1 : i32
      %add3A_79 = arith.addi %mul3A_77, %add3A_78 : i32
      %dma_start3A_80 = arith.constant 0 : i32
      %dma_start3A_81 = arith.constant 0 : i32
      %dma_start3A_82 = tpu.memref_slice %arg4[%add3A, %add3A_79, %dma_start3A_80, %dma_start3A_81] : memref<32x10x8x128xi32, #tpu.memory_space<hbm>> -> memref<1x1x8x128xi32, #tpu.memory_space<hbm>>
      %dma_start3A_83 = tpu.memref_squeeze %dma_start3A_82 : memref<1x1x8x128xi32, #tpu.memory_space<hbm>> -> memref<8x128xi32, #tpu.memory_space<hbm>>
      %dma_start3A_84 = arith.constant 0 : i32
      %dma_start3A_85 = arith.constant 0 : i32
      %dma_start3A_86 = tpu.memref_slice %arg4[%add3A, %add3A_79, %dma_start3A_84, %dma_start3A_85] : memref<32x10x8x128xi32, #tpu.memory_space<hbm>> -> memref<1x1x8x128xi32, #tpu.memory_space<hbm>>
      %dma_start3A_87 = tpu.memref_squeeze %dma_start3A_86 : memref<1x1x8x128xi32, #tpu.memory_space<hbm>> -> memref<8x128xi32, #tpu.memory_space<hbm>>
      tpu.enqueue_dma source(%dma_start3A_87 : memref<8x128xi32, #tpu.memory_space<hbm>>) target(%arg10 : memref<8x128xi32, #tpu.memory_space<vmem>>) target_semaphore(%arg15 : memref<!tpu.dma_semaphore, #tpu.memory_space<semaphore_mem>>)
      %add3A_88 = arith.constant 1 : i32
      %add3A_89 = arith.addi %mul3A_77, %add3A_88 : i32
      %dma_start3A_90 = arith.constant 0 : i32
      %dma_start3A_91 = arith.constant 0 : i32
      %dma_start3A_92 = tpu.memref_slice %arg5[%add3A, %add3A_89, %dma_start3A_90, %dma_start3A_91] : memref<32x10x8x128xi32, #tpu.memory_space<hbm>> -> memref<1x1x8x128xi32, #tpu.memory_space<hbm>>
      %dma_start3A_93 = tpu.memref_squeeze %dma_start3A_92 : memref<1x1x8x128xi32, #tpu.memory_space<hbm>> -> memref<8x128xi32, #tpu.memory_space<hbm>>
      %dma_start3A_94 = arith.constant 0 : i32
      %dma_start3A_95 = arith.constant 0 : i32
      %dma_start3A_96 = tpu.memref_slice %arg5[%add3A, %add3A_89, %dma_start3A_94, %dma_start3A_95] : memref<32x10x8x128xi32, #tpu.memory_space<hbm>> -> memref<1x1x8x128xi32, #tpu.memory_space<hbm>>
      %dma_start3A_97 = tpu.memref_squeeze %dma_start3A_96 : memref<1x1x8x128xi32, #tpu.memory_space<hbm>> -> memref<8x128xi32, #tpu.memory_space<hbm>>
      tpu.enqueue_dma source(%dma_start3A_97 : memref<8x128xi32, #tpu.memory_space<hbm>>) target(%arg11 : memref<8x128xi32, #tpu.memory_space<vmem>>) target_semaphore(%arg15 : memref<!tpu.dma_semaphore, #tpu.memory_space<semaphore_mem>>)
      %dma_start3A_98 = arith.constant 1 : i32
      %dma_start3A_99 = arith.constant 0 : i32
      %dma_start3A_100 = arith.constant 0 : i32
      %dma_start3A_101 = tpu.memref_slice %arg13[%dma_start3A_99, %dma_start3A_100] : memref<128x128xf32, #tpu.memory_space<vmem>> -> memref<64x128xf32, #tpu.memory_space<vmem>>
      %dma_start3A_102 = arith.constant 0 : i32
      %dma_start3A_103 = tpu.memref_slice %arg8[%dma_start3A_98, %dma_start3A_102] : memref<8x128xi32, #tpu.memory_space<vmem>> -> memref<1x64xi32, #tpu.memory_space<vmem>>
      %dma_start3A_104 = tpu.memref_squeeze %dma_start3A_103 : memref<1x64xi32, #tpu.memory_space<vmem>> -> memref<64xi32, #tpu.memory_space<vmem>>
      %dma_start3A_105 = arith.constant 0 : i32
      %dma_start3A_106 = arith.constant 0 : i32
      %dma_start3A_107 = tpu.memref_slice %arg2[%dma_start3A_105, %dma_start3A_106] : memref<10000x128xf32, #tpu.memory_space<hbm>> -> memref<10000x128xf32, #tpu.memory_space<hbm>>
      tpu.enqueue_indirect_dma source(%dma_start3A_107 : memref<10000x128xf32, #tpu.memory_space<hbm>>) target(%dma_start3A_101 : memref<64x128xf32, #tpu.memory_space<vmem>>) offsets(%dma_start3A_104 : memref<64xi32, #tpu.memory_space<vmem>>) semaphore(%arg17 : memref<!tpu.dma_semaphore, #tpu.memory_space<semaphore_mem>>)
      %dma_start3A_108 = arith.constant 1 : i32
      %dma_start3A_109 = arith.constant 64 : i32
      %dma_start3A_110 = arith.constant 0 : i32
      %dma_start3A_111 = tpu.memref_slice %arg13[%dma_start3A_109, %dma_start3A_110] : memref<128x128xf32, #tpu.memory_space<vmem>> -> memref<64x128xf32, #tpu.memory_space<vmem>>
      %dma_start3A_112 = arith.constant 64 : i32
      %dma_start3A_113 = tpu.memref_slice %arg8[%dma_start3A_108, %dma_start3A_112] : memref<8x128xi32, #tpu.memory_space<vmem>> -> memref<1x64xi32, #tpu.memory_space<vmem>>
      %dma_start3A_114 = tpu.memref_squeeze %dma_start3A_113 : memref<1x64xi32, #tpu.memory_space<vmem>> -> memref<64xi32, #tpu.memory_space<vmem>>
      %dma_start3A_115 = arith.constant 0 : i32
      %dma_start3A_116 = arith.constant 0 : i32
      %dma_start3A_117 = tpu.memref_slice %arg2[%dma_start3A_115, %dma_start3A_116] : memref<10000x128xf32, #tpu.memory_space<hbm>> -> memref<10000x128xf32, #tpu.memory_space<hbm>>
      tpu.enqueue_indirect_dma source(%dma_start3A_117 : memref<10000x128xf32, #tpu.memory_space<hbm>>) target(%dma_start3A_111 : memref<64x128xf32, #tpu.memory_space<vmem>>) offsets(%dma_start3A_114 : memref<64xi32, #tpu.memory_space<vmem>>) semaphore(%arg17 : memref<!tpu.dma_semaphore, #tpu.memory_space<semaphore_mem>>)
      %dma_wait3A_118 = arith.constant 0 : i32
      %dma_wait3A_119 = arith.constant 0 : i32
      %dma_wait3A_120 = arith.constant 0 : i32
      %dma_wait3A_121 = tpu.memref_slice %arg12[%dma_wait3A_119, %dma_wait3A_120] : memref<128x128xf32, #tpu.memory_space<vmem>> -> memref<64x128xf32, #tpu.memory_space<vmem>>
      %dma_wait3A_122 = arith.constant 0 : i32
      %dma_wait3A_123 = tpu.memref_slice %arg8[%dma_wait3A_118, %dma_wait3A_122] : memref<8x128xi32, #tpu.memory_space<vmem>> -> memref<1x64xi32, #tpu.memory_space<vmem>>
      %dma_wait3A_124 = tpu.memref_squeeze %dma_wait3A_123 : memref<1x64xi32, #tpu.memory_space<vmem>> -> memref<64xi32, #tpu.memory_space<vmem>>
      %dma_wait3A_125 = arith.constant 0 : i32
      %dma_wait3A_126 = arith.constant 0 : i32
      %dma_wait3A_127 = tpu.memref_slice %arg2[%dma_wait3A_125, %dma_wait3A_126] : memref<10000x128xf32, #tpu.memory_space<hbm>> -> memref<10000x128xf32, #tpu.memory_space<hbm>>
      tpu.wait_indirect_dma semaphore(%arg16 : memref<!tpu.dma_semaphore, #tpu.memory_space<semaphore_mem>>) src(%dma_wait3A_127 : memref<10000x128xf32, #tpu.memory_space<hbm>>) dst(%dma_wait3A_121 : memref<64x128xf32, #tpu.memory_space<vmem>>)
      %dma_wait3A_128 = arith.constant 0 : i32
      %dma_wait3A_129 = arith.constant 64 : i32
      %dma_wait3A_130 = arith.constant 0 : i32
      %dma_wait3A_131 = tpu.memref_slice %arg12[%dma_wait3A_129, %dma_wait3A_130] : memref<128x128xf32, #tpu.memory_space<vmem>> -> memref<64x128xf32, #tpu.memory_space<vmem>>
      %dma_wait3A_132 = arith.constant 64 : i32
      %dma_wait3A_133 = tpu.memref_slice %arg8[%dma_wait3A_128, %dma_wait3A_132] : memref<8x128xi32, #tpu.memory_space<vmem>> -> memref<1x64xi32, #tpu.memory_space<vmem>>
      %dma_wait3A_134 = tpu.memref_squeeze %dma_wait3A_133 : memref<1x64xi32, #tpu.memory_space<vmem>> -> memref<64xi32, #tpu.memory_space<vmem>>
      %dma_wait3A_135 = arith.constant 0 : i32
      %dma_wait3A_136 = arith.constant 0 : i32
      %dma_wait3A_137 = tpu.memref_slice %arg2[%dma_wait3A_135, %dma_wait3A_136] : memref<10000x128xf32, #tpu.memory_space<hbm>> -> memref<10000x128xf32, #tpu.memory_space<hbm>>
      tpu.wait_indirect_dma semaphore(%arg16 : memref<!tpu.dma_semaphore, #tpu.memory_space<semaphore_mem>>) src(%dma_wait3A_137 : memref<10000x128xf32, #tpu.memory_space<hbm>>) dst(%dma_wait3A_131 : memref<64x128xf32, #tpu.memory_space<vmem>>)
      %run_scoped3A = arith.constant 0 : i32
      "tpu.region"() ({
        %run_scoped3A_762 = tpu.sem_alloc : memref<!tpu.dma_semaphore, #tpu.memory_space<semaphore_mem>>
        %dma_start3A_763 = arith.constant 0 : i32
        %dma_start3A_764 = tpu.memref_slice %arg9[%run_scoped3A, %dma_start3A_763] : memref<8x128xi32, #tpu.memory_space<vmem>> -> memref<1x128xi32, #tpu.memory_space<vmem>>
        %dma_start3A_765 = tpu.memref_squeeze %dma_start3A_764 : memref<1x128xi32, #tpu.memory_space<vmem>> -> memref<128xi32, #tpu.memory_space<vmem>>
        %dma_start3A_766 = arith.constant 0 : i32
        %dma_start3A_767 = arith.constant 0 : i32
        %dma_start3A_768 = tpu.memref_slice %arg7[%dma_start3A_766, %dma_start3A_767] : memref<10512x128xf32, #tpu.memory_space<vmem_shared>> -> memref<10512x128xf32, #tpu.memory_space<vmem_shared>>
        tpu.enqueue_indirect_dma source(%arg12 : memref<128x128xf32, #tpu.memory_space<vmem>>) target(%dma_start3A_768 : memref<10512x128xf32, #tpu.memory_space<vmem_shared>>) offsets(%dma_start3A_765 : memref<128xi32, #tpu.memory_space<vmem>>) semaphore(%run_scoped3A_762 : memref<!tpu.dma_semaphore, #tpu.memory_space<semaphore_mem>>) {add = true}
        %dma_wait3A_769 = arith.constant 0 : i32
        %dma_wait3A_770 = tpu.memref_slice %arg9[%run_scoped3A, %dma_wait3A_769] : memref<8x128xi32, #tpu.memory_space<vmem>> -> memref<1x128xi32, #tpu.memory_space<vmem>>
        %dma_wait3A_771 = tpu.memref_squeeze %dma_wait3A_770 : memref<1x128xi32, #tpu.memory_space<vmem>> -> memref<128xi32, #tpu.memory_space<vmem>>
        %dma_wait3A_772 = arith.constant 0 : i32
        %dma_wait3A_773 = arith.constant 0 : i32
        %dma_wait3A_774 = tpu.memref_slice %arg7[%dma_wait3A_772, %dma_wait3A_773] : memref<10512x128xf32, #tpu.memory_space<vmem_shared>> -> memref<10512x128xf32, #tpu.memory_space<vmem_shared>>
        tpu.wait_indirect_dma semaphore(%run_scoped3A_762 : memref<!tpu.dma_semaphore, #tpu.memory_space<semaphore_mem>>) src(%arg12 : memref<128x128xf32, #tpu.memory_space<vmem>>) dst(%dma_wait3A_774 : memref<10512x128xf32, #tpu.memory_space<vmem_shared>>)
        tpu.yield
      }) : () -> ()
      %dma_start3A_138 = arith.constant 2 : i32
      %dma_start3A_139 = arith.constant 0 : i32
      %dma_start3A_140 = arith.constant 0 : i32
      %dma_start3A_141 = tpu.memref_slice %arg12[%dma_start3A_139, %dma_start3A_140] : memref<128x128xf32, #tpu.memory_space<vmem>> -> memref<64x128xf32, #tpu.memory_space<vmem>>
      %dma_start3A_142 = arith.constant 0 : i32
      %dma_start3A_143 = tpu.memref_slice %arg8[%dma_start3A_138, %dma_start3A_142] : memref<8x128xi32, #tpu.memory_space<vmem>> -> memref<1x64xi32, #tpu.memory_space<vmem>>
      %dma_start3A_144 = tpu.memref_squeeze %dma_start3A_143 : memref<1x64xi32, #tpu.memory_space<vmem>> -> memref<64xi32, #tpu.memory_space<vmem>>
      %dma_start3A_145 = arith.constant 0 : i32
      %dma_start3A_146 = arith.constant 0 : i32
      %dma_start3A_147 = tpu.memref_slice %arg2[%dma_start3A_145, %dma_start3A_146] : memref<10000x128xf32, #tpu.memory_space<hbm>> -> memref<10000x128xf32, #tpu.memory_space<hbm>>
      tpu.enqueue_indirect_dma source(%dma_start3A_147 : memref<10000x128xf32, #tpu.memory_space<hbm>>) target(%dma_start3A_141 : memref<64x128xf32, #tpu.memory_space<vmem>>) offsets(%dma_start3A_144 : memref<64xi32, #tpu.memory_space<vmem>>) semaphore(%arg16 : memref<!tpu.dma_semaphore, #tpu.memory_space<semaphore_mem>>)
      %dma_start3A_148 = arith.constant 2 : i32
      %dma_start3A_149 = arith.constant 64 : i32
      %dma_start3A_150 = arith.constant 0 : i32
      %dma_start3A_151 = tpu.memref_slice %arg12[%dma_start3A_149, %dma_start3A_150] : memref<128x128xf32, #tpu.memory_space<vmem>> -> memref<64x128xf32, #tpu.memory_space<vmem>>
      %dma_start3A_152 = arith.constant 64 : i32
      %dma_start3A_153 = tpu.memref_slice %arg8[%dma_start3A_148, %dma_start3A_152] : memref<8x128xi32, #tpu.memory_space<vmem>> -> memref<1x64xi32, #tpu.memory_space<vmem>>
      %dma_start3A_154 = tpu.memref_squeeze %dma_start3A_153 : memref<1x64xi32, #tpu.memory_space<vmem>> -> memref<64xi32, #tpu.memory_space<vmem>>
      %dma_start3A_155 = arith.constant 0 : i32
      %dma_start3A_156 = arith.constant 0 : i32
      %dma_start3A_157 = tpu.memref_slice %arg2[%dma_start3A_155, %dma_start3A_156] : memref<10000x128xf32, #tpu.memory_space<hbm>> -> memref<10000x128xf32, #tpu.memory_space<hbm>>
      tpu.enqueue_indirect_dma source(%dma_start3A_157 : memref<10000x128xf32, #tpu.memory_space<hbm>>) target(%dma_start3A_151 : memref<64x128xf32, #tpu.memory_space<vmem>>) offsets(%dma_start3A_154 : memref<64xi32, #tpu.memory_space<vmem>>) semaphore(%arg16 : memref<!tpu.dma_semaphore, #tpu.memory_space<semaphore_mem>>)
      %dma_wait3A_158 = arith.constant 1 : i32
      %dma_wait3A_159 = arith.constant 0 : i32
      %dma_wait3A_160 = arith.constant 0 : i32
      %dma_wait3A_161 = tpu.memref_slice %arg13[%dma_wait3A_159, %dma_wait3A_160] : memref<128x128xf32, #tpu.memory_space<vmem>> -> memref<64x128xf32, #tpu.memory_space<vmem>>
      %dma_wait3A_162 = arith.constant 0 : i32
      %dma_wait3A_163 = tpu.memref_slice %arg8[%dma_wait3A_158, %dma_wait3A_162] : memref<8x128xi32, #tpu.memory_space<vmem>> -> memref<1x64xi32, #tpu.memory_space<vmem>>
      %dma_wait3A_164 = tpu.memref_squeeze %dma_wait3A_163 : memref<1x64xi32, #tpu.memory_space<vmem>> -> memref<64xi32, #tpu.memory_space<vmem>>
      %dma_wait3A_165 = arith.constant 0 : i32
      %dma_wait3A_166 = arith.constant 0 : i32
      %dma_wait3A_167 = tpu.memref_slice %arg2[%dma_wait3A_165, %dma_wait3A_166] : memref<10000x128xf32, #tpu.memory_space<hbm>> -> memref<10000x128xf32, #tpu.memory_space<hbm>>
      tpu.wait_indirect_dma semaphore(%arg17 : memref<!tpu.dma_semaphore, #tpu.memory_space<semaphore_mem>>) src(%dma_wait3A_167 : memref<10000x128xf32, #tpu.memory_space<hbm>>) dst(%dma_wait3A_161 : memref<64x128xf32, #tpu.memory_space<vmem>>)
      %dma_wait3A_168 = arith.constant 1 : i32
      %dma_wait3A_169 = arith.constant 64 : i32
      %dma_wait3A_170 = arith.constant 0 : i32
      %dma_wait3A_171 = tpu.memref_slice %arg13[%dma_wait3A_169, %dma_wait3A_170] : memref<128x128xf32, #tpu.memory_space<vmem>> -> memref<64x128xf32, #tpu.memory_space<vmem>>
      %dma_wait3A_172 = arith.constant 64 : i32
      %dma_wait3A_173 = tpu.memref_slice %arg8[%dma_wait3A_168, %dma_wait3A_172] : memref<8x128xi32, #tpu.memory_space<vmem>> -> memref<1x64xi32, #tpu.memory_space<vmem>>
      %dma_wait3A_174 = tpu.memref_squeeze %dma_wait3A_173 : memref<1x64xi32, #tpu.memory_space<vmem>> -> memref<64xi32, #tpu.memory_space<vmem>>
      %dma_wait3A_175 = arith.constant 0 : i32
      %dma_wait3A_176 = arith.constant 0 : i32
      %dma_wait3A_177 = tpu.memref_slice %arg2[%dma_wait3A_175, %dma_wait3A_176] : memref<10000x128xf32, #tpu.memory_space<hbm>> -> memref<10000x128xf32, #tpu.memory_space<hbm>>
      tpu.wait_indirect_dma semaphore(%arg17 : memref<!tpu.dma_semaphore, #tpu.memory_space<semaphore_mem>>) src(%dma_wait3A_177 : memref<10000x128xf32, #tpu.memory_space<hbm>>) dst(%dma_wait3A_171 : memref<64x128xf32, #tpu.memory_space<vmem>>)
      %run_scoped3A_178 = arith.constant 1 : i32
      "tpu.region"() ({
        %run_scoped3A_762 = tpu.sem_alloc : memref<!tpu.dma_semaphore, #tpu.memory_space<semaphore_mem>>
        %dma_start3A_763 = arith.constant 0 : i32
        %dma_start3A_764 = tpu.memref_slice %arg9[%run_scoped3A_178, %dma_start3A_763] : memref<8x128xi32, #tpu.memory_space<vmem>> -> memref<1x128xi32, #tpu.memory_space<vmem>>
        %dma_start3A_765 = tpu.memref_squeeze %dma_start3A_764 : memref<1x128xi32, #tpu.memory_space<vmem>> -> memref<128xi32, #tpu.memory_space<vmem>>
        %dma_start3A_766 = arith.constant 0 : i32
        %dma_start3A_767 = arith.constant 0 : i32
        %dma_start3A_768 = tpu.memref_slice %arg7[%dma_start3A_766, %dma_start3A_767] : memref<10512x128xf32, #tpu.memory_space<vmem_shared>> -> memref<10512x128xf32, #tpu.memory_space<vmem_shared>>
        tpu.enqueue_indirect_dma source(%arg13 : memref<128x128xf32, #tpu.memory_space<vmem>>) target(%dma_start3A_768 : memref<10512x128xf32, #tpu.memory_space<vmem_shared>>) offsets(%dma_start3A_765 : memref<128xi32, #tpu.memory_space<vmem>>) semaphore(%run_scoped3A_762 : memref<!tpu.dma_semaphore, #tpu.memory_space<semaphore_mem>>) {add = true}
        %dma_wait3A_769 = arith.constant 0 : i32
        %dma_wait3A_770 = tpu.memref_slice %arg9[%run_scoped3A_178, %dma_wait3A_769] : memref<8x128xi32, #tpu.memory_space<vmem>> -> memref<1x128xi32, #tpu.memory_space<vmem>>
        %dma_wait3A_771 = tpu.memref_squeeze %dma_wait3A_770 : memref<1x128xi32, #tpu.memory_space<vmem>> -> memref<128xi32, #tpu.memory_space<vmem>>
        %dma_wait3A_772 = arith.constant 0 : i32
        %dma_wait3A_773 = arith.constant 0 : i32
        %dma_wait3A_774 = tpu.memref_slice %arg7[%dma_wait3A_772, %dma_wait3A_773] : memref<10512x128xf32, #tpu.memory_space<vmem_shared>> -> memref<10512x128xf32, #tpu.memory_space<vmem_shared>>
        tpu.wait_indirect_dma semaphore(%run_scoped3A_762 : memref<!tpu.dma_semaphore, #tpu.memory_space<semaphore_mem>>) src(%arg13 : memref<128x128xf32, #tpu.memory_space<vmem>>) dst(%dma_wait3A_774 : memref<10512x128xf32, #tpu.memory_space<vmem_shared>>)
        tpu.yield
      }) : () -> ()
      %dma_start3A_179 = arith.constant 3 : i32
      %dma_start3A_180 = arith.constant 0 : i32
      %dma_start3A_181 = arith.constant 0 : i32
      %dma_start3A_182 = tpu.memref_slice %arg13[%dma_start3A_180, %dma_start3A_181] : memref<128x128xf32, #tpu.memory_space<vmem>> -> memref<64x128xf32, #tpu.memory_space<vmem>>
      %dma_start3A_183 = arith.constant 0 : i32
      %dma_start3A_184 = tpu.memref_slice %arg8[%dma_start3A_179, %dma_start3A_183] : memref<8x128xi32, #tpu.memory_space<vmem>> -> memref<1x64xi32, #tpu.memory_space<vmem>>
      %dma_start3A_185 = tpu.memref_squeeze %dma_start3A_184 : memref<1x64xi32, #tpu.memory_space<vmem>> -> memref<64xi32, #tpu.memory_space<vmem>>
      %dma_start3A_186 = arith.constant 0 : i32
      %dma_start3A_187 = arith.constant 0 : i32
      %dma_start3A_188 = tpu.memref_slice %arg2[%dma_start3A_186, %dma_start3A_187] : memref<10000x128xf32, #tpu.memory_space<hbm>> -> memref<10000x128xf32, #tpu.memory_space<hbm>>
      tpu.enqueue_indirect_dma source(%dma_start3A_188 : memref<10000x128xf32, #tpu.memory_space<hbm>>) target(%dma_start3A_182 : memref<64x128xf32, #tpu.memory_space<vmem>>) offsets(%dma_start3A_185 : memref<64xi32, #tpu.memory_space<vmem>>) semaphore(%arg17 : memref<!tpu.dma_semaphore, #tpu.memory_space<semaphore_mem>>)
      %dma_start3A_189 = arith.constant 3 : i32
      %dma_start3A_190 = arith.constant 64 : i32
      %dma_start3A_191 = arith.constant 0 : i32
      %dma_start3A_192 = tpu.memref_slice %arg13[%dma_start3A_190, %dma_start3A_191] : memref<128x128xf32, #tpu.memory_space<vmem>> -> memref<64x128xf32, #tpu.memory_space<vmem>>
      %dma_start3A_193 = arith.constant 64 : i32
      %dma_start3A_194 = tpu.memref_slice %arg8[%dma_start3A_189, %dma_start3A_193] : memref<8x128xi32, #tpu.memory_space<vmem>> -> memref<1x64xi32, #tpu.memory_space<vmem>>
      %dma_start3A_195 = tpu.memref_squeeze %dma_start3A_194 : memref<1x64xi32, #tpu.memory_space<vmem>> -> memref<64xi32, #tpu.memory_space<vmem>>
      %dma_start3A_196 = arith.constant 0 : i32
      %dma_start3A_197 = arith.constant 0 : i32
      %dma_start3A_198 = tpu.memref_slice %arg2[%dma_start3A_196, %dma_start3A_197] : memref<10000x128xf32, #tpu.memory_space<hbm>> -> memref<10000x128xf32, #tpu.memory_space<hbm>>
      tpu.enqueue_indirect_dma source(%dma_start3A_198 : memref<10000x128xf32, #tpu.memory_space<hbm>>) target(%dma_start3A_192 : memref<64x128xf32, #tpu.memory_space<vmem>>) offsets(%dma_start3A_195 : memref<64xi32, #tpu.memory_space<vmem>>) semaphore(%arg17 : memref<!tpu.dma_semaphore, #tpu.memory_space<semaphore_mem>>)
      %dma_wait3A_199 = arith.constant 2 : i32
      %dma_wait3A_200 = arith.constant 0 : i32
      %dma_wait3A_201 = arith.constant 0 : i32
      %dma_wait3A_202 = tpu.memref_slice %arg12[%dma_wait3A_200, %dma_wait3A_201] : memref<128x128xf32, #tpu.memory_space<vmem>> -> memref<64x128xf32, #tpu.memory_space<vmem>>
      %dma_wait3A_203 = arith.constant 0 : i32
      %dma_wait3A_204 = tpu.memref_slice %arg8[%dma_wait3A_199, %dma_wait3A_203] : memref<8x128xi32, #tpu.memory_space<vmem>> -> memref<1x64xi32, #tpu.memory_space<vmem>>
      %dma_wait3A_205 = tpu.memref_squeeze %dma_wait3A_204 : memref<1x64xi32, #tpu.memory_space<vmem>> -> memref<64xi32, #tpu.memory_space<vmem>>
      %dma_wait3A_206 = arith.constant 0 : i32
      %dma_wait3A_207 = arith.constant 0 : i32
      %dma_wait3A_208 = tpu.memref_slice %arg2[%dma_wait3A_206, %dma_wait3A_207] : memref<10000x128xf32, #tpu.memory_space<hbm>> -> memref<10000x128xf32, #tpu.memory_space<hbm>>
      tpu.wait_indirect_dma semaphore(%arg16 : memref<!tpu.dma_semaphore, #tpu.memory_space<semaphore_mem>>) src(%dma_wait3A_208 : memref<10000x128xf32, #tpu.memory_space<hbm>>) dst(%dma_wait3A_202 : memref<64x128xf32, #tpu.memory_space<vmem>>)
      %dma_wait3A_209 = arith.constant 2 : i32
      %dma_wait3A_210 = arith.constant 64 : i32
      %dma_wait3A_211 = arith.constant 0 : i32
      %dma_wait3A_212 = tpu.memref_slice %arg12[%dma_wait3A_210, %dma_wait3A_211] : memref<128x128xf32, #tpu.memory_space<vmem>> -> memref<64x128xf32, #tpu.memory_space<vmem>>
      %dma_wait3A_213 = arith.constant 64 : i32
      %dma_wait3A_214 = tpu.memref_slice %arg8[%dma_wait3A_209, %dma_wait3A_213] : memref<8x128xi32, #tpu.memory_space<vmem>> -> memref<1x64xi32, #tpu.memory_space<vmem>>
      %dma_wait3A_215 = tpu.memref_squeeze %dma_wait3A_214 : memref<1x64xi32, #tpu.memory_space<vmem>> -> memref<64xi32, #tpu.memory_space<vmem>>
      %dma_wait3A_216 = arith.constant 0 : i32
      %dma_wait3A_217 = arith.constant 0 : i32
      %dma_wait3A_218 = tpu.memref_slice %arg2[%dma_wait3A_216, %dma_wait3A_217] : memref<10000x128xf32, #tpu.memory_space<hbm>> -> memref<10000x128xf32, #tpu.memory_space<hbm>>
      tpu.wait_indirect_dma semaphore(%arg16 : memref<!tpu.dma_semaphore, #tpu.memory_space<semaphore_mem>>) src(%dma_wait3A_218 : memref<10000x128xf32, #tpu.memory_space<hbm>>) dst(%dma_wait3A_212 : memref<64x128xf32, #tpu.memory_space<vmem>>)
      %run_scoped3A_219 = arith.constant 2 : i32
      "tpu.region"() ({
        %run_scoped3A_762 = tpu.sem_alloc : memref<!tpu.dma_semaphore, #tpu.memory_space<semaphore_mem>>
        %dma_start3A_763 = arith.constant 0 : i32
        %dma_start3A_764 = tpu.memref_slice %arg9[%run_scoped3A_219, %dma_start3A_763] : memref<8x128xi32, #tpu.memory_space<vmem>> -> memref<1x128xi32, #tpu.memory_space<vmem>>
        %dma_start3A_765 = tpu.memref_squeeze %dma_start3A_764 : memref<1x128xi32, #tpu.memory_space<vmem>> -> memref<128xi32, #tpu.memory_space<vmem>>
        %dma_start3A_766 = arith.constant 0 : i32
        %dma_start3A_767 = arith.constant 0 : i32
        %dma_start3A_768 = tpu.memref_slice %arg7[%dma_start3A_766, %dma_start3A_767] : memref<10512x128xf32, #tpu.memory_space<vmem_shared>> -> memref<10512x128xf32, #tpu.memory_space<vmem_shared>>
        tpu.enqueue_indirect_dma source(%arg12 : memref<128x128xf32, #tpu.memory_space<vmem>>) target(%dma_start3A_768 : memref<10512x128xf32, #tpu.memory_space<vmem_shared>>) offsets(%dma_start3A_765 : memref<128xi32, #tpu.memory_space<vmem>>) semaphore(%run_scoped3A_762 : memref<!tpu.dma_semaphore, #tpu.memory_space<semaphore_mem>>) {add = true}
        %dma_wait3A_769 = arith.constant 0 : i32
        %dma_wait3A_770 = tpu.memref_slice %arg9[%run_scoped3A_219, %dma_wait3A_769] : memref<8x128xi32, #tpu.memory_space<vmem>> -> memref<1x128xi32, #tpu.memory_space<vmem>>
        %dma_wait3A_771 = tpu.memref_squeeze %dma_wait3A_770 : memref<1x128xi32, #tpu.memory_space<vmem>> -> memref<128xi32, #tpu.memory_space<vmem>>
        %dma_wait3A_772 = arith.constant 0 : i32
        %dma_wait3A_773 = arith.constant 0 : i32
        %dma_wait3A_774 = tpu.memref_slice %arg7[%dma_wait3A_772, %dma_wait3A_773] : memref<10512x128xf32, #tpu.memory_space<vmem_shared>> -> memref<10512x128xf32, #tpu.memory_space<vmem_shared>>
        tpu.wait_indirect_dma semaphore(%run_scoped3A_762 : memref<!tpu.dma_semaphore, #tpu.memory_space<semaphore_mem>>) src(%arg12 : memref<128x128xf32, #tpu.memory_space<vmem>>) dst(%dma_wait3A_774 : memref<10512x128xf32, #tpu.memory_space<vmem_shared>>)
        tpu.yield
      }) : () -> ()
      %dma_start3A_220 = arith.constant 4 : i32
      %dma_start3A_221 = arith.constant 0 : i32
      %dma_start3A_222 = arith.constant 0 : i32
      %dma_start3A_223 = tpu.memref_slice %arg12[%dma_start3A_221, %dma_start3A_222] : memref<128x128xf32, #tpu.memory_space<vmem>> -> memref<64x128xf32, #tpu.memory_space<vmem>>
      %dma_start3A_224 = arith.constant 0 : i32
      %dma_start3A_225 = tpu.memref_slice %arg8[%dma_start3A_220, %dma_start3A_224] : memref<8x128xi32, #tpu.memory_space<vmem>> -> memref<1x64xi32, #tpu.memory_space<vmem>>
      %dma_start3A_226 = tpu.memref_squeeze %dma_start3A_225 : memref<1x64xi32, #tpu.memory_space<vmem>> -> memref<64xi32, #tpu.memory_space<vmem>>
      %dma_start3A_227 = arith.constant 0 : i32
      %dma_start3A_228 = arith.constant 0 : i32
      %dma_start3A_229 = tpu.memref_slice %arg2[%dma_start3A_227, %dma_start3A_228] : memref<10000x128xf32, #tpu.memory_space<hbm>> -> memref<10000x128xf32, #tpu.memory_space<hbm>>
      tpu.enqueue_indirect_dma source(%dma_start3A_229 : memref<10000x128xf32, #tpu.memory_space<hbm>>) target(%dma_start3A_223 : memref<64x128xf32, #tpu.memory_space<vmem>>) offsets(%dma_start3A_226 : memref<64xi32, #tpu.memory_space<vmem>>) semaphore(%arg16 : memref<!tpu.dma_semaphore, #tpu.memory_space<semaphore_mem>>)
      %dma_start3A_230 = arith.constant 4 : i32
      %dma_start3A_231 = arith.constant 64 : i32
      %dma_start3A_232 = arith.constant 0 : i32
      %dma_start3A_233 = tpu.memref_slice %arg12[%dma_start3A_231, %dma_start3A_232] : memref<128x128xf32, #tpu.memory_space<vmem>> -> memref<64x128xf32, #tpu.memory_space<vmem>>
      %dma_start3A_234 = arith.constant 64 : i32
      %dma_start3A_235 = tpu.memref_slice %arg8[%dma_start3A_230, %dma_start3A_234] : memref<8x128xi32, #tpu.memory_space<vmem>> -> memref<1x64xi32, #tpu.memory_space<vmem>>
      %dma_start3A_236 = tpu.memref_squeeze %dma_start3A_235 : memref<1x64xi32, #tpu.memory_space<vmem>> -> memref<64xi32, #tpu.memory_space<vmem>>
      %dma_start3A_237 = arith.constant 0 : i32
      %dma_start3A_238 = arith.constant 0 : i32
      %dma_start3A_239 = tpu.memref_slice %arg2[%dma_start3A_237, %dma_start3A_238] : memref<10000x128xf32, #tpu.memory_space<hbm>> -> memref<10000x128xf32, #tpu.memory_space<hbm>>
      tpu.enqueue_indirect_dma source(%dma_start3A_239 : memref<10000x128xf32, #tpu.memory_space<hbm>>) target(%dma_start3A_233 : memref<64x128xf32, #tpu.memory_space<vmem>>) offsets(%dma_start3A_236 : memref<64xi32, #tpu.memory_space<vmem>>) semaphore(%arg16 : memref<!tpu.dma_semaphore, #tpu.memory_space<semaphore_mem>>)
      %dma_wait3A_240 = arith.constant 3 : i32
      %dma_wait3A_241 = arith.constant 0 : i32
      %dma_wait3A_242 = arith.constant 0 : i32
      %dma_wait3A_243 = tpu.memref_slice %arg13[%dma_wait3A_241, %dma_wait3A_242] : memref<128x128xf32, #tpu.memory_space<vmem>> -> memref<64x128xf32, #tpu.memory_space<vmem>>
      %dma_wait3A_244 = arith.constant 0 : i32
      %dma_wait3A_245 = tpu.memref_slice %arg8[%dma_wait3A_240, %dma_wait3A_244] : memref<8x128xi32, #tpu.memory_space<vmem>> -> memref<1x64xi32, #tpu.memory_space<vmem>>
      %dma_wait3A_246 = tpu.memref_squeeze %dma_wait3A_245 : memref<1x64xi32, #tpu.memory_space<vmem>> -> memref<64xi32, #tpu.memory_space<vmem>>
      %dma_wait3A_247 = arith.constant 0 : i32
      %dma_wait3A_248 = arith.constant 0 : i32
      %dma_wait3A_249 = tpu.memref_slice %arg2[%dma_wait3A_247, %dma_wait3A_248] : memref<10000x128xf32, #tpu.memory_space<hbm>> -> memref<10000x128xf32, #tpu.memory_space<hbm>>
      tpu.wait_indirect_dma semaphore(%arg17 : memref<!tpu.dma_semaphore, #tpu.memory_space<semaphore_mem>>) src(%dma_wait3A_249 : memref<10000x128xf32, #tpu.memory_space<hbm>>) dst(%dma_wait3A_243 : memref<64x128xf32, #tpu.memory_space<vmem>>)
      %dma_wait3A_250 = arith.constant 3 : i32
      %dma_wait3A_251 = arith.constant 64 : i32
      %dma_wait3A_252 = arith.constant 0 : i32
      %dma_wait3A_253 = tpu.memref_slice %arg13[%dma_wait3A_251, %dma_wait3A_252] : memref<128x128xf32, #tpu.memory_space<vmem>> -> memref<64x128xf32, #tpu.memory_space<vmem>>
      %dma_wait3A_254 = arith.constant 64 : i32
      %dma_wait3A_255 = tpu.memref_slice %arg8[%dma_wait3A_250, %dma_wait3A_254] : memref<8x128xi32, #tpu.memory_space<vmem>> -> memref<1x64xi32, #tpu.memory_space<vmem>>
      %dma_wait3A_256 = tpu.memref_squeeze %dma_wait3A_255 : memref<1x64xi32, #tpu.memory_space<vmem>> -> memref<64xi32, #tpu.memory_space<vmem>>
      %dma_wait3A_257 = arith.constant 0 : i32
      %dma_wait3A_258 = arith.constant 0 : i32
      %dma_wait3A_259 = tpu.memref_slice %arg2[%dma_wait3A_257, %dma_wait3A_258] : memref<10000x128xf32, #tpu.memory_space<hbm>> -> memref<10000x128xf32, #tpu.memory_space<hbm>>
      tpu.wait_indirect_dma semaphore(%arg17 : memref<!tpu.dma_semaphore, #tpu.memory_space<semaphore_mem>>) src(%dma_wait3A_259 : memref<10000x128xf32, #tpu.memory_space<hbm>>) dst(%dma_wait3A_253 : memref<64x128xf32, #tpu.memory_space<vmem>>)
      %run_scoped3A_260 = arith.constant 3 : i32
      "tpu.region"() ({
        %run_scoped3A_762 = tpu.sem_alloc : memref<!tpu.dma_semaphore, #tpu.memory_space<semaphore_mem>>
        %dma_start3A_763 = arith.constant 0 : i32
        %dma_start3A_764 = tpu.memref_slice %arg9[%run_scoped3A_260, %dma_start3A_763] : memref<8x128xi32, #tpu.memory_space<vmem>> -> memref<1x128xi32, #tpu.memory_space<vmem>>
        %dma_start3A_765 = tpu.memref_squeeze %dma_start3A_764 : memref<1x128xi32, #tpu.memory_space<vmem>> -> memref<128xi32, #tpu.memory_space<vmem>>
        %dma_start3A_766 = arith.constant 0 : i32
        %dma_start3A_767 = arith.constant 0 : i32
        %dma_start3A_768 = tpu.memref_slice %arg7[%dma_start3A_766, %dma_start3A_767] : memref<10512x128xf32, #tpu.memory_space<vmem_shared>> -> memref<10512x128xf32, #tpu.memory_space<vmem_shared>>
        tpu.enqueue_indirect_dma source(%arg13 : memref<128x128xf32, #tpu.memory_space<vmem>>) target(%dma_start3A_768 : memref<10512x128xf32, #tpu.memory_space<vmem_shared>>) offsets(%dma_start3A_765 : memref<128xi32, #tpu.memory_space<vmem>>) semaphore(%run_scoped3A_762 : memref<!tpu.dma_semaphore, #tpu.memory_space<semaphore_mem>>) {add = true}
        %dma_wait3A_769 = arith.constant 0 : i32
        %dma_wait3A_770 = tpu.memref_slice %arg9[%run_scoped3A_260, %dma_wait3A_769] : memref<8x128xi32, #tpu.memory_space<vmem>> -> memref<1x128xi32, #tpu.memory_space<vmem>>
        %dma_wait3A_771 = tpu.memref_squeeze %dma_wait3A_770 : memref<1x128xi32, #tpu.memory_space<vmem>> -> memref<128xi32, #tpu.memory_space<vmem>>
        %dma_wait3A_772 = arith.constant 0 : i32
        %dma_wait3A_773 = arith.constant 0 : i32
        %dma_wait3A_774 = tpu.memref_slice %arg7[%dma_wait3A_772, %dma_wait3A_773] : memref<10512x128xf32, #tpu.memory_space<vmem_shared>> -> memref<10512x128xf32, #tpu.memory_space<vmem_shared>>
        tpu.wait_indirect_dma semaphore(%run_scoped3A_762 : memref<!tpu.dma_semaphore, #tpu.memory_space<semaphore_mem>>) src(%arg13 : memref<128x128xf32, #tpu.memory_space<vmem>>) dst(%dma_wait3A_774 : memref<10512x128xf32, #tpu.memory_space<vmem_shared>>)
        tpu.yield
      }) : () -> ()
      %dma_start3A_261 = arith.constant 5 : i32
      %dma_start3A_262 = arith.constant 0 : i32
      %dma_start3A_263 = arith.constant 0 : i32
      %dma_start3A_264 = tpu.memref_slice %arg13[%dma_start3A_262, %dma_start3A_263] : memref<128x128xf32, #tpu.memory_space<vmem>> -> memref<64x128xf32, #tpu.memory_space<vmem>>
      %dma_start3A_265 = arith.constant 0 : i32
      %dma_start3A_266 = tpu.memref_slice %arg8[%dma_start3A_261, %dma_start3A_265] : memref<8x128xi32, #tpu.memory_space<vmem>> -> memref<1x64xi32, #tpu.memory_space<vmem>>
      %dma_start3A_267 = tpu.memref_squeeze %dma_start3A_266 : memref<1x64xi32, #tpu.memory_space<vmem>> -> memref<64xi32, #tpu.memory_space<vmem>>
      %dma_start3A_268 = arith.constant 0 : i32
      %dma_start3A_269 = arith.constant 0 : i32
      %dma_start3A_270 = tpu.memref_slice %arg2[%dma_start3A_268, %dma_start3A_269] : memref<10000x128xf32, #tpu.memory_space<hbm>> -> memref<10000x128xf32, #tpu.memory_space<hbm>>
      tpu.enqueue_indirect_dma source(%dma_start3A_270 : memref<10000x128xf32, #tpu.memory_space<hbm>>) target(%dma_start3A_264 : memref<64x128xf32, #tpu.memory_space<vmem>>) offsets(%dma_start3A_267 : memref<64xi32, #tpu.memory_space<vmem>>) semaphore(%arg17 : memref<!tpu.dma_semaphore, #tpu.memory_space<semaphore_mem>>)
      %dma_start3A_271 = arith.constant 5 : i32
      %dma_start3A_272 = arith.constant 64 : i32
      %dma_start3A_273 = arith.constant 0 : i32
      %dma_start3A_274 = tpu.memref_slice %arg13[%dma_start3A_272, %dma_start3A_273] : memref<128x128xf32, #tpu.memory_space<vmem>> -> memref<64x128xf32, #tpu.memory_space<vmem>>
      %dma_start3A_275 = arith.constant 64 : i32
      %dma_start3A_276 = tpu.memref_slice %arg8[%dma_start3A_271, %dma_start3A_275] : memref<8x128xi32, #tpu.memory_space<vmem>> -> memref<1x64xi32, #tpu.memory_space<vmem>>
      %dma_start3A_277 = tpu.memref_squeeze %dma_start3A_276 : memref<1x64xi32, #tpu.memory_space<vmem>> -> memref<64xi32, #tpu.memory_space<vmem>>
      %dma_start3A_278 = arith.constant 0 : i32
      %dma_start3A_279 = arith.constant 0 : i32
      %dma_start3A_280 = tpu.memref_slice %arg2[%dma_start3A_278, %dma_start3A_279] : memref<10000x128xf32, #tpu.memory_space<hbm>> -> memref<10000x128xf32, #tpu.memory_space<hbm>>
      tpu.enqueue_indirect_dma source(%dma_start3A_280 : memref<10000x128xf32, #tpu.memory_space<hbm>>) target(%dma_start3A_274 : memref<64x128xf32, #tpu.memory_space<vmem>>) offsets(%dma_start3A_277 : memref<64xi32, #tpu.memory_space<vmem>>) semaphore(%arg17 : memref<!tpu.dma_semaphore, #tpu.memory_space<semaphore_mem>>)
      %dma_wait3A_281 = arith.constant 4 : i32
      %dma_wait3A_282 = arith.constant 0 : i32
      %dma_wait3A_283 = arith.constant 0 : i32
      %dma_wait3A_284 = tpu.memref_slice %arg12[%dma_wait3A_282, %dma_wait3A_283] : memref<128x128xf32, #tpu.memory_space<vmem>> -> memref<64x128xf32, #tpu.memory_space<vmem>>
      %dma_wait3A_285 = arith.constant 0 : i32
      %dma_wait3A_286 = tpu.memref_slice %arg8[%dma_wait3A_281, %dma_wait3A_285] : memref<8x128xi32, #tpu.memory_space<vmem>> -> memref<1x64xi32, #tpu.memory_space<vmem>>
      %dma_wait3A_287 = tpu.memref_squeeze %dma_wait3A_286 : memref<1x64xi32, #tpu.memory_space<vmem>> -> memref<64xi32, #tpu.memory_space<vmem>>
      %dma_wait3A_288 = arith.constant 0 : i32
      %dma_wait3A_289 = arith.constant 0 : i32
      %dma_wait3A_290 = tpu.memref_slice %arg2[%dma_wait3A_288, %dma_wait3A_289] : memref<10000x128xf32, #tpu.memory_space<hbm>> -> memref<10000x128xf32, #tpu.memory_space<hbm>>
      tpu.wait_indirect_dma semaphore(%arg16 : memref<!tpu.dma_semaphore, #tpu.memory_space<semaphore_mem>>) src(%dma_wait3A_290 : memref<10000x128xf32, #tpu.memory_space<hbm>>) dst(%dma_wait3A_284 : memref<64x128xf32, #tpu.memory_space<vmem>>)
      %dma_wait3A_291 = arith.constant 4 : i32
      %dma_wait3A_292 = arith.constant 64 : i32
      %dma_wait3A_293 = arith.constant 0 : i32
      %dma_wait3A_294 = tpu.memref_slice %arg12[%dma_wait3A_292, %dma_wait3A_293] : memref<128x128xf32, #tpu.memory_space<vmem>> -> memref<64x128xf32, #tpu.memory_space<vmem>>
      %dma_wait3A_295 = arith.constant 64 : i32
      %dma_wait3A_296 = tpu.memref_slice %arg8[%dma_wait3A_291, %dma_wait3A_295] : memref<8x128xi32, #tpu.memory_space<vmem>> -> memref<1x64xi32, #tpu.memory_space<vmem>>
      %dma_wait3A_297 = tpu.memref_squeeze %dma_wait3A_296 : memref<1x64xi32, #tpu.memory_space<vmem>> -> memref<64xi32, #tpu.memory_space<vmem>>
      %dma_wait3A_298 = arith.constant 0 : i32
      %dma_wait3A_299 = arith.constant 0 : i32
      %dma_wait3A_300 = tpu.memref_slice %arg2[%dma_wait3A_298, %dma_wait3A_299] : memref<10000x128xf32, #tpu.memory_space<hbm>> -> memref<10000x128xf32, #tpu.memory_space<hbm>>
      tpu.wait_indirect_dma semaphore(%arg16 : memref<!tpu.dma_semaphore, #tpu.memory_space<semaphore_mem>>) src(%dma_wait3A_300 : memref<10000x128xf32, #tpu.memory_space<hbm>>) dst(%dma_wait3A_294 : memref<64x128xf32, #tpu.memory_space<vmem>>)
      %run_scoped3A_301 = arith.constant 4 : i32
      "tpu.region"() ({
        %run_scoped3A_762 = tpu.sem_alloc : memref<!tpu.dma_semaphore, #tpu.memory_space<semaphore_mem>>
        %dma_start3A_763 = arith.constant 0 : i32
        %dma_start3A_764 = tpu.memref_slice %arg9[%run_scoped3A_301, %dma_start3A_763] : memref<8x128xi32, #tpu.memory_space<vmem>> -> memref<1x128xi32, #tpu.memory_space<vmem>>
        %dma_start3A_765 = tpu.memref_squeeze %dma_start3A_764 : memref<1x128xi32, #tpu.memory_space<vmem>> -> memref<128xi32, #tpu.memory_space<vmem>>
        %dma_start3A_766 = arith.constant 0 : i32
        %dma_start3A_767 = arith.constant 0 : i32
        %dma_start3A_768 = tpu.memref_slice %arg7[%dma_start3A_766, %dma_start3A_767] : memref<10512x128xf32, #tpu.memory_space<vmem_shared>> -> memref<10512x128xf32, #tpu.memory_space<vmem_shared>>
        tpu.enqueue_indirect_dma source(%arg12 : memref<128x128xf32, #tpu.memory_space<vmem>>) target(%dma_start3A_768 : memref<10512x128xf32, #tpu.memory_space<vmem_shared>>) offsets(%dma_start3A_765 : memref<128xi32, #tpu.memory_space<vmem>>) semaphore(%run_scoped3A_762 : memref<!tpu.dma_semaphore, #tpu.memory_space<semaphore_mem>>) {add = true}
        %dma_wait3A_769 = arith.constant 0 : i32
        %dma_wait3A_770 = tpu.memref_slice %arg9[%run_scoped3A_301, %dma_wait3A_769] : memref<8x128xi32, #tpu.memory_space<vmem>> -> memref<1x128xi32, #tpu.memory_space<vmem>>
        %dma_wait3A_771 = tpu.memref_squeeze %dma_wait3A_770 : memref<1x128xi32, #tpu.memory_space<vmem>> -> memref<128xi32, #tpu.memory_space<vmem>>
        %dma_wait3A_772 = arith.constant 0 : i32
        %dma_wait3A_773 = arith.constant 0 : i32
        %dma_wait3A_774 = tpu.memref_slice %arg7[%dma_wait3A_772, %dma_wait3A_773] : memref<10512x128xf32, #tpu.memory_space<vmem_shared>> -> memref<10512x128xf32, #tpu.memory_space<vmem_shared>>
        tpu.wait_indirect_dma semaphore(%run_scoped3A_762 : memref<!tpu.dma_semaphore, #tpu.memory_space<semaphore_mem>>) src(%arg12 : memref<128x128xf32, #tpu.memory_space<vmem>>) dst(%dma_wait3A_774 : memref<10512x128xf32, #tpu.memory_space<vmem_shared>>)
        tpu.yield
      }) : () -> ()
      %dma_start3A_302 = arith.constant 6 : i32
      %dma_start3A_303 = arith.constant 0 : i32
      %dma_start3A_304 = arith.constant 0 : i32
      %dma_start3A_305 = tpu.memref_slice %arg12[%dma_start3A_303, %dma_start3A_304] : memref<128x128xf32, #tpu.memory_space<vmem>> -> memref<64x128xf32, #tpu.memory_space<vmem>>
      %dma_start3A_306 = arith.constant 0 : i32
      %dma_start3A_307 = tpu.memref_slice %arg8[%dma_start3A_302, %dma_start3A_306] : memref<8x128xi32, #tpu.memory_space<vmem>> -> memref<1x64xi32, #tpu.memory_space<vmem>>
      %dma_start3A_308 = tpu.memref_squeeze %dma_start3A_307 : memref<1x64xi32, #tpu.memory_space<vmem>> -> memref<64xi32, #tpu.memory_space<vmem>>
      %dma_start3A_309 = arith.constant 0 : i32
      %dma_start3A_310 = arith.constant 0 : i32
      %dma_start3A_311 = tpu.memref_slice %arg2[%dma_start3A_309, %dma_start3A_310] : memref<10000x128xf32, #tpu.memory_space<hbm>> -> memref<10000x128xf32, #tpu.memory_space<hbm>>
      tpu.enqueue_indirect_dma source(%dma_start3A_311 : memref<10000x128xf32, #tpu.memory_space<hbm>>) target(%dma_start3A_305 : memref<64x128xf32, #tpu.memory_space<vmem>>) offsets(%dma_start3A_308 : memref<64xi32, #tpu.memory_space<vmem>>) semaphore(%arg16 : memref<!tpu.dma_semaphore, #tpu.memory_space<semaphore_mem>>)
      %dma_start3A_312 = arith.constant 6 : i32
      %dma_start3A_313 = arith.constant 64 : i32
      %dma_start3A_314 = arith.constant 0 : i32
      %dma_start3A_315 = tpu.memref_slice %arg12[%dma_start3A_313, %dma_start3A_314] : memref<128x128xf32, #tpu.memory_space<vmem>> -> memref<64x128xf32, #tpu.memory_space<vmem>>
      %dma_start3A_316 = arith.constant 64 : i32
      %dma_start3A_317 = tpu.memref_slice %arg8[%dma_start3A_312, %dma_start3A_316] : memref<8x128xi32, #tpu.memory_space<vmem>> -> memref<1x64xi32, #tpu.memory_space<vmem>>
      %dma_start3A_318 = tpu.memref_squeeze %dma_start3A_317 : memref<1x64xi32, #tpu.memory_space<vmem>> -> memref<64xi32, #tpu.memory_space<vmem>>
      %dma_start3A_319 = arith.constant 0 : i32
      %dma_start3A_320 = arith.constant 0 : i32
      %dma_start3A_321 = tpu.memref_slice %arg2[%dma_start3A_319, %dma_start3A_320] : memref<10000x128xf32, #tpu.memory_space<hbm>> -> memref<10000x128xf32, #tpu.memory_space<hbm>>
      tpu.enqueue_indirect_dma source(%dma_start3A_321 : memref<10000x128xf32, #tpu.memory_space<hbm>>) target(%dma_start3A_315 : memref<64x128xf32, #tpu.memory_space<vmem>>) offsets(%dma_start3A_318 : memref<64xi32, #tpu.memory_space<vmem>>) semaphore(%arg16 : memref<!tpu.dma_semaphore, #tpu.memory_space<semaphore_mem>>)
      %dma_wait3A_322 = arith.constant 5 : i32
      %dma_wait3A_323 = arith.constant 0 : i32
      %dma_wait3A_324 = arith.constant 0 : i32
      %dma_wait3A_325 = tpu.memref_slice %arg13[%dma_wait3A_323, %dma_wait3A_324] : memref<128x128xf32, #tpu.memory_space<vmem>> -> memref<64x128xf32, #tpu.memory_space<vmem>>
      %dma_wait3A_326 = arith.constant 0 : i32
      %dma_wait3A_327 = tpu.memref_slice %arg8[%dma_wait3A_322, %dma_wait3A_326] : memref<8x128xi32, #tpu.memory_space<vmem>> -> memref<1x64xi32, #tpu.memory_space<vmem>>
      %dma_wait3A_328 = tpu.memref_squeeze %dma_wait3A_327 : memref<1x64xi32, #tpu.memory_space<vmem>> -> memref<64xi32, #tpu.memory_space<vmem>>
      %dma_wait3A_329 = arith.constant 0 : i32
      %dma_wait3A_330 = arith.constant 0 : i32
      %dma_wait3A_331 = tpu.memref_slice %arg2[%dma_wait3A_329, %dma_wait3A_330] : memref<10000x128xf32, #tpu.memory_space<hbm>> -> memref<10000x128xf32, #tpu.memory_space<hbm>>
      tpu.wait_indirect_dma semaphore(%arg17 : memref<!tpu.dma_semaphore, #tpu.memory_space<semaphore_mem>>) src(%dma_wait3A_331 : memref<10000x128xf32, #tpu.memory_space<hbm>>) dst(%dma_wait3A_325 : memref<64x128xf32, #tpu.memory_space<vmem>>)
      %dma_wait3A_332 = arith.constant 5 : i32
      %dma_wait3A_333 = arith.constant 64 : i32
      %dma_wait3A_334 = arith.constant 0 : i32
      %dma_wait3A_335 = tpu.memref_slice %arg13[%dma_wait3A_333, %dma_wait3A_334] : memref<128x128xf32, #tpu.memory_space<vmem>> -> memref<64x128xf32, #tpu.memory_space<vmem>>
      %dma_wait3A_336 = arith.constant 64 : i32
      %dma_wait3A_337 = tpu.memref_slice %arg8[%dma_wait3A_332, %dma_wait3A_336] : memref<8x128xi32, #tpu.memory_space<vmem>> -> memref<1x64xi32, #tpu.memory_space<vmem>>
      %dma_wait3A_338 = tpu.memref_squeeze %dma_wait3A_337 : memref<1x64xi32, #tpu.memory_space<vmem>> -> memref<64xi32, #tpu.memory_space<vmem>>
      %dma_wait3A_339 = arith.constant 0 : i32
      %dma_wait3A_340 = arith.constant 0 : i32
      %dma_wait3A_341 = tpu.memref_slice %arg2[%dma_wait3A_339, %dma_wait3A_340] : memref<10000x128xf32, #tpu.memory_space<hbm>> -> memref<10000x128xf32, #tpu.memory_space<hbm>>
      tpu.wait_indirect_dma semaphore(%arg17 : memref<!tpu.dma_semaphore, #tpu.memory_space<semaphore_mem>>) src(%dma_wait3A_341 : memref<10000x128xf32, #tpu.memory_space<hbm>>) dst(%dma_wait3A_335 : memref<64x128xf32, #tpu.memory_space<vmem>>)
      %run_scoped3A_342 = arith.constant 5 : i32
      "tpu.region"() ({
        %run_scoped3A_762 = tpu.sem_alloc : memref<!tpu.dma_semaphore, #tpu.memory_space<semaphore_mem>>
        %dma_start3A_763 = arith.constant 0 : i32
        %dma_start3A_764 = tpu.memref_slice %arg9[%run_scoped3A_342, %dma_start3A_763] : memref<8x128xi32, #tpu.memory_space<vmem>> -> memref<1x128xi32, #tpu.memory_space<vmem>>
        %dma_start3A_765 = tpu.memref_squeeze %dma_start3A_764 : memref<1x128xi32, #tpu.memory_space<vmem>> -> memref<128xi32, #tpu.memory_space<vmem>>
        %dma_start3A_766 = arith.constant 0 : i32
        %dma_start3A_767 = arith.constant 0 : i32
        %dma_start3A_768 = tpu.memref_slice %arg7[%dma_start3A_766, %dma_start3A_767] : memref<10512x128xf32, #tpu.memory_space<vmem_shared>> -> memref<10512x128xf32, #tpu.memory_space<vmem_shared>>
        tpu.enqueue_indirect_dma source(%arg13 : memref<128x128xf32, #tpu.memory_space<vmem>>) target(%dma_start3A_768 : memref<10512x128xf32, #tpu.memory_space<vmem_shared>>) offsets(%dma_start3A_765 : memref<128xi32, #tpu.memory_space<vmem>>) semaphore(%run_scoped3A_762 : memref<!tpu.dma_semaphore, #tpu.memory_space<semaphore_mem>>) {add = true}
        %dma_wait3A_769 = arith.constant 0 : i32
        %dma_wait3A_770 = tpu.memref_slice %arg9[%run_scoped3A_342, %dma_wait3A_769] : memref<8x128xi32, #tpu.memory_space<vmem>> -> memref<1x128xi32, #tpu.memory_space<vmem>>
        %dma_wait3A_771 = tpu.memref_squeeze %dma_wait3A_770 : memref<1x128xi32, #tpu.memory_space<vmem>> -> memref<128xi32, #tpu.memory_space<vmem>>
        %dma_wait3A_772 = arith.constant 0 : i32
        %dma_wait3A_773 = arith.constant 0 : i32
        %dma_wait3A_774 = tpu.memref_slice %arg7[%dma_wait3A_772, %dma_wait3A_773] : memref<10512x128xf32, #tpu.memory_space<vmem_shared>> -> memref<10512x128xf32, #tpu.memory_space<vmem_shared>>
        tpu.wait_indirect_dma semaphore(%run_scoped3A_762 : memref<!tpu.dma_semaphore, #tpu.memory_space<semaphore_mem>>) src(%arg13 : memref<128x128xf32, #tpu.memory_space<vmem>>) dst(%dma_wait3A_774 : memref<10512x128xf32, #tpu.memory_space<vmem_shared>>)
        tpu.yield
      }) : () -> ()
      %dma_start3A_343 = arith.constant 7 : i32
      %dma_start3A_344 = arith.constant 0 : i32
      %dma_start3A_345 = arith.constant 0 : i32
      %dma_start3A_346 = tpu.memref_slice %arg13[%dma_start3A_344, %dma_start3A_345] : memref<128x128xf32, #tpu.memory_space<vmem>> -> memref<64x128xf32, #tpu.memory_space<vmem>>
      %dma_start3A_347 = arith.constant 0 : i32
      %dma_start3A_348 = tpu.memref_slice %arg8[%dma_start3A_343, %dma_start3A_347] : memref<8x128xi32, #tpu.memory_space<vmem>> -> memref<1x64xi32, #tpu.memory_space<vmem>>
      %dma_start3A_349 = tpu.memref_squeeze %dma_start3A_348 : memref<1x64xi32, #tpu.memory_space<vmem>> -> memref<64xi32, #tpu.memory_space<vmem>>
      %dma_start3A_350 = arith.constant 0 : i32
      %dma_start3A_351 = arith.constant 0 : i32
      %dma_start3A_352 = tpu.memref_slice %arg2[%dma_start3A_350, %dma_start3A_351] : memref<10000x128xf32, #tpu.memory_space<hbm>> -> memref<10000x128xf32, #tpu.memory_space<hbm>>
      tpu.enqueue_indirect_dma source(%dma_start3A_352 : memref<10000x128xf32, #tpu.memory_space<hbm>>) target(%dma_start3A_346 : memref<64x128xf32, #tpu.memory_space<vmem>>) offsets(%dma_start3A_349 : memref<64xi32, #tpu.memory_space<vmem>>) semaphore(%arg17 : memref<!tpu.dma_semaphore, #tpu.memory_space<semaphore_mem>>)
      %dma_start3A_353 = arith.constant 7 : i32
      %dma_start3A_354 = arith.constant 64 : i32
      %dma_start3A_355 = arith.constant 0 : i32
      %dma_start3A_356 = tpu.memref_slice %arg13[%dma_start3A_354, %dma_start3A_355] : memref<128x128xf32, #tpu.memory_space<vmem>> -> memref<64x128xf32, #tpu.memory_space<vmem>>
      %dma_start3A_357 = arith.constant 64 : i32
      %dma_start3A_358 = tpu.memref_slice %arg8[%dma_start3A_353, %dma_start3A_357] : memref<8x128xi32, #tpu.memory_space<vmem>> -> memref<1x64xi32, #tpu.memory_space<vmem>>
      %dma_start3A_359 = tpu.memref_squeeze %dma_start3A_358 : memref<1x64xi32, #tpu.memory_space<vmem>> -> memref<64xi32, #tpu.memory_space<vmem>>
      %dma_start3A_360 = arith.constant 0 : i32
      %dma_start3A_361 = arith.constant 0 : i32
      %dma_start3A_362 = tpu.memref_slice %arg2[%dma_start3A_360, %dma_start3A_361] : memref<10000x128xf32, #tpu.memory_space<hbm>> -> memref<10000x128xf32, #tpu.memory_space<hbm>>
      tpu.enqueue_indirect_dma source(%dma_start3A_362 : memref<10000x128xf32, #tpu.memory_space<hbm>>) target(%dma_start3A_356 : memref<64x128xf32, #tpu.memory_space<vmem>>) offsets(%dma_start3A_359 : memref<64xi32, #tpu.memory_space<vmem>>) semaphore(%arg17 : memref<!tpu.dma_semaphore, #tpu.memory_space<semaphore_mem>>)
      %dma_wait3A_363 = arith.constant 6 : i32
      %dma_wait3A_364 = arith.constant 0 : i32
      %dma_wait3A_365 = arith.constant 0 : i32
      %dma_wait3A_366 = tpu.memref_slice %arg12[%dma_wait3A_364, %dma_wait3A_365] : memref<128x128xf32, #tpu.memory_space<vmem>> -> memref<64x128xf32, #tpu.memory_space<vmem>>
      %dma_wait3A_367 = arith.constant 0 : i32
      %dma_wait3A_368 = tpu.memref_slice %arg8[%dma_wait3A_363, %dma_wait3A_367] : memref<8x128xi32, #tpu.memory_space<vmem>> -> memref<1x64xi32, #tpu.memory_space<vmem>>
      %dma_wait3A_369 = tpu.memref_squeeze %dma_wait3A_368 : memref<1x64xi32, #tpu.memory_space<vmem>> -> memref<64xi32, #tpu.memory_space<vmem>>
      %dma_wait3A_370 = arith.constant 0 : i32
      %dma_wait3A_371 = arith.constant 0 : i32
      %dma_wait3A_372 = tpu.memref_slice %arg2[%dma_wait3A_370, %dma_wait3A_371] : memref<10000x128xf32, #tpu.memory_space<hbm>> -> memref<10000x128xf32, #tpu.memory_space<hbm>>
      tpu.wait_indirect_dma semaphore(%arg16 : memref<!tpu.dma_semaphore, #tpu.memory_space<semaphore_mem>>) src(%dma_wait3A_372 : memref<10000x128xf32, #tpu.memory_space<hbm>>) dst(%dma_wait3A_366 : memref<64x128xf32, #tpu.memory_space<vmem>>)
      %dma_wait3A_373 = arith.constant 6 : i32
      %dma_wait3A_374 = arith.constant 64 : i32
      %dma_wait3A_375 = arith.constant 0 : i32
      %dma_wait3A_376 = tpu.memref_slice %arg12[%dma_wait3A_374, %dma_wait3A_375] : memref<128x128xf32, #tpu.memory_space<vmem>> -> memref<64x128xf32, #tpu.memory_space<vmem>>
      %dma_wait3A_377 = arith.constant 64 : i32
      %dma_wait3A_378 = tpu.memref_slice %arg8[%dma_wait3A_373, %dma_wait3A_377] : memref<8x128xi32, #tpu.memory_space<vmem>> -> memref<1x64xi32, #tpu.memory_space<vmem>>
      %dma_wait3A_379 = tpu.memref_squeeze %dma_wait3A_378 : memref<1x64xi32, #tpu.memory_space<vmem>> -> memref<64xi32, #tpu.memory_space<vmem>>
      %dma_wait3A_380 = arith.constant 0 : i32
      %dma_wait3A_381 = arith.constant 0 : i32
      %dma_wait3A_382 = tpu.memref_slice %arg2[%dma_wait3A_380, %dma_wait3A_381] : memref<10000x128xf32, #tpu.memory_space<hbm>> -> memref<10000x128xf32, #tpu.memory_space<hbm>>
      tpu.wait_indirect_dma semaphore(%arg16 : memref<!tpu.dma_semaphore, #tpu.memory_space<semaphore_mem>>) src(%dma_wait3A_382 : memref<10000x128xf32, #tpu.memory_space<hbm>>) dst(%dma_wait3A_376 : memref<64x128xf32, #tpu.memory_space<vmem>>)
      %run_scoped3A_383 = arith.constant 6 : i32
      "tpu.region"() ({
        %run_scoped3A_762 = tpu.sem_alloc : memref<!tpu.dma_semaphore, #tpu.memory_space<semaphore_mem>>
        %dma_start3A_763 = arith.constant 0 : i32
        %dma_start3A_764 = tpu.memref_slice %arg9[%run_scoped3A_383, %dma_start3A_763] : memref<8x128xi32, #tpu.memory_space<vmem>> -> memref<1x128xi32, #tpu.memory_space<vmem>>
        %dma_start3A_765 = tpu.memref_squeeze %dma_start3A_764 : memref<1x128xi32, #tpu.memory_space<vmem>> -> memref<128xi32, #tpu.memory_space<vmem>>
        %dma_start3A_766 = arith.constant 0 : i32
        %dma_start3A_767 = arith.constant 0 : i32
        %dma_start3A_768 = tpu.memref_slice %arg7[%dma_start3A_766, %dma_start3A_767] : memref<10512x128xf32, #tpu.memory_space<vmem_shared>> -> memref<10512x128xf32, #tpu.memory_space<vmem_shared>>
        tpu.enqueue_indirect_dma source(%arg12 : memref<128x128xf32, #tpu.memory_space<vmem>>) target(%dma_start3A_768 : memref<10512x128xf32, #tpu.memory_space<vmem_shared>>) offsets(%dma_start3A_765 : memref<128xi32, #tpu.memory_space<vmem>>) semaphore(%run_scoped3A_762 : memref<!tpu.dma_semaphore, #tpu.memory_space<semaphore_mem>>) {add = true}
        %dma_wait3A_769 = arith.constant 0 : i32
        %dma_wait3A_770 = tpu.memref_slice %arg9[%run_scoped3A_383, %dma_wait3A_769] : memref<8x128xi32, #tpu.memory_space<vmem>> -> memref<1x128xi32, #tpu.memory_space<vmem>>
        %dma_wait3A_771 = tpu.memref_squeeze %dma_wait3A_770 : memref<1x128xi32, #tpu.memory_space<vmem>> -> memref<128xi32, #tpu.memory_space<vmem>>
        %dma_wait3A_772 = arith.constant 0 : i32
        %dma_wait3A_773 = arith.constant 0 : i32
        %dma_wait3A_774 = tpu.memref_slice %arg7[%dma_wait3A_772, %dma_wait3A_773] : memref<10512x128xf32, #tpu.memory_space<vmem_shared>> -> memref<10512x128xf32, #tpu.memory_space<vmem_shared>>
        tpu.wait_indirect_dma semaphore(%run_scoped3A_762 : memref<!tpu.dma_semaphore, #tpu.memory_space<semaphore_mem>>) src(%arg12 : memref<128x128xf32, #tpu.memory_space<vmem>>) dst(%dma_wait3A_774 : memref<10512x128xf32, #tpu.memory_space<vmem_shared>>)
        tpu.yield
      }) : () -> ()
      %add3A_384 = arith.constant 1 : i32
      %add3A_385 = arith.addi %mul3A_77, %add3A_384 : i32
      %dma_wait3A_386 = arith.constant 0 : i32
      %dma_wait3A_387 = arith.constant 0 : i32
      %dma_wait3A_388 = tpu.memref_slice %arg4[%add3A, %add3A_385, %dma_wait3A_386, %dma_wait3A_387] : memref<32x10x8x128xi32, #tpu.memory_space<hbm>> -> memref<1x1x8x128xi32, #tpu.memory_space<hbm>>
      %dma_wait3A_389 = tpu.memref_squeeze %dma_wait3A_388 : memref<1x1x8x128xi32, #tpu.memory_space<hbm>> -> memref<8x128xi32, #tpu.memory_space<hbm>>
      %dma_wait3A_390 = arith.constant 0 : i32
      %dma_wait3A_391 = arith.constant 0 : i32
      %dma_wait3A_392 = tpu.memref_slice %arg4[%add3A, %add3A_385, %dma_wait3A_390, %dma_wait3A_391] : memref<32x10x8x128xi32, #tpu.memory_space<hbm>> -> memref<1x1x8x128xi32, #tpu.memory_space<hbm>>
      %dma_wait3A_393 = tpu.memref_squeeze %dma_wait3A_392 : memref<1x1x8x128xi32, #tpu.memory_space<hbm>> -> memref<8x128xi32, #tpu.memory_space<hbm>>
      tpu.wait_dma2 semaphore(%arg15 : memref<!tpu.dma_semaphore, #tpu.memory_space<semaphore_mem>>) src(%dma_wait3A_393 : memref<8x128xi32, #tpu.memory_space<hbm>>) dst(%arg10 : memref<8x128xi32, #tpu.memory_space<vmem>>)
      %add3A_394 = arith.constant 1 : i32
      %add3A_395 = arith.addi %mul3A_77, %add3A_394 : i32
      %dma_wait3A_396 = arith.constant 0 : i32
      %dma_wait3A_397 = arith.constant 0 : i32
      %dma_wait3A_398 = tpu.memref_slice %arg5[%add3A, %add3A_395, %dma_wait3A_396, %dma_wait3A_397] : memref<32x10x8x128xi32, #tpu.memory_space<hbm>> -> memref<1x1x8x128xi32, #tpu.memory_space<hbm>>
      %dma_wait3A_399 = tpu.memref_squeeze %dma_wait3A_398 : memref<1x1x8x128xi32, #tpu.memory_space<hbm>> -> memref<8x128xi32, #tpu.memory_space<hbm>>
      %dma_wait3A_400 = arith.constant 0 : i32
      %dma_wait3A_401 = arith.constant 0 : i32
      %dma_wait3A_402 = tpu.memref_slice %arg5[%add3A, %add3A_395, %dma_wait3A_400, %dma_wait3A_401] : memref<32x10x8x128xi32, #tpu.memory_space<hbm>> -> memref<1x1x8x128xi32, #tpu.memory_space<hbm>>
      %dma_wait3A_403 = tpu.memref_squeeze %dma_wait3A_402 : memref<1x1x8x128xi32, #tpu.memory_space<hbm>> -> memref<8x128xi32, #tpu.memory_space<hbm>>
      tpu.wait_dma2 semaphore(%arg15 : memref<!tpu.dma_semaphore, #tpu.memory_space<semaphore_mem>>) src(%dma_wait3A_403 : memref<8x128xi32, #tpu.memory_space<hbm>>) dst(%arg11 : memref<8x128xi32, #tpu.memory_space<vmem>>)
      %dma_start3A_404 = arith.constant 0 : i32
      %dma_start3A_405 = arith.constant 0 : i32
      %dma_start3A_406 = arith.constant 0 : i32
      %dma_start3A_407 = tpu.memref_slice %arg12[%dma_start3A_405, %dma_start3A_406] : memref<128x128xf32, #tpu.memory_space<vmem>> -> memref<64x128xf32, #tpu.memory_space<vmem>>
      %dma_start3A_408 = arith.constant 0 : i32
      %dma_start3A_409 = tpu.memref_slice %arg10[%dma_start3A_404, %dma_start3A_408] : memref<8x128xi32, #tpu.memory_space<vmem>> -> memref<1x64xi32, #tpu.memory_space<vmem>>
      %dma_start3A_410 = tpu.memref_squeeze %dma_start3A_409 : memref<1x64xi32, #tpu.memory_space<vmem>> -> memref<64xi32, #tpu.memory_space<vmem>>
      %dma_start3A_411 = arith.constant 0 : i32
      %dma_start3A_412 = arith.constant 0 : i32
      %dma_start3A_413 = tpu.memref_slice %arg2[%dma_start3A_411, %dma_start3A_412] : memref<10000x128xf32, #tpu.memory_space<hbm>> -> memref<10000x128xf32, #tpu.memory_space<hbm>>
      tpu.enqueue_indirect_dma source(%dma_start3A_413 : memref<10000x128xf32, #tpu.memory_space<hbm>>) target(%dma_start3A_407 : memref<64x128xf32, #tpu.memory_space<vmem>>) offsets(%dma_start3A_410 : memref<64xi32, #tpu.memory_space<vmem>>) semaphore(%arg16 : memref<!tpu.dma_semaphore, #tpu.memory_space<semaphore_mem>>)
      %dma_start3A_414 = arith.constant 0 : i32
      %dma_start3A_415 = arith.constant 64 : i32
      %dma_start3A_416 = arith.constant 0 : i32
      %dma_start3A_417 = tpu.memref_slice %arg12[%dma_start3A_415, %dma_start3A_416] : memref<128x128xf32, #tpu.memory_space<vmem>> -> memref<64x128xf32, #tpu.memory_space<vmem>>
      %dma_start3A_418 = arith.constant 64 : i32
      %dma_start3A_419 = tpu.memref_slice %arg10[%dma_start3A_414, %dma_start3A_418] : memref<8x128xi32, #tpu.memory_space<vmem>> -> memref<1x64xi32, #tpu.memory_space<vmem>>
      %dma_start3A_420 = tpu.memref_squeeze %dma_start3A_419 : memref<1x64xi32, #tpu.memory_space<vmem>> -> memref<64xi32, #tpu.memory_space<vmem>>
      %dma_start3A_421 = arith.constant 0 : i32
      %dma_start3A_422 = arith.constant 0 : i32
      %dma_start3A_423 = tpu.memref_slice %arg2[%dma_start3A_421, %dma_start3A_422] : memref<10000x128xf32, #tpu.memory_space<hbm>> -> memref<10000x128xf32, #tpu.memory_space<hbm>>
      tpu.enqueue_indirect_dma source(%dma_start3A_423 : memref<10000x128xf32, #tpu.memory_space<hbm>>) target(%dma_start3A_417 : memref<64x128xf32, #tpu.memory_space<vmem>>) offsets(%dma_start3A_420 : memref<64xi32, #tpu.memory_space<vmem>>) semaphore(%arg16 : memref<!tpu.dma_semaphore, #tpu.memory_space<semaphore_mem>>)
      %dma_wait3A_424 = arith.constant 7 : i32
      %dma_wait3A_425 = arith.constant 0 : i32
      %dma_wait3A_426 = arith.constant 0 : i32
      %dma_wait3A_427 = tpu.memref_slice %arg13[%dma_wait3A_425, %dma_wait3A_426] : memref<128x128xf32, #tpu.memory_space<vmem>> -> memref<64x128xf32, #tpu.memory_space<vmem>>
      %dma_wait3A_428 = arith.constant 0 : i32
      %dma_wait3A_429 = tpu.memref_slice %arg8[%dma_wait3A_424, %dma_wait3A_428] : memref<8x128xi32, #tpu.memory_space<vmem>> -> memref<1x64xi32, #tpu.memory_space<vmem>>
      %dma_wait3A_430 = tpu.memref_squeeze %dma_wait3A_429 : memref<1x64xi32, #tpu.memory_space<vmem>> -> memref<64xi32, #tpu.memory_space<vmem>>
      %dma_wait3A_431 = arith.constant 0 : i32
      %dma_wait3A_432 = arith.constant 0 : i32
      %dma_wait3A_433 = tpu.memref_slice %arg2[%dma_wait3A_431, %dma_wait3A_432] : memref<10000x128xf32, #tpu.memory_space<hbm>> -> memref<10000x128xf32, #tpu.memory_space<hbm>>
      tpu.wait_indirect_dma semaphore(%arg17 : memref<!tpu.dma_semaphore, #tpu.memory_space<semaphore_mem>>) src(%dma_wait3A_433 : memref<10000x128xf32, #tpu.memory_space<hbm>>) dst(%dma_wait3A_427 : memref<64x128xf32, #tpu.memory_space<vmem>>)
      %dma_wait3A_434 = arith.constant 7 : i32
      %dma_wait3A_435 = arith.constant 64 : i32
      %dma_wait3A_436 = arith.constant 0 : i32
      %dma_wait3A_437 = tpu.memref_slice %arg13[%dma_wait3A_435, %dma_wait3A_436] : memref<128x128xf32, #tpu.memory_space<vmem>> -> memref<64x128xf32, #tpu.memory_space<vmem>>
      %dma_wait3A_438 = arith.constant 64 : i32
      %dma_wait3A_439 = tpu.memref_slice %arg8[%dma_wait3A_434, %dma_wait3A_438] : memref<8x128xi32, #tpu.memory_space<vmem>> -> memref<1x64xi32, #tpu.memory_space<vmem>>
      %dma_wait3A_440 = tpu.memref_squeeze %dma_wait3A_439 : memref<1x64xi32, #tpu.memory_space<vmem>> -> memref<64xi32, #tpu.memory_space<vmem>>
      %dma_wait3A_441 = arith.constant 0 : i32
      %dma_wait3A_442 = arith.constant 0 : i32
      %dma_wait3A_443 = tpu.memref_slice %arg2[%dma_wait3A_441, %dma_wait3A_442] : memref<10000x128xf32, #tpu.memory_space<hbm>> -> memref<10000x128xf32, #tpu.memory_space<hbm>>
      tpu.wait_indirect_dma semaphore(%arg17 : memref<!tpu.dma_semaphore, #tpu.memory_space<semaphore_mem>>) src(%dma_wait3A_443 : memref<10000x128xf32, #tpu.memory_space<hbm>>) dst(%dma_wait3A_437 : memref<64x128xf32, #tpu.memory_space<vmem>>)
      %run_scoped3A_444 = arith.constant 7 : i32
      "tpu.region"() ({
        %run_scoped3A_762 = tpu.sem_alloc : memref<!tpu.dma_semaphore, #tpu.memory_space<semaphore_mem>>
        %dma_start3A_763 = arith.constant 0 : i32
        %dma_start3A_764 = tpu.memref_slice %arg9[%run_scoped3A_444, %dma_start3A_763] : memref<8x128xi32, #tpu.memory_space<vmem>> -> memref<1x128xi32, #tpu.memory_space<vmem>>
        %dma_start3A_765 = tpu.memref_squeeze %dma_start3A_764 : memref<1x128xi32, #tpu.memory_space<vmem>> -> memref<128xi32, #tpu.memory_space<vmem>>
        %dma_start3A_766 = arith.constant 0 : i32
        %dma_start3A_767 = arith.constant 0 : i32
        %dma_start3A_768 = tpu.memref_slice %arg7[%dma_start3A_766, %dma_start3A_767] : memref<10512x128xf32, #tpu.memory_space<vmem_shared>> -> memref<10512x128xf32, #tpu.memory_space<vmem_shared>>
        tpu.enqueue_indirect_dma source(%arg13 : memref<128x128xf32, #tpu.memory_space<vmem>>) target(%dma_start3A_768 : memref<10512x128xf32, #tpu.memory_space<vmem_shared>>) offsets(%dma_start3A_765 : memref<128xi32, #tpu.memory_space<vmem>>) semaphore(%run_scoped3A_762 : memref<!tpu.dma_semaphore, #tpu.memory_space<semaphore_mem>>) {add = true}
        %dma_wait3A_769 = arith.constant 0 : i32
        %dma_wait3A_770 = tpu.memref_slice %arg9[%run_scoped3A_444, %dma_wait3A_769] : memref<8x128xi32, #tpu.memory_space<vmem>> -> memref<1x128xi32, #tpu.memory_space<vmem>>
        %dma_wait3A_771 = tpu.memref_squeeze %dma_wait3A_770 : memref<1x128xi32, #tpu.memory_space<vmem>> -> memref<128xi32, #tpu.memory_space<vmem>>
        %dma_wait3A_772 = arith.constant 0 : i32
        %dma_wait3A_773 = arith.constant 0 : i32
        %dma_wait3A_774 = tpu.memref_slice %arg7[%dma_wait3A_772, %dma_wait3A_773] : memref<10512x128xf32, #tpu.memory_space<vmem_shared>> -> memref<10512x128xf32, #tpu.memory_space<vmem_shared>>
        tpu.wait_indirect_dma semaphore(%run_scoped3A_762 : memref<!tpu.dma_semaphore, #tpu.memory_space<semaphore_mem>>) src(%arg13 : memref<128x128xf32, #tpu.memory_space<vmem>>) dst(%dma_wait3A_774 : memref<10512x128xf32, #tpu.memory_space<vmem_shared>>)
        tpu.yield
      }) : () -> ()
      %lt3A = arith.constant 4 : i32
      %lt3A_445 = arith.cmpi slt, %scan3A_75, %lt3A : i32
      %convert_element_type3A_446 = arith.extui %lt3A_445 : i1 to i32
      %cond3A_447 = arith.constant 0 : i32
      %cond3A_448 = arith.cmpi ne, %convert_element_type3A_446, %cond3A_447 : i32
      scf.if %cond3A_448 {
        %add3A_762 = arith.constant 2 : i32
        %add3A_763 = arith.addi %mul3A_77, %add3A_762 : i32
        %dma_start3A_764 = arith.constant 0 : i32
        %dma_start3A_765 = arith.constant 0 : i32
        %dma_start3A_766 = tpu.memref_slice %arg4[%add3A, %add3A_763, %dma_start3A_764, %dma_start3A_765] : memref<32x10x8x128xi32, #tpu.memory_space<hbm>> -> memref<1x1x8x128xi32, #tpu.memory_space<hbm>>
        %dma_start3A_767 = tpu.memref_squeeze %dma_start3A_766 : memref<1x1x8x128xi32, #tpu.memory_space<hbm>> -> memref<8x128xi32, #tpu.memory_space<hbm>>
        %dma_start3A_768 = arith.constant 0 : i32
        %dma_start3A_769 = arith.constant 0 : i32
        %dma_start3A_770 = tpu.memref_slice %arg4[%add3A, %add3A_763, %dma_start3A_768, %dma_start3A_769] : memref<32x10x8x128xi32, #tpu.memory_space<hbm>> -> memref<1x1x8x128xi32, #tpu.memory_space<hbm>>
        %dma_start3A_771 = tpu.memref_squeeze %dma_start3A_770 : memref<1x1x8x128xi32, #tpu.memory_space<hbm>> -> memref<8x128xi32, #tpu.memory_space<hbm>>
        tpu.enqueue_dma source(%dma_start3A_771 : memref<8x128xi32, #tpu.memory_space<hbm>>) target(%arg8 : memref<8x128xi32, #tpu.memory_space<vmem>>) target_semaphore(%arg14 : memref<!tpu.dma_semaphore, #tpu.memory_space<semaphore_mem>>)
        %add3A_772 = arith.constant 2 : i32
        %add3A_773 = arith.addi %mul3A_77, %add3A_772 : i32
        %dma_start3A_774 = arith.constant 0 : i32
        %dma_start3A_775 = arith.constant 0 : i32
        %dma_start3A_776 = tpu.memref_slice %arg5[%add3A, %add3A_773, %dma_start3A_774, %dma_start3A_775] : memref<32x10x8x128xi32, #tpu.memory_space<hbm>> -> memref<1x1x8x128xi32, #tpu.memory_space<hbm>>
        %dma_start3A_777 = tpu.memref_squeeze %dma_start3A_776 : memref<1x1x8x128xi32, #tpu.memory_space<hbm>> -> memref<8x128xi32, #tpu.memory_space<hbm>>
        %dma_start3A_778 = arith.constant 0 : i32
        %dma_start3A_779 = arith.constant 0 : i32
        %dma_start3A_780 = tpu.memref_slice %arg5[%add3A, %add3A_773, %dma_start3A_778, %dma_start3A_779] : memref<32x10x8x128xi32, #tpu.memory_space<hbm>> -> memref<1x1x8x128xi32, #tpu.memory_space<hbm>>
        %dma_start3A_781 = tpu.memref_squeeze %dma_start3A_780 : memref<1x1x8x128xi32, #tpu.memory_space<hbm>> -> memref<8x128xi32, #tpu.memory_space<hbm>>
        tpu.enqueue_dma source(%dma_start3A_781 : memref<8x128xi32, #tpu.memory_space<hbm>>) target(%arg9 : memref<8x128xi32, #tpu.memory_space<vmem>>) target_semaphore(%arg14 : memref<!tpu.dma_semaphore, #tpu.memory_space<semaphore_mem>>)
      } else {
      }
      %dma_start3A_449 = arith.constant 1 : i32
      %dma_start3A_450 = arith.constant 0 : i32
      %dma_start3A_451 = arith.constant 0 : i32
      %dma_start3A_452 = tpu.memref_slice %arg13[%dma_start3A_450, %dma_start3A_451] : memref<128x128xf32, #tpu.memory_space<vmem>> -> memref<64x128xf32, #tpu.memory_space<vmem>>
      %dma_start3A_453 = arith.constant 0 : i32
      %dma_start3A_454 = tpu.memref_slice %arg10[%dma_start3A_449, %dma_start3A_453] : memref<8x128xi32, #tpu.memory_space<vmem>> -> memref<1x64xi32, #tpu.memory_space<vmem>>
      %dma_start3A_455 = tpu.memref_squeeze %dma_start3A_454 : memref<1x64xi32, #tpu.memory_space<vmem>> -> memref<64xi32, #tpu.memory_space<vmem>>
      %dma_start3A_456 = arith.constant 0 : i32
      %dma_start3A_457 = arith.constant 0 : i32
      %dma_start3A_458 = tpu.memref_slice %arg2[%dma_start3A_456, %dma_start3A_457] : memref<10000x128xf32, #tpu.memory_space<hbm>> -> memref<10000x128xf32, #tpu.memory_space<hbm>>
      tpu.enqueue_indirect_dma source(%dma_start3A_458 : memref<10000x128xf32, #tpu.memory_space<hbm>>) target(%dma_start3A_452 : memref<64x128xf32, #tpu.memory_space<vmem>>) offsets(%dma_start3A_455 : memref<64xi32, #tpu.memory_space<vmem>>) semaphore(%arg17 : memref<!tpu.dma_semaphore, #tpu.memory_space<semaphore_mem>>)
      %dma_start3A_459 = arith.constant 1 : i32
      %dma_start3A_460 = arith.constant 64 : i32
      %dma_start3A_461 = arith.constant 0 : i32
      %dma_start3A_462 = tpu.memref_slice %arg13[%dma_start3A_460, %dma_start3A_461] : memref<128x128xf32, #tpu.memory_space<vmem>> -> memref<64x128xf32, #tpu.memory_space<vmem>>
      %dma_start3A_463 = arith.constant 64 : i32
      %dma_start3A_464 = tpu.memref_slice %arg10[%dma_start3A_459, %dma_start3A_463] : memref<8x128xi32, #tpu.memory_space<vmem>> -> memref<1x64xi32, #tpu.memory_space<vmem>>
      %dma_start3A_465 = tpu.memref_squeeze %dma_start3A_464 : memref<1x64xi32, #tpu.memory_space<vmem>> -> memref<64xi32, #tpu.memory_space<vmem>>
      %dma_start3A_466 = arith.constant 0 : i32
      %dma_start3A_467 = arith.constant 0 : i32
      %dma_start3A_468 = tpu.memref_slice %arg2[%dma_start3A_466, %dma_start3A_467] : memref<10000x128xf32, #tpu.memory_space<hbm>> -> memref<10000x128xf32, #tpu.memory_space<hbm>>
      tpu.enqueue_indirect_dma source(%dma_start3A_468 : memref<10000x128xf32, #tpu.memory_space<hbm>>) target(%dma_start3A_462 : memref<64x128xf32, #tpu.memory_space<vmem>>) offsets(%dma_start3A_465 : memref<64xi32, #tpu.memory_space<vmem>>) semaphore(%arg17 : memref<!tpu.dma_semaphore, #tpu.memory_space<semaphore_mem>>)
      %dma_wait3A_469 = arith.constant 0 : i32
      %dma_wait3A_470 = arith.constant 0 : i32
      %dma_wait3A_471 = arith.constant 0 : i32
      %dma_wait3A_472 = tpu.memref_slice %arg12[%dma_wait3A_470, %dma_wait3A_471] : memref<128x128xf32, #tpu.memory_space<vmem>> -> memref<64x128xf32, #tpu.memory_space<vmem>>
      %dma_wait3A_473 = arith.constant 0 : i32
      %dma_wait3A_474 = tpu.memref_slice %arg10[%dma_wait3A_469, %dma_wait3A_473] : memref<8x128xi32, #tpu.memory_space<vmem>> -> memref<1x64xi32, #tpu.memory_space<vmem>>
      %dma_wait3A_475 = tpu.memref_squeeze %dma_wait3A_474 : memref<1x64xi32, #tpu.memory_space<vmem>> -> memref<64xi32, #tpu.memory_space<vmem>>
      %dma_wait3A_476 = arith.constant 0 : i32
      %dma_wait3A_477 = arith.constant 0 : i32
      %dma_wait3A_478 = tpu.memref_slice %arg2[%dma_wait3A_476, %dma_wait3A_477] : memref<10000x128xf32, #tpu.memory_space<hbm>> -> memref<10000x128xf32, #tpu.memory_space<hbm>>
      tpu.wait_indirect_dma semaphore(%arg16 : memref<!tpu.dma_semaphore, #tpu.memory_space<semaphore_mem>>) src(%dma_wait3A_478 : memref<10000x128xf32, #tpu.memory_space<hbm>>) dst(%dma_wait3A_472 : memref<64x128xf32, #tpu.memory_space<vmem>>)
      %dma_wait3A_479 = arith.constant 0 : i32
      %dma_wait3A_480 = arith.constant 64 : i32
      %dma_wait3A_481 = arith.constant 0 : i32
      %dma_wait3A_482 = tpu.memref_slice %arg12[%dma_wait3A_480, %dma_wait3A_481] : memref<128x128xf32, #tpu.memory_space<vmem>> -> memref<64x128xf32, #tpu.memory_space<vmem>>
      %dma_wait3A_483 = arith.constant 64 : i32
      %dma_wait3A_484 = tpu.memref_slice %arg10[%dma_wait3A_479, %dma_wait3A_483] : memref<8x128xi32, #tpu.memory_space<vmem>> -> memref<1x64xi32, #tpu.memory_space<vmem>>
      %dma_wait3A_485 = tpu.memref_squeeze %dma_wait3A_484 : memref<1x64xi32, #tpu.memory_space<vmem>> -> memref<64xi32, #tpu.memory_space<vmem>>
      %dma_wait3A_486 = arith.constant 0 : i32
      %dma_wait3A_487 = arith.constant 0 : i32
      %dma_wait3A_488 = tpu.memref_slice %arg2[%dma_wait3A_486, %dma_wait3A_487] : memref<10000x128xf32, #tpu.memory_space<hbm>> -> memref<10000x128xf32, #tpu.memory_space<hbm>>
      tpu.wait_indirect_dma semaphore(%arg16 : memref<!tpu.dma_semaphore, #tpu.memory_space<semaphore_mem>>) src(%dma_wait3A_488 : memref<10000x128xf32, #tpu.memory_space<hbm>>) dst(%dma_wait3A_482 : memref<64x128xf32, #tpu.memory_space<vmem>>)
      %run_scoped3A_489 = arith.constant 0 : i32
      "tpu.region"() ({
        %run_scoped3A_762 = tpu.sem_alloc : memref<!tpu.dma_semaphore, #tpu.memory_space<semaphore_mem>>
        %dma_start3A_763 = arith.constant 0 : i32
        %dma_start3A_764 = tpu.memref_slice %arg11[%run_scoped3A_489, %dma_start3A_763] : memref<8x128xi32, #tpu.memory_space<vmem>> -> memref<1x128xi32, #tpu.memory_space<vmem>>
        %dma_start3A_765 = tpu.memref_squeeze %dma_start3A_764 : memref<1x128xi32, #tpu.memory_space<vmem>> -> memref<128xi32, #tpu.memory_space<vmem>>
        %dma_start3A_766 = arith.constant 0 : i32
        %dma_start3A_767 = arith.constant 0 : i32
        %dma_start3A_768 = tpu.memref_slice %arg7[%dma_start3A_766, %dma_start3A_767] : memref<10512x128xf32, #tpu.memory_space<vmem_shared>> -> memref<10512x128xf32, #tpu.memory_space<vmem_shared>>
        tpu.enqueue_indirect_dma source(%arg12 : memref<128x128xf32, #tpu.memory_space<vmem>>) target(%dma_start3A_768 : memref<10512x128xf32, #tpu.memory_space<vmem_shared>>) offsets(%dma_start3A_765 : memref<128xi32, #tpu.memory_space<vmem>>) semaphore(%run_scoped3A_762 : memref<!tpu.dma_semaphore, #tpu.memory_space<semaphore_mem>>) {add = true}
        %dma_wait3A_769 = arith.constant 0 : i32
        %dma_wait3A_770 = tpu.memref_slice %arg11[%run_scoped3A_489, %dma_wait3A_769] : memref<8x128xi32, #tpu.memory_space<vmem>> -> memref<1x128xi32, #tpu.memory_space<vmem>>
        %dma_wait3A_771 = tpu.memref_squeeze %dma_wait3A_770 : memref<1x128xi32, #tpu.memory_space<vmem>> -> memref<128xi32, #tpu.memory_space<vmem>>
        %dma_wait3A_772 = arith.constant 0 : i32
        %dma_wait3A_773 = arith.constant 0 : i32
        %dma_wait3A_774 = tpu.memref_slice %arg7[%dma_wait3A_772, %dma_wait3A_773] : memref<10512x128xf32, #tpu.memory_space<vmem_shared>> -> memref<10512x128xf32, #tpu.memory_space<vmem_shared>>
        tpu.wait_indirect_dma semaphore(%run_scoped3A_762 : memref<!tpu.dma_semaphore, #tpu.memory_space<semaphore_mem>>) src(%arg12 : memref<128x128xf32, #tpu.memory_space<vmem>>) dst(%dma_wait3A_774 : memref<10512x128xf32, #tpu.memory_space<vmem_shared>>)
        tpu.yield
      }) : () -> ()
      %dma_start3A_490 = arith.constant 2 : i32
      %dma_start3A_491 = arith.constant 0 : i32
      %dma_start3A_492 = arith.constant 0 : i32
      %dma_start3A_493 = tpu.memref_slice %arg12[%dma_start3A_491, %dma_start3A_492] : memref<128x128xf32, #tpu.memory_space<vmem>> -> memref<64x128xf32, #tpu.memory_space<vmem>>
      %dma_start3A_494 = arith.constant 0 : i32
      %dma_start3A_495 = tpu.memref_slice %arg10[%dma_start3A_490, %dma_start3A_494] : memref<8x128xi32, #tpu.memory_space<vmem>> -> memref<1x64xi32, #tpu.memory_space<vmem>>
      %dma_start3A_496 = tpu.memref_squeeze %dma_start3A_495 : memref<1x64xi32, #tpu.memory_space<vmem>> -> memref<64xi32, #tpu.memory_space<vmem>>
      %dma_start3A_497 = arith.constant 0 : i32
      %dma_start3A_498 = arith.constant 0 : i32
      %dma_start3A_499 = tpu.memref_slice %arg2[%dma_start3A_497, %dma_start3A_498] : memref<10000x128xf32, #tpu.memory_space<hbm>> -> memref<10000x128xf32, #tpu.memory_space<hbm>>
      tpu.enqueue_indirect_dma source(%dma_start3A_499 : memref<10000x128xf32, #tpu.memory_space<hbm>>) target(%dma_start3A_493 : memref<64x128xf32, #tpu.memory_space<vmem>>) offsets(%dma_start3A_496 : memref<64xi32, #tpu.memory_space<vmem>>) semaphore(%arg16 : memref<!tpu.dma_semaphore, #tpu.memory_space<semaphore_mem>>)
      %dma_start3A_500 = arith.constant 2 : i32
      %dma_start3A_501 = arith.constant 64 : i32
      %dma_start3A_502 = arith.constant 0 : i32
      %dma_start3A_503 = tpu.memref_slice %arg12[%dma_start3A_501, %dma_start3A_502] : memref<128x128xf32, #tpu.memory_space<vmem>> -> memref<64x128xf32, #tpu.memory_space<vmem>>
      %dma_start3A_504 = arith.constant 64 : i32
      %dma_start3A_505 = tpu.memref_slice %arg10[%dma_start3A_500, %dma_start3A_504] : memref<8x128xi32, #tpu.memory_space<vmem>> -> memref<1x64xi32, #tpu.memory_space<vmem>>
      %dma_start3A_506 = tpu.memref_squeeze %dma_start3A_505 : memref<1x64xi32, #tpu.memory_space<vmem>> -> memref<64xi32, #tpu.memory_space<vmem>>
      %dma_start3A_507 = arith.constant 0 : i32
      %dma_start3A_508 = arith.constant 0 : i32
      %dma_start3A_509 = tpu.memref_slice %arg2[%dma_start3A_507, %dma_start3A_508] : memref<10000x128xf32, #tpu.memory_space<hbm>> -> memref<10000x128xf32, #tpu.memory_space<hbm>>
      tpu.enqueue_indirect_dma source(%dma_start3A_509 : memref<10000x128xf32, #tpu.memory_space<hbm>>) target(%dma_start3A_503 : memref<64x128xf32, #tpu.memory_space<vmem>>) offsets(%dma_start3A_506 : memref<64xi32, #tpu.memory_space<vmem>>) semaphore(%arg16 : memref<!tpu.dma_semaphore, #tpu.memory_space<semaphore_mem>>)
      %dma_wait3A_510 = arith.constant 1 : i32
      %dma_wait3A_511 = arith.constant 0 : i32
      %dma_wait3A_512 = arith.constant 0 : i32
      %dma_wait3A_513 = tpu.memref_slice %arg13[%dma_wait3A_511, %dma_wait3A_512] : memref<128x128xf32, #tpu.memory_space<vmem>> -> memref<64x128xf32, #tpu.memory_space<vmem>>
      %dma_wait3A_514 = arith.constant 0 : i32
      %dma_wait3A_515 = tpu.memref_slice %arg10[%dma_wait3A_510, %dma_wait3A_514] : memref<8x128xi32, #tpu.memory_space<vmem>> -> memref<1x64xi32, #tpu.memory_space<vmem>>
      %dma_wait3A_516 = tpu.memref_squeeze %dma_wait3A_515 : memref<1x64xi32, #tpu.memory_space<vmem>> -> memref<64xi32, #tpu.memory_space<vmem>>
      %dma_wait3A_517 = arith.constant 0 : i32
      %dma_wait3A_518 = arith.constant 0 : i32
      %dma_wait3A_519 = tpu.memref_slice %arg2[%dma_wait3A_517, %dma_wait3A_518] : memref<10000x128xf32, #tpu.memory_space<hbm>> -> memref<10000x128xf32, #tpu.memory_space<hbm>>
      tpu.wait_indirect_dma semaphore(%arg17 : memref<!tpu.dma_semaphore, #tpu.memory_space<semaphore_mem>>) src(%dma_wait3A_519 : memref<10000x128xf32, #tpu.memory_space<hbm>>) dst(%dma_wait3A_513 : memref<64x128xf32, #tpu.memory_space<vmem>>)
      %dma_wait3A_520 = arith.constant 1 : i32
      %dma_wait3A_521 = arith.constant 64 : i32
      %dma_wait3A_522 = arith.constant 0 : i32
      %dma_wait3A_523 = tpu.memref_slice %arg13[%dma_wait3A_521, %dma_wait3A_522] : memref<128x128xf32, #tpu.memory_space<vmem>> -> memref<64x128xf32, #tpu.memory_space<vmem>>
      %dma_wait3A_524 = arith.constant 64 : i32
      %dma_wait3A_525 = tpu.memref_slice %arg10[%dma_wait3A_520, %dma_wait3A_524] : memref<8x128xi32, #tpu.memory_space<vmem>> -> memref<1x64xi32, #tpu.memory_space<vmem>>
      %dma_wait3A_526 = tpu.memref_squeeze %dma_wait3A_525 : memref<1x64xi32, #tpu.memory_space<vmem>> -> memref<64xi32, #tpu.memory_space<vmem>>
      %dma_wait3A_527 = arith.constant 0 : i32
      %dma_wait3A_528 = arith.constant 0 : i32
      %dma_wait3A_529 = tpu.memref_slice %arg2[%dma_wait3A_527, %dma_wait3A_528] : memref<10000x128xf32, #tpu.memory_space<hbm>> -> memref<10000x128xf32, #tpu.memory_space<hbm>>
      tpu.wait_indirect_dma semaphore(%arg17 : memref<!tpu.dma_semaphore, #tpu.memory_space<semaphore_mem>>) src(%dma_wait3A_529 : memref<10000x128xf32, #tpu.memory_space<hbm>>) dst(%dma_wait3A_523 : memref<64x128xf32, #tpu.memory_space<vmem>>)
      %run_scoped3A_530 = arith.constant 1 : i32
      "tpu.region"() ({
        %run_scoped3A_762 = tpu.sem_alloc : memref<!tpu.dma_semaphore, #tpu.memory_space<semaphore_mem>>
        %dma_start3A_763 = arith.constant 0 : i32
        %dma_start3A_764 = tpu.memref_slice %arg11[%run_scoped3A_530, %dma_start3A_763] : memref<8x128xi32, #tpu.memory_space<vmem>> -> memref<1x128xi32, #tpu.memory_space<vmem>>
        %dma_start3A_765 = tpu.memref_squeeze %dma_start3A_764 : memref<1x128xi32, #tpu.memory_space<vmem>> -> memref<128xi32, #tpu.memory_space<vmem>>
        %dma_start3A_766 = arith.constant 0 : i32
        %dma_start3A_767 = arith.constant 0 : i32
        %dma_start3A_768 = tpu.memref_slice %arg7[%dma_start3A_766, %dma_start3A_767] : memref<10512x128xf32, #tpu.memory_space<vmem_shared>> -> memref<10512x128xf32, #tpu.memory_space<vmem_shared>>
        tpu.enqueue_indirect_dma source(%arg13 : memref<128x128xf32, #tpu.memory_space<vmem>>) target(%dma_start3A_768 : memref<10512x128xf32, #tpu.memory_space<vmem_shared>>) offsets(%dma_start3A_765 : memref<128xi32, #tpu.memory_space<vmem>>) semaphore(%run_scoped3A_762 : memref<!tpu.dma_semaphore, #tpu.memory_space<semaphore_mem>>) {add = true}
        %dma_wait3A_769 = arith.constant 0 : i32
        %dma_wait3A_770 = tpu.memref_slice %arg11[%run_scoped3A_530, %dma_wait3A_769] : memref<8x128xi32, #tpu.memory_space<vmem>> -> memref<1x128xi32, #tpu.memory_space<vmem>>
        %dma_wait3A_771 = tpu.memref_squeeze %dma_wait3A_770 : memref<1x128xi32, #tpu.memory_space<vmem>> -> memref<128xi32, #tpu.memory_space<vmem>>
        %dma_wait3A_772 = arith.constant 0 : i32
        %dma_wait3A_773 = arith.constant 0 : i32
        %dma_wait3A_774 = tpu.memref_slice %arg7[%dma_wait3A_772, %dma_wait3A_773] : memref<10512x128xf32, #tpu.memory_space<vmem_shared>> -> memref<10512x128xf32, #tpu.memory_space<vmem_shared>>
        tpu.wait_indirect_dma semaphore(%run_scoped3A_762 : memref<!tpu.dma_semaphore, #tpu.memory_space<semaphore_mem>>) src(%arg13 : memref<128x128xf32, #tpu.memory_space<vmem>>) dst(%dma_wait3A_774 : memref<10512x128xf32, #tpu.memory_space<vmem_shared>>)
        tpu.yield
      }) : () -> ()
      %dma_start3A_531 = arith.constant 3 : i32
      %dma_start3A_532 = arith.constant 0 : i32
      %dma_start3A_533 = arith.constant 0 : i32
      %dma_start3A_534 = tpu.memref_slice %arg13[%dma_start3A_532, %dma_start3A_533] : memref<128x128xf32, #tpu.memory_space<vmem>> -> memref<64x128xf32, #tpu.memory_space<vmem>>
      %dma_start3A_535 = arith.constant 0 : i32
      %dma_start3A_536 = tpu.memref_slice %arg10[%dma_start3A_531, %dma_start3A_535] : memref<8x128xi32, #tpu.memory_space<vmem>> -> memref<1x64xi32, #tpu.memory_space<vmem>>
      %dma_start3A_537 = tpu.memref_squeeze %dma_start3A_536 : memref<1x64xi32, #tpu.memory_space<vmem>> -> memref<64xi32, #tpu.memory_space<vmem>>
      %dma_start3A_538 = arith.constant 0 : i32
      %dma_start3A_539 = arith.constant 0 : i32
      %dma_start3A_540 = tpu.memref_slice %arg2[%dma_start3A_538, %dma_start3A_539] : memref<10000x128xf32, #tpu.memory_space<hbm>> -> memref<10000x128xf32, #tpu.memory_space<hbm>>
      tpu.enqueue_indirect_dma source(%dma_start3A_540 : memref<10000x128xf32, #tpu.memory_space<hbm>>) target(%dma_start3A_534 : memref<64x128xf32, #tpu.memory_space<vmem>>) offsets(%dma_start3A_537 : memref<64xi32, #tpu.memory_space<vmem>>) semaphore(%arg17 : memref<!tpu.dma_semaphore, #tpu.memory_space<semaphore_mem>>)
      %dma_start3A_541 = arith.constant 3 : i32
      %dma_start3A_542 = arith.constant 64 : i32
      %dma_start3A_543 = arith.constant 0 : i32
      %dma_start3A_544 = tpu.memref_slice %arg13[%dma_start3A_542, %dma_start3A_543] : memref<128x128xf32, #tpu.memory_space<vmem>> -> memref<64x128xf32, #tpu.memory_space<vmem>>
      %dma_start3A_545 = arith.constant 64 : i32
      %dma_start3A_546 = tpu.memref_slice %arg10[%dma_start3A_541, %dma_start3A_545] : memref<8x128xi32, #tpu.memory_space<vmem>> -> memref<1x64xi32, #tpu.memory_space<vmem>>
      %dma_start3A_547 = tpu.memref_squeeze %dma_start3A_546 : memref<1x64xi32, #tpu.memory_space<vmem>> -> memref<64xi32, #tpu.memory_space<vmem>>
      %dma_start3A_548 = arith.constant 0 : i32
      %dma_start3A_549 = arith.constant 0 : i32
      %dma_start3A_550 = tpu.memref_slice %arg2[%dma_start3A_548, %dma_start3A_549] : memref<10000x128xf32, #tpu.memory_space<hbm>> -> memref<10000x128xf32, #tpu.memory_space<hbm>>
      tpu.enqueue_indirect_dma source(%dma_start3A_550 : memref<10000x128xf32, #tpu.memory_space<hbm>>) target(%dma_start3A_544 : memref<64x128xf32, #tpu.memory_space<vmem>>) offsets(%dma_start3A_547 : memref<64xi32, #tpu.memory_space<vmem>>) semaphore(%arg17 : memref<!tpu.dma_semaphore, #tpu.memory_space<semaphore_mem>>)
      %dma_wait3A_551 = arith.constant 2 : i32
      %dma_wait3A_552 = arith.constant 0 : i32
      %dma_wait3A_553 = arith.constant 0 : i32
      %dma_wait3A_554 = tpu.memref_slice %arg12[%dma_wait3A_552, %dma_wait3A_553] : memref<128x128xf32, #tpu.memory_space<vmem>> -> memref<64x128xf32, #tpu.memory_space<vmem>>
      %dma_wait3A_555 = arith.constant 0 : i32
      %dma_wait3A_556 = tpu.memref_slice %arg10[%dma_wait3A_551, %dma_wait3A_555] : memref<8x128xi32, #tpu.memory_space<vmem>> -> memref<1x64xi32, #tpu.memory_space<vmem>>
      %dma_wait3A_557 = tpu.memref_squeeze %dma_wait3A_556 : memref<1x64xi32, #tpu.memory_space<vmem>> -> memref<64xi32, #tpu.memory_space<vmem>>
      %dma_wait3A_558 = arith.constant 0 : i32
      %dma_wait3A_559 = arith.constant 0 : i32
      %dma_wait3A_560 = tpu.memref_slice %arg2[%dma_wait3A_558, %dma_wait3A_559] : memref<10000x128xf32, #tpu.memory_space<hbm>> -> memref<10000x128xf32, #tpu.memory_space<hbm>>
      tpu.wait_indirect_dma semaphore(%arg16 : memref<!tpu.dma_semaphore, #tpu.memory_space<semaphore_mem>>) src(%dma_wait3A_560 : memref<10000x128xf32, #tpu.memory_space<hbm>>) dst(%dma_wait3A_554 : memref<64x128xf32, #tpu.memory_space<vmem>>)
      %dma_wait3A_561 = arith.constant 2 : i32
      %dma_wait3A_562 = arith.constant 64 : i32
      %dma_wait3A_563 = arith.constant 0 : i32
      %dma_wait3A_564 = tpu.memref_slice %arg12[%dma_wait3A_562, %dma_wait3A_563] : memref<128x128xf32, #tpu.memory_space<vmem>> -> memref<64x128xf32, #tpu.memory_space<vmem>>
      %dma_wait3A_565 = arith.constant 64 : i32
      %dma_wait3A_566 = tpu.memref_slice %arg10[%dma_wait3A_561, %dma_wait3A_565] : memref<8x128xi32, #tpu.memory_space<vmem>> -> memref<1x64xi32, #tpu.memory_space<vmem>>
      %dma_wait3A_567 = tpu.memref_squeeze %dma_wait3A_566 : memref<1x64xi32, #tpu.memory_space<vmem>> -> memref<64xi32, #tpu.memory_space<vmem>>
      %dma_wait3A_568 = arith.constant 0 : i32
      %dma_wait3A_569 = arith.constant 0 : i32
      %dma_wait3A_570 = tpu.memref_slice %arg2[%dma_wait3A_568, %dma_wait3A_569] : memref<10000x128xf32, #tpu.memory_space<hbm>> -> memref<10000x128xf32, #tpu.memory_space<hbm>>
      tpu.wait_indirect_dma semaphore(%arg16 : memref<!tpu.dma_semaphore, #tpu.memory_space<semaphore_mem>>) src(%dma_wait3A_570 : memref<10000x128xf32, #tpu.memory_space<hbm>>) dst(%dma_wait3A_564 : memref<64x128xf32, #tpu.memory_space<vmem>>)
      %run_scoped3A_571 = arith.constant 2 : i32
      "tpu.region"() ({
        %run_scoped3A_762 = tpu.sem_alloc : memref<!tpu.dma_semaphore, #tpu.memory_space<semaphore_mem>>
        %dma_start3A_763 = arith.constant 0 : i32
        %dma_start3A_764 = tpu.memref_slice %arg11[%run_scoped3A_571, %dma_start3A_763] : memref<8x128xi32, #tpu.memory_space<vmem>> -> memref<1x128xi32, #tpu.memory_space<vmem>>
        %dma_start3A_765 = tpu.memref_squeeze %dma_start3A_764 : memref<1x128xi32, #tpu.memory_space<vmem>> -> memref<128xi32, #tpu.memory_space<vmem>>
        %dma_start3A_766 = arith.constant 0 : i32
        %dma_start3A_767 = arith.constant 0 : i32
        %dma_start3A_768 = tpu.memref_slice %arg7[%dma_start3A_766, %dma_start3A_767] : memref<10512x128xf32, #tpu.memory_space<vmem_shared>> -> memref<10512x128xf32, #tpu.memory_space<vmem_shared>>
        tpu.enqueue_indirect_dma source(%arg12 : memref<128x128xf32, #tpu.memory_space<vmem>>) target(%dma_start3A_768 : memref<10512x128xf32, #tpu.memory_space<vmem_shared>>) offsets(%dma_start3A_765 : memref<128xi32, #tpu.memory_space<vmem>>) semaphore(%run_scoped3A_762 : memref<!tpu.dma_semaphore, #tpu.memory_space<semaphore_mem>>) {add = true}
        %dma_wait3A_769 = arith.constant 0 : i32
        %dma_wait3A_770 = tpu.memref_slice %arg11[%run_scoped3A_571, %dma_wait3A_769] : memref<8x128xi32, #tpu.memory_space<vmem>> -> memref<1x128xi32, #tpu.memory_space<vmem>>
        %dma_wait3A_771 = tpu.memref_squeeze %dma_wait3A_770 : memref<1x128xi32, #tpu.memory_space<vmem>> -> memref<128xi32, #tpu.memory_space<vmem>>
        %dma_wait3A_772 = arith.constant 0 : i32
        %dma_wait3A_773 = arith.constant 0 : i32
        %dma_wait3A_774 = tpu.memref_slice %arg7[%dma_wait3A_772, %dma_wait3A_773] : memref<10512x128xf32, #tpu.memory_space<vmem_shared>> -> memref<10512x128xf32, #tpu.memory_space<vmem_shared>>
        tpu.wait_indirect_dma semaphore(%run_scoped3A_762 : memref<!tpu.dma_semaphore, #tpu.memory_space<semaphore_mem>>) src(%arg12 : memref<128x128xf32, #tpu.memory_space<vmem>>) dst(%dma_wait3A_774 : memref<10512x128xf32, #tpu.memory_space<vmem_shared>>)
        tpu.yield
      }) : () -> ()
      %dma_start3A_572 = arith.constant 4 : i32
      %dma_start3A_573 = arith.constant 0 : i32
      %dma_start3A_574 = arith.constant 0 : i32
      %dma_start3A_575 = tpu.memref_slice %arg12[%dma_start3A_573, %dma_start3A_574] : memref<128x128xf32, #tpu.memory_space<vmem>> -> memref<64x128xf32, #tpu.memory_space<vmem>>
      %dma_start3A_576 = arith.constant 0 : i32
      %dma_start3A_577 = tpu.memref_slice %arg10[%dma_start3A_572, %dma_start3A_576] : memref<8x128xi32, #tpu.memory_space<vmem>> -> memref<1x64xi32, #tpu.memory_space<vmem>>
      %dma_start3A_578 = tpu.memref_squeeze %dma_start3A_577 : memref<1x64xi32, #tpu.memory_space<vmem>> -> memref<64xi32, #tpu.memory_space<vmem>>
      %dma_start3A_579 = arith.constant 0 : i32
      %dma_start3A_580 = arith.constant 0 : i32
      %dma_start3A_581 = tpu.memref_slice %arg2[%dma_start3A_579, %dma_start3A_580] : memref<10000x128xf32, #tpu.memory_space<hbm>> -> memref<10000x128xf32, #tpu.memory_space<hbm>>
      tpu.enqueue_indirect_dma source(%dma_start3A_581 : memref<10000x128xf32, #tpu.memory_space<hbm>>) target(%dma_start3A_575 : memref<64x128xf32, #tpu.memory_space<vmem>>) offsets(%dma_start3A_578 : memref<64xi32, #tpu.memory_space<vmem>>) semaphore(%arg16 : memref<!tpu.dma_semaphore, #tpu.memory_space<semaphore_mem>>)
      %dma_start3A_582 = arith.constant 4 : i32
      %dma_start3A_583 = arith.constant 64 : i32
      %dma_start3A_584 = arith.constant 0 : i32
      %dma_start3A_585 = tpu.memref_slice %arg12[%dma_start3A_583, %dma_start3A_584] : memref<128x128xf32, #tpu.memory_space<vmem>> -> memref<64x128xf32, #tpu.memory_space<vmem>>
      %dma_start3A_586 = arith.constant 64 : i32
      %dma_start3A_587 = tpu.memref_slice %arg10[%dma_start3A_582, %dma_start3A_586] : memref<8x128xi32, #tpu.memory_space<vmem>> -> memref<1x64xi32, #tpu.memory_space<vmem>>
      %dma_start3A_588 = tpu.memref_squeeze %dma_start3A_587 : memref<1x64xi32, #tpu.memory_space<vmem>> -> memref<64xi32, #tpu.memory_space<vmem>>
      %dma_start3A_589 = arith.constant 0 : i32
      %dma_start3A_590 = arith.constant 0 : i32
      %dma_start3A_591 = tpu.memref_slice %arg2[%dma_start3A_589, %dma_start3A_590] : memref<10000x128xf32, #tpu.memory_space<hbm>> -> memref<10000x128xf32, #tpu.memory_space<hbm>>
      tpu.enqueue_indirect_dma source(%dma_start3A_591 : memref<10000x128xf32, #tpu.memory_space<hbm>>) target(%dma_start3A_585 : memref<64x128xf32, #tpu.memory_space<vmem>>) offsets(%dma_start3A_588 : memref<64xi32, #tpu.memory_space<vmem>>) semaphore(%arg16 : memref<!tpu.dma_semaphore, #tpu.memory_space<semaphore_mem>>)
      %dma_wait3A_592 = arith.constant 3 : i32
      %dma_wait3A_593 = arith.constant 0 : i32
      %dma_wait3A_594 = arith.constant 0 : i32
      %dma_wait3A_595 = tpu.memref_slice %arg13[%dma_wait3A_593, %dma_wait3A_594] : memref<128x128xf32, #tpu.memory_space<vmem>> -> memref<64x128xf32, #tpu.memory_space<vmem>>
      %dma_wait3A_596 = arith.constant 0 : i32
      %dma_wait3A_597 = tpu.memref_slice %arg10[%dma_wait3A_592, %dma_wait3A_596] : memref<8x128xi32, #tpu.memory_space<vmem>> -> memref<1x64xi32, #tpu.memory_space<vmem>>
      %dma_wait3A_598 = tpu.memref_squeeze %dma_wait3A_597 : memref<1x64xi32, #tpu.memory_space<vmem>> -> memref<64xi32, #tpu.memory_space<vmem>>
      %dma_wait3A_599 = arith.constant 0 : i32
      %dma_wait3A_600 = arith.constant 0 : i32
      %dma_wait3A_601 = tpu.memref_slice %arg2[%dma_wait3A_599, %dma_wait3A_600] : memref<10000x128xf32, #tpu.memory_space<hbm>> -> memref<10000x128xf32, #tpu.memory_space<hbm>>
      tpu.wait_indirect_dma semaphore(%arg17 : memref<!tpu.dma_semaphore, #tpu.memory_space<semaphore_mem>>) src(%dma_wait3A_601 : memref<10000x128xf32, #tpu.memory_space<hbm>>) dst(%dma_wait3A_595 : memref<64x128xf32, #tpu.memory_space<vmem>>)
      %dma_wait3A_602 = arith.constant 3 : i32
      %dma_wait3A_603 = arith.constant 64 : i32
      %dma_wait3A_604 = arith.constant 0 : i32
      %dma_wait3A_605 = tpu.memref_slice %arg13[%dma_wait3A_603, %dma_wait3A_604] : memref<128x128xf32, #tpu.memory_space<vmem>> -> memref<64x128xf32, #tpu.memory_space<vmem>>
      %dma_wait3A_606 = arith.constant 64 : i32
      %dma_wait3A_607 = tpu.memref_slice %arg10[%dma_wait3A_602, %dma_wait3A_606] : memref<8x128xi32, #tpu.memory_space<vmem>> -> memref<1x64xi32, #tpu.memory_space<vmem>>
      %dma_wait3A_608 = tpu.memref_squeeze %dma_wait3A_607 : memref<1x64xi32, #tpu.memory_space<vmem>> -> memref<64xi32, #tpu.memory_space<vmem>>
      %dma_wait3A_609 = arith.constant 0 : i32
      %dma_wait3A_610 = arith.constant 0 : i32
      %dma_wait3A_611 = tpu.memref_slice %arg2[%dma_wait3A_609, %dma_wait3A_610] : memref<10000x128xf32, #tpu.memory_space<hbm>> -> memref<10000x128xf32, #tpu.memory_space<hbm>>
      tpu.wait_indirect_dma semaphore(%arg17 : memref<!tpu.dma_semaphore, #tpu.memory_space<semaphore_mem>>) src(%dma_wait3A_611 : memref<10000x128xf32, #tpu.memory_space<hbm>>) dst(%dma_wait3A_605 : memref<64x128xf32, #tpu.memory_space<vmem>>)
      %run_scoped3A_612 = arith.constant 3 : i32
      "tpu.region"() ({
        %run_scoped3A_762 = tpu.sem_alloc : memref<!tpu.dma_semaphore, #tpu.memory_space<semaphore_mem>>
        %dma_start3A_763 = arith.constant 0 : i32
        %dma_start3A_764 = tpu.memref_slice %arg11[%run_scoped3A_612, %dma_start3A_763] : memref<8x128xi32, #tpu.memory_space<vmem>> -> memref<1x128xi32, #tpu.memory_space<vmem>>
        %dma_start3A_765 = tpu.memref_squeeze %dma_start3A_764 : memref<1x128xi32, #tpu.memory_space<vmem>> -> memref<128xi32, #tpu.memory_space<vmem>>
        %dma_start3A_766 = arith.constant 0 : i32
        %dma_start3A_767 = arith.constant 0 : i32
        %dma_start3A_768 = tpu.memref_slice %arg7[%dma_start3A_766, %dma_start3A_767] : memref<10512x128xf32, #tpu.memory_space<vmem_shared>> -> memref<10512x128xf32, #tpu.memory_space<vmem_shared>>
        tpu.enqueue_indirect_dma source(%arg13 : memref<128x128xf32, #tpu.memory_space<vmem>>) target(%dma_start3A_768 : memref<10512x128xf32, #tpu.memory_space<vmem_shared>>) offsets(%dma_start3A_765 : memref<128xi32, #tpu.memory_space<vmem>>) semaphore(%run_scoped3A_762 : memref<!tpu.dma_semaphore, #tpu.memory_space<semaphore_mem>>) {add = true}
        %dma_wait3A_769 = arith.constant 0 : i32
        %dma_wait3A_770 = tpu.memref_slice %arg11[%run_scoped3A_612, %dma_wait3A_769] : memref<8x128xi32, #tpu.memory_space<vmem>> -> memref<1x128xi32, #tpu.memory_space<vmem>>
        %dma_wait3A_771 = tpu.memref_squeeze %dma_wait3A_770 : memref<1x128xi32, #tpu.memory_space<vmem>> -> memref<128xi32, #tpu.memory_space<vmem>>
        %dma_wait3A_772 = arith.constant 0 : i32
        %dma_wait3A_773 = arith.constant 0 : i32
        %dma_wait3A_774 = tpu.memref_slice %arg7[%dma_wait3A_772, %dma_wait3A_773] : memref<10512x128xf32, #tpu.memory_space<vmem_shared>> -> memref<10512x128xf32, #tpu.memory_space<vmem_shared>>
        tpu.wait_indirect_dma semaphore(%run_scoped3A_762 : memref<!tpu.dma_semaphore, #tpu.memory_space<semaphore_mem>>) src(%arg13 : memref<128x128xf32, #tpu.memory_space<vmem>>) dst(%dma_wait3A_774 : memref<10512x128xf32, #tpu.memory_space<vmem_shared>>)
        tpu.yield
      }) : () -> ()
      %dma_start3A_613 = arith.constant 5 : i32
      %dma_start3A_614 = arith.constant 0 : i32
      %dma_start3A_615 = arith.constant 0 : i32
      %dma_start3A_616 = tpu.memref_slice %arg13[%dma_start3A_614, %dma_start3A_615] : memref<128x128xf32, #tpu.memory_space<vmem>> -> memref<64x128xf32, #tpu.memory_space<vmem>>
      %dma_start3A_617 = arith.constant 0 : i32
      %dma_start3A_618 = tpu.memref_slice %arg10[%dma_start3A_613, %dma_start3A_617] : memref<8x128xi32, #tpu.memory_space<vmem>> -> memref<1x64xi32, #tpu.memory_space<vmem>>
      %dma_start3A_619 = tpu.memref_squeeze %dma_start3A_618 : memref<1x64xi32, #tpu.memory_space<vmem>> -> memref<64xi32, #tpu.memory_space<vmem>>
      %dma_start3A_620 = arith.constant 0 : i32
      %dma_start3A_621 = arith.constant 0 : i32
      %dma_start3A_622 = tpu.memref_slice %arg2[%dma_start3A_620, %dma_start3A_621] : memref<10000x128xf32, #tpu.memory_space<hbm>> -> memref<10000x128xf32, #tpu.memory_space<hbm>>
      tpu.enqueue_indirect_dma source(%dma_start3A_622 : memref<10000x128xf32, #tpu.memory_space<hbm>>) target(%dma_start3A_616 : memref<64x128xf32, #tpu.memory_space<vmem>>) offsets(%dma_start3A_619 : memref<64xi32, #tpu.memory_space<vmem>>) semaphore(%arg17 : memref<!tpu.dma_semaphore, #tpu.memory_space<semaphore_mem>>)
      %dma_start3A_623 = arith.constant 5 : i32
      %dma_start3A_624 = arith.constant 64 : i32
      %dma_start3A_625 = arith.constant 0 : i32
      %dma_start3A_626 = tpu.memref_slice %arg13[%dma_start3A_624, %dma_start3A_625] : memref<128x128xf32, #tpu.memory_space<vmem>> -> memref<64x128xf32, #tpu.memory_space<vmem>>
      %dma_start3A_627 = arith.constant 64 : i32
      %dma_start3A_628 = tpu.memref_slice %arg10[%dma_start3A_623, %dma_start3A_627] : memref<8x128xi32, #tpu.memory_space<vmem>> -> memref<1x64xi32, #tpu.memory_space<vmem>>
      %dma_start3A_629 = tpu.memref_squeeze %dma_start3A_628 : memref<1x64xi32, #tpu.memory_space<vmem>> -> memref<64xi32, #tpu.memory_space<vmem>>
      %dma_start3A_630 = arith.constant 0 : i32
      %dma_start3A_631 = arith.constant 0 : i32
      %dma_start3A_632 = tpu.memref_slice %arg2[%dma_start3A_630, %dma_start3A_631] : memref<10000x128xf32, #tpu.memory_space<hbm>> -> memref<10000x128xf32, #tpu.memory_space<hbm>>
      tpu.enqueue_indirect_dma source(%dma_start3A_632 : memref<10000x128xf32, #tpu.memory_space<hbm>>) target(%dma_start3A_626 : memref<64x128xf32, #tpu.memory_space<vmem>>) offsets(%dma_start3A_629 : memref<64xi32, #tpu.memory_space<vmem>>) semaphore(%arg17 : memref<!tpu.dma_semaphore, #tpu.memory_space<semaphore_mem>>)
      %dma_wait3A_633 = arith.constant 4 : i32
      %dma_wait3A_634 = arith.constant 0 : i32
      %dma_wait3A_635 = arith.constant 0 : i32
      %dma_wait3A_636 = tpu.memref_slice %arg12[%dma_wait3A_634, %dma_wait3A_635] : memref<128x128xf32, #tpu.memory_space<vmem>> -> memref<64x128xf32, #tpu.memory_space<vmem>>
      %dma_wait3A_637 = arith.constant 0 : i32
      %dma_wait3A_638 = tpu.memref_slice %arg10[%dma_wait3A_633, %dma_wait3A_637] : memref<8x128xi32, #tpu.memory_space<vmem>> -> memref<1x64xi32, #tpu.memory_space<vmem>>
      %dma_wait3A_639 = tpu.memref_squeeze %dma_wait3A_638 : memref<1x64xi32, #tpu.memory_space<vmem>> -> memref<64xi32, #tpu.memory_space<vmem>>
      %dma_wait3A_640 = arith.constant 0 : i32
      %dma_wait3A_641 = arith.constant 0 : i32
      %dma_wait3A_642 = tpu.memref_slice %arg2[%dma_wait3A_640, %dma_wait3A_641] : memref<10000x128xf32, #tpu.memory_space<hbm>> -> memref<10000x128xf32, #tpu.memory_space<hbm>>
      tpu.wait_indirect_dma semaphore(%arg16 : memref<!tpu.dma_semaphore, #tpu.memory_space<semaphore_mem>>) src(%dma_wait3A_642 : memref<10000x128xf32, #tpu.memory_space<hbm>>) dst(%dma_wait3A_636 : memref<64x128xf32, #tpu.memory_space<vmem>>)
      %dma_wait3A_643 = arith.constant 4 : i32
      %dma_wait3A_644 = arith.constant 64 : i32
      %dma_wait3A_645 = arith.constant 0 : i32
      %dma_wait3A_646 = tpu.memref_slice %arg12[%dma_wait3A_644, %dma_wait3A_645] : memref<128x128xf32, #tpu.memory_space<vmem>> -> memref<64x128xf32, #tpu.memory_space<vmem>>
      %dma_wait3A_647 = arith.constant 64 : i32
      %dma_wait3A_648 = tpu.memref_slice %arg10[%dma_wait3A_643, %dma_wait3A_647] : memref<8x128xi32, #tpu.memory_space<vmem>> -> memref<1x64xi32, #tpu.memory_space<vmem>>
      %dma_wait3A_649 = tpu.memref_squeeze %dma_wait3A_648 : memref<1x64xi32, #tpu.memory_space<vmem>> -> memref<64xi32, #tpu.memory_space<vmem>>
      %dma_wait3A_650 = arith.constant 0 : i32
      %dma_wait3A_651 = arith.constant 0 : i32
      %dma_wait3A_652 = tpu.memref_slice %arg2[%dma_wait3A_650, %dma_wait3A_651] : memref<10000x128xf32, #tpu.memory_space<hbm>> -> memref<10000x128xf32, #tpu.memory_space<hbm>>
      tpu.wait_indirect_dma semaphore(%arg16 : memref<!tpu.dma_semaphore, #tpu.memory_space<semaphore_mem>>) src(%dma_wait3A_652 : memref<10000x128xf32, #tpu.memory_space<hbm>>) dst(%dma_wait3A_646 : memref<64x128xf32, #tpu.memory_space<vmem>>)
      %run_scoped3A_653 = arith.constant 4 : i32
      "tpu.region"() ({
        %run_scoped3A_762 = tpu.sem_alloc : memref<!tpu.dma_semaphore, #tpu.memory_space<semaphore_mem>>
        %dma_start3A_763 = arith.constant 0 : i32
        %dma_start3A_764 = tpu.memref_slice %arg11[%run_scoped3A_653, %dma_start3A_763] : memref<8x128xi32, #tpu.memory_space<vmem>> -> memref<1x128xi32, #tpu.memory_space<vmem>>
        %dma_start3A_765 = tpu.memref_squeeze %dma_start3A_764 : memref<1x128xi32, #tpu.memory_space<vmem>> -> memref<128xi32, #tpu.memory_space<vmem>>
        %dma_start3A_766 = arith.constant 0 : i32
        %dma_start3A_767 = arith.constant 0 : i32
        %dma_start3A_768 = tpu.memref_slice %arg7[%dma_start3A_766, %dma_start3A_767] : memref<10512x128xf32, #tpu.memory_space<vmem_shared>> -> memref<10512x128xf32, #tpu.memory_space<vmem_shared>>
        tpu.enqueue_indirect_dma source(%arg12 : memref<128x128xf32, #tpu.memory_space<vmem>>) target(%dma_start3A_768 : memref<10512x128xf32, #tpu.memory_space<vmem_shared>>) offsets(%dma_start3A_765 : memref<128xi32, #tpu.memory_space<vmem>>) semaphore(%run_scoped3A_762 : memref<!tpu.dma_semaphore, #tpu.memory_space<semaphore_mem>>) {add = true}
        %dma_wait3A_769 = arith.constant 0 : i32
        %dma_wait3A_770 = tpu.memref_slice %arg11[%run_scoped3A_653, %dma_wait3A_769] : memref<8x128xi32, #tpu.memory_space<vmem>> -> memref<1x128xi32, #tpu.memory_space<vmem>>
        %dma_wait3A_771 = tpu.memref_squeeze %dma_wait3A_770 : memref<1x128xi32, #tpu.memory_space<vmem>> -> memref<128xi32, #tpu.memory_space<vmem>>
        %dma_wait3A_772 = arith.constant 0 : i32
        %dma_wait3A_773 = arith.constant 0 : i32
        %dma_wait3A_774 = tpu.memref_slice %arg7[%dma_wait3A_772, %dma_wait3A_773] : memref<10512x128xf32, #tpu.memory_space<vmem_shared>> -> memref<10512x128xf32, #tpu.memory_space<vmem_shared>>
        tpu.wait_indirect_dma semaphore(%run_scoped3A_762 : memref<!tpu.dma_semaphore, #tpu.memory_space<semaphore_mem>>) src(%arg12 : memref<128x128xf32, #tpu.memory_space<vmem>>) dst(%dma_wait3A_774 : memref<10512x128xf32, #tpu.memory_space<vmem_shared>>)
        tpu.yield
      }) : () -> ()
      %dma_start3A_654 = arith.constant 6 : i32
      %dma_start3A_655 = arith.constant 0 : i32
      %dma_start3A_656 = arith.constant 0 : i32
      %dma_start3A_657 = tpu.memref_slice %arg12[%dma_start3A_655, %dma_start3A_656] : memref<128x128xf32, #tpu.memory_space<vmem>> -> memref<64x128xf32, #tpu.memory_space<vmem>>
      %dma_start3A_658 = arith.constant 0 : i32
      %dma_start3A_659 = tpu.memref_slice %arg10[%dma_start3A_654, %dma_start3A_658] : memref<8x128xi32, #tpu.memory_space<vmem>> -> memref<1x64xi32, #tpu.memory_space<vmem>>
      %dma_start3A_660 = tpu.memref_squeeze %dma_start3A_659 : memref<1x64xi32, #tpu.memory_space<vmem>> -> memref<64xi32, #tpu.memory_space<vmem>>
      %dma_start3A_661 = arith.constant 0 : i32
      %dma_start3A_662 = arith.constant 0 : i32
      %dma_start3A_663 = tpu.memref_slice %arg2[%dma_start3A_661, %dma_start3A_662] : memref<10000x128xf32, #tpu.memory_space<hbm>> -> memref<10000x128xf32, #tpu.memory_space<hbm>>
      tpu.enqueue_indirect_dma source(%dma_start3A_663 : memref<10000x128xf32, #tpu.memory_space<hbm>>) target(%dma_start3A_657 : memref<64x128xf32, #tpu.memory_space<vmem>>) offsets(%dma_start3A_660 : memref<64xi32, #tpu.memory_space<vmem>>) semaphore(%arg16 : memref<!tpu.dma_semaphore, #tpu.memory_space<semaphore_mem>>)
      %dma_start3A_664 = arith.constant 6 : i32
      %dma_start3A_665 = arith.constant 64 : i32
      %dma_start3A_666 = arith.constant 0 : i32
      %dma_start3A_667 = tpu.memref_slice %arg12[%dma_start3A_665, %dma_start3A_666] : memref<128x128xf32, #tpu.memory_space<vmem>> -> memref<64x128xf32, #tpu.memory_space<vmem>>
      %dma_start3A_668 = arith.constant 64 : i32
      %dma_start3A_669 = tpu.memref_slice %arg10[%dma_start3A_664, %dma_start3A_668] : memref<8x128xi32, #tpu.memory_space<vmem>> -> memref<1x64xi32, #tpu.memory_space<vmem>>
      %dma_start3A_670 = tpu.memref_squeeze %dma_start3A_669 : memref<1x64xi32, #tpu.memory_space<vmem>> -> memref<64xi32, #tpu.memory_space<vmem>>
      %dma_start3A_671 = arith.constant 0 : i32
      %dma_start3A_672 = arith.constant 0 : i32
      %dma_start3A_673 = tpu.memref_slice %arg2[%dma_start3A_671, %dma_start3A_672] : memref<10000x128xf32, #tpu.memory_space<hbm>> -> memref<10000x128xf32, #tpu.memory_space<hbm>>
      tpu.enqueue_indirect_dma source(%dma_start3A_673 : memref<10000x128xf32, #tpu.memory_space<hbm>>) target(%dma_start3A_667 : memref<64x128xf32, #tpu.memory_space<vmem>>) offsets(%dma_start3A_670 : memref<64xi32, #tpu.memory_space<vmem>>) semaphore(%arg16 : memref<!tpu.dma_semaphore, #tpu.memory_space<semaphore_mem>>)
      %dma_wait3A_674 = arith.constant 5 : i32
      %dma_wait3A_675 = arith.constant 0 : i32
      %dma_wait3A_676 = arith.constant 0 : i32
      %dma_wait3A_677 = tpu.memref_slice %arg13[%dma_wait3A_675, %dma_wait3A_676] : memref<128x128xf32, #tpu.memory_space<vmem>> -> memref<64x128xf32, #tpu.memory_space<vmem>>
      %dma_wait3A_678 = arith.constant 0 : i32
      %dma_wait3A_679 = tpu.memref_slice %arg10[%dma_wait3A_674, %dma_wait3A_678] : memref<8x128xi32, #tpu.memory_space<vmem>> -> memref<1x64xi32, #tpu.memory_space<vmem>>
      %dma_wait3A_680 = tpu.memref_squeeze %dma_wait3A_679 : memref<1x64xi32, #tpu.memory_space<vmem>> -> memref<64xi32, #tpu.memory_space<vmem>>
      %dma_wait3A_681 = arith.constant 0 : i32
      %dma_wait3A_682 = arith.constant 0 : i32
      %dma_wait3A_683 = tpu.memref_slice %arg2[%dma_wait3A_681, %dma_wait3A_682] : memref<10000x128xf32, #tpu.memory_space<hbm>> -> memref<10000x128xf32, #tpu.memory_space<hbm>>
      tpu.wait_indirect_dma semaphore(%arg17 : memref<!tpu.dma_semaphore, #tpu.memory_space<semaphore_mem>>) src(%dma_wait3A_683 : memref<10000x128xf32, #tpu.memory_space<hbm>>) dst(%dma_wait3A_677 : memref<64x128xf32, #tpu.memory_space<vmem>>)
      %dma_wait3A_684 = arith.constant 5 : i32
      %dma_wait3A_685 = arith.constant 64 : i32
      %dma_wait3A_686 = arith.constant 0 : i32
      %dma_wait3A_687 = tpu.memref_slice %arg13[%dma_wait3A_685, %dma_wait3A_686] : memref<128x128xf32, #tpu.memory_space<vmem>> -> memref<64x128xf32, #tpu.memory_space<vmem>>
      %dma_wait3A_688 = arith.constant 64 : i32
      %dma_wait3A_689 = tpu.memref_slice %arg10[%dma_wait3A_684, %dma_wait3A_688] : memref<8x128xi32, #tpu.memory_space<vmem>> -> memref<1x64xi32, #tpu.memory_space<vmem>>
      %dma_wait3A_690 = tpu.memref_squeeze %dma_wait3A_689 : memref<1x64xi32, #tpu.memory_space<vmem>> -> memref<64xi32, #tpu.memory_space<vmem>>
      %dma_wait3A_691 = arith.constant 0 : i32
      %dma_wait3A_692 = arith.constant 0 : i32
      %dma_wait3A_693 = tpu.memref_slice %arg2[%dma_wait3A_691, %dma_wait3A_692] : memref<10000x128xf32, #tpu.memory_space<hbm>> -> memref<10000x128xf32, #tpu.memory_space<hbm>>
      tpu.wait_indirect_dma semaphore(%arg17 : memref<!tpu.dma_semaphore, #tpu.memory_space<semaphore_mem>>) src(%dma_wait3A_693 : memref<10000x128xf32, #tpu.memory_space<hbm>>) dst(%dma_wait3A_687 : memref<64x128xf32, #tpu.memory_space<vmem>>)
      %run_scoped3A_694 = arith.constant 5 : i32
      "tpu.region"() ({
        %run_scoped3A_762 = tpu.sem_alloc : memref<!tpu.dma_semaphore, #tpu.memory_space<semaphore_mem>>
        %dma_start3A_763 = arith.constant 0 : i32
        %dma_start3A_764 = tpu.memref_slice %arg11[%run_scoped3A_694, %dma_start3A_763] : memref<8x128xi32, #tpu.memory_space<vmem>> -> memref<1x128xi32, #tpu.memory_space<vmem>>
        %dma_start3A_765 = tpu.memref_squeeze %dma_start3A_764 : memref<1x128xi32, #tpu.memory_space<vmem>> -> memref<128xi32, #tpu.memory_space<vmem>>
        %dma_start3A_766 = arith.constant 0 : i32
        %dma_start3A_767 = arith.constant 0 : i32
        %dma_start3A_768 = tpu.memref_slice %arg7[%dma_start3A_766, %dma_start3A_767] : memref<10512x128xf32, #tpu.memory_space<vmem_shared>> -> memref<10512x128xf32, #tpu.memory_space<vmem_shared>>
        tpu.enqueue_indirect_dma source(%arg13 : memref<128x128xf32, #tpu.memory_space<vmem>>) target(%dma_start3A_768 : memref<10512x128xf32, #tpu.memory_space<vmem_shared>>) offsets(%dma_start3A_765 : memref<128xi32, #tpu.memory_space<vmem>>) semaphore(%run_scoped3A_762 : memref<!tpu.dma_semaphore, #tpu.memory_space<semaphore_mem>>) {add = true}
        %dma_wait3A_769 = arith.constant 0 : i32
        %dma_wait3A_770 = tpu.memref_slice %arg11[%run_scoped3A_694, %dma_wait3A_769] : memref<8x128xi32, #tpu.memory_space<vmem>> -> memref<1x128xi32, #tpu.memory_space<vmem>>
        %dma_wait3A_771 = tpu.memref_squeeze %dma_wait3A_770 : memref<1x128xi32, #tpu.memory_space<vmem>> -> memref<128xi32, #tpu.memory_space<vmem>>
        %dma_wait3A_772 = arith.constant 0 : i32
        %dma_wait3A_773 = arith.constant 0 : i32
        %dma_wait3A_774 = tpu.memref_slice %arg7[%dma_wait3A_772, %dma_wait3A_773] : memref<10512x128xf32, #tpu.memory_space<vmem_shared>> -> memref<10512x128xf32, #tpu.memory_space<vmem_shared>>
        tpu.wait_indirect_dma semaphore(%run_scoped3A_762 : memref<!tpu.dma_semaphore, #tpu.memory_space<semaphore_mem>>) src(%arg13 : memref<128x128xf32, #tpu.memory_space<vmem>>) dst(%dma_wait3A_774 : memref<10512x128xf32, #tpu.memory_space<vmem_shared>>)
        tpu.yield
      }) : () -> ()
      %dma_start3A_695 = arith.constant 7 : i32
      %dma_start3A_696 = arith.constant 0 : i32
      %dma_start3A_697 = arith.constant 0 : i32
      %dma_start3A_698 = tpu.memref_slice %arg13[%dma_start3A_696, %dma_start3A_697] : memref<128x128xf32, #tpu.memory_space<vmem>> -> memref<64x128xf32, #tpu.memory_space<vmem>>
      %dma_start3A_699 = arith.constant 0 : i32
      %dma_start3A_700 = tpu.memref_slice %arg10[%dma_start3A_695, %dma_start3A_699] : memref<8x128xi32, #tpu.memory_space<vmem>> -> memref<1x64xi32, #tpu.memory_space<vmem>>
      %dma_start3A_701 = tpu.memref_squeeze %dma_start3A_700 : memref<1x64xi32, #tpu.memory_space<vmem>> -> memref<64xi32, #tpu.memory_space<vmem>>
      %dma_start3A_702 = arith.constant 0 : i32
      %dma_start3A_703 = arith.constant 0 : i32
      %dma_start3A_704 = tpu.memref_slice %arg2[%dma_start3A_702, %dma_start3A_703] : memref<10000x128xf32, #tpu.memory_space<hbm>> -> memref<10000x128xf32, #tpu.memory_space<hbm>>
      tpu.enqueue_indirect_dma source(%dma_start3A_704 : memref<10000x128xf32, #tpu.memory_space<hbm>>) target(%dma_start3A_698 : memref<64x128xf32, #tpu.memory_space<vmem>>) offsets(%dma_start3A_701 : memref<64xi32, #tpu.memory_space<vmem>>) semaphore(%arg17 : memref<!tpu.dma_semaphore, #tpu.memory_space<semaphore_mem>>)
      %dma_start3A_705 = arith.constant 7 : i32
      %dma_start3A_706 = arith.constant 64 : i32
      %dma_start3A_707 = arith.constant 0 : i32
      %dma_start3A_708 = tpu.memref_slice %arg13[%dma_start3A_706, %dma_start3A_707] : memref<128x128xf32, #tpu.memory_space<vmem>> -> memref<64x128xf32, #tpu.memory_space<vmem>>
      %dma_start3A_709 = arith.constant 64 : i32
      %dma_start3A_710 = tpu.memref_slice %arg10[%dma_start3A_705, %dma_start3A_709] : memref<8x128xi32, #tpu.memory_space<vmem>> -> memref<1x64xi32, #tpu.memory_space<vmem>>
      %dma_start3A_711 = tpu.memref_squeeze %dma_start3A_710 : memref<1x64xi32, #tpu.memory_space<vmem>> -> memref<64xi32, #tpu.memory_space<vmem>>
      %dma_start3A_712 = arith.constant 0 : i32
      %dma_start3A_713 = arith.constant 0 : i32
      %dma_start3A_714 = tpu.memref_slice %arg2[%dma_start3A_712, %dma_start3A_713] : memref<10000x128xf32, #tpu.memory_space<hbm>> -> memref<10000x128xf32, #tpu.memory_space<hbm>>
      tpu.enqueue_indirect_dma source(%dma_start3A_714 : memref<10000x128xf32, #tpu.memory_space<hbm>>) target(%dma_start3A_708 : memref<64x128xf32, #tpu.memory_space<vmem>>) offsets(%dma_start3A_711 : memref<64xi32, #tpu.memory_space<vmem>>) semaphore(%arg17 : memref<!tpu.dma_semaphore, #tpu.memory_space<semaphore_mem>>)
      %dma_wait3A_715 = arith.constant 6 : i32
      %dma_wait3A_716 = arith.constant 0 : i32
      %dma_wait3A_717 = arith.constant 0 : i32
      %dma_wait3A_718 = tpu.memref_slice %arg12[%dma_wait3A_716, %dma_wait3A_717] : memref<128x128xf32, #tpu.memory_space<vmem>> -> memref<64x128xf32, #tpu.memory_space<vmem>>
      %dma_wait3A_719 = arith.constant 0 : i32
      %dma_wait3A_720 = tpu.memref_slice %arg10[%dma_wait3A_715, %dma_wait3A_719] : memref<8x128xi32, #tpu.memory_space<vmem>> -> memref<1x64xi32, #tpu.memory_space<vmem>>
      %dma_wait3A_721 = tpu.memref_squeeze %dma_wait3A_720 : memref<1x64xi32, #tpu.memory_space<vmem>> -> memref<64xi32, #tpu.memory_space<vmem>>
      %dma_wait3A_722 = arith.constant 0 : i32
      %dma_wait3A_723 = arith.constant 0 : i32
      %dma_wait3A_724 = tpu.memref_slice %arg2[%dma_wait3A_722, %dma_wait3A_723] : memref<10000x128xf32, #tpu.memory_space<hbm>> -> memref<10000x128xf32, #tpu.memory_space<hbm>>
      tpu.wait_indirect_dma semaphore(%arg16 : memref<!tpu.dma_semaphore, #tpu.memory_space<semaphore_mem>>) src(%dma_wait3A_724 : memref<10000x128xf32, #tpu.memory_space<hbm>>) dst(%dma_wait3A_718 : memref<64x128xf32, #tpu.memory_space<vmem>>)
      %dma_wait3A_725 = arith.constant 6 : i32
      %dma_wait3A_726 = arith.constant 64 : i32
      %dma_wait3A_727 = arith.constant 0 : i32
      %dma_wait3A_728 = tpu.memref_slice %arg12[%dma_wait3A_726, %dma_wait3A_727] : memref<128x128xf32, #tpu.memory_space<vmem>> -> memref<64x128xf32, #tpu.memory_space<vmem>>
      %dma_wait3A_729 = arith.constant 64 : i32
      %dma_wait3A_730 = tpu.memref_slice %arg10[%dma_wait3A_725, %dma_wait3A_729] : memref<8x128xi32, #tpu.memory_space<vmem>> -> memref<1x64xi32, #tpu.memory_space<vmem>>
      %dma_wait3A_731 = tpu.memref_squeeze %dma_wait3A_730 : memref<1x64xi32, #tpu.memory_space<vmem>> -> memref<64xi32, #tpu.memory_space<vmem>>
      %dma_wait3A_732 = arith.constant 0 : i32
      %dma_wait3A_733 = arith.constant 0 : i32
      %dma_wait3A_734 = tpu.memref_slice %arg2[%dma_wait3A_732, %dma_wait3A_733] : memref<10000x128xf32, #tpu.memory_space<hbm>> -> memref<10000x128xf32, #tpu.memory_space<hbm>>
      tpu.wait_indirect_dma semaphore(%arg16 : memref<!tpu.dma_semaphore, #tpu.memory_space<semaphore_mem>>) src(%dma_wait3A_734 : memref<10000x128xf32, #tpu.memory_space<hbm>>) dst(%dma_wait3A_728 : memref<64x128xf32, #tpu.memory_space<vmem>>)
      %run_scoped3A_735 = arith.constant 6 : i32
      "tpu.region"() ({
        %run_scoped3A_762 = tpu.sem_alloc : memref<!tpu.dma_semaphore, #tpu.memory_space<semaphore_mem>>
        %dma_start3A_763 = arith.constant 0 : i32
        %dma_start3A_764 = tpu.memref_slice %arg11[%run_scoped3A_735, %dma_start3A_763] : memref<8x128xi32, #tpu.memory_space<vmem>> -> memref<1x128xi32, #tpu.memory_space<vmem>>
        %dma_start3A_765 = tpu.memref_squeeze %dma_start3A_764 : memref<1x128xi32, #tpu.memory_space<vmem>> -> memref<128xi32, #tpu.memory_space<vmem>>
        %dma_start3A_766 = arith.constant 0 : i32
        %dma_start3A_767 = arith.constant 0 : i32
        %dma_start3A_768 = tpu.memref_slice %arg7[%dma_start3A_766, %dma_start3A_767] : memref<10512x128xf32, #tpu.memory_space<vmem_shared>> -> memref<10512x128xf32, #tpu.memory_space<vmem_shared>>
        tpu.enqueue_indirect_dma source(%arg12 : memref<128x128xf32, #tpu.memory_space<vmem>>) target(%dma_start3A_768 : memref<10512x128xf32, #tpu.memory_space<vmem_shared>>) offsets(%dma_start3A_765 : memref<128xi32, #tpu.memory_space<vmem>>) semaphore(%run_scoped3A_762 : memref<!tpu.dma_semaphore, #tpu.memory_space<semaphore_mem>>) {add = true}
        %dma_wait3A_769 = arith.constant 0 : i32
        %dma_wait3A_770 = tpu.memref_slice %arg11[%run_scoped3A_735, %dma_wait3A_769] : memref<8x128xi32, #tpu.memory_space<vmem>> -> memref<1x128xi32, #tpu.memory_space<vmem>>
        %dma_wait3A_771 = tpu.memref_squeeze %dma_wait3A_770 : memref<1x128xi32, #tpu.memory_space<vmem>> -> memref<128xi32, #tpu.memory_space<vmem>>
        %dma_wait3A_772 = arith.constant 0 : i32
        %dma_wait3A_773 = arith.constant 0 : i32
        %dma_wait3A_774 = tpu.memref_slice %arg7[%dma_wait3A_772, %dma_wait3A_773] : memref<10512x128xf32, #tpu.memory_space<vmem_shared>> -> memref<10512x128xf32, #tpu.memory_space<vmem_shared>>
        tpu.wait_indirect_dma semaphore(%run_scoped3A_762 : memref<!tpu.dma_semaphore, #tpu.memory_space<semaphore_mem>>) src(%arg12 : memref<128x128xf32, #tpu.memory_space<vmem>>) dst(%dma_wait3A_774 : memref<10512x128xf32, #tpu.memory_space<vmem_shared>>)
        tpu.yield
      }) : () -> ()
      %lt3A_736 = arith.constant 4 : i32
      %lt3A_737 = arith.cmpi slt, %scan3A_75, %lt3A_736 : i32
      %convert_element_type3A_738 = arith.extui %lt3A_737 : i1 to i32
      %cond3A_739 = arith.constant 0 : i32
      %cond3A_740 = arith.cmpi ne, %convert_element_type3A_738, %cond3A_739 : i32
      scf.if %cond3A_740 {
        %add3A_762 = arith.constant 2 : i32
        %add3A_763 = arith.addi %mul3A_77, %add3A_762 : i32
        %dma_wait3A_764 = arith.constant 0 : i32
        %dma_wait3A_765 = arith.constant 0 : i32
        %dma_wait3A_766 = tpu.memref_slice %arg4[%add3A, %add3A_763, %dma_wait3A_764, %dma_wait3A_765] : memref<32x10x8x128xi32, #tpu.memory_space<hbm>> -> memref<1x1x8x128xi32, #tpu.memory_space<hbm>>
        %dma_wait3A_767 = tpu.memref_squeeze %dma_wait3A_766 : memref<1x1x8x128xi32, #tpu.memory_space<hbm>> -> memref<8x128xi32, #tpu.memory_space<hbm>>
        %dma_wait3A_768 = arith.constant 0 : i32
        %dma_wait3A_769 = arith.constant 0 : i32
        %dma_wait3A_770 = tpu.memref_slice %arg4[%add3A, %add3A_763, %dma_wait3A_768, %dma_wait3A_769] : memref<32x10x8x128xi32, #tpu.memory_space<hbm>> -> memref<1x1x8x128xi32, #tpu.memory_space<hbm>>
        %dma_wait3A_771 = tpu.memref_squeeze %dma_wait3A_770 : memref<1x1x8x128xi32, #tpu.memory_space<hbm>> -> memref<8x128xi32, #tpu.memory_space<hbm>>
        tpu.wait_dma2 semaphore(%arg14 : memref<!tpu.dma_semaphore, #tpu.memory_space<semaphore_mem>>) src(%dma_wait3A_771 : memref<8x128xi32, #tpu.memory_space<hbm>>) dst(%arg8 : memref<8x128xi32, #tpu.memory_space<vmem>>)
        %add3A_772 = arith.constant 2 : i32
        %add3A_773 = arith.addi %mul3A_77, %add3A_772 : i32
        %dma_wait3A_774 = arith.constant 0 : i32
        %dma_wait3A_775 = arith.constant 0 : i32
        %dma_wait3A_776 = tpu.memref_slice %arg5[%add3A, %add3A_773, %dma_wait3A_774, %dma_wait3A_775] : memref<32x10x8x128xi32, #tpu.memory_space<hbm>> -> memref<1x1x8x128xi32, #tpu.memory_space<hbm>>
        %dma_wait3A_777 = tpu.memref_squeeze %dma_wait3A_776 : memref<1x1x8x128xi32, #tpu.memory_space<hbm>> -> memref<8x128xi32, #tpu.memory_space<hbm>>
        %dma_wait3A_778 = arith.constant 0 : i32
        %dma_wait3A_779 = arith.constant 0 : i32
        %dma_wait3A_780 = tpu.memref_slice %arg5[%add3A, %add3A_773, %dma_wait3A_778, %dma_wait3A_779] : memref<32x10x8x128xi32, #tpu.memory_space<hbm>> -> memref<1x1x8x128xi32, #tpu.memory_space<hbm>>
        %dma_wait3A_781 = tpu.memref_squeeze %dma_wait3A_780 : memref<1x1x8x128xi32, #tpu.memory_space<hbm>> -> memref<8x128xi32, #tpu.memory_space<hbm>>
        tpu.wait_dma2 semaphore(%arg14 : memref<!tpu.dma_semaphore, #tpu.memory_space<semaphore_mem>>) src(%dma_wait3A_781 : memref<8x128xi32, #tpu.memory_space<hbm>>) dst(%arg9 : memref<8x128xi32, #tpu.memory_space<vmem>>)
        %dma_start3A_782 = arith.constant 0 : i32
        %dma_start3A_783 = arith.constant 0 : i32
        %dma_start3A_784 = arith.constant 0 : i32
        %dma_start3A_785 = tpu.memref_slice %arg12[%dma_start3A_783, %dma_start3A_784] : memref<128x128xf32, #tpu.memory_space<vmem>> -> memref<64x128xf32, #tpu.memory_space<vmem>>
        %dma_start3A_786 = arith.constant 0 : i32
        %dma_start3A_787 = tpu.memref_slice %arg8[%dma_start3A_782, %dma_start3A_786] : memref<8x128xi32, #tpu.memory_space<vmem>> -> memref<1x64xi32, #tpu.memory_space<vmem>>
        %dma_start3A_788 = tpu.memref_squeeze %dma_start3A_787 : memref<1x64xi32, #tpu.memory_space<vmem>> -> memref<64xi32, #tpu.memory_space<vmem>>
        %dma_start3A_789 = arith.constant 0 : i32
        %dma_start3A_790 = arith.constant 0 : i32
        %dma_start3A_791 = tpu.memref_slice %arg2[%dma_start3A_789, %dma_start3A_790] : memref<10000x128xf32, #tpu.memory_space<hbm>> -> memref<10000x128xf32, #tpu.memory_space<hbm>>
        tpu.enqueue_indirect_dma source(%dma_start3A_791 : memref<10000x128xf32, #tpu.memory_space<hbm>>) target(%dma_start3A_785 : memref<64x128xf32, #tpu.memory_space<vmem>>) offsets(%dma_start3A_788 : memref<64xi32, #tpu.memory_space<vmem>>) semaphore(%arg16 : memref<!tpu.dma_semaphore, #tpu.memory_space<semaphore_mem>>)
        %dma_start3A_792 = arith.constant 0 : i32
        %dma_start3A_793 = arith.constant 64 : i32
        %dma_start3A_794 = arith.constant 0 : i32
        %dma_start3A_795 = tpu.memref_slice %arg12[%dma_start3A_793, %dma_start3A_794] : memref<128x128xf32, #tpu.memory_space<vmem>> -> memref<64x128xf32, #tpu.memory_space<vmem>>
        %dma_start3A_796 = arith.constant 64 : i32
        %dma_start3A_797 = tpu.memref_slice %arg8[%dma_start3A_792, %dma_start3A_796] : memref<8x128xi32, #tpu.memory_space<vmem>> -> memref<1x64xi32, #tpu.memory_space<vmem>>
        %dma_start3A_798 = tpu.memref_squeeze %dma_start3A_797 : memref<1x64xi32, #tpu.memory_space<vmem>> -> memref<64xi32, #tpu.memory_space<vmem>>
        %dma_start3A_799 = arith.constant 0 : i32
        %dma_start3A_800 = arith.constant 0 : i32
        %dma_start3A_801 = tpu.memref_slice %arg2[%dma_start3A_799, %dma_start3A_800] : memref<10000x128xf32, #tpu.memory_space<hbm>> -> memref<10000x128xf32, #tpu.memory_space<hbm>>
        tpu.enqueue_indirect_dma source(%dma_start3A_801 : memref<10000x128xf32, #tpu.memory_space<hbm>>) target(%dma_start3A_795 : memref<64x128xf32, #tpu.memory_space<vmem>>) offsets(%dma_start3A_798 : memref<64xi32, #tpu.memory_space<vmem>>) semaphore(%arg16 : memref<!tpu.dma_semaphore, #tpu.memory_space<semaphore_mem>>)
      } else {
      }
      %dma_wait3A_741 = arith.constant 7 : i32
      %dma_wait3A_742 = arith.constant 0 : i32
      %dma_wait3A_743 = arith.constant 0 : i32
      %dma_wait3A_744 = tpu.memref_slice %arg13[%dma_wait3A_742, %dma_wait3A_743] : memref<128x128xf32, #tpu.memory_space<vmem>> -> memref<64x128xf32, #tpu.memory_space<vmem>>
      %dma_wait3A_745 = arith.constant 0 : i32
      %dma_wait3A_746 = tpu.memref_slice %arg10[%dma_wait3A_741, %dma_wait3A_745] : memref<8x128xi32, #tpu.memory_space<vmem>> -> memref<1x64xi32, #tpu.memory_space<vmem>>
      %dma_wait3A_747 = tpu.memref_squeeze %dma_wait3A_746 : memref<1x64xi32, #tpu.memory_space<vmem>> -> memref<64xi32, #tpu.memory_space<vmem>>
      %dma_wait3A_748 = arith.constant 0 : i32
      %dma_wait3A_749 = arith.constant 0 : i32
      %dma_wait3A_750 = tpu.memref_slice %arg2[%dma_wait3A_748, %dma_wait3A_749] : memref<10000x128xf32, #tpu.memory_space<hbm>> -> memref<10000x128xf32, #tpu.memory_space<hbm>>
      tpu.wait_indirect_dma semaphore(%arg17 : memref<!tpu.dma_semaphore, #tpu.memory_space<semaphore_mem>>) src(%dma_wait3A_750 : memref<10000x128xf32, #tpu.memory_space<hbm>>) dst(%dma_wait3A_744 : memref<64x128xf32, #tpu.memory_space<vmem>>)
      %dma_wait3A_751 = arith.constant 7 : i32
      %dma_wait3A_752 = arith.constant 64 : i32
      %dma_wait3A_753 = arith.constant 0 : i32
      %dma_wait3A_754 = tpu.memref_slice %arg13[%dma_wait3A_752, %dma_wait3A_753] : memref<128x128xf32, #tpu.memory_space<vmem>> -> memref<64x128xf32, #tpu.memory_space<vmem>>
      %dma_wait3A_755 = arith.constant 64 : i32
      %dma_wait3A_756 = tpu.memref_slice %arg10[%dma_wait3A_751, %dma_wait3A_755] : memref<8x128xi32, #tpu.memory_space<vmem>> -> memref<1x64xi32, #tpu.memory_space<vmem>>
      %dma_wait3A_757 = tpu.memref_squeeze %dma_wait3A_756 : memref<1x64xi32, #tpu.memory_space<vmem>> -> memref<64xi32, #tpu.memory_space<vmem>>
      %dma_wait3A_758 = arith.constant 0 : i32
      %dma_wait3A_759 = arith.constant 0 : i32
      %dma_wait3A_760 = tpu.memref_slice %arg2[%dma_wait3A_758, %dma_wait3A_759] : memref<10000x128xf32, #tpu.memory_space<hbm>> -> memref<10000x128xf32, #tpu.memory_space<hbm>>
      tpu.wait_indirect_dma semaphore(%arg17 : memref<!tpu.dma_semaphore, #tpu.memory_space<semaphore_mem>>) src(%dma_wait3A_760 : memref<10000x128xf32, #tpu.memory_space<hbm>>) dst(%dma_wait3A_754 : memref<64x128xf32, #tpu.memory_space<vmem>>)
      %run_scoped3A_761 = arith.constant 7 : i32
      "tpu.region"() ({
        %run_scoped3A_762 = tpu.sem_alloc : memref<!tpu.dma_semaphore, #tpu.memory_space<semaphore_mem>>
        %dma_start3A_763 = arith.constant 0 : i32
        %dma_start3A_764 = tpu.memref_slice %arg11[%run_scoped3A_761, %dma_start3A_763] : memref<8x128xi32, #tpu.memory_space<vmem>> -> memref<1x128xi32, #tpu.memory_space<vmem>>
        %dma_start3A_765 = tpu.memref_squeeze %dma_start3A_764 : memref<1x128xi32, #tpu.memory_space<vmem>> -> memref<128xi32, #tpu.memory_space<vmem>>
        %dma_start3A_766 = arith.constant 0 : i32
        %dma_start3A_767 = arith.constant 0 : i32
        %dma_start3A_768 = tpu.memref_slice %arg7[%dma_start3A_766, %dma_start3A_767] : memref<10512x128xf32, #tpu.memory_space<vmem_shared>> -> memref<10512x128xf32, #tpu.memory_space<vmem_shared>>
        tpu.enqueue_indirect_dma source(%arg13 : memref<128x128xf32, #tpu.memory_space<vmem>>) target(%dma_start3A_768 : memref<10512x128xf32, #tpu.memory_space<vmem_shared>>) offsets(%dma_start3A_765 : memref<128xi32, #tpu.memory_space<vmem>>) semaphore(%run_scoped3A_762 : memref<!tpu.dma_semaphore, #tpu.memory_space<semaphore_mem>>) {add = true}
        %dma_wait3A_769 = arith.constant 0 : i32
        %dma_wait3A_770 = tpu.memref_slice %arg11[%run_scoped3A_761, %dma_wait3A_769] : memref<8x128xi32, #tpu.memory_space<vmem>> -> memref<1x128xi32, #tpu.memory_space<vmem>>
        %dma_wait3A_771 = tpu.memref_squeeze %dma_wait3A_770 : memref<1x128xi32, #tpu.memory_space<vmem>> -> memref<128xi32, #tpu.memory_space<vmem>>
        %dma_wait3A_772 = arith.constant 0 : i32
        %dma_wait3A_773 = arith.constant 0 : i32
        %dma_wait3A_774 = tpu.memref_slice %arg7[%dma_wait3A_772, %dma_wait3A_773] : memref<10512x128xf32, #tpu.memory_space<vmem_shared>> -> memref<10512x128xf32, #tpu.memory_space<vmem_shared>>
        tpu.wait_indirect_dma semaphore(%run_scoped3A_762 : memref<!tpu.dma_semaphore, #tpu.memory_space<semaphore_mem>>) src(%arg13 : memref<128x128xf32, #tpu.memory_space<vmem>>) dst(%dma_wait3A_774 : memref<10512x128xf32, #tpu.memory_space<vmem_shared>>)
        tpu.yield
      }) : () -> ()
    }
    %scan3A_68 = arith.constant 5 : i32
    %barrier3A_69 = arith.constant 0 : index
    tpu.barrier barrier_id(%barrier3A_69)
    "tpu.region"() ({
      %run_scoped3A = tpu.sem_alloc : memref<!tpu.dma_semaphore, #tpu.memory_space<semaphore_mem>>
      %dma_start3A_75 = arith.constant 0 : i32
      %dma_start3A_76 = tpu.memref_slice %arg6[%arg0, %multiple_of3A, %dma_start3A_75] : memref<2x10000x128xf32, #tpu.memory_space<hbm>> -> memref<1x624x128xf32, #tpu.memory_space<hbm>>
      %dma_start3A_77 = tpu.memref_squeeze %dma_start3A_76 : memref<1x624x128xf32, #tpu.memory_space<hbm>> -> memref<624x128xf32, #tpu.memory_space<hbm>>
      %dma_start3A_78 = arith.constant 0 : i32
      %dma_start3A_79 = tpu.memref_slice %arg7[%multiple_of3A, %dma_start3A_78] : memref<10512x128xf32, #tpu.memory_space<vmem_shared>> -> memref<624x128xf32, #tpu.memory_space<vmem_shared>>
      tpu.enqueue_dma source(%dma_start3A_79 : memref<624x128xf32, #tpu.memory_space<vmem_shared>>) target(%dma_start3A_77 : memref<624x128xf32, #tpu.memory_space<hbm>>) target_semaphore(%run_scoped3A : memref<!tpu.dma_semaphore, #tpu.memory_space<semaphore_mem>>)
      %dma_wait3A_80 = arith.constant 0 : i32
      %dma_wait3A_81 = tpu.memref_slice %arg6[%arg0, %multiple_of3A, %dma_wait3A_80] : memref<2x10000x128xf32, #tpu.memory_space<hbm>> -> memref<1x624x128xf32, #tpu.memory_space<hbm>>
      %dma_wait3A_82 = tpu.memref_squeeze %dma_wait3A_81 : memref<1x624x128xf32, #tpu.memory_space<hbm>> -> memref<624x128xf32, #tpu.memory_space<hbm>>
      %dma_wait3A_83 = arith.constant 0 : i32
      %dma_wait3A_84 = tpu.memref_slice %arg7[%multiple_of3A, %dma_wait3A_83] : memref<10512x128xf32, #tpu.memory_space<vmem_shared>> -> memref<624x128xf32, #tpu.memory_space<vmem_shared>>
      tpu.wait_dma2 semaphore(%run_scoped3A : memref<!tpu.dma_semaphore, #tpu.memory_space<semaphore_mem>>) src(%dma_wait3A_84 : memref<624x128xf32, #tpu.memory_space<vmem_shared>>) dst(%dma_wait3A_82 : memref<624x128xf32, #tpu.memory_space<hbm>>)
      tpu.yield
    }) : () -> ()
    %eq3A_70 = arith.constant 15 : i32
    %eq3A_71 = arith.cmpi eq, %arg1, %eq3A_70 : i32
    %convert_element_type3A_72 = arith.extui %eq3A_71 : i1 to i32
    %cond3A_73 = arith.constant 0 : i32
    %cond3A_74 = arith.cmpi ne, %convert_element_type3A_72, %cond3A_73 : i32
    scf.if %cond3A_74 {
      "tpu.region"() ({
        %run_scoped3A = tpu.sem_alloc : memref<!tpu.dma_semaphore, #tpu.memory_space<semaphore_mem>>
        %dma_start3A_75 = arith.constant 9984 : i32
        %dma_start3A_76 = arith.constant 0 : i32
        %dma_start3A_77 = tpu.memref_slice %arg6[%arg0, %dma_start3A_75, %dma_start3A_76] : memref<2x10000x128xf32, #tpu.memory_space<hbm>> -> memref<1x16x128xf32, #tpu.memory_space<hbm>>
        %dma_start3A_78 = tpu.memref_squeeze %dma_start3A_77 : memref<1x16x128xf32, #tpu.memory_space<hbm>> -> memref<16x128xf32, #tpu.memory_space<hbm>>
        %dma_start3A_79 = arith.constant 9984 : i32
        %dma_start3A_80 = arith.constant 0 : i32
        %dma_start3A_81 = tpu.memref_slice %arg7[%dma_start3A_79, %dma_start3A_80] : memref<10512x128xf32, #tpu.memory_space<vmem_shared>> -> memref<16x128xf32, #tpu.memory_space<vmem_shared>>
        tpu.enqueue_dma source(%dma_start3A_81 : memref<16x128xf32, #tpu.memory_space<vmem_shared>>) target(%dma_start3A_78 : memref<16x128xf32, #tpu.memory_space<hbm>>) target_semaphore(%run_scoped3A : memref<!tpu.dma_semaphore, #tpu.memory_space<semaphore_mem>>)
        %dma_wait3A_82 = arith.constant 9984 : i32
        %dma_wait3A_83 = arith.constant 0 : i32
        %dma_wait3A_84 = tpu.memref_slice %arg6[%arg0, %dma_wait3A_82, %dma_wait3A_83] : memref<2x10000x128xf32, #tpu.memory_space<hbm>> -> memref<1x16x128xf32, #tpu.memory_space<hbm>>
        %dma_wait3A_85 = tpu.memref_squeeze %dma_wait3A_84 : memref<1x16x128xf32, #tpu.memory_space<hbm>> -> memref<16x128xf32, #tpu.memory_space<hbm>>
        %dma_wait3A_86 = arith.constant 9984 : i32
        %dma_wait3A_87 = arith.constant 0 : i32
        %dma_wait3A_88 = tpu.memref_slice %arg7[%dma_wait3A_86, %dma_wait3A_87] : memref<10512x128xf32, #tpu.memory_space<vmem_shared>> -> memref<16x128xf32, #tpu.memory_space<vmem_shared>>
        tpu.wait_dma2 semaphore(%run_scoped3A : memref<!tpu.dma_semaphore, #tpu.memory_space<semaphore_mem>>) src(%dma_wait3A_88 : memref<16x128xf32, #tpu.memory_space<vmem_shared>>) dst(%dma_wait3A_85 : memref<16x128xf32, #tpu.memory_space<hbm>>)
        tpu.yield
      }) : () -> ()
    } else {
    }
    return
  }
}

module attributes {stable_mosaic.version = 14 : i64} {
  func.func @_lin_relu_body(%arg0: i32, %arg1: memref<2x2000x128xf32, #tpu.memory_space<vmem>>, %arg2: memref<128x128xf32, #tpu.memory_space<vmem>>, %arg3: memref<1x128xf32, #tpu.memory_space<vmem>>, %arg4: memref<2000x128xf32, #tpu.memory_space<vmem>>) attributes {dimension_semantics = [#tpu.dimension_semantics<arbitrary>], iteration_bounds = array<i64: 5>, scalar_prefetch = 0 : i64, scratch_operands = 0 : i64, tpu.core_type = #tpu.core_type<tc>, window_params = [{transform_indices = @transform_0, window_bounds = array<i64: 2, 2000, 128>}, {pipeline_mode = #tpu.pipeline_mode<synchronous>, transform_indices = @transform_1, window_bounds = array<i64: 128, 128>}, {pipeline_mode = #tpu.pipeline_mode<synchronous>, transform_indices = @transform_2, window_bounds = array<i64: 1, 128>}, {transform_indices = @transform_3, window_bounds = array<i64: 2000, 128>}]} {
    %get3A = arith.constant 0 : index
    %get3A_0 = arith.constant 0 : index
    %get3A_1 = arith.constant 0 : index
    %get3A_2 = vector.load %arg1[%get3A, %get3A_0, %get3A_1] : memref<2x2000x128xf32, #tpu.memory_space<vmem>>, vector<1x2000x128xf32>
    %get3A_3 = vector.shape_cast %get3A_2 : vector<1x2000x128xf32> to vector<2000x128xf32>
    %get3A_4 = arith.constant 1 : index
    %get3A_5 = arith.constant 0 : index
    %get3A_6 = arith.constant 0 : index
    %get3A_7 = vector.load %arg1[%get3A_4, %get3A_5, %get3A_6] : memref<2x2000x128xf32, #tpu.memory_space<vmem>>, vector<1x2000x128xf32>
    %get3A_8 = vector.shape_cast %get3A_7 : vector<1x2000x128xf32> to vector<2000x128xf32>
    %add3A = arith.addf %get3A_3, %get3A_8 : vector<2000x128xf32>
    %get3A_9 = arith.constant 0 : index
    %get3A_10 = arith.constant 0 : index
    %get3A_11 = vector.load %arg2[%get3A_9, %get3A_10] : memref<128x128xf32, #tpu.memory_space<vmem>>, vector<128x128xf32>
    %dot_general3A = arith.constant dense<0.000000e+00> : vector<2000x128xf32>
    %dot_general3A_12 = tpu.matmul %add3A, %get3A_11, %dot_general3A {dimension_numbers = #tpu.dot_dimension_numbers<[1], [0], [0], [1], [0, 0, 1, 1], [], []>, transpose_lhs_hint = false} : vector<2000x128xf32>, vector<128x128xf32>, vector<2000x128xf32> -> vector<2000x128xf32>
    %get3A_13 = arith.constant 0 : index
    %get3A_14 = arith.constant 0 : index
    %get3A_15 = vector.load %arg3[%get3A_13, %get3A_14] : memref<1x128xf32, #tpu.memory_space<vmem>>, vector<1x128xf32>
    %add3A_16 = vector.broadcast %get3A_15 : vector<1x128xf32> to vector<2000x128xf32>
    %add3A_17 = arith.addf %dot_general3A_12, %add3A_16 : vector<2000x128xf32>
    %max3A = arith.constant 0.000000e+00 : f32
    %max3A_18 = vector.broadcast %max3A : f32 to vector<2000x128xf32>
    %max3A_19 = arith.maximumf %add3A_17, %max3A_18 : vector<2000x128xf32>
    %swap3A = arith.constant 0 : index
    %swap3A_20 = arith.constant 0 : index
    %swap3A_21 = vector.load %arg4[%swap3A, %swap3A_20] : memref<2000x128xf32, #tpu.memory_space<vmem>>, vector<2000x128xf32>
    tpu.vector_store %arg4[%swap3A, %swap3A_20], %max3A_19 {strides = array<i32>} : memref<2000x128xf32, #tpu.memory_space<vmem>>, vector<2000x128xf32>,
    return
  }
  func.func @transform_0(%arg0: i32) -> (i32, i32, i32) {
    %c0_i32 = arith.constant 0 : i32
    %c0_i32_0 = arith.constant 0 : i32
    %c0_i32_1 = arith.constant 0 : i32
    return %c0_i32, %arg0, %c0_i32_0 : i32, i32, i32
  }
  func.func @transform_1(%arg0: i32) -> (i32, i32) {
    %c0_i32 = arith.constant 0 : i32
    %c0_i32_0 = arith.constant 0 : i32
    %c0_i32_1 = arith.constant 0 : i32
    return %c0_i32, %c0_i32_0 : i32, i32
  }
  func.func @transform_2(%arg0: i32) -> (i32, i32) {
    %c0_i32 = arith.constant 0 : i32
    %c0_i32_0 = arith.constant 0 : i32
    %c0_i32_1 = arith.constant 0 : i32
    return %c0_i32, %c0_i32_0 : i32, i32
  }
  func.func @transform_3(%arg0: i32) -> (i32, i32) {
    %c0_i32 = arith.constant 0 : i32
    %c0_i32_0 = arith.constant 0 : i32
    return %arg0, %c0_i32 : i32, i32
  }
}

module attributes {stable_mosaic.version = 14 : i64} {
  func.func @_final_body(%arg0: i32, %arg1: memref<2x2000x128xf32, #tpu.memory_space<vmem>>, %arg2: memref<128x128xf32, #tpu.memory_space<vmem>>, %arg3: memref<1x128xf32, #tpu.memory_space<vmem>>, %arg4: memref<128x128xf32, #tpu.memory_space<vmem>>, %arg5: memref<1x128xf32, #tpu.memory_space<vmem>>, %arg6: memref<1x128xf32, #tpu.memory_space<vmem>>, %arg7: memref<1x1xf32, #tpu.memory_space<vmem>>, %arg8: memref<1x1xf32, #tpu.memory_space<vmem>>, %arg9: memref<8x128xf32, #tpu.memory_space<vmem>>) attributes {dimension_semantics = [#tpu.dimension_semantics<arbitrary>], iteration_bounds = array<i64: 5>, scalar_prefetch = 0 : i64, scratch_operands = 1 : i64, tpu.core_type = #tpu.core_type<tc>, window_params = [{transform_indices = @transform_0, window_bounds = array<i64: 2, 2000, 128>}, {pipeline_mode = #tpu.pipeline_mode<synchronous>, transform_indices = @transform_1, window_bounds = array<i64: 128, 128>}, {pipeline_mode = #tpu.pipeline_mode<synchronous>, transform_indices = @transform_2, window_bounds = array<i64: 1, 128>}, {pipeline_mode = #tpu.pipeline_mode<synchronous>, transform_indices = @transform_3, window_bounds = array<i64: 128, 128>}, {pipeline_mode = #tpu.pipeline_mode<synchronous>, transform_indices = @transform_4, window_bounds = array<i64: 1, 128>}, {pipeline_mode = #tpu.pipeline_mode<synchronous>, transform_indices = @transform_5, window_bounds = array<i64: 1, 128>}, {pipeline_mode = #tpu.pipeline_mode<synchronous>, transform_indices = @transform_6, window_bounds = array<i64: 1, 1>}, {pipeline_mode = #tpu.pipeline_mode<synchronous>, transform_indices = @transform_7, window_bounds = array<i64: 1, 1>}]} {
    %get3A = arith.constant 0 : index
    %get3A_0 = arith.constant 0 : index
    %get3A_1 = arith.constant 0 : index
    %get3A_2 = vector.load %arg1[%get3A, %get3A_0, %get3A_1] : memref<2x2000x128xf32, #tpu.memory_space<vmem>>, vector<1x2000x128xf32>
    %get3A_3 = vector.shape_cast %get3A_2 : vector<1x2000x128xf32> to vector<2000x128xf32>
    %get3A_4 = arith.constant 1 : index
    %get3A_5 = arith.constant 0 : index
    %get3A_6 = arith.constant 0 : index
    %get3A_7 = vector.load %arg1[%get3A_4, %get3A_5, %get3A_6] : memref<2x2000x128xf32, #tpu.memory_space<vmem>>, vector<1x2000x128xf32>
    %get3A_8 = vector.shape_cast %get3A_7 : vector<1x2000x128xf32> to vector<2000x128xf32>
    %add3A = arith.addf %get3A_3, %get3A_8 : vector<2000x128xf32>
    %get3A_9 = arith.constant 0 : index
    %get3A_10 = arith.constant 0 : index
    %get3A_11 = vector.load %arg2[%get3A_9, %get3A_10] : memref<128x128xf32, #tpu.memory_space<vmem>>, vector<128x128xf32>
    %dot_general3A = arith.constant dense<0.000000e+00> : vector<2000x128xf32>
    %dot_general3A_12 = tpu.matmul %add3A, %get3A_11, %dot_general3A {dimension_numbers = #tpu.dot_dimension_numbers<[1], [0], [0], [1], [0, 0, 1, 1], [], []>, transpose_lhs_hint = false} : vector<2000x128xf32>, vector<128x128xf32>, vector<2000x128xf32> -> vector<2000x128xf32>
    %get3A_13 = arith.constant 0 : index
    %get3A_14 = arith.constant 0 : index
    %get3A_15 = vector.load %arg3[%get3A_13, %get3A_14] : memref<1x128xf32, #tpu.memory_space<vmem>>, vector<1x128xf32>
    %add3A_16 = vector.broadcast %get3A_15 : vector<1x128xf32> to vector<2000x128xf32>
    %add3A_17 = arith.addf %dot_general3A_12, %add3A_16 : vector<2000x128xf32>
    %max3A = arith.constant 0.000000e+00 : f32
    %max3A_18 = vector.broadcast %max3A : f32 to vector<2000x128xf32>
    %max3A_19 = arith.maximumf %add3A_17, %max3A_18 : vector<2000x128xf32>
    %reduce_sum3A = arith.constant dense<0.000000e+00> : vector<128xf32>
    %reduce_sum3A_20 = vector.multi_reduction <add>, %max3A_19, %reduce_sum3A [0] : vector<2000x128xf32> to vector<128xf32>
    %broadcast_in_dim3A = vector.shape_cast %reduce_sum3A_20 : vector<128xf32> to vector<1x128xf32>
    %eq3A = arith.constant 0 : i32
    %eq3A_21 = arith.cmpi eq, %arg0, %eq3A : i32
    %convert_element_type3A = arith.extui %eq3A_21 : i1 to i32
    %cond3A = arith.constant 0 : i32
    %cond3A_22 = arith.cmpi ne, %convert_element_type3A, %cond3A : i32
    scf.if %cond3A_22 {
      %swap3A = arith.constant 0 : index
      %swap3A_32 = arith.constant 0 : index
      %swap3A_33 = vector.load %arg9[%swap3A, %swap3A_32] : memref<8x128xf32, #tpu.memory_space<vmem>>, vector<1x128xf32>
      tpu.vector_store %arg9[%swap3A, %swap3A_32], %broadcast_in_dim3A {strides = array<i32>} : memref<8x128xf32, #tpu.memory_space<vmem>>, vector<1x128xf32>,
    } else {
    }
    %gt3A = arith.constant 0 : i32
    %gt3A_23 = arith.cmpi sgt, %arg0, %gt3A : i32
    %convert_element_type3A_24 = arith.extui %gt3A_23 : i1 to i32
    %cond3A_25 = arith.constant 0 : i32
    %cond3A_26 = arith.cmpi ne, %convert_element_type3A_24, %cond3A_25 : i32
    scf.if %cond3A_26 {
      %get3A_32 = arith.constant 0 : index
      %get3A_33 = arith.constant 0 : index
      %get3A_34 = vector.load %arg9[%get3A_32, %get3A_33] : memref<8x128xf32, #tpu.memory_space<vmem>>, vector<1x128xf32>
      %add3A_35 = arith.addf %get3A_34, %broadcast_in_dim3A : vector<1x128xf32>
      %swap3A = arith.constant 0 : index
      %swap3A_36 = arith.constant 0 : index
      %swap3A_37 = vector.load %arg9[%swap3A, %swap3A_36] : memref<8x128xf32, #tpu.memory_space<vmem>>, vector<1x128xf32>
      tpu.vector_store %arg9[%swap3A, %swap3A_36], %add3A_35 {strides = array<i32>} : memref<8x128xf32, #tpu.memory_space<vmem>>, vector<1x128xf32>,
    } else {
    }
    %eq3A_27 = arith.constant 4 : i32
    %eq3A_28 = arith.cmpi eq, %arg0, %eq3A_27 : i32
    %convert_element_type3A_29 = arith.extui %eq3A_28 : i1 to i32
    %cond3A_30 = arith.constant 0 : i32
    %cond3A_31 = arith.cmpi ne, %convert_element_type3A_29, %cond3A_30 : i32
    scf.if %cond3A_31 {
      %get3A_32 = arith.constant 0 : index
      %get3A_33 = arith.constant 0 : index
      %get3A_34 = vector.load %arg9[%get3A_32, %get3A_33] : memref<8x128xf32, #tpu.memory_space<vmem>>, vector<1x128xf32>
      %get3A_35 = arith.constant 0 : index
      %get3A_36 = arith.constant 0 : index
      %get3A_37 = vector.load %arg4[%get3A_35, %get3A_36] : memref<128x128xf32, #tpu.memory_space<vmem>>, vector<128x128xf32>
      %dot_general3A_38 = arith.constant dense<0.000000e+00> : vector<1x128xf32>
      %dot_general3A_39 = tpu.matmul %get3A_34, %get3A_37, %dot_general3A_38 {dimension_numbers = #tpu.dot_dimension_numbers<[1], [0], [0], [1], [0, 0, 1, 1], [], []>, transpose_lhs_hint = false} : vector<1x128xf32>, vector<128x128xf32>, vector<1x128xf32> -> vector<1x128xf32>
      %get3A_40 = arith.constant 0 : index
      %get3A_41 = arith.constant 0 : index
      %get3A_42 = vector.load %arg5[%get3A_40, %get3A_41] : memref<1x128xf32, #tpu.memory_space<vmem>>, vector<1x128xf32>
      %add3A_43 = arith.addf %dot_general3A_39, %get3A_42 : vector<1x128xf32>
      %max3A_44 = arith.constant 0.000000e+00 : f32
      %max3A_45 = vector.broadcast %max3A_44 : f32 to vector<1x128xf32>
      %max3A_46 = arith.maximumf %add3A_43, %max3A_45 : vector<1x128xf32>
      %get3A_47 = arith.constant 0 : index
      %get3A_48 = arith.constant 0 : index
      %get3A_49 = vector.load %arg6[%get3A_47, %get3A_48] : memref<1x128xf32, #tpu.memory_space<vmem>>, vector<1x128xf32>
      %mul3A = arith.mulf %max3A_46, %get3A_49 : vector<1x128xf32>
      %reduce_sum3A_50 = arith.constant dense<0.000000e+00> : vector<1xf32>
      %reduce_sum3A_51 = vector.multi_reduction <add>, %mul3A, %reduce_sum3A_50 [1] : vector<1x128xf32> to vector<1xf32>
      %broadcast_in_dim3A_52 = vector.shape_cast %reduce_sum3A_51 : vector<1xf32> to vector<1x1xf32>
      %get3A_53 = arith.constant 0 : index
      %get3A_54 = arith.constant 0 : index
      %get3A_55 = vector.load %arg7[%get3A_53, %get3A_54] : memref<1x1xf32, #tpu.memory_space<vmem>>, vector<1x1xf32>
      %add3A_56 = arith.addf %broadcast_in_dim3A_52, %get3A_55 : vector<1x1xf32>
      %neg3A = arith.constant 0.000000e+00 : f32
      %neg3A_57 = vector.broadcast %neg3A : f32 to vector<1x1xf32>
      %neg3A_58 = arith.subf %neg3A_57, %add3A_56 : vector<1x1xf32>
      %exp3A = math.exp %neg3A_58 : vector<1x1xf32>
      %add3A_59 = arith.constant 1.000000e+00 : f32
      %add3A_60 = vector.broadcast %add3A_59 : f32 to vector<1x1xf32>
      %add3A_61 = arith.addf %add3A_60, %exp3A : vector<1x1xf32>
      %div3A = arith.constant 1.000000e+00 : f32
      %div3A_62 = vector.broadcast %div3A : f32 to vector<1x1xf32>
      %div3A_63 = arith.divf %div3A_62, %add3A_61 : vector<1x1xf32>
      %swap3A = arith.constant 0 : index
      %swap3A_64 = arith.constant 0 : index
      %swap3A_65 = vector.load %arg8[%swap3A, %swap3A_64] : memref<1x1xf32, #tpu.memory_space<vmem>>, vector<1x1xf32>
      tpu.vector_store %arg8[%swap3A, %swap3A_64], %div3A_63 {strides = array<i32>} : memref<1x1xf32, #tpu.memory_space<vmem>>, vector<1x1xf32>,
    } else {
    }
    return
  }
  func.func @transform_0(%arg0: i32) -> (i32, i32, i32) {
    %c0_i32 = arith.constant 0 : i32
    %c0_i32_0 = arith.constant 0 : i32
    %c0_i32_1 = arith.constant 0 : i32
    return %c0_i32, %arg0, %c0_i32_0 : i32, i32, i32
  }
  func.func @transform_1(%arg0: i32) -> (i32, i32) {
    %c0_i32 = arith.constant 0 : i32
    %c0_i32_0 = arith.constant 0 : i32
    %c0_i32_1 = arith.constant 0 : i32
    return %c0_i32, %c0_i32_0 : i32, i32
  }
  func.func @transform_2(%arg0: i32) -> (i32, i32) {
    %c0_i32 = arith.constant 0 : i32
    %c0_i32_0 = arith.constant 0 : i32
    %c0_i32_1 = arith.constant 0 : i32
    return %c0_i32, %c0_i32_0 : i32, i32
  }
  func.func @transform_3(%arg0: i32) -> (i32, i32) {
    %c0_i32 = arith.constant 0 : i32
    %c0_i32_0 = arith.constant 0 : i32
    %c0_i32_1 = arith.constant 0 : i32
    return %c0_i32, %c0_i32_0 : i32, i32
  }
  func.func @transform_4(%arg0: i32) -> (i32, i32) {
    %c0_i32 = arith.constant 0 : i32
    %c0_i32_0 = arith.constant 0 : i32
    %c0_i32_1 = arith.constant 0 : i32
    return %c0_i32, %c0_i32_0 : i32, i32
  }
  func.func @transform_5(%arg0: i32) -> (i32, i32) {
    %c0_i32 = arith.constant 0 : i32
    %c0_i32_0 = arith.constant 0 : i32
    %c0_i32_1 = arith.constant 0 : i32
    return %c0_i32, %c0_i32_0 : i32, i32
  }
  func.func @transform_6(%arg0: i32) -> (i32, i32) {
    %c0_i32 = arith.constant 0 : i32
    %c0_i32_0 = arith.constant 0 : i32
    %c0_i32_1 = arith.constant 0 : i32
    return %c0_i32, %c0_i32_0 : i32, i32
  }
  func.func @transform_7(%arg0: i32) -> (i32, i32) {
    %c0_i32 = arith.constant 0 : i32
    %c0_i32_0 = arith.constant 0 : i32
    %c0_i32_1 = arith.constant 0 : i32
    return %c0_i32, %c0_i32_0 : i32, i32
  }
}

</mosaic_0001>

<sc_bundles>
// kernel: kernel.6.cloned.1.call-start
scs
__scs_entry_jumppad:
0x0: {  	(pc) =	sbr.rel $0x88, $3  }
0x1: {  	(tag) =	ssettag $0x0;
	lr =	simm.s32 $0x1  }
0x2: {  	[smem:$0x3F97] =	sst lr;
	_ =	strace $0xD0000000  }
0x3: {  	_ = 	snop  }
0x4: {  	_ = 	snop  }
0x5: {  	_ = 	snop  }
0x6: {  	_ = 	snop  }
0x7: {  	_ = 	snop  }
__scs_overlays_trampoline_lowered:
0x8: {  	[smem:$0x3FA6] =	sst s0  }
0x9: {  	[smem:$0x3FA7] =	sst s1  }
0xa: {  	[smem:$0x3FA8] =	sst s2  }
0xb: {  	[smem:$0x3FA9] =	sst s3  }
0xc: {  	[smem:$0x3FAA] =	sst s4  }
0xd: {  	[smem:$0x3FAB] =	sst s5  }
0xe: {  	[smem:$0x3FAC] =	sst s6  }
0xf: {  	[smem:$0x3FAD] =	sst s7  }
0x10: {  	[smem:$0x3FAE] =	sst s8  }
0x11: {  	[smem:$0x3FAF] =	sst s9;
	s0 =	simm.s32 @!p0 $0x0  }
0x12: {  	s1 =	sld [smem:$0x3F95];
	s0 =	simm.s32 @p0 $0x1  }
0x13: {  	[smem:$0x3FB0] =	sst s0;
	s0 =	simm.s32 @!p1 $0x0  }
0x14: {  	s2 =	sld [smem:$0x3F94];
	s0 =	simm.s32 @p1 $0x1  }
0x15: {  	[smem:$0x3FB1] =	sst s0;
	s0 =	simm.s32 @!p2 $0x0  }
0x16: {  	s3 =	sld [smem:$0x3FDB];
	s0 =	simm.s32 @p2 $0x1  }
0x17: {  	s4 =	simm.s32 $0x1BF5;
	[smem:$0x3FB3] =	sst s0  }
0x18: {  	s0 =	sld [smem:$0x3F96];
	_ =	swait.ge [sflag:s4], $0x0  }
0x19: {  	s7 =	sld [smem:$0x3F97]  }
0x1a: {  	s8 =	sadd.s32 $0xFFFFE003, lr  }
0x1b: {  	s9 =	sadd.s32 $0xFFFFFEF7, lr;
	s5 =	simm.s32 $0xFFFFFFFF;
	p2 =	slt.u32 s8, $0xFFFFF086  }
0x1c: {  	p1 =	slt.u32 s9, $0xF7A;
	s5 =	simm.s32 @!p2 $0x0  }
0x1d: {  	s5 =	simm.s32 @p1 $0x1;
	p0 =	seq.s32 s7, s2  }
0x1e: {  	s7 =	smul.u32 @!p0 $0xF7A, s2;
	p2 =	seq.s32 @!p0 s5, $0x0  }
0x1f: {  	s9 =	smul.u32 $0xF7A, s1;
	s8 =	simm.s32 @!p0 $0x1BF5;
	p2 =	por !p2, p0  }
0x20: {  	[sflag:s8] =	ssyncset.s32 @!p0 $0xFFFFF086;
	s6 =	sadd.s32 @!p0 s3, s7;
	s7 =	simm.s32 @!p0 $0x108  }
0x21: {  	s3 =	sadd.s32 s3, s9;
	s6 =	sadd.s32 @!p0 $0x88, s6;
	s7 =	simm.s32 @p2 $0x1082  }
0x22: {  	[simem:s7], [sflag:s8] =	dma.local @!p0 [hbm:s6], $0xF7A  }
0x23: {  	s9 =	sor.u32 $0xD0000000, s2;
	s6 =	simm.s32 $0x108;
	_ =	swait.ge @!p0 [sflag:s8], $0x0  }
0x24: {  	s3 =	sadd.s32 $0x88, s3;
	s6 =	simm.s32 @!p1 $0x1082;
	[sflag:s4] =	ssyncset.s32 $0xFFFFF086  }
0x25: {  	[simem:s6], [sflag:s4] =	dma.local [hbm:s3], $0xF7A  }
0x26: {  	[smem:$0x3F97] =	sst s1;
	(tag) =	ssettag s2;
	_ =	strace s9  }
0x27: {  	s1 =	sld [smem:$0x3FA7]  }
0x28: {  	s2 =	sld [smem:$0x3FA8]  }
0x29: {  	s4 =	sld [smem:$0x3FAA]  }
0x2a: {  	p0 =	seq.s32 s5, $0x0;
	s5 =	sld [smem:$0x3FAB]  }
0x2b: {  	s6 =	sld [smem:$0x3FAC]  }
0x2c: {  	s7 =	sld [smem:$0x3FAD]  }
0x2d: {  	s3 =	simm.s32 $0x108;
	s8 =	sld [smem:$0x3FAE]  }
0x2e: {  	s3 =	simm.s32 @!p0 $0x1082;
	s9 =	sld [smem:$0x3FAF]  }
0x2f: {  	lr =	sadd.s32 s0, s3;
	s0 =	sld [smem:$0x3FA6]  }
0x30: {  	s3 =	sld [smem:$0x3FA9]  }
0x31: {  	[smem:$0x3FB2] =	sst s10  }
0x32: {  	s10 =	sld [smem:$0x3FB0];
	_ =	sdelay $0x3  }
0x33: {  	p0 =	seq.s32 s10, $0x1;
	s10 =	sld [smem:$0x3FB2];
	_ =	sdelay $0x3  }
0x34: {  	[smem:$0x3FB2] =	sst s10  }
0x35: {  	s10 =	sld [smem:$0x3FB1];
	_ =	sdelay $0x3  }
0x36: {  	p1 =	seq.s32 s10, $0x1;
	s10 =	sld [smem:$0x3FB2];
	_ =	sdelay $0x3  }
0x37: {  	[smem:$0x3FB2] =	sst s10  }
0x38: {  	s10 =	sld [smem:$0x3FB3]  }
0x39: {  	_ = 	snop;
	(pc) =	sbr.ind lr, $3  }
0x3a: {  	_ = 	snop  }
0x3b: {  	_ = 	snop  }
0x3c: {  	p2 =	seq.s32 s10, $0x1;
	s10 =	sld [smem:$0x3FB2]  }
0x3d: {  	_ =	shalt  }
0x3e: {  	_ =	shalt  }
0x3f: {  	_ =	shalt  }
0x40: {  	_ =	shalt  }
0x41: {  	_ =	shalt  }
0x42: {  	_ =	shalt  }
0x43: {  	_ =	shalt  }
0x44: {  	_ =	shalt  }
0x45: {  	_ =	shalt  }
0x46: {  	_ =	shalt  }
0x47: {  	_ =	shalt  }
0x48: {  	_ =	shalt  }
0x49: {  	_ =	shalt  }
0x4a: {  	_ =	shalt  }
0x4b: {  	_ =	shalt  }
0x4c: {  	_ =	shalt  }
0x4d: {  	_ =	shalt  }
0x4e: {  	_ =	shalt  }
0x4f: {  	_ =	shalt  }
0x50: {  	_ =	shalt  }
0x51: {  	_ =	shalt  }
0x52: {  	_ =	shalt  }
0x53: {  	_ =	shalt  }
0x54: {  	_ =	shalt  }
0x55: {  	_ =	shalt  }
0x56: {  	_ =	shalt  }
0x57: {  	_ =	shalt  }
0x58: {  	_ =	shalt  }
0x59: {  	_ =	shalt  }
0x5a: {  	_ =	shalt  }
0x5b: {  	_ =	shalt  }
0x5c: {  	_ =	shalt  }
0x5d: {  	_ =	shalt  }
0x5e: {  	_ =	shalt  }
0x5f: {  	_ =	shalt  }
0x60: {  	_ =	shalt  }
0x61: {  	_ =	shalt  }
0x62: {  	_ =	shalt  }
0x63: {  	_ =	shalt  }
0x64: {  	_ =	shalt  }
0x65: {  	_ =	shalt  }
0x66: {  	_ =	shalt  }
0x67: {  	_ =	shalt  }
0x68: {  	_ =	shalt  }
0x69: {  	_ =	shalt  }
0x6a: {  	_ =	shalt  }
0x6b: {  	_ =	shalt  }
0x6c: {  	_ =	shalt  }
0x6d: {  	_ =	shalt  }
0x6e: {  	_ =	shalt  }
0x6f: {  	_ =	shalt  }
0x70: {  	_ =	shalt  }
0x71: {  	_ =	shalt  }
0x72: {  	_ =	shalt  }
0x73: {  	_ =	shalt  }
0x74: {  	_ =	shalt  }
0x75: {  	_ =	shalt  }
0x76: {  	_ =	shalt  }
0x77: {  	_ =	shalt  }
0x78: {  	_ =	shalt  }
0x79: {  	_ =	shalt  }
0x7a: {  	_ =	shalt  }
0x7b: {  	_ =	shalt  }
0x7c: {  	_ =	shalt  }
0x7d: {  	_ =	shalt  }
0x7e: {  	_ =	shalt  }
0x7f: {  	_ =	shalt  }
0x80: {  	_ =	shalt  }
0x81: {  	_ =	shalt  }
0x82: {  	_ =	shalt  }
0x83: {  	_ =	shalt  }
0x84: {  	_ =	shalt  }
0x85: {  	_ =	shalt  }
0x86: {  	_ =	shalt  }
0x87: {  	_ =	shalt  }
.Lfunc_end0:
.L_simem_size_0:
called_computation_lowered:
.L_overlay_start_0:
0x88: {  	s2 =	sld [smem:$0x3FD9]  }
0x89: {  	s3 =	sld [smem:$0x3FFE];
	_ =	sdelay $0x1  }
0x8a: {  	s1 =	srdreg.scid  }
0x8b: {  	s0 =	sand.u32 $0x1, s1  }
0x8c: {  	s17 =	sshll.u32 s0, $0xA;
	s2 =	sadd.s32 s3, s2  }
0x8d: {  	s2 =	sadd.s32 s2, s17  }
0x8e: {  	[smem:$0x3FBE] =	sst s2  }
0x8f: {  	_ = 	snop  }
0x90: {  	s2 =	sld [smem:$0x3FC9];
	(tm) =	ssettm $0x1  }
0x91: {  	s18 =	sld [smem:$0x3FFB];
	_ =	sdelay $0x3  }
0x92: {  	_ =	strace s18  }
0x93: {  	s3 =	sld [smem:$0x3FFC];
	_ =	sdelay $0x3  }
0x94: {  	_ =	strace s3  }
0x95: {  	s3 =	sld [smem:$0x3FFD];
	_ =	sdelay $0x3  }
0x96: {  	_ =	strace s3  }
0x97: {  	_ =	strace $0x8FFFFFFF  }
0x98: {  	s19 =	sld [smem:$0x3FDB];
	_ =	sdelay $0x1  }
0x99: {  	s4 =	simm.s32 $_scs_section_size  }
0x9a: {  	s5 =	simm.s32 $_size__tile_overlayer_lowered;
	s6 =	simm.s32 $_tile_overlayer_lowered  }
0x9b: {  	s22 =	simm.s32 $0x1BFF;
	s21 =	sshll.u32 s6, $0x1;
	s3 =	sadd.s32 s4, s19  }
0x9c: {  	s7 =	simm.s32 $0x0;
	s20 =	sshll.u32 s5, $0x1;
	s5 =	sadd.s32 s21, s3  }
0x9d: {  	[timem:s7], [sflag:s22] =	dma.local [hbm:s5], s20  }
0x9e: {  	_ =	swait.ge [sflag:s22], s20  }
0x9f: {  	s4 =	ssub.s32 $0x0, s20;
	[sflag:s22] =	ssyncset.done $0x0  }
0xa0: {  	[sflag:s22] =	ssyncadd.s32 s4;
	_ =	sdelay $0x1  }
0xa1: {  	s23 =	simm.s32 $0x1B8B  }
0xa2: {  	_ =	swait.ge [sflag:s23], $0x1  }
0xa3: {  	[sflag:s23] =	ssyncset.done $0x0  }
0xa4: {  	s25 =	simm.s32 $0x1B8E;
	s24 =	sld [smem:$0x3FFE];
	[sflag:s23] =	ssyncadd.s32 $0xFFFFFFFF  }
0xa5: {  	s26 =	simm.s32 $execute0_lowered;
	[smem:$0x3FD2] =	sst s25  }
0xa6: {  	s5 =	sshll.u32 s26, $0x1;
	_ =	strace $0x80000046;
	[dreg:$0x1] =	wrdreg $0xFFFFFFFF  }
0xa7: {  	s28 =	simm.s32 $_size_execute0_lowered;
	s3 =	sadd.s32 s3, s5;
	[dreg:$0x0] =	wrdreg $0x0  }
0xa8: {  	s5 =	sshll.u32 s28, $0x1;
	[dreg:$0x2] =	wrdreg s3  }
0xa9: {  	[dreg:$0x3] =	wrdreg s5  }
0xaa: {  	[dreg:$0x4] =	wrdreg $0xC0  }
0xab: {  	_ =	task [dreg:s7], $0x5FFFF  }
0xac: {  	[dreg:$0x1] =	wrdreg $0xFFFFFFFF  }
0xad: {  	[dreg:$0x0] =	wrdreg $0x60  }
0xae: {  	[dreg:$0x2] =	wrdreg s2  }
0xaf: {  	[dreg:$0x3] =	wrdreg s24  }
0xb0: {  	[dreg:$0x4] =	wrdreg $0x0  }
0xb1: {  	[dreg:$0x5] =	wrdreg $0x9  }
0xb2: {  	_ =	task.clear_ibuf [dreg:s7], $0x6FFFF;
	_ =	strace $0x90000046  }
0xb3: {  	s29 =	simm.s32 $0x9;
	_ =	strace $0x80000048  }
0xb4: {  	_ =	swait.ge [sflag:s29], $0x1  }
0xb5: {  	[sflag:s29] =	ssyncadd.s32 $0xFFFFFFFF  }
0xb6: {  	_ =	strace $0x90000048  }
0xb7: {  	_ =	sfence  }
0xb8: {  	s30 =	sld [smem:$0x0];
	_ =	sdelay $0x2  }
0xb9: {  	s31 =	sshll.u32 s1, $0xD;
	s1 =	sshrl.u32 s1, $0x2  }
0xba: {  	s3 =	sand.u32 $0x4000, s31;
	s1 =	sadd.s32 s1, s30  }
0xbb: {  	s0 =	sor.u32 s3, s0;
	s1 =	sshll.u32 s1, $0x11  }
0xbc: {  	s0 =	sor.u32 s1, s0  }
0xbd: {  	s0 =	sadd.s32 $0x8F2B, s0  }
0xbe: {  	[sflag:s0] =	ssyncadd.remote.s32 $0x1  }
0xbf: {  	_ =	sfence.sel $0xFFFF  }
0xc0: {  	[dreg:$0x0] =	wrdreg $0xFFFFFFFF;
	(pc) =	sbr.abs _section_cstart, $3  }
0xc1: {  	[dreg:$0x1] =	wrdreg $0xFFFFFFFF  }
0xc2: {  	_ =	task.clear_ibuf [dreg:s7], $0x2FFFF;
	_ =	strace $0x9FFFFFFF  }
0xc3: {  	(tm) =	ssettm $0x7FFFFFFF  }
tec
execute0_lowered:
.L_overlay_start_1:
0x0: {  	(tag) =	ssettag $0x1  }
0x1: {  	s0 =	srdreg.scid;
	s13 =	stileid.u32  }
0x2: {  	s1 =	sand.u32 $0x1, s0;
	s11 =	smul.u32 $0x5000, s13  }
0x3: {  	s2 =	rddreg [dreg:$0x0];
	s4 =	smul.u32 $0x2800, s1  }
0x4: {  	s7 =	rddreg [dreg:$0x1]  }
0x5: {  	s3 =	rddreg [dreg:$0x2];
	s0 =	sadd.s32 s4, s11;
	s4 =	simm.s32 $0x0  }
0x6: {  	s12 =	simm.s32 $0x14900;
	[smem:$0x7FF] =	sst s4  }
0x7: {  	s14 =	simm.s32 $0x14940;
	_ =	strace $0x80000047;
	[dreg:$0x6] =	wrdreg s12  }
0x8: {  	s15 =	simm.s32 $0x14980;
	[dreg:$0x7] =	wrdreg s14  }
0x9: {  	s16 =	simm.s32 $0x149C0;
	[dreg:$0x8] =	wrdreg s15  }
0xa: {  	s18 =	sadd.s32 $0x15400, s7;
	[dreg:$0x9] =	wrdreg s16  }
0xb: {  	s17 =	simm.s32 $0x14D00;
	[smem:$0x7E3] =	sst s18  }
0xc: {  	s19 =	simm.s32 $0x14A00;
	[dreg:$0xa] =	wrdreg s17  }
0xd: {  	s20 =	simm.s32 $0x14A40;
	[dreg:$0xb] =	wrdreg s19  }
0xe: {  	s22 =	simm.s32 $0x14D80;
	[dreg:$0xc] =	wrdreg s20  }
0xf: {  	s11 =	simm.s32 $0x14A80;
	[dreg:$0xd] =	wrdreg s22  }
0x10: {  	s23 =	simm.s32 $0x14AC0;
	[dreg:$0xe] =	wrdreg s11  }
0x11: {  	s25 =	simm.s32 $0x14E00;
	s24 =	sshll.u32 s13, $0x1;
	[dreg:$0xf] =	wrdreg s23  }
0x12: {  	s26 =	sor.u32 s1, s24;
	s24 =	simm.s32 $0x14C40;
	[dreg:$0x10] =	wrdreg s25  }
0x13: {  	s14 =	simm.s32 $0x14B00;
	[dreg:$0x18] =	wrdreg s24  }
0x14: {  	s16 =	simm.s32 $0x14B40;
	[dreg:$0x11] =	wrdreg s14  }
0x15: {  	s17 =	simm.s32 $0x14E80;
	[dreg:$0x12] =	wrdreg s16  }
0x16: {  	s18 =	simm.s32 $0x14B80;
	[dreg:$0x13] =	wrdreg s17  }
0x17: {  	s19 =	simm.s32 $0x14BC0;
	[dreg:$0x14] =	wrdreg s18  }
0x18: {  	s28 =	simm.s32 $0x15080;
	s20 =	simm.s32 $0x14F00;
	[dreg:$0x15] =	wrdreg s19  }
0x19: {  	s29 =	simm.s32 $0x15480;
	s23 =	sadd.s32 $0x138000, s3;
	[dreg:$0x16] =	wrdreg s20  }
0x1a: {  	s5 =	sadd.s32 $0x1400, s7;
	s22 =	simm.s32 $0x14C00;
	[smem:$0x7E6] =	sst s23  }
0x1b: {  	s11 =	smul.u32 $0x2800, s26;
	s26 =	sadd.s32 $0x27000, s2;
	[dreg:$0x17] =	wrdreg s22  }
0x1c: {  	s6 =	sor.u32 $0x400, s0;
	s25 =	simm.s32 $0x14F80;
	[smem:$0x7E7] =	sst s26  }
0x1d: {  	s8 =	sshrl.u32 s6, $0x3;
	s24 =	simm.s32 $0x15200;
	[dreg:$0x19] =	wrdreg s25  }
0x1e: {  	s6 =	sadd.s32 $0xB400, s7;
	s9 =	sadd.s32 s8, s5;
	[smem:$0x7EC] =	sst s24  }
0x1f: {  	s30 =	simm.s32 $0x19880;
	s8 =	sadd.s32 s8, s6;
	[dreg:$0x4] =	wrdreg s9  }
0x20: {  	s31 =	simm.s32 $0x1B880;
	s14 =	simm.s32 $0x15000;
	[dreg:$0x5] =	wrdreg s8  }
0x21: {  	p1 =	sne.s32 s13, $0xF;
	s16 =	simm.s32 $0x15100;
	[dreg:$0x1b] =	wrdreg s14  }
0x22: {  	s21 =	ssub.s32 $0x2, s1;
	s17 =	simm.s32 $0x15140;
	[dreg:$0x1c] =	wrdreg s16  }
0x23: {  	p0 =	seq.s32 s1, $0x1;
	s19 =	simm.s32 $0x15180;
	[dreg:$0x1d] =	wrdreg s17  }
0x24: {  	s1 =	smul.u32 $0x138800, s1;
	s23 =	simm.s32 $0x15500;
	[dreg:$0x1e] =	wrdreg s19  }
0x25: {  	s12 =	smul.u32 $0x2700, s13;
	s26 =	simm.s32 $0x15240;
	[smem:$0x7EA] =	sst s23  }
0x26: {  	s10 =	sshrl.u32 s21, $0x1;
	s24 =	simm.s32 $0x15440;
	[smem:$0x7ED] =	sst s26  }
0x27: {  	s8 =	ssub.s32 s21, s10;
	s21 =	sadd.s32 s2, s12;
	[smem:$0x7FB] =	sst s24  }
0x28: {  	s7 =	sadd.s32 $0x17C00, s7;
	s12 =	simm.s32 $0x150C0;
	[smem:$0x7E5] =	sst s21  }
0x29: {  	s15 =	smul.u32 $0x4E000, s13;
	s16 =	simm.s32 $0x15300;
	[dreg:$0x1a] =	wrdreg s12  }
0x2a: {  	s18 =	smul.u32 $0x13800, s13;
	s17 =	simm.s32 $0x15340;
	[smem:$0x7F4] =	sst s16  }
0x2b: {  	s10 =	sshrl.u32 s15, $0x2;
	s19 =	simm.s32 $0x15680;
	[smem:$0x7F5] =	sst s17  }
0x2c: {  	s11 =	sshrl.u32 s11, $0x3;
	s23 =	simm.s32 $0x15400;
	[smem:$0x7F6] =	sst s19  }
0x2d: {  	s24 =	simm.s32 $0x15880;
	s26 =	simm.s32 $0x15800;
	[smem:$0x7FA] =	sst s23  }
0x2e: {  	s9 =	simm.s32 $0x2;
	s10 =	sadd.s32 s10, s3;
	[smem:$0x7FD] =	sst s26  }
0x2f: {  	s15 =	sadd.s32 s6, s11;
	s20 =	sadd.s32 s5, s11;
	[smem:$0x7E4] =	sst s10  }
0x30: {  	s21 =	simm.s32 $0x151C0;
	s22 =	sadd.s32 s18, s1;
	[smem:$0x7E8] =	sst s15  }
0x31: {  	s1 =	sshrl.u32 s1, $0x3;
	s12 =	simm.s32 $0x152C0;
	[smem:$0x7E9] =	sst s20  }
0x32: {  	s14 =	smax.u32 s8, $0x1;
	s18 =	sshll.u32 s13, $0x6;
	[dreg:$0x1f] =	wrdreg s21  }
0x33: {  	s19 =	simm.s32 $0x5;
	s23 =	simm.s32 $0x40;
	[smem:$0x7F1] =	sst s14  }
0x34: {  	s26 =	simm.s32 $0x17880;
	s10 =	simm.s32 $0x15580;
	[smem:$0x7F2] =	sst s12  }
0x35: {  	s11 =	sshrl.u32 s22, $0x3;
	s15 =	simm.s32 $0x15600;
	[smem:$0x7EE] =	sst s10  }
0x36: {  	s1 =	sadd.s32 s7, s1;
	s20 =	simm.s32 $0x15380;
	[smem:$0x7F3] =	sst s15  }
0x37: {  	s12 =	sadd.s32 $0x800, s0;
	s21 =	simm.s32 $0x153C0;
	[smem:$0x7F7] =	sst s20  }
0x38: {  	s18 =	sor.u32 $0x1C05, s18;
	s22 =	simm.s32 $0x15700;
	[smem:$0x7F8] =	sst s21  }
0x39: {  	s0 =	simm.s32 $0x80;
	s25 =	sadd.s32 s7, s11;
	[smem:$0x7F9] =	sst s22  }
0x3a: {  	s11 =	simm.s32 $0x15280;
	s1 =	sadd.s32 $0x27000, s1;
	[smem:$0x7EB] =	sst s25  }
0x3b: {  	s21 =	simm.s32 $0x14C80;
	s22 =	simm.s32 $0x1;
	[smem:$0x7EF] =	sst s1  }
0x3c: {  	[smem:$0x7F0] =	sst s11;
	s25 =	simm.s32 $0x15780;
	s1 =	simm.s32 $0x3  }
0x3d: {  	s11 =	simm.s32 $0x4;
	[smem:$0x7FC] =	sst s25;
	s25 =	simm.s32 $0x0  }
.LBB2_1:
.Ltmp0:
0x3e: {  	(pc) =	sbr.rel @!p0 .LBB2_2-.Ltmp0, $2  }
0x3f: {  	s7 =	sld [smem:$0x7E4];
	_ =	sdelay $0x2  }
0x40: {  	s7 =	sshrl.u32 s7, $0x3  }
0x41: {  	s8 =	sld [smem:$0x7E3];
	_ =	sdelay $0x1  }
.Ltmp1:
0x42: {  	_ = 	snop;
	(pc) =	sbr.rel @p1 .LBB2_7-.Ltmp1, $4  }
0x43: {  	[spmem:s7], [sflag:s18] =	dma.local [hbm:s8], $0x2700  }
0x44: {  	_ =	swait.ge [sflag:s19], $0x2700  }
0x45: {  	[sflag:s19] =	ssyncset.done $0x0  }
0x46: {  	[sflag:s19] =	ssyncadd.s32 $0xFFFFD900  }
.Ltmp2:
0x47: {  	s8 =	sld [smem:$0x7E6];
	(pc) =	sbr.rel .LBB2_6-.Ltmp2, $3  }
0x48: {  	s10 =	sld [smem:$0x7E3];
	_ =	sdelay $0x1  }
0x49: {  	s8 =	sshrl.u32 s8, $0x3  }
0x4a: {  	[spmem:s8], [sflag:s18] =	dma.local [hbm:s10], $0x100  }
.LBB2_2:
0x4b: {  	s8 =	sld [smem:$0x7E5];
	_ =	sdelay $0x1  }
.Ltmp3:
0x4c: {  	_ = 	snop;
	(pc) =	sbr.rel @p1 .LBB2_7-.Ltmp3, $4  }
0x4d: {  	[spmem:s7], [sflag:s18] =	dma.local [hbm:s8], $0x2700  }
0x4e: {  	_ =	swait.ge [sflag:s19], $0x2700  }
0x4f: {  	[sflag:s19] =	ssyncset.done $0x0  }
0x50: {  	[sflag:s19] =	ssyncadd.s32 $0xFFFFD900  }
0x51: {  	s8 =	sld [smem:$0x7E6]  }
0x52: {  	s10 =	sld [smem:$0x7E7];
	_ =	sdelay $0x1  }
0x53: {  	s8 =	sshrl.u32 s8, $0x3  }
0x54: {  	[spmem:s8], [sflag:s18] =	dma.local [hbm:s10], $0x100  }
.LBB2_6:
0x55: {  	_ =	swait.ge [sflag:s19], $0x100  }
0x56: {  	[sflag:s19] =	ssyncset.done $0x0  }
0x57: {  	[sflag:s19] =	ssyncadd.s32 $0xFFFFFF00  }
.LBB2_7:
0x58: {  	[bflag:$0x0] =	sbarrier.arrive $0xFFFF  }
0x59: {  	s10 =	sld [smem:$0x7E8];
	_ =	sdelay $0x1  }
0x5a: {  	s8 =	simm.s32 $0x0;
	s13 =	simm.s32 $0x14880;
	s14 =	sld [smem:$0x7E9]  }
0x5b: {  	[tilespmem:s13], [sflag:$0x1] =	stream.linear.gather [hbm4b:s10+s8], $0x400, $0x38;
	[tilespmem:$0x1D880] =	vst v63  }
0x5c: {  	_ = 	snop  }
0x5d: {  	[tilespmem:s21], [sflag:$0x1] =	stream.linear.gather [hbm4b:s14+s8], $0x400, $0x38;
	[tilespmem:$0x1D880] =	vst v63  }
0x5e: {  	_ =	swait.ge [sflag:s22], $0x400  }
0x5f: {  	[sflag:s22] =	ssyncset.done $0x0  }
0x60: {  	[sflag:s22] =	ssyncadd.s32 $0xFFFFFC00  }
0x61: {  	_ =	swait.ge [sflag:s22], $0x400  }
0x62: {  	[sflag:s22] =	ssyncset.done $0x0  }
0x63: {  	[sflag:s22] =	ssyncadd.s32 $0xFFFFFC00  }
0x64: {  	[tilespmem:s24], [sflag:$0x3] =	stream.indirect.gather [hbm4b:s2+s23], $0x80, s13, s23, $0xb8;
	[tilespmem:$0x1D880] =	vst v63  }
0x65: {  	s16 =	simm.s32 $0x148C0;
	s15 =	rddreg [dreg:$0x5]  }
0x66: {  	[tilespmem:s26], [sflag:$0x3] =	stream.indirect.gather [hbm4b:s2+s23], $0x80, s16, s23, $0xb8;
	[tilespmem:$0x1D880] =	vst v63  }
0x67: {  	s17 =	rddreg [dreg:$0x4];
	s8 =	sadd.s32 $0x0, s15  }
0x68: {  	[tilespmem:s28], [sflag:$0x2] =	stream.linear.gather [hbm4b:s8+s4], $0x400, $0x38;
	[tilespmem:$0x1D880] =	vst v63  }
0x69: {  	s20 =	sadd.s32 $0x0, s17  }
0x6a: {  	[tilespmem:s29], [sflag:$0x2] =	stream.linear.gather [hbm4b:s20+s4], $0x400, $0x38;
	[tilespmem:$0x1D880] =	vst v63  }
0x6b: {  	s10 =	rddreg [dreg:$0x6]  }
0x6c: {  	[tilespmem:s30], [sflag:$0x4] =	stream.indirect.gather [hbm4b:s2+s23], $0x80, s10, s23, $0xb8;
	[tilespmem:$0x1D880] =	vst v63  }
0x6d: {  	s14 =	rddreg [dreg:$0x7]  }
0x6e: {  	[tilespmem:s31], [sflag:$0x4] =	stream.indirect.gather [hbm4b:s2+s23], $0x80, s14, s23, $0xb8;
	[tilespmem:$0x1D880] =	vst v63  }
0x6f: {  	_ =	swait.ge [sflag:s1], $0x2000  }
0x70: {  	[sflag:s1] =	ssyncset.done $0x0  }
0x71: {  	[sflag:s1] =	ssyncadd.s32 $0xFFFFE000  }
0x72: {  	_ =	swait.ge [sflag:s1], $0x2000  }
0x73: {  	[sflag:s1] =	ssyncset.done $0x0  }
0x74: {  	[sflag:s1] =	ssyncadd.s32 $0xFFFFE000  }
0x75: {  	[spmem:s3] =	stream.indirect.scatter.add.f32 [tilespmem:s24], [sflag:$0x5], $0x80, s21, s0, $0xb8;
	[tilespmem:$0x1D880] =	vst v63  }
0x76: {  	_ =	swait.ge [sflag:s19], $0x4000  }
0x77: {  	[sflag:s19] =	ssyncset.done $0x0  }
0x78: {  	s15 =	rddreg [dreg:$0x8];
	[sflag:s19] =	ssyncadd.s32 $0xFFFFC000  }
0x79: {  	[tilespmem:s24], [sflag:$0x3] =	stream.indirect.gather [hbm4b:s2+s23], $0x80, s15, s23, $0xb8;
	[tilespmem:$0x1D880] =	vst v63  }
0x7a: {  	s16 =	rddreg [dreg:$0x9]  }
0x7b: {  	[tilespmem:s26], [sflag:$0x3] =	stream.indirect.gather [hbm4b:s2+s23], $0x80, s16, s23, $0xb8;
	[tilespmem:$0x1D880] =	vst v63  }
0x7c: {  	_ =	swait.ge [sflag:s11], $0x2000  }
0x7d: {  	[sflag:s11] =	ssyncset.done $0x0  }
0x7e: {  	[sflag:s11] =	ssyncadd.s32 $0xFFFFE000  }
0x7f: {  	_ =	swait.ge [sflag:s11], $0x2000  }
0x80: {  	[sflag:s11] =	ssyncset.done $0x0  }
0x81: {  	s17 =	rddreg [dreg:$0xa];
	[sflag:s11] =	ssyncadd.s32 $0xFFFFE000  }
0x82: {  	[spmem:s3] =	stream.indirect.scatter.add.f32 [tilespmem:s30], [sflag:$0x5], $0x80, s17, s0, $0xb8;
	[tilespmem:$0x1D880] =	vst v63  }
0x83: {  	_ =	swait.ge [sflag:s19], $0x4000  }
0x84: {  	[sflag:s19] =	ssyncset.done $0x0  }
0x85: {  	s20 =	rddreg [dreg:$0xb];
	[sflag:s19] =	ssyncadd.s32 $0xFFFFC000  }
0x86: {  	[tilespmem:s30], [sflag:$0x4] =	stream.indirect.gather [hbm4b:s2+s23], $0x80, s20, s23, $0xb8;
	[tilespmem:$0x1D880] =	vst v63  }
0x87: {  	s10 =	rddreg [dreg:$0xc]  }
0x88: {  	[tilespmem:s31], [sflag:$0x4] =	stream.indirect.gather [hbm4b:s2+s23], $0x80, s10, s23, $0xb8;
	[tilespmem:$0x1D880] =	vst v63  }
0x89: {  	_ =	swait.ge [sflag:s1], $0x2000  }
0x8a: {  	[sflag:s1] =	ssyncset.done $0x0  }
0x8b: {  	[sflag:s1] =	ssyncadd.s32 $0xFFFFE000  }
0x8c: {  	_ =	swait.ge [sflag:s1], $0x2000  }
0x8d: {  	[sflag:s1] =	ssyncset.done $0x0  }
0x8e: {  	s14 =	rddreg [dreg:$0xd];
	[sflag:s1] =	ssyncadd.s32 $0xFFFFE000  }
0x8f: {  	[spmem:s3] =	stream.indirect.scatter.add.f32 [tilespmem:s24], [sflag:$0x5], $0x80, s14, s0, $0xb8;
	[tilespmem:$0x1D880] =	vst v63  }
0x90: {  	_ =	swait.ge [sflag:s19], $0x4000  }
0x91: {  	[sflag:s19] =	ssyncset.done $0x0  }
0x92: {  	s15 =	rddreg [dreg:$0xe];
	[sflag:s19] =	ssyncadd.s32 $0xFFFFC000  }
0x93: {  	[tilespmem:s24], [sflag:$0x3] =	stream.indirect.gather [hbm4b:s2+s23], $0x80, s15, s23, $0xb8;
	[tilespmem:$0x1D880] =	vst v63  }
0x94: {  	s16 =	rddreg [dreg:$0xf]  }
0x95: {  	[tilespmem:s26], [sflag:$0x3] =	stream.indirect.gather [hbm4b:s2+s23], $0x80, s16, s23, $0xb8;
	[tilespmem:$0x1D880] =	vst v63  }
0x96: {  	_ =	swait.ge [sflag:s11], $0x2000  }
0x97: {  	[sflag:s11] =	ssyncset.done $0x0  }
0x98: {  	[sflag:s11] =	ssyncadd.s32 $0xFFFFE000  }
0x99: {  	_ =	swait.ge [sflag:s11], $0x2000  }
0x9a: {  	[sflag:s11] =	ssyncset.done $0x0  }
0x9b: {  	s17 =	rddreg [dreg:$0x10];
	[sflag:s11] =	ssyncadd.s32 $0xFFFFE000  }
0x9c: {  	[spmem:s3] =	stream.indirect.scatter.add.f32 [tilespmem:s30], [sflag:$0x5], $0x80, s17, s0, $0xb8;
	[tilespmem:$0x1D880] =	vst v63  }
0x9d: {  	_ =	swait.ge [sflag:s19], $0x4000  }
0x9e: {  	[sflag:s19] =	ssyncset.done $0x0  }
0x9f: {  	s20 =	rddreg [dreg:$0x11];
	[sflag:s19] =	ssyncadd.s32 $0xFFFFC000  }
0xa0: {  	[tilespmem:s30], [sflag:$0x4] =	stream.indirect.gather [hbm4b:s2+s23], $0x80, s20, s23, $0xb8;
	[tilespmem:$0x1D880] =	vst v63  }
0xa1: {  	s10 =	rddreg [dreg:$0x12]  }
0xa2: {  	[tilespmem:s31], [sflag:$0x4] =	stream.indirect.gather [hbm4b:s2+s23], $0x80, s10, s23, $0xb8;
	[tilespmem:$0x1D880] =	vst v63  }
0xa3: {  	_ =	swait.ge [sflag:s1], $0x2000  }
0xa4: {  	[sflag:s1] =	ssyncset.done $0x0  }
0xa5: {  	[sflag:s1] =	ssyncadd.s32 $0xFFFFE000  }
0xa6: {  	_ =	swait.ge [sflag:s1], $0x2000  }
0xa7: {  	[sflag:s1] =	ssyncset.done $0x0  }
0xa8: {  	s14 =	rddreg [dreg:$0x13];
	[sflag:s1] =	ssyncadd.s32 $0xFFFFE000  }
0xa9: {  	[spmem:s3] =	stream.indirect.scatter.add.f32 [tilespmem:s24], [sflag:$0x5], $0x80, s14, s0, $0xb8;
	[tilespmem:$0x1D880] =	vst v63  }
0xaa: {  	_ =	swait.ge [sflag:s19], $0x4000  }
0xab: {  	[sflag:s19] =	ssyncset.done $0x0  }
0xac: {  	s15 =	rddreg [dreg:$0x14];
	[sflag:s19] =	ssyncadd.s32 $0xFFFFC000  }
0xad: {  	[tilespmem:s24], [sflag:$0x3] =	stream.indirect.gather [hbm4b:s2+s23], $0x80, s15, s23, $0xb8;
	[tilespmem:$0x1D880] =	vst v63  }
0xae: {  	s16 =	rddreg [dreg:$0x15]  }
0xaf: {  	[tilespmem:s26], [sflag:$0x3] =	stream.indirect.gather [hbm4b:s2+s23], $0x80, s16, s23, $0xb8;
	[tilespmem:$0x1D880] =	vst v63  }
0xb0: {  	_ =	swait.ge [sflag:s11], $0x2000  }
0xb1: {  	[sflag:s11] =	ssyncset.done $0x0  }
0xb2: {  	[sflag:s11] =	ssyncadd.s32 $0xFFFFE000  }
0xb3: {  	_ =	swait.ge [sflag:s11], $0x2000  }
0xb4: {  	[sflag:s11] =	ssyncset.done $0x0  }
0xb5: {  	s17 =	rddreg [dreg:$0x16];
	[sflag:s11] =	ssyncadd.s32 $0xFFFFE000  }
0xb6: {  	[spmem:s3] =	stream.indirect.scatter.add.f32 [tilespmem:s30], [sflag:$0x5], $0x80, s17, s0, $0xb8;
	[tilespmem:$0x1D880] =	vst v63  }
0xb7: {  	_ =	swait.ge [sflag:s19], $0x4000  }
0xb8: {  	[sflag:s19] =	ssyncset.done $0x0  }
0xb9: {  	s20 =	rddreg [dreg:$0x17];
	[sflag:s19] =	ssyncadd.s32 $0xFFFFC000  }
0xba: {  	[tilespmem:s30], [sflag:$0x4] =	stream.indirect.gather [hbm4b:s2+s23], $0x80, s20, s23, $0xb8;
	[tilespmem:$0x1D880] =	vst v63  }
0xbb: {  	s10 =	rddreg [dreg:$0x18]  }
0xbc: {  	[tilespmem:s31], [sflag:$0x4] =	stream.indirect.gather [hbm4b:s2+s23], $0x80, s10, s23, $0xb8;
	[tilespmem:$0x1D880] =	vst v63  }
0xbd: {  	_ =	swait.ge [sflag:s1], $0x2000  }
0xbe: {  	[sflag:s1] =	ssyncset.done $0x0  }
0xbf: {  	[sflag:s1] =	ssyncadd.s32 $0xFFFFE000  }
0xc0: {  	_ =	swait.ge [sflag:s1], $0x2000  }
0xc1: {  	[sflag:s1] =	ssyncset.done $0x0  }
0xc2: {  	s13 =	rddreg [dreg:$0x19];
	[sflag:s1] =	ssyncadd.s32 $0xFFFFE000  }
0xc3: {  	[spmem:s3] =	stream.indirect.scatter.add.f32 [tilespmem:s24], [sflag:$0x5], $0x80, s13, s0, $0xb8;
	[tilespmem:$0x1D880] =	vst v63  }
0xc4: {  	_ =	swait.ge [sflag:s19], $0x4000  }
0xc5: {  	[sflag:s19] =	ssyncset.done $0x0  }
0xc6: {  	[sflag:s19] =	ssyncadd.s32 $0xFFFFC000  }
0xc7: {  	_ =	swait.ge [sflag:s9], $0x400  }
0xc8: {  	[sflag:s9] =	ssyncset.done $0x0  }
0xc9: {  	[sflag:s9] =	ssyncadd.s32 $0xFFFFFC00  }
0xca: {  	_ =	swait.ge [sflag:s9], $0x400  }
0xcb: {  	[sflag:s9] =	ssyncset.done $0x0  }
0xcc: {  	[sflag:s9] =	ssyncadd.s32 $0xFFFFFC00  }
0xcd: {  	[tilespmem:s24], [sflag:$0x3] =	stream.indirect.gather [hbm4b:s2+s23], $0x80, s28, s23, $0xb8;
	[tilespmem:$0x1D880] =	vst v63  }
0xce: {  	s14 =	rddreg [dreg:$0x1a]  }
0xcf: {  	[tilespmem:s26], [sflag:$0x3] =	stream.indirect.gather [hbm4b:s2+s23], $0x80, s14, s23, $0xb8;
	[tilespmem:$0x1D880] =	vst v63  }
0xd0: {  	_ =	swait.ge [sflag:s11], $0x2000  }
0xd1: {  	[sflag:s11] =	ssyncset.done $0x0  }
0xd2: {  	[sflag:s11] =	ssyncadd.s32 $0xFFFFE000  }
0xd3: {  	_ =	swait.ge [sflag:s11], $0x2000  }
0xd4: {  	[sflag:s11] =	ssyncset.done $0x0  }
0xd5: {  	s15 =	rddreg [dreg:$0x1b];
	[sflag:s11] =	ssyncadd.s32 $0xFFFFE000  }
0xd6: {  	[spmem:s3] =	stream.indirect.scatter.add.f32 [tilespmem:s30], [sflag:$0x5], $0x80, s15, s0, $0xb8;
	[tilespmem:$0x1D880] =	vst v63  }
0xd7: {  	p2 =	por $0x0, $0x0;
	_ =	swait.ge [sflag:s19], $0x4000  }
0xd8: {  	s8 =	simm.s32 @!p2 $0x14880;
	s13 =	sshrl.u32 @!p2 s12, $0x3;
	[sflag:s19] =	ssyncset.done $0x0  }
0xd9: {  	s14 =	sadd.s32 @!p2 s6, s13;
	s15 =	simm.s32 @!p2 $0x0;
	[sflag:s19] =	ssyncadd.s32 $0xFFFFC000  }
0xda: {  	[tilespmem:s8], [sflag:$0x1] =	stream.linear.gather @!p2 [hbm4b:s14+s15], $0x400, $0x38;
	[tilespmem:$0x1D880] =	vst v63  }
0xdb: {  	s13 =	sadd.s32 @!p2 s5, s13;
	s14 =	simm.s32 @!p2 $0x14C80  }
0xdc: {  	[tilespmem:s14], [sflag:$0x1] =	stream.linear.gather @!p2 [hbm4b:s13+s15], $0x400, $0x38;
	[tilespmem:$0x1D880] =	vst v63  }
0xdd: {  	s17 =	rddreg [dreg:$0x1c]  }
0xde: {  	[tilespmem:s30], [sflag:$0x4] =	stream.indirect.gather [hbm4b:s2+s23], $0x80, s17, s23, $0xb8;
	[tilespmem:$0x1D880] =	vst v63  }
0xdf: {  	s16 =	rddreg [dreg:$0x1d]  }
0xe0: {  	[tilespmem:s31], [sflag:$0x4] =	stream.indirect.gather [hbm4b:s2+s23], $0x80, s16, s23, $0xb8;
	[tilespmem:$0x1D880] =	vst v63  }
0xe1: {  	_ =	swait.ge [sflag:s1], $0x2000  }
0xe2: {  	[sflag:s1] =	ssyncset.done $0x0  }
0xe3: {  	[sflag:s1] =	ssyncadd.s32 $0xFFFFE000  }
0xe4: {  	_ =	swait.ge [sflag:s1], $0x2000  }
0xe5: {  	[sflag:s1] =	ssyncset.done $0x0  }
0xe6: {  	[sflag:s1] =	ssyncadd.s32 $0xFFFFE000  }
0xe7: {  	[spmem:s3] =	stream.indirect.scatter.add.f32 [tilespmem:s24], [sflag:$0x5], $0x80, s29, s0, $0xb8;
	[tilespmem:$0x1D880] =	vst v63  }
0xe8: {  	_ =	swait.ge [sflag:s19], $0x4000  }
0xe9: {  	[sflag:s19] =	ssyncset.done $0x0  }
0xea: {  	s20 =	rddreg [dreg:$0x1e];
	[sflag:s19] =	ssyncadd.s32 $0xFFFFC000  }
0xeb: {  	[tilespmem:s24], [sflag:$0x3] =	stream.indirect.gather [hbm4b:s2+s23], $0x80, s20, s23, $0xb8;
	[tilespmem:$0x1D880] =	vst v63  }
0xec: {  	s10 =	rddreg [dreg:$0x1f]  }
0xed: {  	[tilespmem:s26], [sflag:$0x3] =	stream.indirect.gather [hbm4b:s2+s23], $0x80, s10, s23, $0xb8;
	[tilespmem:$0x1D880] =	vst v63  }
0xee: {  	_ =	swait.ge [sflag:s11], $0x2000  }
0xef: {  	[sflag:s11] =	ssyncset.done $0x0  }
0xf0: {  	[sflag:s11] =	ssyncadd.s32 $0xFFFFE000  }
0xf1: {  	_ =	swait.ge [sflag:s11], $0x2000  }
0xf2: {  	s14 =	sld [smem:$0x7EA]  }
0xf3: {  	[sflag:s11] =	ssyncset.done $0x0  }
0xf4: {  	[sflag:s11] =	ssyncadd.s32 $0xFFFFE000  }
0xf5: {  	[spmem:s3] =	stream.indirect.scatter.add.f32 [tilespmem:s30], [sflag:$0x5], $0x80, s14, s0, $0xb8;
	[tilespmem:$0x1D880] =	vst v63  }
0xf6: {  	_ =	swait.ge [sflag:s19], $0x4000  }
0xf7: {  	s15 =	sld [smem:$0x7EC]  }
0xf8: {  	[sflag:s19] =	ssyncset.done $0x0  }
0xf9: {  	s16 =	sld [smem:$0x7ED];
	[sflag:s19] =	ssyncadd.s32 $0xFFFFC000  }
0xfa: {  	[tilespmem:s30], [sflag:$0x4] =	stream.indirect.gather [hbm4b:s2+s23], $0x80, s15, s23, $0xb8;
	[tilespmem:$0x1D880] =	vst v63  }
0xfb: {  	_ = 	snop  }
0xfc: {  	[tilespmem:s31], [sflag:$0x4] =	stream.indirect.gather [hbm4b:s2+s23], $0x80, s16, s23, $0xb8;
	[tilespmem:$0x1D880] =	vst v63  }
0xfd: {  	_ =	swait.ge [sflag:s1], $0x2000  }
0xfe: {  	[sflag:s1] =	ssyncset.done $0x0  }
0xff: {  	[sflag:s1] =	ssyncadd.s32 $0xFFFFE000  }
0x100: {  	_ =	swait.ge [sflag:s1], $0x2000  }
0x101: {  	s17 =	sld [smem:$0x7EE]  }
0x102: {  	[sflag:s1] =	ssyncset.done $0x0  }
0x103: {  	[sflag:s1] =	ssyncadd.s32 $0xFFFFE000  }
0x104: {  	[spmem:s3] =	stream.indirect.scatter.add.f32 [tilespmem:s24], [sflag:$0x5], $0x80, s17, s0, $0xb8;
	[tilespmem:$0x1D880] =	vst v63  }
0x105: {  	_ =	swait.ge [sflag:s19], $0x4000  }
0x106: {  	s20 =	sld [smem:$0x7F0]  }
0x107: {  	[sflag:s19] =	ssyncset.done $0x0  }
0x108: {  	s10 =	sld [smem:$0x7F2];
	[sflag:s19] =	ssyncadd.s32 $0xFFFFC000  }
0x109: {  	[tilespmem:s24], [sflag:$0x3] =	stream.indirect.gather [hbm4b:s2+s23], $0x80, s20, s23, $0xb8;
	[tilespmem:$0x1D880] =	vst v63  }
0x10a: {  	_ = 	snop  }
0x10b: {  	[tilespmem:s26], [sflag:$0x3] =	stream.indirect.gather [hbm4b:s2+s23], $0x80, s10, s23, $0xb8;
	[tilespmem:$0x1D880] =	vst v63  }
0x10c: {  	_ =	swait.ge [sflag:s11], $0x2000  }
0x10d: {  	[sflag:s11] =	ssyncset.done $0x0  }
0x10e: {  	[sflag:s11] =	ssyncadd.s32 $0xFFFFE000  }
0x10f: {  	_ =	swait.ge [sflag:s11], $0x2000  }
0x110: {  	s14 =	sld [smem:$0x7F3]  }
0x111: {  	[sflag:s11] =	ssyncset.done $0x0  }
0x112: {  	[sflag:s11] =	ssyncadd.s32 $0xFFFFE000  }
0x113: {  	[spmem:s3] =	stream.indirect.scatter.add.f32 [tilespmem:s30], [sflag:$0x5], $0x80, s14, s0, $0xb8;
	[tilespmem:$0x1D880] =	vst v63  }
0x114: {  	_ =	swait.ge [sflag:s19], $0x4000  }
0x115: {  	s15 =	sld [smem:$0x7F4]  }
0x116: {  	[sflag:s19] =	ssyncset.done $0x0  }
0x117: {  	s16 =	sld [smem:$0x7F5];
	[sflag:s19] =	ssyncadd.s32 $0xFFFFC000  }
0x118: {  	[tilespmem:s30], [sflag:$0x4] =	stream.indirect.gather [hbm4b:s2+s23], $0x80, s15, s23, $0xb8;
	[tilespmem:$0x1D880] =	vst v63  }
0x119: {  	_ = 	snop  }
0x11a: {  	[tilespmem:s31], [sflag:$0x4] =	stream.indirect.gather [hbm4b:s2+s23], $0x80, s16, s23, $0xb8;
	[tilespmem:$0x1D880] =	vst v63  }
0x11b: {  	_ =	swait.ge [sflag:s1], $0x2000  }
0x11c: {  	[sflag:s1] =	ssyncset.done $0x0  }
0x11d: {  	[sflag:s1] =	ssyncadd.s32 $0xFFFFE000  }
0x11e: {  	_ =	swait.ge [sflag:s1], $0x2000  }
0x11f: {  	s17 =	sld [smem:$0x7F6]  }
0x120: {  	[sflag:s1] =	ssyncset.done $0x0  }
0x121: {  	[sflag:s1] =	ssyncadd.s32 $0xFFFFE000  }
0x122: {  	[spmem:s3] =	stream.indirect.scatter.add.f32 [tilespmem:s24], [sflag:$0x5], $0x80, s17, s0, $0xb8;
	[tilespmem:$0x1D880] =	vst v63  }
0x123: {  	_ =	swait.ge [sflag:s19], $0x4000  }
0x124: {  	s20 =	sld [smem:$0x7F7]  }
0x125: {  	[sflag:s19] =	ssyncset.done $0x0  }
0x126: {  	s10 =	sld [smem:$0x7F8];
	[sflag:s19] =	ssyncadd.s32 $0xFFFFC000  }
0x127: {  	[tilespmem:s24], [sflag:$0x3] =	stream.indirect.gather [hbm4b:s2+s23], $0x80, s20, s23, $0xb8;
	[tilespmem:$0x1D880] =	vst v63  }
0x128: {  	_ = 	snop  }
0x129: {  	[tilespmem:s26], [sflag:$0x3] =	stream.indirect.gather [hbm4b:s2+s23], $0x80, s10, s23, $0xb8;
	[tilespmem:$0x1D880] =	vst v63  }
0x12a: {  	_ =	swait.ge [sflag:s11], $0x2000  }
0x12b: {  	[sflag:s11] =	ssyncset.done $0x0  }
0x12c: {  	[sflag:s11] =	ssyncadd.s32 $0xFFFFE000  }
0x12d: {  	_ =	swait.ge [sflag:s11], $0x2000  }
0x12e: {  	s14 =	sld [smem:$0x7F9]  }
0x12f: {  	[sflag:s11] =	ssyncset.done $0x0  }
0x130: {  	[sflag:s11] =	ssyncadd.s32 $0xFFFFE000  }
0x131: {  	[spmem:s3] =	stream.indirect.scatter.add.f32 [tilespmem:s30], [sflag:$0x5], $0x80, s14, s0, $0xb8;
	[tilespmem:$0x1D880] =	vst v63  }
0x132: {  	_ =	swait.ge [sflag:s19], $0x4000  }
0x133: {  	s15 =	sld [smem:$0x7FA]  }
0x134: {  	[sflag:s19] =	ssyncset.done $0x0  }
0x135: {  	s16 =	sld [smem:$0x7FB];
	[sflag:s19] =	ssyncadd.s32 $0xFFFFC000  }
0x136: {  	[tilespmem:s30], [sflag:$0x4] =	stream.indirect.gather [hbm4b:s2+s23], $0x80, s15, s23, $0xb8;
	[tilespmem:$0x1D880] =	vst v63  }
0x137: {  	_ = 	snop  }
0x138: {  	[tilespmem:s31], [sflag:$0x4] =	stream.indirect.gather [hbm4b:s2+s23], $0x80, s16, s23, $0xb8;
	[tilespmem:$0x1D880] =	vst v63  }
0x139: {  	_ =	swait.ge [sflag:s1], $0x2000  }
0x13a: {  	[sflag:s1] =	ssyncset.done $0x0  }
0x13b: {  	[sflag:s1] =	ssyncadd.s32 $0xFFFFE000  }
0x13c: {  	_ =	swait.ge [sflag:s1], $0x2000  }
0x13d: {  	s17 =	sld [smem:$0x7FC]  }
0x13e: {  	[sflag:s1] =	ssyncset.done $0x0  }
0x13f: {  	[sflag:s1] =	ssyncadd.s32 $0xFFFFE000  }
0x140: {  	[spmem:s3] =	stream.indirect.scatter.add.f32 [tilespmem:s24], [sflag:$0x5], $0x80, s17, s0, $0xb8;
	[tilespmem:$0x1D880] =	vst v63  }
0x141: {  	_ =	swait.ge [sflag:s19], $0x4000  }
0x142: {  	[sflag:s19] =	ssyncset.done $0x0  }
0x143: {  	s13 =	simm.s32 @!p2 $0x1;
	[sflag:s19] =	ssyncadd.s32 $0xFFFFC000  }
0x144: {  	_ =	swait.ge @!p2 [sflag:s13], $0x400  }
0x145: {  	[sflag:s13] =	ssyncset.done @!p2 $0x0  }
0x146: {  	[sflag:s13] =	ssyncadd.s32 @!p2 $0xFFFFFC00  }
0x147: {  	_ =	swait.ge @!p2 [sflag:s13], $0x400  }
0x148: {  	[sflag:s13] =	ssyncset.done @!p2 $0x0  }
0x149: {  	s14 =	simm.s32 @!p2 $0x15880;
	[sflag:s13] =	ssyncadd.s32 @!p2 $0xFFFFFC00;
	s13 =	simm.s32 @!p2 $0x40  }
0x14a: {  	[tilespmem:s14], [sflag:$0x3] =	stream.indirect.gather @!p2 [hbm4b:s2+s13], $0x80, s8, s13, $0xb8;
	[tilespmem:$0x1D880] =	vst v63  }
0x14b: {  	s8 =	simm.s32 @!p2 $0x148C0;
	s14 =	simm.s32 @!p2 $0x17880  }
0x14c: {  	[tilespmem:s14], [sflag:$0x3] =	stream.indirect.gather @!p2 [hbm4b:s2+s13], $0x80, s8, s13, $0xb8;
	[tilespmem:$0x1D880] =	vst v63  }
0x14d: {  	_ =	swait.ge [sflag:s11], $0x2000  }
0x14e: {  	[sflag:s11] =	ssyncset.done $0x0  }
0x14f: {  	[sflag:s11] =	ssyncadd.s32 $0xFFFFE000  }
0x150: {  	_ =	swait.ge [sflag:s11], $0x2000  }
0x151: {  	s20 =	sld [smem:$0x7FD]  }
0x152: {  	[sflag:s11] =	ssyncset.done $0x0  }
0x153: {  	[sflag:s11] =	ssyncadd.s32 $0xFFFFE000  }
0x154: {  	[spmem:s3] =	stream.indirect.scatter.add.f32 [tilespmem:s30], [sflag:$0x5], $0x80, s20, s0, $0xb8;
	[tilespmem:$0x1D880] =	vst v63  }
0x155: {  	s17 =	smov.u32 s12;
	s8 =	simm.s32 $0x100;
	_ =	swait.ge [sflag:s19], $0x4000  }
0x156: {  	s13 =	simm.s32 $0x200;
	s15 =	rddreg [dreg:$0x5];
	[sflag:s19] =	ssyncset.done $0x0  }
.LBB2_8:
0x157: {  	[sflag:s19] =	ssyncadd.s32 $0xFFFFC000;
	s20 =	rddreg [dreg:$0x4];
	s15 =	sadd.s32 s8, s15  }
0x158: {  	[tilespmem:s28], [sflag:$0x2] =	stream.linear.gather [hbm4b:s15+s4], $0x400, $0x38;
	[tilespmem:$0x1D880] =	vst v63  }
0x159: {  	s20 =	sadd.s32 s8, s20  }
0x15a: {  	[tilespmem:s29], [sflag:$0x2] =	stream.linear.gather [hbm4b:s20+s4], $0x400, $0x38;
	[tilespmem:$0x1D880] =	vst v63  }
0x15b: {  	s10 =	rddreg [dreg:$0x6]  }
0x15c: {  	[tilespmem:s30], [sflag:$0x4] =	stream.indirect.gather [hbm4b:s2+s23], $0x80, s10, s23, $0xb8;
	[tilespmem:$0x1D880] =	vst v63  }
0x15d: {  	s16 =	rddreg [dreg:$0x7]  }
0x15e: {  	[tilespmem:s31], [sflag:$0x4] =	stream.indirect.gather [hbm4b:s2+s23], $0x80, s16, s23, $0xb8;
	[tilespmem:$0x1D880] =	vst v63  }
0x15f: {  	_ =	swait.ge [sflag:s1], $0x2000  }
0x160: {  	[sflag:s1] =	ssyncset.done $0x0  }
0x161: {  	[sflag:s1] =	ssyncadd.s32 $0xFFFFE000  }
0x162: {  	_ =	swait.ge [sflag:s1], $0x2000  }
0x163: {  	[sflag:s1] =	ssyncset.done $0x0  }
0x164: {  	[sflag:s1] =	ssyncadd.s32 $0xFFFFE000  }
0x165: {  	[spmem:s3] =	stream.indirect.scatter.add.f32 [tilespmem:s24], [sflag:$0x5], $0x80, s21, s0, $0xb8;
	[tilespmem:$0x1D880] =	vst v63  }
0x166: {  	_ =	swait.ge [sflag:s19], $0x4000  }
0x167: {  	[sflag:s19] =	ssyncset.done $0x0  }
0x168: {  	s10 =	rddreg [dreg:$0x8];
	[sflag:s19] =	ssyncadd.s32 $0xFFFFC000  }
0x169: {  	[tilespmem:s24], [sflag:$0x3] =	stream.indirect.gather [hbm4b:s2+s23], $0x80, s10, s23, $0xb8;
	[tilespmem:$0x1D880] =	vst v63  }
0x16a: {  	s16 =	rddreg [dreg:$0x9]  }
0x16b: {  	[tilespmem:s26], [sflag:$0x3] =	stream.indirect.gather [hbm4b:s2+s23], $0x80, s16, s23, $0xb8;
	[tilespmem:$0x1D880] =	vst v63  }
0x16c: {  	_ =	swait.ge [sflag:s11], $0x2000  }
0x16d: {  	[sflag:s11] =	ssyncset.done $0x0  }
0x16e: {  	[sflag:s11] =	ssyncadd.s32 $0xFFFFE000  }
0x16f: {  	_ =	swait.ge [sflag:s11], $0x2000  }
0x170: {  	[sflag:s11] =	ssyncset.done $0x0  }
0x171: {  	s20 =	rddreg [dreg:$0xa];
	[sflag:s11] =	ssyncadd.s32 $0xFFFFE000  }
0x172: {  	[spmem:s3] =	stream.indirect.scatter.add.f32 [tilespmem:s30], [sflag:$0x5], $0x80, s20, s0, $0xb8;
	[tilespmem:$0x1D880] =	vst v63  }
0x173: {  	_ =	swait.ge [sflag:s19], $0x4000  }
0x174: {  	[sflag:s19] =	ssyncset.done $0x0  }
0x175: {  	s10 =	rddreg [dreg:$0xb];
	[sflag:s19] =	ssyncadd.s32 $0xFFFFC000  }
0x176: {  	[tilespmem:s30], [sflag:$0x4] =	stream.indirect.gather [hbm4b:s2+s23], $0x80, s10, s23, $0xb8;
	[tilespmem:$0x1D880] =	vst v63  }
0x177: {  	s16 =	rddreg [dreg:$0xc]  }
0x178: {  	[tilespmem:s31], [sflag:$0x4] =	stream.indirect.gather [hbm4b:s2+s23], $0x80, s16, s23, $0xb8;
	[tilespmem:$0x1D880] =	vst v63  }
0x179: {  	_ =	swait.ge [sflag:s1], $0x2000  }
0x17a: {  	[sflag:s1] =	ssyncset.done $0x0  }
0x17b: {  	[sflag:s1] =	ssyncadd.s32 $0xFFFFE000  }
0x17c: {  	_ =	swait.ge [sflag:s1], $0x2000  }
0x17d: {  	[sflag:s1] =	ssyncset.done $0x0  }
0x17e: {  	s20 =	rddreg [dreg:$0xd];
	[sflag:s1] =	ssyncadd.s32 $0xFFFFE000  }
0x17f: {  	[spmem:s3] =	stream.indirect.scatter.add.f32 [tilespmem:s24], [sflag:$0x5], $0x80, s20, s0, $0xb8;
	[tilespmem:$0x1D880] =	vst v63  }
0x180: {  	_ =	swait.ge [sflag:s19], $0x4000  }
0x181: {  	[sflag:s19] =	ssyncset.done $0x0  }
0x182: {  	s10 =	rddreg [dreg:$0xe];
	[sflag:s19] =	ssyncadd.s32 $0xFFFFC000  }
0x183: {  	[tilespmem:s24], [sflag:$0x3] =	stream.indirect.gather [hbm4b:s2+s23], $0x80, s10, s23, $0xb8;
	[tilespmem:$0x1D880] =	vst v63  }
0x184: {  	s16 =	rddreg [dreg:$0xf]  }
0x185: {  	[tilespmem:s26], [sflag:$0x3] =	stream.indirect.gather [hbm4b:s2+s23], $0x80, s16, s23, $0xb8;
	[tilespmem:$0x1D880] =	vst v63  }
0x186: {  	_ =	swait.ge [sflag:s11], $0x2000  }
0x187: {  	[sflag:s11] =	ssyncset.done $0x0  }
0x188: {  	[sflag:s11] =	ssyncadd.s32 $0xFFFFE000  }
0x189: {  	_ =	swait.ge [sflag:s11], $0x2000  }
0x18a: {  	[sflag:s11] =	ssyncset.done $0x0  }
0x18b: {  	s20 =	rddreg [dreg:$0x10];
	[sflag:s11] =	ssyncadd.s32 $0xFFFFE000  }
0x18c: {  	[spmem:s3] =	stream.indirect.scatter.add.f32 [tilespmem:s30], [sflag:$0x5], $0x80, s20, s0, $0xb8;
	[tilespmem:$0x1D880] =	vst v63  }
0x18d: {  	_ =	swait.ge [sflag:s19], $0x4000  }
0x18e: {  	[sflag:s19] =	ssyncset.done $0x0  }
0x18f: {  	s10 =	rddreg [dreg:$0x11];
	[sflag:s19] =	ssyncadd.s32 $0xFFFFC000  }
0x190: {  	[tilespmem:s30], [sflag:$0x4] =	stream.indirect.gather [hbm4b:s2+s23], $0x80, s10, s23, $0xb8;
	[tilespmem:$0x1D880] =	vst v63  }
0x191: {  	s16 =	rddreg [dreg:$0x12]  }
0x192: {  	[tilespmem:s31], [sflag:$0x4] =	stream.indirect.gather [hbm4b:s2+s23], $0x80, s16, s23, $0xb8;
	[tilespmem:$0x1D880] =	vst v63  }
0x193: {  	_ =	swait.ge [sflag:s1], $0x2000  }
0x194: {  	[sflag:s1] =	ssyncset.done $0x0  }
0x195: {  	[sflag:s1] =	ssyncadd.s32 $0xFFFFE000  }
0x196: {  	_ =	swait.ge [sflag:s1], $0x2000  }
0x197: {  	[sflag:s1] =	ssyncset.done $0x0  }
0x198: {  	s20 =	rddreg [dreg:$0x13];
	[sflag:s1] =	ssyncadd.s32 $0xFFFFE000  }
0x199: {  	[spmem:s3] =	stream.indirect.scatter.add.f32 [tilespmem:s24], [sflag:$0x5], $0x80, s20, s0, $0xb8;
	[tilespmem:$0x1D880] =	vst v63  }
0x19a: {  	_ =	swait.ge [sflag:s19], $0x4000  }
0x19b: {  	[sflag:s19] =	ssyncset.done $0x0  }
0x19c: {  	s10 =	rddreg [dreg:$0x14];
	[sflag:s19] =	ssyncadd.s32 $0xFFFFC000  }
0x19d: {  	[tilespmem:s24], [sflag:$0x3] =	stream.indirect.gather [hbm4b:s2+s23], $0x80, s10, s23, $0xb8;
	[tilespmem:$0x1D880] =	vst v63  }
0x19e: {  	s16 =	rddreg [dreg:$0x15]  }
0x19f: {  	[tilespmem:s26], [sflag:$0x3] =	stream.indirect.gather [hbm4b:s2+s23], $0x80, s16, s23, $0xb8;
	[tilespmem:$0x1D880] =	vst v63  }
0x1a0: {  	_ =	swait.ge [sflag:s11], $0x2000  }
0x1a1: {  	[sflag:s11] =	ssyncset.done $0x0  }
0x1a2: {  	[sflag:s11] =	ssyncadd.s32 $0xFFFFE000  }
0x1a3: {  	_ =	swait.ge [sflag:s11], $0x2000  }
0x1a4: {  	[sflag:s11] =	ssyncset.done $0x0  }
0x1a5: {  	s20 =	rddreg [dreg:$0x16];
	[sflag:s11] =	ssyncadd.s32 $0xFFFFE000  }
0x1a6: {  	[spmem:s3] =	stream.indirect.scatter.add.f32 [tilespmem:s30], [sflag:$0x5], $0x80, s20, s0, $0xb8;
	[tilespmem:$0x1D880] =	vst v63  }
0x1a7: {  	_ =	swait.ge [sflag:s19], $0x4000  }
0x1a8: {  	[sflag:s19] =	ssyncset.done $0x0  }
0x1a9: {  	s10 =	rddreg [dreg:$0x17];
	[sflag:s19] =	ssyncadd.s32 $0xFFFFC000  }
0x1aa: {  	[tilespmem:s30], [sflag:$0x4] =	stream.indirect.gather [hbm4b:s2+s23], $0x80, s10, s23, $0xb8;
	[tilespmem:$0x1D880] =	vst v63  }
0x1ab: {  	s16 =	rddreg [dreg:$0x18]  }
0x1ac: {  	[tilespmem:s31], [sflag:$0x4] =	stream.indirect.gather [hbm4b:s2+s23], $0x80, s16, s23, $0xb8;
	[tilespmem:$0x1D880] =	vst v63  }
0x1ad: {  	_ =	swait.ge [sflag:s1], $0x2000  }
0x1ae: {  	[sflag:s1] =	ssyncset.done $0x0  }
0x1af: {  	[sflag:s1] =	ssyncadd.s32 $0xFFFFE000  }
0x1b0: {  	_ =	swait.ge [sflag:s1], $0x2000  }
0x1b1: {  	[sflag:s1] =	ssyncset.done $0x0  }
0x1b2: {  	s20 =	rddreg [dreg:$0x19];
	[sflag:s1] =	ssyncadd.s32 $0xFFFFE000  }
0x1b3: {  	[spmem:s3] =	stream.indirect.scatter.add.f32 [tilespmem:s24], [sflag:$0x5], $0x80, s20, s0, $0xb8;
	[tilespmem:$0x1D880] =	vst v63  }
0x1b4: {  	_ =	swait.ge [sflag:s19], $0x4000  }
0x1b5: {  	[sflag:s19] =	ssyncset.done $0x0  }
0x1b6: {  	[sflag:s19] =	ssyncadd.s32 $0xFFFFC000  }
0x1b7: {  	_ =	swait.ge [sflag:s9], $0x400  }
0x1b8: {  	[sflag:s9] =	ssyncset.done $0x0  }
0x1b9: {  	[sflag:s9] =	ssyncadd.s32 $0xFFFFFC00  }
0x1ba: {  	_ =	swait.ge [sflag:s9], $0x400  }
0x1bb: {  	[sflag:s9] =	ssyncset.done $0x0  }
0x1bc: {  	[sflag:s9] =	ssyncadd.s32 $0xFFFFFC00  }
0x1bd: {  	[tilespmem:s24], [sflag:$0x3] =	stream.indirect.gather [hbm4b:s2+s23], $0x80, s28, s23, $0xb8;
	[tilespmem:$0x1D880] =	vst v63  }
0x1be: {  	s10 =	rddreg [dreg:$0x1a]  }
0x1bf: {  	[tilespmem:s26], [sflag:$0x3] =	stream.indirect.gather [hbm4b:s2+s23], $0x80, s10, s23, $0xb8;
	[tilespmem:$0x1D880] =	vst v63  }
0x1c0: {  	_ =	swait.ge [sflag:s11], $0x2000  }
0x1c1: {  	[sflag:s11] =	ssyncset.done $0x0  }
0x1c2: {  	[sflag:s11] =	ssyncadd.s32 $0xFFFFE000  }
0x1c3: {  	_ =	swait.ge [sflag:s11], $0x2000  }
0x1c4: {  	s17 =	sadd.s32 $0x800, s17;
	[sflag:s11] =	ssyncset.done $0x0  }
0x1c5: {  	s14 =	smov.u32 s13;
	s16 =	rddreg [dreg:$0x1b];
	[sflag:s11] =	ssyncadd.s32 $0xFFFFE000  }
0x1c6: {  	[spmem:s3] =	stream.indirect.scatter.add.f32 [tilespmem:s30], [sflag:$0x5], $0x80, s16, s0, $0xb8;
	[tilespmem:$0x1D880] =	vst v63  }
0x1c7: {  	p3 =	seq.s32 s8, $0x400;
	s8 =	smov.u32 s14;
	_ =	swait.ge [sflag:s19], $0x4000  }
0x1c8: {  	s15 =	sshrl.u32 @!p3 s17, $0x3;
	s14 =	simm.s32 @!p3 $0x14880;
	[sflag:s19] =	ssyncset.done $0x0  }
0x1c9: {  	s20 =	sadd.s32 @!p3 s6, s15;
	s16 =	simm.s32 @!p3 $0x0;
	[sflag:s19] =	ssyncadd.s32 $0xFFFFC000  }
0x1ca: {  	[tilespmem:s14], [sflag:$0x1] =	stream.linear.gather @!p3 [hbm4b:s20+s16], $0x400, $0x38;
	[tilespmem:$0x1D880] =	vst v63  }
0x1cb: {  	s15 =	sadd.s32 @!p3 s5, s15;
	s20 =	simm.s32 @!p3 $0x14C80  }
0x1cc: {  	[tilespmem:s20], [sflag:$0x1] =	stream.linear.gather @!p3 [hbm4b:s15+s16], $0x400, $0x38;
	[tilespmem:$0x1D880] =	vst v63  }
0x1cd: {  	s10 =	rddreg [dreg:$0x1c]  }
0x1ce: {  	[tilespmem:s30], [sflag:$0x4] =	stream.indirect.gather [hbm4b:s2+s23], $0x80, s10, s23, $0xb8;
	[tilespmem:$0x1D880] =	vst v63  }
0x1cf: {  	s20 =	rddreg [dreg:$0x1d]  }
0x1d0: {  	[tilespmem:s31], [sflag:$0x4] =	stream.indirect.gather [hbm4b:s2+s23], $0x80, s20, s23, $0xb8;
	[tilespmem:$0x1D880] =	vst v63  }
0x1d1: {  	_ =	swait.ge [sflag:s1], $0x2000  }
0x1d2: {  	[sflag:s1] =	ssyncset.done $0x0  }
0x1d3: {  	[sflag:s1] =	ssyncadd.s32 $0xFFFFE000  }
0x1d4: {  	_ =	swait.ge [sflag:s1], $0x2000  }
0x1d5: {  	[sflag:s1] =	ssyncset.done $0x0  }
0x1d6: {  	[sflag:s1] =	ssyncadd.s32 $0xFFFFE000  }
0x1d7: {  	[spmem:s3] =	stream.indirect.scatter.add.f32 [tilespmem:s24], [sflag:$0x5], $0x80, s29, s0, $0xb8;
	[tilespmem:$0x1D880] =	vst v63  }
0x1d8: {  	_ =	swait.ge [sflag:s19], $0x4000  }
0x1d9: {  	[sflag:s19] =	ssyncset.done $0x0  }
0x1da: {  	s16 =	rddreg [dreg:$0x1e];
	[sflag:s19] =	ssyncadd.s32 $0xFFFFC000  }
0x1db: {  	[tilespmem:s24], [sflag:$0x3] =	stream.indirect.gather [hbm4b:s2+s23], $0x80, s16, s23, $0xb8;
	[tilespmem:$0x1D880] =	vst v63  }
0x1dc: {  	s20 =	rddreg [dreg:$0x1f]  }
0x1dd: {  	[tilespmem:s26], [sflag:$0x3] =	stream.indirect.gather [hbm4b:s2+s23], $0x80, s20, s23, $0xb8;
	[tilespmem:$0x1D880] =	vst v63  }
0x1de: {  	_ =	swait.ge [sflag:s11], $0x2000  }
0x1df: {  	[sflag:s11] =	ssyncset.done $0x0  }
0x1e0: {  	[sflag:s11] =	ssyncadd.s32 $0xFFFFE000  }
0x1e1: {  	_ =	swait.ge [sflag:s11], $0x2000  }
0x1e2: {  	s15 =	sld [smem:$0x7EA]  }
0x1e3: {  	[sflag:s11] =	ssyncset.done $0x0  }
0x1e4: {  	[sflag:s11] =	ssyncadd.s32 $0xFFFFE000  }
0x1e5: {  	[spmem:s3] =	stream.indirect.scatter.add.f32 [tilespmem:s30], [sflag:$0x5], $0x80, s15, s0, $0xb8;
	[tilespmem:$0x1D880] =	vst v63  }
0x1e6: {  	_ =	swait.ge [sflag:s19], $0x4000  }
0x1e7: {  	s16 =	sld [smem:$0x7EC]  }
0x1e8: {  	[sflag:s19] =	ssyncset.done $0x0  }
0x1e9: {  	s20 =	sld [smem:$0x7ED];
	[sflag:s19] =	ssyncadd.s32 $0xFFFFC000  }
0x1ea: {  	[tilespmem:s30], [sflag:$0x4] =	stream.indirect.gather [hbm4b:s2+s23], $0x80, s16, s23, $0xb8;
	[tilespmem:$0x1D880] =	vst v63  }
0x1eb: {  	_ = 	snop  }
0x1ec: {  	[tilespmem:s31], [sflag:$0x4] =	stream.indirect.gather [hbm4b:s2+s23], $0x80, s20, s23, $0xb8;
	[tilespmem:$0x1D880] =	vst v63  }
0x1ed: {  	_ =	swait.ge [sflag:s1], $0x2000  }
0x1ee: {  	[sflag:s1] =	ssyncset.done $0x0  }
0x1ef: {  	[sflag:s1] =	ssyncadd.s32 $0xFFFFE000  }
0x1f0: {  	_ =	swait.ge [sflag:s1], $0x2000  }
0x1f1: {  	s15 =	sld [smem:$0x7EE]  }
0x1f2: {  	[sflag:s1] =	ssyncset.done $0x0  }
0x1f3: {  	[sflag:s1] =	ssyncadd.s32 $0xFFFFE000  }
0x1f4: {  	[spmem:s3] =	stream.indirect.scatter.add.f32 [tilespmem:s24], [sflag:$0x5], $0x80, s15, s0, $0xb8;
	[tilespmem:$0x1D880] =	vst v63  }
0x1f5: {  	_ =	swait.ge [sflag:s19], $0x4000  }
0x1f6: {  	s16 =	sld [smem:$0x7F0]  }
0x1f7: {  	[sflag:s19] =	ssyncset.done $0x0  }
0x1f8: {  	s20 =	sld [smem:$0x7F2];
	[sflag:s19] =	ssyncadd.s32 $0xFFFFC000  }
0x1f9: {  	[tilespmem:s24], [sflag:$0x3] =	stream.indirect.gather [hbm4b:s2+s23], $0x80, s16, s23, $0xb8;
	[tilespmem:$0x1D880] =	vst v63  }
0x1fa: {  	_ = 	snop  }
0x1fb: {  	[tilespmem:s26], [sflag:$0x3] =	stream.indirect.gather [hbm4b:s2+s23], $0x80, s20, s23, $0xb8;
	[tilespmem:$0x1D880] =	vst v63  }
0x1fc: {  	_ =	swait.ge [sflag:s11], $0x2000  }
0x1fd: {  	[sflag:s11] =	ssyncset.done $0x0  }
0x1fe: {  	[sflag:s11] =	ssyncadd.s32 $0xFFFFE000  }
0x1ff: {  	_ =	swait.ge [sflag:s11], $0x2000  }
0x200: {  	s15 =	sld [smem:$0x7F3]  }
0x201: {  	[sflag:s11] =	ssyncset.done $0x0  }
0x202: {  	[sflag:s11] =	ssyncadd.s32 $0xFFFFE000  }
0x203: {  	[spmem:s3] =	stream.indirect.scatter.add.f32 [tilespmem:s30], [sflag:$0x5], $0x80, s15, s0, $0xb8;
	[tilespmem:$0x1D880] =	vst v63  }
0x204: {  	_ =	swait.ge [sflag:s19], $0x4000  }
0x205: {  	s16 =	sld [smem:$0x7F4]  }
0x206: {  	[sflag:s19] =	ssyncset.done $0x0  }
0x207: {  	s20 =	sld [smem:$0x7F5];
	[sflag:s19] =	ssyncadd.s32 $0xFFFFC000  }
0x208: {  	[tilespmem:s30], [sflag:$0x4] =	stream.indirect.gather [hbm4b:s2+s23], $0x80, s16, s23, $0xb8;
	[tilespmem:$0x1D880] =	vst v63  }
0x209: {  	_ = 	snop  }
0x20a: {  	[tilespmem:s31], [sflag:$0x4] =	stream.indirect.gather [hbm4b:s2+s23], $0x80, s20, s23, $0xb8;
	[tilespmem:$0x1D880] =	vst v63  }
0x20b: {  	_ =	swait.ge [sflag:s1], $0x2000  }
0x20c: {  	[sflag:s1] =	ssyncset.done $0x0  }
0x20d: {  	[sflag:s1] =	ssyncadd.s32 $0xFFFFE000  }
0x20e: {  	_ =	swait.ge [sflag:s1], $0x2000  }
0x20f: {  	s15 =	sld [smem:$0x7F6]  }
0x210: {  	[sflag:s1] =	ssyncset.done $0x0  }
0x211: {  	[sflag:s1] =	ssyncadd.s32 $0xFFFFE000  }
0x212: {  	[spmem:s3] =	stream.indirect.scatter.add.f32 [tilespmem:s24], [sflag:$0x5], $0x80, s15, s0, $0xb8;
	[tilespmem:$0x1D880] =	vst v63  }
0x213: {  	_ =	swait.ge [sflag:s19], $0x4000  }
0x214: {  	s16 =	sld [smem:$0x7F7]  }
0x215: {  	[sflag:s19] =	ssyncset.done $0x0  }
0x216: {  	s20 =	sld [smem:$0x7F8];
	[sflag:s19] =	ssyncadd.s32 $0xFFFFC000  }
0x217: {  	[tilespmem:s24], [sflag:$0x3] =	stream.indirect.gather [hbm4b:s2+s23], $0x80, s16, s23, $0xb8;
	[tilespmem:$0x1D880] =	vst v63  }
0x218: {  	_ = 	snop  }
0x219: {  	[tilespmem:s26], [sflag:$0x3] =	stream.indirect.gather [hbm4b:s2+s23], $0x80, s20, s23, $0xb8;
	[tilespmem:$0x1D880] =	vst v63  }
0x21a: {  	_ =	swait.ge [sflag:s11], $0x2000  }
0x21b: {  	[sflag:s11] =	ssyncset.done $0x0  }
0x21c: {  	[sflag:s11] =	ssyncadd.s32 $0xFFFFE000  }
0x21d: {  	_ =	swait.ge [sflag:s11], $0x2000  }
0x21e: {  	s15 =	sld [smem:$0x7F9]  }
0x21f: {  	[sflag:s11] =	ssyncset.done $0x0  }
0x220: {  	[sflag:s11] =	ssyncadd.s32 $0xFFFFE000  }
0x221: {  	[spmem:s3] =	stream.indirect.scatter.add.f32 [tilespmem:s30], [sflag:$0x5], $0x80, s15, s0, $0xb8;
	[tilespmem:$0x1D880] =	vst v63  }
0x222: {  	_ =	swait.ge [sflag:s19], $0x4000  }
0x223: {  	s16 =	sld [smem:$0x7FA]  }
0x224: {  	[sflag:s19] =	ssyncset.done $0x0  }
0x225: {  	s20 =	sld [smem:$0x7FB];
	[sflag:s19] =	ssyncadd.s32 $0xFFFFC000  }
0x226: {  	[tilespmem:s30], [sflag:$0x4] =	stream.indirect.gather [hbm4b:s2+s23], $0x80, s16, s23, $0xb8;
	[tilespmem:$0x1D880] =	vst v63  }
0x227: {  	_ = 	snop  }
0x228: {  	[tilespmem:s31], [sflag:$0x4] =	stream.indirect.gather [hbm4b:s2+s23], $0x80, s20, s23, $0xb8;
	[tilespmem:$0x1D880] =	vst v63  }
0x229: {  	_ =	swait.ge [sflag:s1], $0x2000  }
0x22a: {  	[sflag:s1] =	ssyncset.done $0x0  }
0x22b: {  	[sflag:s1] =	ssyncadd.s32 $0xFFFFE000  }
0x22c: {  	_ =	swait.ge [sflag:s1], $0x2000  }
0x22d: {  	s16 =	sld [smem:$0x7FC]  }
0x22e: {  	[sflag:s1] =	ssyncset.done $0x0  }
0x22f: {  	[sflag:s1] =	ssyncadd.s32 $0xFFFFE000  }
0x230: {  	[spmem:s3] =	stream.indirect.scatter.add.f32 [tilespmem:s24], [sflag:$0x5], $0x80, s16, s0, $0xb8;
	[tilespmem:$0x1D880] =	vst v63  }
0x231: {  	_ =	swait.ge [sflag:s19], $0x4000  }
0x232: {  	[sflag:s19] =	ssyncset.done $0x0  }
0x233: {  	s10 =	simm.s32 @!p3 $0x1;
	[sflag:s19] =	ssyncadd.s32 $0xFFFFC000  }
0x234: {  	_ =	swait.ge @!p3 [sflag:s10], $0x400  }
0x235: {  	[sflag:s10] =	ssyncset.done @!p3 $0x0  }
0x236: {  	[sflag:s10] =	ssyncadd.s32 @!p3 $0xFFFFFC00  }
0x237: {  	_ =	swait.ge @!p3 [sflag:s10], $0x400  }
0x238: {  	[sflag:s10] =	ssyncset.done @!p3 $0x0  }
0x239: {  	s15 =	simm.s32 @!p3 $0x15880;
	[sflag:s10] =	ssyncadd.s32 @!p3 $0xFFFFFC00;
	s10 =	simm.s32 @!p3 $0x40  }
0x23a: {  	[tilespmem:s15], [sflag:$0x3] =	stream.indirect.gather @!p3 [hbm4b:s2+s10], $0x80, s14, s10, $0xb8;
	[tilespmem:$0x1D880] =	vst v63  }
0x23b: {  	s14 =	simm.s32 @!p3 $0x148C0;
	s15 =	simm.s32 @!p3 $0x17880  }
0x23c: {  	[tilespmem:s15], [sflag:$0x3] =	stream.indirect.gather @!p3 [hbm4b:s2+s10], $0x80, s14, s10, $0xb8;
	[tilespmem:$0x1D880] =	vst v63  }
0x23d: {  	_ =	swait.ge [sflag:s11], $0x2000  }
0x23e: {  	[sflag:s11] =	ssyncset.done $0x0  }
0x23f: {  	[sflag:s11] =	ssyncadd.s32 $0xFFFFE000  }
0x240: {  	s13 =	sadd.s32 $0x100, s13;
	_ =	swait.ge [sflag:s11], $0x2000  }
0x241: {  	p2 =	sne.s32 s13, $0x500;
	s20 =	sld [smem:$0x7FD]  }
.Ltmp4:
0x242: {  	[sflag:s11] =	ssyncset.done $0x0;
	(pc) =	sbr.rel @p2 .LBB2_8-.Ltmp4, $4  }
0x243: {  	[sflag:s11] =	ssyncadd.s32 $0xFFFFE000  }
0x244: {  	[spmem:s3] =	stream.indirect.scatter.add.f32 [tilespmem:s30], [sflag:$0x5], $0x80, s20, s0, $0xb8;
	[tilespmem:$0x1D880] =	vst v63  }
0x245: {  	_ =	swait.ge [sflag:s19], $0x4000  }
0x246: {  	s15 =	rddreg [dreg:$0x5];
	[sflag:s19] =	ssyncset.done $0x0  }
0x247: {  	s10 =	rddreg [dreg:$0x4];
	[sflag:s19] =	ssyncadd.s32 $0xFFFFC000;
	s13 =	sadd.s32 s8, s15  }
0x248: {  	[tilespmem:s28], [sflag:$0x2] =	stream.linear.gather [hbm4b:s13+s4], $0x400, $0x38;
	[tilespmem:$0x1D880] =	vst v63  }
0x249: {  	s10 =	sadd.s32 s8, s10  }
0x24a: {  	[tilespmem:s29], [sflag:$0x2] =	stream.linear.gather [hbm4b:s10+s4], $0x400, $0x38;
	[tilespmem:$0x1D880] =	vst v63  }
0x24b: {  	s20 =	rddreg [dreg:$0x6]  }
0x24c: {  	[tilespmem:s30], [sflag:$0x4] =	stream.indirect.gather [hbm4b:s2+s23], $0x80, s20, s23, $0xb8;
	[tilespmem:$0x1D880] =	vst v63  }
0x24d: {  	s14 =	rddreg [dreg:$0x7]  }
0x24e: {  	[tilespmem:s31], [sflag:$0x4] =	stream.indirect.gather [hbm4b:s2+s23], $0x80, s14, s23, $0xb8;
	[tilespmem:$0x1D880] =	vst v63  }
0x24f: {  	_ =	swait.ge [sflag:s1], $0x2000  }
0x250: {  	[sflag:s1] =	ssyncset.done $0x0  }
0x251: {  	[sflag:s1] =	ssyncadd.s32 $0xFFFFE000  }
0x252: {  	_ =	swait.ge [sflag:s1], $0x2000  }
0x253: {  	[sflag:s1] =	ssyncset.done $0x0  }
0x254: {  	[sflag:s1] =	ssyncadd.s32 $0xFFFFE000  }
0x255: {  	[spmem:s3] =	stream.indirect.scatter.add.f32 [tilespmem:s24], [sflag:$0x5], $0x80, s21, s0, $0xb8;
	[tilespmem:$0x1D880] =	vst v63  }
0x256: {  	_ =	swait.ge [sflag:s19], $0x4000  }
0x257: {  	[sflag:s19] =	ssyncset.done $0x0  }
0x258: {  	s15 =	rddreg [dreg:$0x8];
	[sflag:s19] =	ssyncadd.s32 $0xFFFFC000  }
0x259: {  	[tilespmem:s24], [sflag:$0x3] =	stream.indirect.gather [hbm4b:s2+s23], $0x80, s15, s23, $0xb8;
	[tilespmem:$0x1D880] =	vst v63  }
0x25a: {  	s16 =	rddreg [dreg:$0x9]  }
0x25b: {  	[tilespmem:s26], [sflag:$0x3] =	stream.indirect.gather [hbm4b:s2+s23], $0x80, s16, s23, $0xb8;
	[tilespmem:$0x1D880] =	vst v63  }
0x25c: {  	_ =	swait.ge [sflag:s11], $0x2000  }
0x25d: {  	[sflag:s11] =	ssyncset.done $0x0  }
0x25e: {  	[sflag:s11] =	ssyncadd.s32 $0xFFFFE000  }
0x25f: {  	_ =	swait.ge [sflag:s11], $0x2000  }
0x260: {  	[sflag:s11] =	ssyncset.done $0x0  }
0x261: {  	s20 =	rddreg [dreg:$0xa];
	[sflag:s11] =	ssyncadd.s32 $0xFFFFE000  }
0x262: {  	[spmem:s3] =	stream.indirect.scatter.add.f32 [tilespmem:s30], [sflag:$0x5], $0x80, s20, s0, $0xb8;
	[tilespmem:$0x1D880] =	vst v63  }
0x263: {  	_ =	swait.ge [sflag:s19], $0x4000  }
0x264: {  	[sflag:s19] =	ssyncset.done $0x0  }
0x265: {  	s13 =	rddreg [dreg:$0xb];
	[sflag:s19] =	ssyncadd.s32 $0xFFFFC000  }
0x266: {  	[tilespmem:s30], [sflag:$0x4] =	stream.indirect.gather [hbm4b:s2+s23], $0x80, s13, s23, $0xb8;
	[tilespmem:$0x1D880] =	vst v63  }
0x267: {  	s14 =	rddreg [dreg:$0xc]  }
0x268: {  	[tilespmem:s31], [sflag:$0x4] =	stream.indirect.gather [hbm4b:s2+s23], $0x80, s14, s23, $0xb8;
	[tilespmem:$0x1D880] =	vst v63  }
0x269: {  	_ =	swait.ge [sflag:s1], $0x2000  }
0x26a: {  	[sflag:s1] =	ssyncset.done $0x0  }
0x26b: {  	[sflag:s1] =	ssyncadd.s32 $0xFFFFE000  }
0x26c: {  	_ =	swait.ge [sflag:s1], $0x2000  }
0x26d: {  	[sflag:s1] =	ssyncset.done $0x0  }
0x26e: {  	s15 =	rddreg [dreg:$0xd];
	[sflag:s1] =	ssyncadd.s32 $0xFFFFE000  }
0x26f: {  	[spmem:s3] =	stream.indirect.scatter.add.f32 [tilespmem:s24], [sflag:$0x5], $0x80, s15, s0, $0xb8;
	[tilespmem:$0x1D880] =	vst v63  }
0x270: {  	_ =	swait.ge [sflag:s19], $0x4000  }
0x271: {  	[sflag:s19] =	ssyncset.done $0x0  }
0x272: {  	s16 =	rddreg [dreg:$0xe];
	[sflag:s19] =	ssyncadd.s32 $0xFFFFC000  }
0x273: {  	[tilespmem:s24], [sflag:$0x3] =	stream.indirect.gather [hbm4b:s2+s23], $0x80, s16, s23, $0xb8;
	[tilespmem:$0x1D880] =	vst v63  }
0x274: {  	s20 =	rddreg [dreg:$0xf]  }
0x275: {  	[tilespmem:s26], [sflag:$0x3] =	stream.indirect.gather [hbm4b:s2+s23], $0x80, s20, s23, $0xb8;
	[tilespmem:$0x1D880] =	vst v63  }
0x276: {  	_ =	swait.ge [sflag:s11], $0x2000  }
0x277: {  	[sflag:s11] =	ssyncset.done $0x0  }
0x278: {  	[sflag:s11] =	ssyncadd.s32 $0xFFFFE000  }
0x279: {  	_ =	swait.ge [sflag:s11], $0x2000  }
0x27a: {  	[sflag:s11] =	ssyncset.done $0x0  }
0x27b: {  	s14 =	rddreg [dreg:$0x10];
	[sflag:s11] =	ssyncadd.s32 $0xFFFFE000  }
0x27c: {  	[spmem:s3] =	stream.indirect.scatter.add.f32 [tilespmem:s30], [sflag:$0x5], $0x80, s14, s0, $0xb8;
	[tilespmem:$0x1D880] =	vst v63  }
0x27d: {  	_ =	swait.ge [sflag:s19], $0x4000  }
0x27e: {  	[sflag:s19] =	ssyncset.done $0x0  }
0x27f: {  	s15 =	rddreg [dreg:$0x11];
	[sflag:s19] =	ssyncadd.s32 $0xFFFFC000  }
0x280: {  	[tilespmem:s30], [sflag:$0x4] =	stream.indirect.gather [hbm4b:s2+s23], $0x80, s15, s23, $0xb8;
	[tilespmem:$0x1D880] =	vst v63  }
0x281: {  	s16 =	rddreg [dreg:$0x12]  }
0x282: {  	[tilespmem:s31], [sflag:$0x4] =	stream.indirect.gather [hbm4b:s2+s23], $0x80, s16, s23, $0xb8;
	[tilespmem:$0x1D880] =	vst v63  }
0x283: {  	_ =	swait.ge [sflag:s1], $0x2000  }
0x284: {  	[sflag:s1] =	ssyncset.done $0x0  }
0x285: {  	[sflag:s1] =	ssyncadd.s32 $0xFFFFE000  }
0x286: {  	_ =	swait.ge [sflag:s1], $0x2000  }
0x287: {  	[sflag:s1] =	ssyncset.done $0x0  }
0x288: {  	s20 =	rddreg [dreg:$0x13];
	[sflag:s1] =	ssyncadd.s32 $0xFFFFE000  }
0x289: {  	[spmem:s3] =	stream.indirect.scatter.add.f32 [tilespmem:s24], [sflag:$0x5], $0x80, s20, s0, $0xb8;
	[tilespmem:$0x1D880] =	vst v63  }
0x28a: {  	_ =	swait.ge [sflag:s19], $0x4000  }
0x28b: {  	[sflag:s19] =	ssyncset.done $0x0  }
0x28c: {  	s13 =	rddreg [dreg:$0x14];
	[sflag:s19] =	ssyncadd.s32 $0xFFFFC000  }
0x28d: {  	[tilespmem:s24], [sflag:$0x3] =	stream.indirect.gather [hbm4b:s2+s23], $0x80, s13, s23, $0xb8;
	[tilespmem:$0x1D880] =	vst v63  }
0x28e: {  	s14 =	rddreg [dreg:$0x15]  }
0x28f: {  	[tilespmem:s26], [sflag:$0x3] =	stream.indirect.gather [hbm4b:s2+s23], $0x80, s14, s23, $0xb8;
	[tilespmem:$0x1D880] =	vst v63  }
0x290: {  	_ =	swait.ge [sflag:s11], $0x2000  }
0x291: {  	[sflag:s11] =	ssyncset.done $0x0  }
0x292: {  	[sflag:s11] =	ssyncadd.s32 $0xFFFFE000  }
0x293: {  	_ =	swait.ge [sflag:s11], $0x2000  }
0x294: {  	[sflag:s11] =	ssyncset.done $0x0  }
0x295: {  	s15 =	rddreg [dreg:$0x16];
	[sflag:s11] =	ssyncadd.s32 $0xFFFFE000  }
0x296: {  	[spmem:s3] =	stream.indirect.scatter.add.f32 [tilespmem:s30], [sflag:$0x5], $0x80, s15, s0, $0xb8;
	[tilespmem:$0x1D880] =	vst v63  }
0x297: {  	_ =	swait.ge [sflag:s19], $0x4000  }
0x298: {  	[sflag:s19] =	ssyncset.done $0x0  }
0x299: {  	s16 =	rddreg [dreg:$0x17];
	[sflag:s19] =	ssyncadd.s32 $0xFFFFC000  }
0x29a: {  	[tilespmem:s30], [sflag:$0x4] =	stream.indirect.gather [hbm4b:s2+s23], $0x80, s16, s23, $0xb8;
	[tilespmem:$0x1D880] =	vst v63  }
0x29b: {  	s20 =	rddreg [dreg:$0x18]  }
0x29c: {  	[tilespmem:s31], [sflag:$0x4] =	stream.indirect.gather [hbm4b:s2+s23], $0x80, s20, s23, $0xb8;
	[tilespmem:$0x1D880] =	vst v63  }
0x29d: {  	_ =	swait.ge [sflag:s1], $0x2000  }
0x29e: {  	[sflag:s1] =	ssyncset.done $0x0  }
0x29f: {  	[sflag:s1] =	ssyncadd.s32 $0xFFFFE000  }
0x2a0: {  	_ =	swait.ge [sflag:s1], $0x2000  }
0x2a1: {  	[sflag:s1] =	ssyncset.done $0x0  }
0x2a2: {  	s14 =	rddreg [dreg:$0x19];
	[sflag:s1] =	ssyncadd.s32 $0xFFFFE000  }
0x2a3: {  	[spmem:s3] =	stream.indirect.scatter.add.f32 [tilespmem:s24], [sflag:$0x5], $0x80, s14, s0, $0xb8;
	[tilespmem:$0x1D880] =	vst v63  }
0x2a4: {  	_ =	swait.ge [sflag:s19], $0x4000  }
0x2a5: {  	[sflag:s19] =	ssyncset.done $0x0  }
0x2a6: {  	[sflag:s19] =	ssyncadd.s32 $0xFFFFC000  }
0x2a7: {  	_ =	swait.ge [sflag:s9], $0x400  }
0x2a8: {  	[sflag:s9] =	ssyncset.done $0x0  }
0x2a9: {  	[sflag:s9] =	ssyncadd.s32 $0xFFFFFC00  }
0x2aa: {  	_ =	swait.ge [sflag:s9], $0x400  }
0x2ab: {  	[sflag:s9] =	ssyncset.done $0x0  }
0x2ac: {  	[sflag:s9] =	ssyncadd.s32 $0xFFFFFC00  }
0x2ad: {  	[tilespmem:s24], [sflag:$0x3] =	stream.indirect.gather [hbm4b:s2+s23], $0x80, s28, s23, $0xb8;
	[tilespmem:$0x1D880] =	vst v63  }
0x2ae: {  	s15 =	rddreg [dreg:$0x1a]  }
0x2af: {  	[tilespmem:s26], [sflag:$0x3] =	stream.indirect.gather [hbm4b:s2+s23], $0x80, s15, s23, $0xb8;
	[tilespmem:$0x1D880] =	vst v63  }
0x2b0: {  	_ =	swait.ge [sflag:s11], $0x2000  }
0x2b1: {  	[sflag:s11] =	ssyncset.done $0x0  }
0x2b2: {  	[sflag:s11] =	ssyncadd.s32 $0xFFFFE000  }
0x2b3: {  	_ =	swait.ge [sflag:s11], $0x2000  }
0x2b4: {  	[sflag:s11] =	ssyncset.done $0x0  }
0x2b5: {  	s16 =	rddreg [dreg:$0x1b];
	[sflag:s11] =	ssyncadd.s32 $0xFFFFE000  }
0x2b6: {  	[spmem:s3] =	stream.indirect.scatter.add.f32 [tilespmem:s30], [sflag:$0x5], $0x80, s16, s0, $0xb8;
	[tilespmem:$0x1D880] =	vst v63  }
0x2b7: {  	p2 =	seq.s32 s8, $0x400;
	s10 =	sadd.s32 $0x800, s17;
	_ =	swait.ge [sflag:s19], $0x4000  }
0x2b8: {  	s8 =	simm.s32 @!p2 $0x14880;
	s10 =	sshrl.u32 @!p2 s10, $0x3;
	[sflag:s19] =	ssyncset.done $0x0  }
0x2b9: {  	s13 =	sadd.s32 @!p2 s6, s10;
	s14 =	simm.s32 @!p2 $0x0;
	[sflag:s19] =	ssyncadd.s32 $0xFFFFC000  }
0x2ba: {  	[tilespmem:s8], [sflag:$0x1] =	stream.linear.gather @!p2 [hbm4b:s13+s14], $0x400, $0x38;
	[tilespmem:$0x1D880] =	vst v63  }
0x2bb: {  	s10 =	sadd.s32 @!p2 s5, s10;
	s13 =	simm.s32 @!p2 $0x14C80  }
0x2bc: {  	[tilespmem:s13], [sflag:$0x1] =	stream.linear.gather @!p2 [hbm4b:s10+s14], $0x400, $0x38;
	[tilespmem:$0x1D880] =	vst v63  }
0x2bd: {  	s20 =	rddreg [dreg:$0x1c]  }
0x2be: {  	[tilespmem:s30], [sflag:$0x4] =	stream.indirect.gather [hbm4b:s2+s23], $0x80, s20, s23, $0xb8;
	[tilespmem:$0x1D880] =	vst v63  }
0x2bf: {  	s14 =	rddreg [dreg:$0x1d]  }
0x2c0: {  	[tilespmem:s31], [sflag:$0x4] =	stream.indirect.gather [hbm4b:s2+s23], $0x80, s14, s23, $0xb8;
	[tilespmem:$0x1D880] =	vst v63  }
0x2c1: {  	_ =	swait.ge [sflag:s1], $0x2000  }
0x2c2: {  	[sflag:s1] =	ssyncset.done $0x0  }
0x2c3: {  	[sflag:s1] =	ssyncadd.s32 $0xFFFFE000  }
0x2c4: {  	_ =	swait.ge [sflag:s1], $0x2000  }
0x2c5: {  	[sflag:s1] =	ssyncset.done $0x0  }
0x2c6: {  	[sflag:s1] =	ssyncadd.s32 $0xFFFFE000  }
0x2c7: {  	[spmem:s3] =	stream.indirect.scatter.add.f32 [tilespmem:s24], [sflag:$0x5], $0x80, s29, s0, $0xb8;
	[tilespmem:$0x1D880] =	vst v63  }
0x2c8: {  	_ =	swait.ge [sflag:s19], $0x4000  }
0x2c9: {  	[sflag:s19] =	ssyncset.done $0x0  }
0x2ca: {  	s16 =	rddreg [dreg:$0x1e];
	[sflag:s19] =	ssyncadd.s32 $0xFFFFC000  }
0x2cb: {  	[tilespmem:s24], [sflag:$0x3] =	stream.indirect.gather [hbm4b:s2+s23], $0x80, s16, s23, $0xb8;
	[tilespmem:$0x1D880] =	vst v63  }
0x2cc: {  	s17 =	rddreg [dreg:$0x1f]  }
0x2cd: {  	[tilespmem:s26], [sflag:$0x3] =	stream.indirect.gather [hbm4b:s2+s23], $0x80, s17, s23, $0xb8;
	[tilespmem:$0x1D880] =	vst v63  }
0x2ce: {  	_ =	swait.ge [sflag:s11], $0x2000  }
0x2cf: {  	[sflag:s11] =	ssyncset.done $0x0  }
0x2d0: {  	[sflag:s11] =	ssyncadd.s32 $0xFFFFE000  }
0x2d1: {  	_ =	swait.ge [sflag:s11], $0x2000  }
0x2d2: {  	s20 =	sld [smem:$0x7EA]  }
0x2d3: {  	[sflag:s11] =	ssyncset.done $0x0  }
0x2d4: {  	[sflag:s11] =	ssyncadd.s32 $0xFFFFE000  }
0x2d5: {  	[spmem:s3] =	stream.indirect.scatter.add.f32 [tilespmem:s30], [sflag:$0x5], $0x80, s20, s0, $0xb8;
	[tilespmem:$0x1D880] =	vst v63  }
0x2d6: {  	_ =	swait.ge [sflag:s19], $0x4000  }
0x2d7: {  	s13 =	sld [smem:$0x7EC]  }
0x2d8: {  	[sflag:s19] =	ssyncset.done $0x0  }
0x2d9: {  	s14 =	sld [smem:$0x7ED];
	[sflag:s19] =	ssyncadd.s32 $0xFFFFC000  }
0x2da: {  	[tilespmem:s30], [sflag:$0x4] =	stream.indirect.gather [hbm4b:s2+s23], $0x80, s13, s23, $0xb8;
	[tilespmem:$0x1D880] =	vst v63  }
0x2db: {  	_ = 	snop  }
0x2dc: {  	[tilespmem:s31], [sflag:$0x4] =	stream.indirect.gather [hbm4b:s2+s23], $0x80, s14, s23, $0xb8;
	[tilespmem:$0x1D880] =	vst v63  }
0x2dd: {  	_ =	swait.ge [sflag:s1], $0x2000  }
0x2de: {  	[sflag:s1] =	ssyncset.done $0x0  }
0x2df: {  	[sflag:s1] =	ssyncadd.s32 $0xFFFFE000  }
0x2e0: {  	_ =	swait.ge [sflag:s1], $0x2000  }
0x2e1: {  	s15 =	sld [smem:$0x7EE]  }
0x2e2: {  	[sflag:s1] =	ssyncset.done $0x0  }
0x2e3: {  	[sflag:s1] =	ssyncadd.s32 $0xFFFFE000  }
0x2e4: {  	[spmem:s3] =	stream.indirect.scatter.add.f32 [tilespmem:s24], [sflag:$0x5], $0x80, s15, s0, $0xb8;
	[tilespmem:$0x1D880] =	vst v63  }
0x2e5: {  	_ =	swait.ge [sflag:s19], $0x4000  }
0x2e6: {  	s16 =	sld [smem:$0x7F0]  }
0x2e7: {  	[sflag:s19] =	ssyncset.done $0x0  }
0x2e8: {  	s17 =	sld [smem:$0x7F2];
	[sflag:s19] =	ssyncadd.s32 $0xFFFFC000  }
0x2e9: {  	[tilespmem:s24], [sflag:$0x3] =	stream.indirect.gather [hbm4b:s2+s23], $0x80, s16, s23, $0xb8;
	[tilespmem:$0x1D880] =	vst v63  }
0x2ea: {  	_ = 	snop  }
0x2eb: {  	[tilespmem:s26], [sflag:$0x3] =	stream.indirect.gather [hbm4b:s2+s23], $0x80, s17, s23, $0xb8;
	[tilespmem:$0x1D880] =	vst v63  }
0x2ec: {  	_ =	swait.ge [sflag:s11], $0x2000  }
0x2ed: {  	[sflag:s11] =	ssyncset.done $0x0  }
0x2ee: {  	[sflag:s11] =	ssyncadd.s32 $0xFFFFE000  }
0x2ef: {  	_ =	swait.ge [sflag:s11], $0x2000  }
0x2f0: {  	s20 =	sld [smem:$0x7F3]  }
0x2f1: {  	[sflag:s11] =	ssyncset.done $0x0  }
0x2f2: {  	[sflag:s11] =	ssyncadd.s32 $0xFFFFE000  }
0x2f3: {  	[spmem:s3] =	stream.indirect.scatter.add.f32 [tilespmem:s30], [sflag:$0x5], $0x80, s20, s0, $0xb8;
	[tilespmem:$0x1D880] =	vst v63  }
0x2f4: {  	_ =	swait.ge [sflag:s19], $0x4000  }
0x2f5: {  	s13 =	sld [smem:$0x7F4]  }
0x2f6: {  	[sflag:s19] =	ssyncset.done $0x0  }
0x2f7: {  	s14 =	sld [smem:$0x7F5];
	[sflag:s19] =	ssyncadd.s32 $0xFFFFC000  }
0x2f8: {  	[tilespmem:s30], [sflag:$0x4] =	stream.indirect.gather [hbm4b:s2+s23], $0x80, s13, s23, $0xb8;
	[tilespmem:$0x1D880] =	vst v63  }
0x2f9: {  	_ = 	snop  }
0x2fa: {  	[tilespmem:s31], [sflag:$0x4] =	stream.indirect.gather [hbm4b:s2+s23], $0x80, s14, s23, $0xb8;
	[tilespmem:$0x1D880] =	vst v63  }
0x2fb: {  	_ =	swait.ge [sflag:s1], $0x2000  }
0x2fc: {  	[sflag:s1] =	ssyncset.done $0x0  }
0x2fd: {  	[sflag:s1] =	ssyncadd.s32 $0xFFFFE000  }
0x2fe: {  	_ =	swait.ge [sflag:s1], $0x2000  }
0x2ff: {  	s15 =	sld [smem:$0x7F6]  }
0x300: {  	[sflag:s1] =	ssyncset.done $0x0  }
0x301: {  	[sflag:s1] =	ssyncadd.s32 $0xFFFFE000  }
0x302: {  	[spmem:s3] =	stream.indirect.scatter.add.f32 [tilespmem:s24], [sflag:$0x5], $0x80, s15, s0, $0xb8;
	[tilespmem:$0x1D880] =	vst v63  }
0x303: {  	_ =	swait.ge [sflag:s19], $0x4000  }
0x304: {  	s16 =	sld [smem:$0x7F7]  }
0x305: {  	[sflag:s19] =	ssyncset.done $0x0  }
0x306: {  	s17 =	sld [smem:$0x7F8];
	[sflag:s19] =	ssyncadd.s32 $0xFFFFC000  }
0x307: {  	[tilespmem:s24], [sflag:$0x3] =	stream.indirect.gather [hbm4b:s2+s23], $0x80, s16, s23, $0xb8;
	[tilespmem:$0x1D880] =	vst v63  }
0x308: {  	_ = 	snop  }
0x309: {  	[tilespmem:s26], [sflag:$0x3] =	stream.indirect.gather [hbm4b:s2+s23], $0x80, s17, s23, $0xb8;
	[tilespmem:$0x1D880] =	vst v63  }
0x30a: {  	_ =	swait.ge [sflag:s11], $0x2000  }
0x30b: {  	[sflag:s11] =	ssyncset.done $0x0  }
0x30c: {  	[sflag:s11] =	ssyncadd.s32 $0xFFFFE000  }
0x30d: {  	_ =	swait.ge [sflag:s11], $0x2000  }
0x30e: {  	s20 =	sld [smem:$0x7F9]  }
0x30f: {  	[sflag:s11] =	ssyncset.done $0x0  }
0x310: {  	[sflag:s11] =	ssyncadd.s32 $0xFFFFE000  }
0x311: {  	[spmem:s3] =	stream.indirect.scatter.add.f32 [tilespmem:s30], [sflag:$0x5], $0x80, s20, s0, $0xb8;
	[tilespmem:$0x1D880] =	vst v63  }
0x312: {  	_ =	swait.ge [sflag:s19], $0x4000  }
0x313: {  	s13 =	sld [smem:$0x7FA]  }
0x314: {  	[sflag:s19] =	ssyncset.done $0x0  }
0x315: {  	s14 =	sld [smem:$0x7FB];
	[sflag:s19] =	ssyncadd.s32 $0xFFFFC000  }
0x316: {  	[tilespmem:s30], [sflag:$0x4] =	stream.indirect.gather [hbm4b:s2+s23], $0x80, s13, s23, $0xb8;
	[tilespmem:$0x1D880] =	vst v63  }
0x317: {  	_ = 	snop  }
0x318: {  	[tilespmem:s31], [sflag:$0x4] =	stream.indirect.gather [hbm4b:s2+s23], $0x80, s14, s23, $0xb8;
	[tilespmem:$0x1D880] =	vst v63  }
0x319: {  	_ =	swait.ge [sflag:s1], $0x2000  }
0x31a: {  	[sflag:s1] =	ssyncset.done $0x0  }
0x31b: {  	[sflag:s1] =	ssyncadd.s32 $0xFFFFE000  }
0x31c: {  	_ =	swait.ge [sflag:s1], $0x2000  }
0x31d: {  	s15 =	sld [smem:$0x7FC]  }
0x31e: {  	[sflag:s1] =	ssyncset.done $0x0  }
0x31f: {  	[sflag:s1] =	ssyncadd.s32 $0xFFFFE000  }
0x320: {  	[spmem:s3] =	stream.indirect.scatter.add.f32 [tilespmem:s24], [sflag:$0x5], $0x80, s15, s0, $0xb8;
	[tilespmem:$0x1D880] =	vst v63  }
0x321: {  	_ =	swait.ge [sflag:s19], $0x4000  }
0x322: {  	[sflag:s19] =	ssyncset.done $0x0  }
0x323: {  	s10 =	simm.s32 @!p2 $0x1;
	[sflag:s19] =	ssyncadd.s32 $0xFFFFC000  }
0x324: {  	_ =	swait.ge @!p2 [sflag:s10], $0x400  }
0x325: {  	[sflag:s10] =	ssyncset.done @!p2 $0x0  }
0x326: {  	[sflag:s10] =	ssyncadd.s32 @!p2 $0xFFFFFC00  }
0x327: {  	_ =	swait.ge @!p2 [sflag:s10], $0x400  }
0x328: {  	[sflag:s10] =	ssyncset.done @!p2 $0x0  }
0x329: {  	s13 =	simm.s32 @!p2 $0x15880;
	[sflag:s10] =	ssyncadd.s32 @!p2 $0xFFFFFC00;
	s10 =	simm.s32 @!p2 $0x40  }
0x32a: {  	[tilespmem:s13], [sflag:$0x3] =	stream.indirect.gather @!p2 [hbm4b:s2+s10], $0x80, s8, s10, $0xb8;
	[tilespmem:$0x1D880] =	vst v63  }
0x32b: {  	s8 =	simm.s32 @!p2 $0x148C0;
	s13 =	simm.s32 @!p2 $0x17880  }
0x32c: {  	[tilespmem:s13], [sflag:$0x3] =	stream.indirect.gather @!p2 [hbm4b:s2+s10], $0x80, s8, s10, $0xb8;
	[tilespmem:$0x1D880] =	vst v63  }
0x32d: {  	_ =	swait.ge [sflag:s11], $0x2000  }
0x32e: {  	[sflag:s11] =	ssyncset.done $0x0  }
0x32f: {  	[sflag:s11] =	ssyncadd.s32 $0xFFFFE000  }
0x330: {  	_ =	swait.ge [sflag:s11], $0x2000  }
0x331: {  	s16 =	sld [smem:$0x7FD]  }
0x332: {  	[sflag:s11] =	ssyncset.done $0x0  }
0x333: {  	[sflag:s11] =	ssyncadd.s32 $0xFFFFE000  }
0x334: {  	[spmem:s3] =	stream.indirect.scatter.add.f32 [tilespmem:s30], [sflag:$0x5], $0x80, s16, s0, $0xb8;
	[tilespmem:$0x1D880] =	vst v63  }
0x335: {  	_ =	swait.ge [sflag:s19], $0x4000  }
0x336: {  	[sflag:s19] =	ssyncset.done $0x0  }
0x337: {  	[sflag:s19] =	ssyncadd.s32 $0xFFFFC000  }
0x338: {  	[bflag:$0x0] =	sbarrier.arrive $0xFFFF  }
0x339: {  	s17 =	sld [smem:$0x7EB];
	_ =	sdelay $0x2  }
0x33a: {  	[hbm:s17], [sflag:s18] =	dma.local [spmem:s7], $0x2700  }
0x33b: {  	_ =	swait.ge [sflag:s19], $0x2700  }
0x33c: {  	s7 =	sld [smem:$0x7E6]  }
0x33d: {  	s8 =	sld [smem:$0x7EF]  }
0x33e: {  	[sflag:s19] =	ssyncset.done $0x0  }
0x33f: {  	[sflag:s19] =	ssyncadd.s32 $0xFFFFD900;
	s7 =	sshrl.u32 @!p1 s7, $0x3  }
0x340: {  	[hbm:s8], [sflag:s18] =	dma.local @!p1 [spmem:s7], $0x100  }
0x341: {  	s7 =	simm.s32 @!p1 $0x5  }
0x342: {  	_ =	swait.ge @!p1 [sflag:s7], $0x100  }
0x343: {  	s20 =	sld [smem:$0x7F1];
	_ =	sdelay $0x1  }
0x344: {  	s25 =	sadd.s32 $0x1, s25  }
0x345: {  	p2 =	sne.s32 s25, s20  }
.Ltmp5:
0x346: {  	_ = 	snop;
	(pc) =	sbr.rel @p2 .LBB2_1-.Ltmp5, $3  }
0x347: {  	_ =	sdelay $0x1  }
0x348: {  	[sflag:s7] =	ssyncset.done @!p1 $0x0  }
0x349: {  	[sflag:s7] =	ssyncadd.s32 @!p1 $0xFFFFFF00  }
0x34a: {  	_ =	sfence.sel $0x180000  }
0x34b: {  	[bflag:$0x0] =	sbarrier.arrive $0xFFFF  }
0x34c: {  	_ =	strace $0x90000047  }
0x34d: {  	s0 =	stileid.u32;
	[bflag:$0x2] =	sbarrier.arrive $0xFFFF  }
0x34e: {  	p0 =	sne.s32 s0, $0x0;
	s0 =	rddreg [dreg:$0x3]  }
0x34f: {  	s0 =	sadd.s32 @!p0 $0x100000, s0  }
0x350: {  	[sflag:s0] =	ssyncadd.tile.s32 @!p0 $0x1;
	_ =	shalt  }
.Lfunc_end2:
_tile_overlayer_lowered:
.L_overlay_start_2:
0x351: {  	(tag) =	ssettag $0x2  }
0x352: {  	s0 =	rddreg [dreg:$0x0];
	s2 =	stileid.u32  }
0x353: {  	s1 =	rddreg [dreg:$0x1];
	p0 =	sne.s32 s2, $0x0  }
0x354: {  	s3 =	rddreg [dreg:$0x2];
	[bflag:$0x3] =	sbarrier.arrive $0xFFFF;
	s2 =	simm.s32 @!p0 $0x1C05  }
0x355: {  	[timem:s3], [sflag:s2] =	dma.local @!p0 [hbm:s0], s1  }
0x356: {  	s0 =	simm.s32 @!p0 $0x5  }
0x357: {  	_ =	swait.ge @!p0 [sflag:s0], s1  }
0x358: {  	s1 =	ssub.s32 @!p0 $0x0, s1;
	[sflag:s0] =	ssyncset.done @!p0 $0x0  }
0x359: {  	[sflag:s0] =	ssyncadd.s32 @!p0 s1  }
0x35a: {  	[bflag:$0x3] =	sbarrier.arrive $0xFFFF  }
0x35b: {  	_ =	shalt  }

// kernel: kernel.9.cloned.1.call-start
scs
__scs_entry_jumppad:
0x0: {  	(pc) =	sbr.rel $0x88, $3  }
0x1: {  	(tag) =	ssettag $0x0;
	lr =	simm.s32 $0x1  }
0x2: {  	[smem:$0x3F97] =	sst lr;
	_ =	strace $0xD0000000  }
0x3: {  	_ = 	snop  }
0x4: {  	_ = 	snop  }
0x5: {  	_ = 	snop  }
0x6: {  	_ = 	snop  }
0x7: {  	_ = 	snop  }
__scs_overlays_trampoline_lowered:
0x8: {  	[smem:$0x3FA6] =	sst s0  }
0x9: {  	[smem:$0x3FA7] =	sst s1  }
0xa: {  	[smem:$0x3FA8] =	sst s2  }
0xb: {  	[smem:$0x3FA9] =	sst s3  }
0xc: {  	[smem:$0x3FAA] =	sst s4  }
0xd: {  	[smem:$0x3FAB] =	sst s5  }
0xe: {  	[smem:$0x3FAC] =	sst s6  }
0xf: {  	[smem:$0x3FAD] =	sst s7  }
0x10: {  	[smem:$0x3FAE] =	sst s8  }
0x11: {  	[smem:$0x3FAF] =	sst s9;
	s0 =	simm.s32 @!p0 $0x0  }
0x12: {  	s1 =	sld [smem:$0x3F95];
	s0 =	simm.s32 @p0 $0x1  }
0x13: {  	[smem:$0x3FB0] =	sst s0;
	s0 =	simm.s32 @!p1 $0x0  }
0x14: {  	s2 =	sld [smem:$0x3F94];
	s0 =	simm.s32 @p1 $0x1  }
0x15: {  	[smem:$0x3FB1] =	sst s0;
	s0 =	simm.s32 @!p2 $0x0  }
0x16: {  	s3 =	sld [smem:$0x3FDB];
	s0 =	simm.s32 @p2 $0x1  }
0x17: {  	s4 =	simm.s32 $0x1BF5;
	[smem:$0x3FB3] =	sst s0  }
0x18: {  	s0 =	sld [smem:$0x3F96];
	_ =	swait.ge [sflag:s4], $0x0  }
0x19: {  	s7 =	sld [smem:$0x3F97]  }
0x1a: {  	s8 =	sadd.s32 $0xFFFFE003, lr  }
0x1b: {  	s9 =	sadd.s32 $0xFFFFFEF7, lr;
	s5 =	simm.s32 $0xFFFFFFFF;
	p2 =	slt.u32 s8, $0xFFFFF086  }
0x1c: {  	p1 =	slt.u32 s9, $0xF7A;
	s5 =	simm.s32 @!p2 $0x0  }
0x1d: {  	s5 =	simm.s32 @p1 $0x1;
	p0 =	seq.s32 s7, s2  }
0x1e: {  	s7 =	smul.u32 @!p0 $0xF7A, s2;
	p2 =	seq.s32 @!p0 s5, $0x0  }
0x1f: {  	s9 =	smul.u32 $0xF7A, s1;
	s8 =	simm.s32 @!p0 $0x1BF5;
	p2 =	por !p2, p0  }
0x20: {  	[sflag:s8] =	ssyncset.s32 @!p0 $0xFFFFF086;
	s6 =	sadd.s32 @!p0 s3, s7;
	s7 =	simm.s32 @!p0 $0x108  }
0x21: {  	s3 =	sadd.s32 s3, s9;
	s6 =	sadd.s32 @!p0 $0x88, s6;
	s7 =	simm.s32 @p2 $0x1082  }
0x22: {  	[simem:s7], [sflag:s8] =	dma.local @!p0 [hbm:s6], $0xF7A  }
0x23: {  	s9 =	sor.u32 $0xD0000000, s2;
	s6 =	simm.s32 $0x108;
	_ =	swait.ge @!p0 [sflag:s8], $0x0  }
0x24: {  	s3 =	sadd.s32 $0x88, s3;
	s6 =	simm.s32 @!p1 $0x1082;
	[sflag:s4] =	ssyncset.s32 $0xFFFFF086  }
0x25: {  	[simem:s6], [sflag:s4] =	dma.local [hbm:s3], $0xF7A  }
0x26: {  	[smem:$0x3F97] =	sst s1;
	(tag) =	ssettag s2;
	_ =	strace s9  }
0x27: {  	s1 =	sld [smem:$0x3FA7]  }
0x28: {  	s2 =	sld [smem:$0x3FA8]  }
0x29: {  	s4 =	sld [smem:$0x3FAA]  }
0x2a: {  	p0 =	seq.s32 s5, $0x0;
	s5 =	sld [smem:$0x3FAB]  }
0x2b: {  	s6 =	sld [smem:$0x3FAC]  }
0x2c: {  	s7 =	sld [smem:$0x3FAD]  }
0x2d: {  	s3 =	simm.s32 $0x108;
	s8 =	sld [smem:$0x3FAE]  }
0x2e: {  	s3 =	simm.s32 @!p0 $0x1082;
	s9 =	sld [smem:$0x3FAF]  }
0x2f: {  	lr =	sadd.s32 s0, s3;
	s0 =	sld [smem:$0x3FA6]  }
0x30: {  	s3 =	sld [smem:$0x3FA9]  }
0x31: {  	[smem:$0x3FB2] =	sst s10  }
0x32: {  	s10 =	sld [smem:$0x3FB0];
	_ =	sdelay $0x3  }
0x33: {  	p0 =	seq.s32 s10, $0x1;
	s10 =	sld [smem:$0x3FB2];
	_ =	sdelay $0x3  }
0x34: {  	[smem:$0x3FB2] =	sst s10  }
0x35: {  	s10 =	sld [smem:$0x3FB1];
	_ =	sdelay $0x3  }
0x36: {  	p1 =	seq.s32 s10, $0x1;
	s10 =	sld [smem:$0x3FB2];
	_ =	sdelay $0x3  }
0x37: {  	[smem:$0x3FB2] =	sst s10  }
0x38: {  	s10 =	sld [smem:$0x3FB3]  }
0x39: {  	_ = 	snop;
	(pc) =	sbr.ind lr, $3  }
0x3a: {  	_ = 	snop  }
0x3b: {  	_ = 	snop  }
0x3c: {  	p2 =	seq.s32 s10, $0x1;
	s10 =	sld [smem:$0x3FB2]  }
0x3d: {  	_ =	shalt  }
0x3e: {  	_ =	shalt  }
0x3f: {  	_ =	shalt  }
0x40: {  	_ =	shalt  }
0x41: {  	_ =	shalt  }
0x42: {  	_ =	shalt  }
0x43: {  	_ =	shalt  }
0x44: {  	_ =	shalt  }
0x45: {  	_ =	shalt  }
0x46: {  	_ =	shalt  }
0x47: {  	_ =	shalt  }
0x48: {  	_ =	shalt  }
0x49: {  	_ =	shalt  }
0x4a: {  	_ =	shalt  }
0x4b: {  	_ =	shalt  }
0x4c: {  	_ =	shalt  }
0x4d: {  	_ =	shalt  }
0x4e: {  	_ =	shalt  }
0x4f: {  	_ =	shalt  }
0x50: {  	_ =	shalt  }
0x51: {  	_ =	shalt  }
0x52: {  	_ =	shalt  }
0x53: {  	_ =	shalt  }
0x54: {  	_ =	shalt  }
0x55: {  	_ =	shalt  }
0x56: {  	_ =	shalt  }
0x57: {  	_ =	shalt  }
0x58: {  	_ =	shalt  }
0x59: {  	_ =	shalt  }
0x5a: {  	_ =	shalt  }
0x5b: {  	_ =	shalt  }
0x5c: {  	_ =	shalt  }
0x5d: {  	_ =	shalt  }
0x5e: {  	_ =	shalt  }
0x5f: {  	_ =	shalt  }
0x60: {  	_ =	shalt  }
0x61: {  	_ =	shalt  }
0x62: {  	_ =	shalt  }
0x63: {  	_ =	shalt  }
0x64: {  	_ =	shalt  }
0x65: {  	_ =	shalt  }
0x66: {  	_ =	shalt  }
0x67: {  	_ =	shalt  }
0x68: {  	_ =	shalt  }
0x69: {  	_ =	shalt  }
0x6a: {  	_ =	shalt  }
0x6b: {  	_ =	shalt  }
0x6c: {  	_ =	shalt  }
0x6d: {  	_ =	shalt  }
0x6e: {  	_ =	shalt  }
0x6f: {  	_ =	shalt  }
0x70: {  	_ =	shalt  }
0x71: {  	_ =	shalt  }
0x72: {  	_ =	shalt  }
0x73: {  	_ =	shalt  }
0x74: {  	_ =	shalt  }
0x75: {  	_ =	shalt  }
0x76: {  	_ =	shalt  }
0x77: {  	_ =	shalt  }
0x78: {  	_ =	shalt  }
0x79: {  	_ =	shalt  }
0x7a: {  	_ =	shalt  }
0x7b: {  	_ =	shalt  }
0x7c: {  	_ =	shalt  }
0x7d: {  	_ =	shalt  }
0x7e: {  	_ =	shalt  }
0x7f: {  	_ =	shalt  }
0x80: {  	_ =	shalt  }
0x81: {  	_ =	shalt  }
0x82: {  	_ =	shalt  }
0x83: {  	_ =	shalt  }
0x84: {  	_ =	shalt  }
0x85: {  	_ =	shalt  }
0x86: {  	_ =	shalt  }
0x87: {  	_ =	shalt  }
.Lfunc_end0:
.L_simem_size_0:
called_computation.1_lowered:
.L_overlay_start_0:
0x88: {  	s2 =	sld [smem:$0x3FD9]  }
0x89: {  	s3 =	sld [smem:$0x3FFE];
	_ =	sdelay $0x1  }
0x8a: {  	s1 =	srdreg.scid  }
0x8b: {  	s0 =	sand.u32 $0x1, s1  }
0x8c: {  	s16 =	sshll.u32 s0, $0xA;
	s2 =	sadd.s32 s3, s2  }
0x8d: {  	s2 =	sadd.s32 s2, s16  }
0x8e: {  	[smem:$0x3FBE] =	sst s2  }
0x8f: {  	_ = 	snop  }
0x90: {  	(tm) =	ssettm $0x1  }
0x91: {  	s17 =	sld [smem:$0x3FFB];
	_ =	sdelay $0x3  }
0x92: {  	_ =	strace s17  }
0x93: {  	s2 =	sld [smem:$0x3FFC];
	_ =	sdelay $0x3  }
0x94: {  	_ =	strace s2  }
0x95: {  	s2 =	sld [smem:$0x3FFD];
	_ =	sdelay $0x3  }
0x96: {  	_ =	strace s2  }
0x97: {  	_ =	strace $0x8FFFFFFF  }
0x98: {  	s18 =	sld [smem:$0x3FDB];
	_ =	sdelay $0x1  }
0x99: {  	s19 =	simm.s32 $_scs_section_size  }
0x9a: {  	s4 =	simm.s32 $_size__tile_overlayer_lowered;
	s5 =	simm.s32 $_tile_overlayer_lowered  }
0x9b: {  	s22 =	simm.s32 $0x1BFF;
	s21 =	sshll.u32 s5, $0x1;
	s2 =	sadd.s32 s19, s18  }
0x9c: {  	s6 =	simm.s32 $0x0;
	s20 =	sshll.u32 s4, $0x1;
	s4 =	sadd.s32 s21, s2  }
0x9d: {  	[timem:s6], [sflag:s22] =	dma.local [hbm:s4], s20  }
0x9e: {  	_ =	swait.ge [sflag:s22], s20  }
0x9f: {  	s3 =	ssub.s32 $0x0, s20;
	[sflag:s22] =	ssyncset.done $0x0  }
0xa0: {  	[sflag:s22] =	ssyncadd.s32 s3;
	_ =	sdelay $0x1  }
0xa1: {  	s23 =	simm.s32 $0x1B8B  }
0xa2: {  	_ =	swait.ge [sflag:s23], $0x1  }
0xa3: {  	[sflag:s23] =	ssyncset.done $0x0  }
0xa4: {  	s25 =	simm.s32 $0x1B8E;
	s24 =	sld [smem:$0x3FFE];
	[sflag:s23] =	ssyncadd.s32 $0xFFFFFFFF  }
0xa5: {  	s26 =	simm.s32 $execute0_lowered;
	[smem:$0x3FD2] =	sst s25  }
0xa6: {  	s4 =	sshll.u32 s26, $0x1;
	_ =	strace $0x80000049;
	[dreg:$0x1] =	wrdreg $0xFFFFFFFF  }
0xa7: {  	s28 =	simm.s32 $_size_execute0_lowered;
	s2 =	sadd.s32 s2, s4;
	[dreg:$0x0] =	wrdreg $0x0  }
0xa8: {  	s4 =	sshll.u32 s28, $0x1;
	[dreg:$0x2] =	wrdreg s2  }
0xa9: {  	[dreg:$0x3] =	wrdreg s4  }
0xaa: {  	[dreg:$0x4] =	wrdreg $0xC0  }
0xab: {  	_ =	task [dreg:s6], $0x5FFFF  }
0xac: {  	[dreg:$0x1] =	wrdreg $0xFFFFFFFF  }
0xad: {  	[dreg:$0x0] =	wrdreg $0x60  }
0xae: {  	[dreg:$0x2] =	wrdreg s24  }
0xaf: {  	[dreg:$0x3] =	wrdreg $0x0  }
0xb0: {  	[dreg:$0x4] =	wrdreg $0x9  }
0xb1: {  	_ =	task.clear_ibuf [dreg:s6], $0x5FFFF;
	_ =	strace $0x90000049  }
0xb2: {  	s29 =	simm.s32 $0x9;
	_ =	strace $0x8000004B  }
0xb3: {  	_ =	swait.ge [sflag:s29], $0x1  }
0xb4: {  	[sflag:s29] =	ssyncadd.s32 $0xFFFFFFFF  }
0xb5: {  	_ =	strace $0x9000004B  }
0xb6: {  	_ =	sfence  }
0xb7: {  	s30 =	sld [smem:$0x0];
	_ =	sdelay $0x2  }
0xb8: {  	s31 =	sshll.u32 s1, $0xD;
	s1 =	sshrl.u32 s1, $0x2  }
0xb9: {  	s3 =	sand.u32 $0x4000, s31;
	s1 =	sadd.s32 s1, s30  }
0xba: {  	s0 =	sor.u32 s3, s0;
	s1 =	sshll.u32 s1, $0x11  }
0xbb: {  	s0 =	sor.u32 s1, s0  }
0xbc: {  	s0 =	sadd.s32 $0x8F2B, s0  }
0xbd: {  	[sflag:s0] =	ssyncadd.remote.s32 $0x1  }
0xbe: {  	_ =	sfence.sel $0xFFFF  }
0xbf: {  	[dreg:$0x0] =	wrdreg $0xFFFFFFFF;
	(pc) =	sbr.abs _section_cstart, $3  }
0xc0: {  	[dreg:$0x1] =	wrdreg $0xFFFFFFFF  }
0xc1: {  	_ =	task.clear_ibuf [dreg:s6], $0x2FFFF;
	_ =	strace $0x9FFFFFFF  }
0xc2: {  	(tm) =	ssettm $0x7FFFFFFF  }
0xc3: {  	_ =	shalt  }
tec
execute0_lowered:
.L_overlay_start_1:
0x0: {  	(tag) =	ssettag $0x1  }
0x1: {  	s0 =	srdreg.scid;
	s14 =	stileid.u32  }
0x2: {  	s1 =	sand.u32 $0x1, s0;
	s18 =	smul.u32 $0x5000, s14  }
0x3: {  	s3 =	smul.u32 $0x2800, s1  }
0x4: {  	s8 =	rddreg [dreg:$0x0]  }
0x5: {  	s2 =	rddreg [dreg:$0x1];
	s0 =	sadd.s32 s3, s18;
	s3 =	simm.s32 $0x0  }
0x6: {  	s19 =	simm.s32 $0x14900;
	[smem:$0x7FF] =	sst s3  }
0x7: {  	s20 =	simm.s32 $0x14940;
	_ =	strace $0x8000004A;
	[dreg:$0x5] =	wrdreg s19  }
0x8: {  	s21 =	simm.s32 $0x14980;
	[dreg:$0x6] =	wrdreg s20  }
0x9: {  	s22 =	simm.s32 $0x149C0;
	[dreg:$0x7] =	wrdreg s21  }
0xa: {  	s9 =	sadd.s32 $0x15400, s8;
	[dreg:$0x8] =	wrdreg s22  }
0xb: {  	s23 =	simm.s32 $0x14D00;
	[smem:$0x7E4] =	sst s9  }
0xc: {  	s24 =	simm.s32 $0x14A00;
	[dreg:$0x9] =	wrdreg s23  }
0xd: {  	s25 =	simm.s32 $0x14A40;
	[dreg:$0xa] =	wrdreg s24  }
0xe: {  	s26 =	simm.s32 $0x14D80;
	[dreg:$0xb] =	wrdreg s25  }
0xf: {  	s12 =	simm.s32 $0x14A80;
	[dreg:$0xc] =	wrdreg s26  }
0x10: {  	s15 =	simm.s32 $0x14E00;
	[dreg:$0xd] =	wrdreg s12  }
0x11: {  	s16 =	simm.s32 $0x14B00;
	[dreg:$0xf] =	wrdreg s15  }
0x12: {  	s18 =	simm.s32 $0x14B40;
	[dreg:$0x10] =	wrdreg s16  }
0x13: {  	s12 =	simm.s32 $0x14AC0;
	[dreg:$0x11] =	wrdreg s18  }
0x14: {  	s19 =	simm.s32 $0x14E80;
	[dreg:$0xe] =	wrdreg s12  }
0x15: {  	s28 =	simm.s32 $0x15080;
	s20 =	simm.s32 $0x14B80;
	[dreg:$0x12] =	wrdreg s19  }
0x16: {  	s4 =	sadd.s32 $0x1400, s8;
	s21 =	simm.s32 $0x14BC0;
	[dreg:$0x13] =	wrdreg s20  }
0x17: {  	s17 =	smul.u32 $0x4E000, s14;
	s22 =	simm.s32 $0x14F00;
	[dreg:$0x14] =	wrdreg s21  }
0x18: {  	s10 =	ssub.s32 $0x2, s1;
	s25 =	sadd.s32 $0x138000, s2;
	[dreg:$0x15] =	wrdreg s22  }
0x19: {  	s11 =	sshrl.u32 s10, $0x1;
	s24 =	simm.s32 $0x14C00;
	[smem:$0x7E7] =	sst s25  }
0x1a: {  	s5 =	sor.u32 $0x400, s0;
	s26 =	simm.s32 $0x14C40;
	[dreg:$0x16] =	wrdreg s24  }
0x1b: {  	s9 =	ssub.s32 s10, s11;
	s10 =	simm.s32 $0x14F80;
	[dreg:$0x17] =	wrdreg s26  }
0x1c: {  	s6 =	sshrl.u32 s5, $0x3;
	s16 =	simm.s32 $0x15100;
	[dreg:$0x18] =	wrdreg s10  }
0x1d: {  	s5 =	sadd.s32 $0xB400, s8;
	s7 =	sadd.s32 s6, s4;
	[dreg:$0x1b] =	wrdreg s16  }
0x1e: {  	s29 =	simm.s32 $0x15480;
	s6 =	sadd.s32 s6, s5;
	[dreg:$0x3] =	wrdreg s7  }
0x1f: {  	s12 =	sshrl.u32 s17, $0x2;
	s17 =	simm.s32 $0x15140;
	[dreg:$0x4] =	wrdreg s6  }
0x20: {  	s30 =	simm.s32 $0x19880;
	s19 =	simm.s32 $0x15180;
	[dreg:$0x1c] =	wrdreg s17  }
0x21: {  	s31 =	simm.s32 $0x1B880;
	s21 =	simm.s32 $0x151C0;
	[dreg:$0x1d] =	wrdreg s19  }
0x22: {  	s13 =	sshll.u32 s14, $0x1;
	s24 =	simm.s32 $0x15200;
	[dreg:$0x1e] =	wrdreg s21  }
0x23: {  	p1 =	sne.s32 s14, $0xF;
	s26 =	simm.s32 $0x15240;
	[smem:$0x7EC] =	sst s24  }
0x24: {  	p0 =	seq.s32 s1, $0x1;
	s10 =	simm.s32 $0x15580;
	[smem:$0x7ED] =	sst s26  }
0x25: {  	s11 =	sor.u32 s1, s13;
	s16 =	simm.s32 $0x15300;
	[smem:$0x7EE] =	sst s10  }
0x26: {  	s6 =	sadd.s32 $0x17C00, s8;
	s12 =	sadd.s32 s12, s2;
	[smem:$0x7F4] =	sst s16  }
0x27: {  	s7 =	sadd.s32 $0x3EE00, s8;
	s8 =	sadd.s32 $0x3EC00, s8;
	[smem:$0x7E5] =	sst s12  }
0x28: {  	s13 =	smul.u32 $0x2700, s14;
	s17 =	simm.s32 $0x15340;
	[smem:$0x7E8] =	sst s8  }
0x29: {  	s1 =	smul.u32 $0x138800, s1;
	s19 =	simm.s32 $0x15680;
	[smem:$0x7F5] =	sst s17  }
0x2a: {  	s18 =	smul.u32 $0x13800, s14;
	s21 =	simm.s32 $0x153C0;
	[smem:$0x7F6] =	sst s19  }
0x2b: {  	s11 =	smul.u32 $0x2800, s11;
	s24 =	simm.s32 $0x15440;
	[smem:$0x7F8] =	sst s21  }
0x2c: {  	s22 =	sadd.s32 s18, s1;
	s26 =	simm.s32 $0x15800;
	[smem:$0x7FB] =	sst s24  }
0x2d: {  	s1 =	sshrl.u32 s1, $0x3;
	s23 =	sadd.s32 s6, s13;
	[smem:$0x7FD] =	sst s26  }
0x2e: {  	s18 =	sshll.u32 s14, $0x6;
	s12 =	simm.s32 $0x150C0;
	[smem:$0x7E6] =	sst s23  }
0x2f: {  	s11 =	sshrl.u32 s11, $0x3;
	s13 =	simm.s32 $0x15000;
	[dreg:$0x19] =	wrdreg s12  }
0x30: {  	s1 =	sadd.s32 s7, s1;
	s15 =	sadd.s32 s5, s11;
	[dreg:$0x1a] =	wrdreg s13  }
0x31: {  	s18 =	sor.u32 $0x1C05, s18;
	s20 =	sadd.s32 s4, s11;
	[smem:$0x7E9] =	sst s15  }
0x32: {  	s19 =	simm.s32 $0x5;
	s23 =	simm.s32 $0x15500;
	[smem:$0x7EA] =	sst s20  }
0x33: {  	s21 =	simm.s32 $0x14C80;
	s1 =	sadd.s32 $0x27000, s1;
	[dreg:$0x1f] =	wrdreg s23  }
0x34: {  	s24 =	simm.s32 $0x15880;
	s13 =	smax.u32 s9, $0x1;
	[smem:$0x7EF] =	sst s1  }
0x35: {  	s26 =	simm.s32 $0x17880;
	s12 =	simm.s32 $0x152C0;
	[smem:$0x7F1] =	sst s13  }
0x36: {  	s11 =	sshrl.u32 s22, $0x3;
	s22 =	simm.s32 $0x15700;
	[smem:$0x7F2] =	sst s12  }
0x37: {  	s9 =	simm.s32 $0x2;
	s25 =	sadd.s32 s7, s11;
	[smem:$0x7F9] =	sst s22  }
0x38: {  	s11 =	simm.s32 $0x15280;
	s15 =	simm.s32 $0x15600;
	[smem:$0x7EB] =	sst s25  }
0x39: {  	s12 =	sadd.s32 $0x800, s0;
	s20 =	simm.s32 $0x15380;
	[smem:$0x7F0] =	sst s11  }
0x3a: {  	s23 =	simm.s32 $0x15400;
	s22 =	simm.s32 $0x1;
	[smem:$0x7F3] =	sst s15  }
0x3b: {  	s1 =	simm.s32 $0x3;
	s0 =	simm.s32 $0x80;
	[smem:$0x7F7] =	sst s20  }
0x3c: {  	[smem:$0x7FA] =	sst s23;
	s23 =	simm.s32 $0x40;
	s25 =	simm.s32 $0x15780  }
0x3d: {  	s11 =	simm.s32 $0x4;
	[smem:$0x7FC] =	sst s25;
	s25 =	simm.s32 $0x0  }
.LBB2_1:
.Ltmp0:
0x3e: {  	(pc) =	sbr.rel @!p0 .LBB2_2-.Ltmp0, $2  }
0x3f: {  	s7 =	sld [smem:$0x7E5];
	_ =	sdelay $0x2  }
0x40: {  	s7 =	sshrl.u32 s7, $0x3  }
0x41: {  	s8 =	sld [smem:$0x7E4];
	_ =	sdelay $0x1  }
.Ltmp1:
0x42: {  	_ = 	snop;
	(pc) =	sbr.rel @p1 .LBB2_7-.Ltmp1, $4  }
0x43: {  	[spmem:s7], [sflag:s18] =	dma.local [hbm:s8], $0x2700  }
0x44: {  	_ =	swait.ge [sflag:s19], $0x2700  }
0x45: {  	[sflag:s19] =	ssyncset.done $0x0  }
0x46: {  	[sflag:s19] =	ssyncadd.s32 $0xFFFFD900  }
.Ltmp2:
0x47: {  	s8 =	sld [smem:$0x7E7];
	(pc) =	sbr.rel .LBB2_6-.Ltmp2, $3  }
0x48: {  	s10 =	sld [smem:$0x7E4];
	_ =	sdelay $0x1  }
0x49: {  	s8 =	sshrl.u32 s8, $0x3  }
0x4a: {  	[spmem:s8], [sflag:s18] =	dma.local [hbm:s10], $0x100  }
.LBB2_2:
0x4b: {  	s8 =	sld [smem:$0x7E6];
	_ =	sdelay $0x1  }
.Ltmp3:
0x4c: {  	_ = 	snop;
	(pc) =	sbr.rel @p1 .LBB2_7-.Ltmp3, $4  }
0x4d: {  	[spmem:s7], [sflag:s18] =	dma.local [hbm:s8], $0x2700  }
0x4e: {  	_ =	swait.ge [sflag:s19], $0x2700  }
0x4f: {  	[sflag:s19] =	ssyncset.done $0x0  }
0x50: {  	[sflag:s19] =	ssyncadd.s32 $0xFFFFD900  }
0x51: {  	s8 =	sld [smem:$0x7E7]  }
0x52: {  	s10 =	sld [smem:$0x7E8];
	_ =	sdelay $0x1  }
0x53: {  	s8 =	sshrl.u32 s8, $0x3  }
0x54: {  	[spmem:s8], [sflag:s18] =	dma.local [hbm:s10], $0x100  }
.LBB2_6:
0x55: {  	_ =	swait.ge [sflag:s19], $0x100  }
0x56: {  	[sflag:s19] =	ssyncset.done $0x0  }
0x57: {  	[sflag:s19] =	ssyncadd.s32 $0xFFFFFF00  }
.LBB2_7:
0x58: {  	[bflag:$0x0] =	sbarrier.arrive $0xFFFF  }
0x59: {  	s10 =	sld [smem:$0x7E9];
	_ =	sdelay $0x1  }
0x5a: {  	s8 =	simm.s32 $0x0;
	s13 =	simm.s32 $0x14880;
	s14 =	sld [smem:$0x7EA]  }
0x5b: {  	[tilespmem:s13], [sflag:$0x1] =	stream.linear.gather [hbm4b:s10+s8], $0x400, $0x38;
	[tilespmem:$0x1D880] =	vst v63  }
0x5c: {  	_ = 	snop  }
0x5d: {  	[tilespmem:s21], [sflag:$0x1] =	stream.linear.gather [hbm4b:s14+s8], $0x400, $0x38;
	[tilespmem:$0x1D880] =	vst v63  }
0x5e: {  	_ =	swait.ge [sflag:s22], $0x400  }
0x5f: {  	[sflag:s22] =	ssyncset.done $0x0  }
0x60: {  	[sflag:s22] =	ssyncadd.s32 $0xFFFFFC00  }
0x61: {  	_ =	swait.ge [sflag:s22], $0x400  }
0x62: {  	[sflag:s22] =	ssyncset.done $0x0  }
0x63: {  	[sflag:s22] =	ssyncadd.s32 $0xFFFFFC00  }
0x64: {  	[tilespmem:s24], [sflag:$0x3] =	stream.indirect.gather [hbm4b:s6+s23], $0x80, s13, s23, $0xb8;
	[tilespmem:$0x1D880] =	vst v63  }
0x65: {  	s16 =	simm.s32 $0x148C0;
	s15 =	rddreg [dreg:$0x4]  }
0x66: {  	[tilespmem:s26], [sflag:$0x3] =	stream.indirect.gather [hbm4b:s6+s23], $0x80, s16, s23, $0xb8;
	[tilespmem:$0x1D880] =	vst v63  }
0x67: {  	s17 =	rddreg [dreg:$0x3];
	s8 =	sadd.s32 $0x0, s15  }
0x68: {  	[tilespmem:s28], [sflag:$0x2] =	stream.linear.gather [hbm4b:s8+s3], $0x400, $0x38;
	[tilespmem:$0x1D880] =	vst v63  }
0x69: {  	s20 =	sadd.s32 $0x0, s17  }
0x6a: {  	[tilespmem:s29], [sflag:$0x2] =	stream.linear.gather [hbm4b:s20+s3], $0x400, $0x38;
	[tilespmem:$0x1D880] =	vst v63  }
0x6b: {  	s10 =	rddreg [dreg:$0x5]  }
0x6c: {  	[tilespmem:s30], [sflag:$0x4] =	stream.indirect.gather [hbm4b:s6+s23], $0x80, s10, s23, $0xb8;
	[tilespmem:$0x1D880] =	vst v63  }
0x6d: {  	s14 =	rddreg [dreg:$0x6]  }
0x6e: {  	[tilespmem:s31], [sflag:$0x4] =	stream.indirect.gather [hbm4b:s6+s23], $0x80, s14, s23, $0xb8;
	[tilespmem:$0x1D880] =	vst v63  }
0x6f: {  	_ =	swait.ge [sflag:s1], $0x2000  }
0x70: {  	[sflag:s1] =	ssyncset.done $0x0  }
0x71: {  	[sflag:s1] =	ssyncadd.s32 $0xFFFFE000  }
0x72: {  	_ =	swait.ge [sflag:s1], $0x2000  }
0x73: {  	[sflag:s1] =	ssyncset.done $0x0  }
0x74: {  	[sflag:s1] =	ssyncadd.s32 $0xFFFFE000  }
0x75: {  	[spmem:s2] =	stream.indirect.scatter.add.f32 [tilespmem:s24], [sflag:$0x5], $0x80, s21, s0, $0xb8;
	[tilespmem:$0x1D880] =	vst v63  }
0x76: {  	_ =	swait.ge [sflag:s19], $0x4000  }
0x77: {  	[sflag:s19] =	ssyncset.done $0x0  }
0x78: {  	s15 =	rddreg [dreg:$0x7];
	[sflag:s19] =	ssyncadd.s32 $0xFFFFC000  }
0x79: {  	[tilespmem:s24], [sflag:$0x3] =	stream.indirect.gather [hbm4b:s6+s23], $0x80, s15, s23, $0xb8;
	[tilespmem:$0x1D880] =	vst v63  }
0x7a: {  	s16 =	rddreg [dreg:$0x8]  }
0x7b: {  	[tilespmem:s26], [sflag:$0x3] =	stream.indirect.gather [hbm4b:s6+s23], $0x80, s16, s23, $0xb8;
	[tilespmem:$0x1D880] =	vst v63  }
0x7c: {  	_ =	swait.ge [sflag:s11], $0x2000  }
0x7d: {  	[sflag:s11] =	ssyncset.done $0x0  }
0x7e: {  	[sflag:s11] =	ssyncadd.s32 $0xFFFFE000  }
0x7f: {  	_ =	swait.ge [sflag:s11], $0x2000  }
0x80: {  	[sflag:s11] =	ssyncset.done $0x0  }
0x81: {  	s17 =	rddreg [dreg:$0x9];
	[sflag:s11] =	ssyncadd.s32 $0xFFFFE000  }
0x82: {  	[spmem:s2] =	stream.indirect.scatter.add.f32 [tilespmem:s30], [sflag:$0x5], $0x80, s17, s0, $0xb8;
	[tilespmem:$0x1D880] =	vst v63  }
0x83: {  	_ =	swait.ge [sflag:s19], $0x4000  }
0x84: {  	[sflag:s19] =	ssyncset.done $0x0  }
0x85: {  	s20 =	rddreg [dreg:$0xa];
	[sflag:s19] =	ssyncadd.s32 $0xFFFFC000  }
0x86: {  	[tilespmem:s30], [sflag:$0x4] =	stream.indirect.gather [hbm4b:s6+s23], $0x80, s20, s23, $0xb8;
	[tilespmem:$0x1D880] =	vst v63  }
0x87: {  	s10 =	rddreg [dreg:$0xb]  }
0x88: {  	[tilespmem:s31], [sflag:$0x4] =	stream.indirect.gather [hbm4b:s6+s23], $0x80, s10, s23, $0xb8;
	[tilespmem:$0x1D880] =	vst v63  }
0x89: {  	_ =	swait.ge [sflag:s1], $0x2000  }
0x8a: {  	[sflag:s1] =	ssyncset.done $0x0  }
0x8b: {  	[sflag:s1] =	ssyncadd.s32 $0xFFFFE000  }
0x8c: {  	_ =	swait.ge [sflag:s1], $0x2000  }
0x8d: {  	[sflag:s1] =	ssyncset.done $0x0  }
0x8e: {  	s14 =	rddreg [dreg:$0xc];
	[sflag:s1] =	ssyncadd.s32 $0xFFFFE000  }
0x8f: {  	[spmem:s2] =	stream.indirect.scatter.add.f32 [tilespmem:s24], [sflag:$0x5], $0x80, s14, s0, $0xb8;
	[tilespmem:$0x1D880] =	vst v63  }
0x90: {  	_ =	swait.ge [sflag:s19], $0x4000  }
0x91: {  	[sflag:s19] =	ssyncset.done $0x0  }
0x92: {  	s15 =	rddreg [dreg:$0xd];
	[sflag:s19] =	ssyncadd.s32 $0xFFFFC000  }
0x93: {  	[tilespmem:s24], [sflag:$0x3] =	stream.indirect.gather [hbm4b:s6+s23], $0x80, s15, s23, $0xb8;
	[tilespmem:$0x1D880] =	vst v63  }
0x94: {  	s16 =	rddreg [dreg:$0xe]  }
0x95: {  	[tilespmem:s26], [sflag:$0x3] =	stream.indirect.gather [hbm4b:s6+s23], $0x80, s16, s23, $0xb8;
	[tilespmem:$0x1D880] =	vst v63  }
0x96: {  	_ =	swait.ge [sflag:s11], $0x2000  }
0x97: {  	[sflag:s11] =	ssyncset.done $0x0  }
0x98: {  	[sflag:s11] =	ssyncadd.s32 $0xFFFFE000  }
0x99: {  	_ =	swait.ge [sflag:s11], $0x2000  }
0x9a: {  	[sflag:s11] =	ssyncset.done $0x0  }
0x9b: {  	s17 =	rddreg [dreg:$0xf];
	[sflag:s11] =	ssyncadd.s32 $0xFFFFE000  }
0x9c: {  	[spmem:s2] =	stream.indirect.scatter.add.f32 [tilespmem:s30], [sflag:$0x5], $0x80, s17, s0, $0xb8;
	[tilespmem:$0x1D880] =	vst v63  }
0x9d: {  	_ =	swait.ge [sflag:s19], $0x4000  }
0x9e: {  	[sflag:s19] =	ssyncset.done $0x0  }
0x9f: {  	s20 =	rddreg [dreg:$0x10];
	[sflag:s19] =	ssyncadd.s32 $0xFFFFC000  }
0xa0: {  	[tilespmem:s30], [sflag:$0x4] =	stream.indirect.gather [hbm4b:s6+s23], $0x80, s20, s23, $0xb8;
	[tilespmem:$0x1D880] =	vst v63  }
0xa1: {  	s10 =	rddreg [dreg:$0x11]  }
0xa2: {  	[tilespmem:s31], [sflag:$0x4] =	stream.indirect.gather [hbm4b:s6+s23], $0x80, s10, s23, $0xb8;
	[tilespmem:$0x1D880] =	vst v63  }
0xa3: {  	_ =	swait.ge [sflag:s1], $0x2000  }
0xa4: {  	[sflag:s1] =	ssyncset.done $0x0  }
0xa5: {  	[sflag:s1] =	ssyncadd.s32 $0xFFFFE000  }
0xa6: {  	_ =	swait.ge [sflag:s1], $0x2000  }
0xa7: {  	[sflag:s1] =	ssyncset.done $0x0  }
0xa8: {  	s14 =	rddreg [dreg:$0x12];
	[sflag:s1] =	ssyncadd.s32 $0xFFFFE000  }
0xa9: {  	[spmem:s2] =	stream.indirect.scatter.add.f32 [tilespmem:s24], [sflag:$0x5], $0x80, s14, s0, $0xb8;
	[tilespmem:$0x1D880] =	vst v63  }
0xaa: {  	_ =	swait.ge [sflag:s19], $0x4000  }
0xab: {  	[sflag:s19] =	ssyncset.done $0x0  }
0xac: {  	s15 =	rddreg [dreg:$0x13];
	[sflag:s19] =	ssyncadd.s32 $0xFFFFC000  }
0xad: {  	[tilespmem:s24], [sflag:$0x3] =	stream.indirect.gather [hbm4b:s6+s23], $0x80, s15, s23, $0xb8;
	[tilespmem:$0x1D880] =	vst v63  }
0xae: {  	s16 =	rddreg [dreg:$0x14]  }
0xaf: {  	[tilespmem:s26], [sflag:$0x3] =	stream.indirect.gather [hbm4b:s6+s23], $0x80, s16, s23, $0xb8;
	[tilespmem:$0x1D880] =	vst v63  }
0xb0: {  	_ =	swait.ge [sflag:s11], $0x2000  }
0xb1: {  	[sflag:s11] =	ssyncset.done $0x0  }
0xb2: {  	[sflag:s11] =	ssyncadd.s32 $0xFFFFE000  }
0xb3: {  	_ =	swait.ge [sflag:s11], $0x2000  }
0xb4: {  	[sflag:s11] =	ssyncset.done $0x0  }
0xb5: {  	s17 =	rddreg [dreg:$0x15];
	[sflag:s11] =	ssyncadd.s32 $0xFFFFE000  }
0xb6: {  	[spmem:s2] =	stream.indirect.scatter.add.f32 [tilespmem:s30], [sflag:$0x5], $0x80, s17, s0, $0xb8;
	[tilespmem:$0x1D880] =	vst v63  }
0xb7: {  	_ =	swait.ge [sflag:s19], $0x4000  }
0xb8: {  	[sflag:s19] =	ssyncset.done $0x0  }
0xb9: {  	s20 =	rddreg [dreg:$0x16];
	[sflag:s19] =	ssyncadd.s32 $0xFFFFC000  }
0xba: {  	[tilespmem:s30], [sflag:$0x4] =	stream.indirect.gather [hbm4b:s6+s23], $0x80, s20, s23, $0xb8;
	[tilespmem:$0x1D880] =	vst v63  }
0xbb: {  	s10 =	rddreg [dreg:$0x17]  }
0xbc: {  	[tilespmem:s31], [sflag:$0x4] =	stream.indirect.gather [hbm4b:s6+s23], $0x80, s10, s23, $0xb8;
	[tilespmem:$0x1D880] =	vst v63  }
0xbd: {  	_ =	swait.ge [sflag:s1], $0x2000  }
0xbe: {  	[sflag:s1] =	ssyncset.done $0x0  }
0xbf: {  	[sflag:s1] =	ssyncadd.s32 $0xFFFFE000  }
0xc0: {  	_ =	swait.ge [sflag:s1], $0x2000  }
0xc1: {  	[sflag:s1] =	ssyncset.done $0x0  }
0xc2: {  	s13 =	rddreg [dreg:$0x18];
	[sflag:s1] =	ssyncadd.s32 $0xFFFFE000  }
0xc3: {  	[spmem:s2] =	stream.indirect.scatter.add.f32 [tilespmem:s24], [sflag:$0x5], $0x80, s13, s0, $0xb8;
	[tilespmem:$0x1D880] =	vst v63  }
0xc4: {  	_ =	swait.ge [sflag:s19], $0x4000  }
0xc5: {  	[sflag:s19] =	ssyncset.done $0x0  }
0xc6: {  	[sflag:s19] =	ssyncadd.s32 $0xFFFFC000  }
0xc7: {  	_ =	swait.ge [sflag:s9], $0x400  }
0xc8: {  	[sflag:s9] =	ssyncset.done $0x0  }
0xc9: {  	[sflag:s9] =	ssyncadd.s32 $0xFFFFFC00  }
0xca: {  	_ =	swait.ge [sflag:s9], $0x400  }
0xcb: {  	[sflag:s9] =	ssyncset.done $0x0  }
0xcc: {  	[sflag:s9] =	ssyncadd.s32 $0xFFFFFC00  }
0xcd: {  	[tilespmem:s24], [sflag:$0x3] =	stream.indirect.gather [hbm4b:s6+s23], $0x80, s28, s23, $0xb8;
	[tilespmem:$0x1D880] =	vst v63  }
0xce: {  	s14 =	rddreg [dreg:$0x19]  }
0xcf: {  	[tilespmem:s26], [sflag:$0x3] =	stream.indirect.gather [hbm4b:s6+s23], $0x80, s14, s23, $0xb8;
	[tilespmem:$0x1D880] =	vst v63  }
0xd0: {  	_ =	swait.ge [sflag:s11], $0x2000  }
0xd1: {  	[sflag:s11] =	ssyncset.done $0x0  }
0xd2: {  	[sflag:s11] =	ssyncadd.s32 $0xFFFFE000  }
0xd3: {  	_ =	swait.ge [sflag:s11], $0x2000  }
0xd4: {  	[sflag:s11] =	ssyncset.done $0x0  }
0xd5: {  	s15 =	rddreg [dreg:$0x1a];
	[sflag:s11] =	ssyncadd.s32 $0xFFFFE000  }
0xd6: {  	[spmem:s2] =	stream.indirect.scatter.add.f32 [tilespmem:s30], [sflag:$0x5], $0x80, s15, s0, $0xb8;
	[tilespmem:$0x1D880] =	vst v63  }
0xd7: {  	p2 =	por $0x0, $0x0;
	_ =	swait.ge [sflag:s19], $0x4000  }
0xd8: {  	s8 =	simm.s32 @!p2 $0x14880;
	s13 =	sshrl.u32 @!p2 s12, $0x3;
	[sflag:s19] =	ssyncset.done $0x0  }
0xd9: {  	s14 =	sadd.s32 @!p2 s5, s13;
	s15 =	simm.s32 @!p2 $0x0;
	[sflag:s19] =	ssyncadd.s32 $0xFFFFC000  }
0xda: {  	[tilespmem:s8], [sflag:$0x1] =	stream.linear.gather @!p2 [hbm4b:s14+s15], $0x400, $0x38;
	[tilespmem:$0x1D880] =	vst v63  }
0xdb: {  	s13 =	sadd.s32 @!p2 s4, s13;
	s14 =	simm.s32 @!p2 $0x14C80  }
0xdc: {  	[tilespmem:s14], [sflag:$0x1] =	stream.linear.gather @!p2 [hbm4b:s13+s15], $0x400, $0x38;
	[tilespmem:$0x1D880] =	vst v63  }
0xdd: {  	s17 =	rddreg [dreg:$0x1b]  }
0xde: {  	[tilespmem:s30], [sflag:$0x4] =	stream.indirect.gather [hbm4b:s6+s23], $0x80, s17, s23, $0xb8;
	[tilespmem:$0x1D880] =	vst v63  }
0xdf: {  	s16 =	rddreg [dreg:$0x1c]  }
0xe0: {  	[tilespmem:s31], [sflag:$0x4] =	stream.indirect.gather [hbm4b:s6+s23], $0x80, s16, s23, $0xb8;
	[tilespmem:$0x1D880] =	vst v63  }
0xe1: {  	_ =	swait.ge [sflag:s1], $0x2000  }
0xe2: {  	[sflag:s1] =	ssyncset.done $0x0  }
0xe3: {  	[sflag:s1] =	ssyncadd.s32 $0xFFFFE000  }
0xe4: {  	_ =	swait.ge [sflag:s1], $0x2000  }
0xe5: {  	[sflag:s1] =	ssyncset.done $0x0  }
0xe6: {  	[sflag:s1] =	ssyncadd.s32 $0xFFFFE000  }
0xe7: {  	[spmem:s2] =	stream.indirect.scatter.add.f32 [tilespmem:s24], [sflag:$0x5], $0x80, s29, s0, $0xb8;
	[tilespmem:$0x1D880] =	vst v63  }
0xe8: {  	_ =	swait.ge [sflag:s19], $0x4000  }
0xe9: {  	[sflag:s19] =	ssyncset.done $0x0  }
0xea: {  	s20 =	rddreg [dreg:$0x1d];
	[sflag:s19] =	ssyncadd.s32 $0xFFFFC000  }
0xeb: {  	[tilespmem:s24], [sflag:$0x3] =	stream.indirect.gather [hbm4b:s6+s23], $0x80, s20, s23, $0xb8;
	[tilespmem:$0x1D880] =	vst v63  }
0xec: {  	s10 =	rddreg [dreg:$0x1e]  }
0xed: {  	[tilespmem:s26], [sflag:$0x3] =	stream.indirect.gather [hbm4b:s6+s23], $0x80, s10, s23, $0xb8;
	[tilespmem:$0x1D880] =	vst v63  }
0xee: {  	_ =	swait.ge [sflag:s11], $0x2000  }
0xef: {  	[sflag:s11] =	ssyncset.done $0x0  }
0xf0: {  	[sflag:s11] =	ssyncadd.s32 $0xFFFFE000  }
0xf1: {  	_ =	swait.ge [sflag:s11], $0x2000  }
0xf2: {  	[sflag:s11] =	ssyncset.done $0x0  }
0xf3: {  	s14 =	rddreg [dreg:$0x1f];
	[sflag:s11] =	ssyncadd.s32 $0xFFFFE000  }
0xf4: {  	[spmem:s2] =	stream.indirect.scatter.add.f32 [tilespmem:s30], [sflag:$0x5], $0x80, s14, s0, $0xb8;
	[tilespmem:$0x1D880] =	vst v63  }
0xf5: {  	_ =	swait.ge [sflag:s19], $0x4000  }
0xf6: {  	s15 =	sld [smem:$0x7EC]  }
0xf7: {  	[sflag:s19] =	ssyncset.done $0x0  }
0xf8: {  	s16 =	sld [smem:$0x7ED];
	[sflag:s19] =	ssyncadd.s32 $0xFFFFC000  }
0xf9: {  	[tilespmem:s30], [sflag:$0x4] =	stream.indirect.gather [hbm4b:s6+s23], $0x80, s15, s23, $0xb8;
	[tilespmem:$0x1D880] =	vst v63  }
0xfa: {  	_ = 	snop  }
0xfb: {  	[tilespmem:s31], [sflag:$0x4] =	stream.indirect.gather [hbm4b:s6+s23], $0x80, s16, s23, $0xb8;
	[tilespmem:$0x1D880] =	vst v63  }
0xfc: {  	_ =	swait.ge [sflag:s1], $0x2000  }
0xfd: {  	[sflag:s1] =	ssyncset.done $0x0  }
0xfe: {  	[sflag:s1] =	ssyncadd.s32 $0xFFFFE000  }
0xff: {  	_ =	swait.ge [sflag:s1], $0x2000  }
0x100: {  	s17 =	sld [smem:$0x7EE]  }
0x101: {  	[sflag:s1] =	ssyncset.done $0x0  }
0x102: {  	[sflag:s1] =	ssyncadd.s32 $0xFFFFE000  }
0x103: {  	[spmem:s2] =	stream.indirect.scatter.add.f32 [tilespmem:s24], [sflag:$0x5], $0x80, s17, s0, $0xb8;
	[tilespmem:$0x1D880] =	vst v63  }
0x104: {  	_ =	swait.ge [sflag:s19], $0x4000  }
0x105: {  	s20 =	sld [smem:$0x7F0]  }
0x106: {  	[sflag:s19] =	ssyncset.done $0x0  }
0x107: {  	s10 =	sld [smem:$0x7F2];
	[sflag:s19] =	ssyncadd.s32 $0xFFFFC000  }
0x108: {  	[tilespmem:s24], [sflag:$0x3] =	stream.indirect.gather [hbm4b:s6+s23], $0x80, s20, s23, $0xb8;
	[tilespmem:$0x1D880] =	vst v63  }
0x109: {  	_ = 	snop  }
0x10a: {  	[tilespmem:s26], [sflag:$0x3] =	stream.indirect.gather [hbm4b:s6+s23], $0x80, s10, s23, $0xb8;
	[tilespmem:$0x1D880] =	vst v63  }
0x10b: {  	_ =	swait.ge [sflag:s11], $0x2000  }
0x10c: {  	[sflag:s11] =	ssyncset.done $0x0  }
0x10d: {  	[sflag:s11] =	ssyncadd.s32 $0xFFFFE000  }
0x10e: {  	_ =	swait.ge [sflag:s11], $0x2000  }
0x10f: {  	s14 =	sld [smem:$0x7F3]  }
0x110: {  	[sflag:s11] =	ssyncset.done $0x0  }
0x111: {  	[sflag:s11] =	ssyncadd.s32 $0xFFFFE000  }
0x112: {  	[spmem:s2] =	stream.indirect.scatter.add.f32 [tilespmem:s30], [sflag:$0x5], $0x80, s14, s0, $0xb8;
	[tilespmem:$0x1D880] =	vst v63  }
0x113: {  	_ =	swait.ge [sflag:s19], $0x4000  }
0x114: {  	s15 =	sld [smem:$0x7F4]  }
0x115: {  	[sflag:s19] =	ssyncset.done $0x0  }
0x116: {  	s16 =	sld [smem:$0x7F5];
	[sflag:s19] =	ssyncadd.s32 $0xFFFFC000  }
0x117: {  	[tilespmem:s30], [sflag:$0x4] =	stream.indirect.gather [hbm4b:s6+s23], $0x80, s15, s23, $0xb8;
	[tilespmem:$0x1D880] =	vst v63  }
0x118: {  	_ = 	snop  }
0x119: {  	[tilespmem:s31], [sflag:$0x4] =	stream.indirect.gather [hbm4b:s6+s23], $0x80, s16, s23, $0xb8;
	[tilespmem:$0x1D880] =	vst v63  }
0x11a: {  	_ =	swait.ge [sflag:s1], $0x2000  }
0x11b: {  	[sflag:s1] =	ssyncset.done $0x0  }
0x11c: {  	[sflag:s1] =	ssyncadd.s32 $0xFFFFE000  }
0x11d: {  	_ =	swait.ge [sflag:s1], $0x2000  }
0x11e: {  	s17 =	sld [smem:$0x7F6]  }
0x11f: {  	[sflag:s1] =	ssyncset.done $0x0  }
0x120: {  	[sflag:s1] =	ssyncadd.s32 $0xFFFFE000  }
0x121: {  	[spmem:s2] =	stream.indirect.scatter.add.f32 [tilespmem:s24], [sflag:$0x5], $0x80, s17, s0, $0xb8;
	[tilespmem:$0x1D880] =	vst v63  }
0x122: {  	_ =	swait.ge [sflag:s19], $0x4000  }
0x123: {  	s20 =	sld [smem:$0x7F7]  }
0x124: {  	[sflag:s19] =	ssyncset.done $0x0  }
0x125: {  	s10 =	sld [smem:$0x7F8];
	[sflag:s19] =	ssyncadd.s32 $0xFFFFC000  }
0x126: {  	[tilespmem:s24], [sflag:$0x3] =	stream.indirect.gather [hbm4b:s6+s23], $0x80, s20, s23, $0xb8;
	[tilespmem:$0x1D880] =	vst v63  }
0x127: {  	_ = 	snop  }
0x128: {  	[tilespmem:s26], [sflag:$0x3] =	stream.indirect.gather [hbm4b:s6+s23], $0x80, s10, s23, $0xb8;
	[tilespmem:$0x1D880] =	vst v63  }
0x129: {  	_ =	swait.ge [sflag:s11], $0x2000  }
0x12a: {  	[sflag:s11] =	ssyncset.done $0x0  }
0x12b: {  	[sflag:s11] =	ssyncadd.s32 $0xFFFFE000  }
0x12c: {  	_ =	swait.ge [sflag:s11], $0x2000  }
0x12d: {  	s14 =	sld [smem:$0x7F9]  }
0x12e: {  	[sflag:s11] =	ssyncset.done $0x0  }
0x12f: {  	[sflag:s11] =	ssyncadd.s32 $0xFFFFE000  }
0x130: {  	[spmem:s2] =	stream.indirect.scatter.add.f32 [tilespmem:s30], [sflag:$0x5], $0x80, s14, s0, $0xb8;
	[tilespmem:$0x1D880] =	vst v63  }
0x131: {  	_ =	swait.ge [sflag:s19], $0x4000  }
0x132: {  	s15 =	sld [smem:$0x7FA]  }
0x133: {  	[sflag:s19] =	ssyncset.done $0x0  }
0x134: {  	s16 =	sld [smem:$0x7FB];
	[sflag:s19] =	ssyncadd.s32 $0xFFFFC000  }
0x135: {  	[tilespmem:s30], [sflag:$0x4] =	stream.indirect.gather [hbm4b:s6+s23], $0x80, s15, s23, $0xb8;
	[tilespmem:$0x1D880] =	vst v63  }
0x136: {  	_ = 	snop  }
0x137: {  	[tilespmem:s31], [sflag:$0x4] =	stream.indirect.gather [hbm4b:s6+s23], $0x80, s16, s23, $0xb8;
	[tilespmem:$0x1D880] =	vst v63  }
0x138: {  	_ =	swait.ge [sflag:s1], $0x2000  }
0x139: {  	[sflag:s1] =	ssyncset.done $0x0  }
0x13a: {  	[sflag:s1] =	ssyncadd.s32 $0xFFFFE000  }
0x13b: {  	_ =	swait.ge [sflag:s1], $0x2000  }
0x13c: {  	s17 =	sld [smem:$0x7FC]  }
0x13d: {  	[sflag:s1] =	ssyncset.done $0x0  }
0x13e: {  	[sflag:s1] =	ssyncadd.s32 $0xFFFFE000  }
0x13f: {  	[spmem:s2] =	stream.indirect.scatter.add.f32 [tilespmem:s24], [sflag:$0x5], $0x80, s17, s0, $0xb8;
	[tilespmem:$0x1D880] =	vst v63  }
0x140: {  	_ =	swait.ge [sflag:s19], $0x4000  }
0x141: {  	[sflag:s19] =	ssyncset.done $0x0  }
0x142: {  	s13 =	simm.s32 @!p2 $0x1;
	[sflag:s19] =	ssyncadd.s32 $0xFFFFC000  }
0x143: {  	_ =	swait.ge @!p2 [sflag:s13], $0x400  }
0x144: {  	[sflag:s13] =	ssyncset.done @!p2 $0x0  }
0x145: {  	[sflag:s13] =	ssyncadd.s32 @!p2 $0xFFFFFC00  }
0x146: {  	_ =	swait.ge @!p2 [sflag:s13], $0x400  }
0x147: {  	[sflag:s13] =	ssyncset.done @!p2 $0x0  }
0x148: {  	s14 =	simm.s32 @!p2 $0x15880;
	[sflag:s13] =	ssyncadd.s32 @!p2 $0xFFFFFC00;
	s13 =	simm.s32 @!p2 $0x40  }
0x149: {  	[tilespmem:s14], [sflag:$0x3] =	stream.indirect.gather @!p2 [hbm4b:s6+s13], $0x80, s8, s13, $0xb8;
	[tilespmem:$0x1D880] =	vst v63  }
0x14a: {  	s8 =	simm.s32 @!p2 $0x148C0;
	s14 =	simm.s32 @!p2 $0x17880  }
0x14b: {  	[tilespmem:s14], [sflag:$0x3] =	stream.indirect.gather @!p2 [hbm4b:s6+s13], $0x80, s8, s13, $0xb8;
	[tilespmem:$0x1D880] =	vst v63  }
0x14c: {  	_ =	swait.ge [sflag:s11], $0x2000  }
0x14d: {  	[sflag:s11] =	ssyncset.done $0x0  }
0x14e: {  	[sflag:s11] =	ssyncadd.s32 $0xFFFFE000  }
0x14f: {  	_ =	swait.ge [sflag:s11], $0x2000  }
0x150: {  	s20 =	sld [smem:$0x7FD]  }
0x151: {  	[sflag:s11] =	ssyncset.done $0x0  }
0x152: {  	[sflag:s11] =	ssyncadd.s32 $0xFFFFE000  }
0x153: {  	[spmem:s2] =	stream.indirect.scatter.add.f32 [tilespmem:s30], [sflag:$0x5], $0x80, s20, s0, $0xb8;
	[tilespmem:$0x1D880] =	vst v63  }
0x154: {  	s17 =	smov.u32 s12;
	s8 =	simm.s32 $0x100;
	_ =	swait.ge [sflag:s19], $0x4000  }
0x155: {  	s13 =	simm.s32 $0x200;
	s15 =	rddreg [dreg:$0x4];
	[sflag:s19] =	ssyncset.done $0x0  }
.LBB2_8:
0x156: {  	[sflag:s19] =	ssyncadd.s32 $0xFFFFC000;
	s20 =	rddreg [dreg:$0x3];
	s15 =	sadd.s32 s8, s15  }
0x157: {  	[tilespmem:s28], [sflag:$0x2] =	stream.linear.gather [hbm4b:s15+s3], $0x400, $0x38;
	[tilespmem:$0x1D880] =	vst v63  }
0x158: {  	s20 =	sadd.s32 s8, s20  }
0x159: {  	[tilespmem:s29], [sflag:$0x2] =	stream.linear.gather [hbm4b:s20+s3], $0x400, $0x38;
	[tilespmem:$0x1D880] =	vst v63  }
0x15a: {  	s10 =	rddreg [dreg:$0x5]  }
0x15b: {  	[tilespmem:s30], [sflag:$0x4] =	stream.indirect.gather [hbm4b:s6+s23], $0x80, s10, s23, $0xb8;
	[tilespmem:$0x1D880] =	vst v63  }
0x15c: {  	s16 =	rddreg [dreg:$0x6]  }
0x15d: {  	[tilespmem:s31], [sflag:$0x4] =	stream.indirect.gather [hbm4b:s6+s23], $0x80, s16, s23, $0xb8;
	[tilespmem:$0x1D880] =	vst v63  }
0x15e: {  	_ =	swait.ge [sflag:s1], $0x2000  }
0x15f: {  	[sflag:s1] =	ssyncset.done $0x0  }
0x160: {  	[sflag:s1] =	ssyncadd.s32 $0xFFFFE000  }
0x161: {  	_ =	swait.ge [sflag:s1], $0x2000  }
0x162: {  	[sflag:s1] =	ssyncset.done $0x0  }
0x163: {  	[sflag:s1] =	ssyncadd.s32 $0xFFFFE000  }
0x164: {  	[spmem:s2] =	stream.indirect.scatter.add.f32 [tilespmem:s24], [sflag:$0x5], $0x80, s21, s0, $0xb8;
	[tilespmem:$0x1D880] =	vst v63  }
0x165: {  	_ =	swait.ge [sflag:s19], $0x4000  }
0x166: {  	[sflag:s19] =	ssyncset.done $0x0  }
0x167: {  	s10 =	rddreg [dreg:$0x7];
	[sflag:s19] =	ssyncadd.s32 $0xFFFFC000  }
0x168: {  	[tilespmem:s24], [sflag:$0x3] =	stream.indirect.gather [hbm4b:s6+s23], $0x80, s10, s23, $0xb8;
	[tilespmem:$0x1D880] =	vst v63  }
0x169: {  	s16 =	rddreg [dreg:$0x8]  }
0x16a: {  	[tilespmem:s26], [sflag:$0x3] =	stream.indirect.gather [hbm4b:s6+s23], $0x80, s16, s23, $0xb8;
	[tilespmem:$0x1D880] =	vst v63  }
0x16b: {  	_ =	swait.ge [sflag:s11], $0x2000  }
0x16c: {  	[sflag:s11] =	ssyncset.done $0x0  }
0x16d: {  	[sflag:s11] =	ssyncadd.s32 $0xFFFFE000  }
0x16e: {  	_ =	swait.ge [sflag:s11], $0x2000  }
0x16f: {  	[sflag:s11] =	ssyncset.done $0x0  }
0x170: {  	s20 =	rddreg [dreg:$0x9];
	[sflag:s11] =	ssyncadd.s32 $0xFFFFE000  }
0x171: {  	[spmem:s2] =	stream.indirect.scatter.add.f32 [tilespmem:s30], [sflag:$0x5], $0x80, s20, s0, $0xb8;
	[tilespmem:$0x1D880] =	vst v63  }
0x172: {  	_ =	swait.ge [sflag:s19], $0x4000  }
0x173: {  	[sflag:s19] =	ssyncset.done $0x0  }
0x174: {  	s10 =	rddreg [dreg:$0xa];
	[sflag:s19] =	ssyncadd.s32 $0xFFFFC000  }
0x175: {  	[tilespmem:s30], [sflag:$0x4] =	stream.indirect.gather [hbm4b:s6+s23], $0x80, s10, s23, $0xb8;
	[tilespmem:$0x1D880] =	vst v63  }
0x176: {  	s16 =	rddreg [dreg:$0xb]  }
0x177: {  	[tilespmem:s31], [sflag:$0x4] =	stream.indirect.gather [hbm4b:s6+s23], $0x80, s16, s23, $0xb8;
	[tilespmem:$0x1D880] =	vst v63  }
0x178: {  	_ =	swait.ge [sflag:s1], $0x2000  }
0x179: {  	[sflag:s1] =	ssyncset.done $0x0  }
0x17a: {  	[sflag:s1] =	ssyncadd.s32 $0xFFFFE000  }
0x17b: {  	_ =	swait.ge [sflag:s1], $0x2000  }
0x17c: {  	[sflag:s1] =	ssyncset.done $0x0  }
0x17d: {  	s20 =	rddreg [dreg:$0xc];
	[sflag:s1] =	ssyncadd.s32 $0xFFFFE000  }
0x17e: {  	[spmem:s2] =	stream.indirect.scatter.add.f32 [tilespmem:s24], [sflag:$0x5], $0x80, s20, s0, $0xb8;
	[tilespmem:$0x1D880] =	vst v63  }
0x17f: {  	_ =	swait.ge [sflag:s19], $0x4000  }
0x180: {  	[sflag:s19] =	ssyncset.done $0x0  }
0x181: {  	s10 =	rddreg [dreg:$0xd];
	[sflag:s19] =	ssyncadd.s32 $0xFFFFC000  }
0x182: {  	[tilespmem:s24], [sflag:$0x3] =	stream.indirect.gather [hbm4b:s6+s23], $0x80, s10, s23, $0xb8;
	[tilespmem:$0x1D880] =	vst v63  }
0x183: {  	s16 =	rddreg [dreg:$0xe]  }
0x184: {  	[tilespmem:s26], [sflag:$0x3] =	stream.indirect.gather [hbm4b:s6+s23], $0x80, s16, s23, $0xb8;
	[tilespmem:$0x1D880] =	vst v63  }
0x185: {  	_ =	swait.ge [sflag:s11], $0x2000  }
0x186: {  	[sflag:s11] =	ssyncset.done $0x0  }
0x187: {  	[sflag:s11] =	ssyncadd.s32 $0xFFFFE000  }
0x188: {  	_ =	swait.ge [sflag:s11], $0x2000  }
0x189: {  	[sflag:s11] =	ssyncset.done $0x0  }
0x18a: {  	s20 =	rddreg [dreg:$0xf];
	[sflag:s11] =	ssyncadd.s32 $0xFFFFE000  }
0x18b: {  	[spmem:s2] =	stream.indirect.scatter.add.f32 [tilespmem:s30], [sflag:$0x5], $0x80, s20, s0, $0xb8;
	[tilespmem:$0x1D880] =	vst v63  }
0x18c: {  	_ =	swait.ge [sflag:s19], $0x4000  }
0x18d: {  	[sflag:s19] =	ssyncset.done $0x0  }
0x18e: {  	s10 =	rddreg [dreg:$0x10];
	[sflag:s19] =	ssyncadd.s32 $0xFFFFC000  }
0x18f: {  	[tilespmem:s30], [sflag:$0x4] =	stream.indirect.gather [hbm4b:s6+s23], $0x80, s10, s23, $0xb8;
	[tilespmem:$0x1D880] =	vst v63  }
0x190: {  	s16 =	rddreg [dreg:$0x11]  }
0x191: {  	[tilespmem:s31], [sflag:$0x4] =	stream.indirect.gather [hbm4b:s6+s23], $0x80, s16, s23, $0xb8;
	[tilespmem:$0x1D880] =	vst v63  }
0x192: {  	_ =	swait.ge [sflag:s1], $0x2000  }
0x193: {  	[sflag:s1] =	ssyncset.done $0x0  }
0x194: {  	[sflag:s1] =	ssyncadd.s32 $0xFFFFE000  }
0x195: {  	_ =	swait.ge [sflag:s1], $0x2000  }
0x196: {  	[sflag:s1] =	ssyncset.done $0x0  }
0x197: {  	s20 =	rddreg [dreg:$0x12];
	[sflag:s1] =	ssyncadd.s32 $0xFFFFE000  }
0x198: {  	[spmem:s2] =	stream.indirect.scatter.add.f32 [tilespmem:s24], [sflag:$0x5], $0x80, s20, s0, $0xb8;
	[tilespmem:$0x1D880] =	vst v63  }
0x199: {  	_ =	swait.ge [sflag:s19], $0x4000  }
0x19a: {  	[sflag:s19] =	ssyncset.done $0x0  }
0x19b: {  	s10 =	rddreg [dreg:$0x13];
	[sflag:s19] =	ssyncadd.s32 $0xFFFFC000  }
0x19c: {  	[tilespmem:s24], [sflag:$0x3] =	stream.indirect.gather [hbm4b:s6+s23], $0x80, s10, s23, $0xb8;
	[tilespmem:$0x1D880] =	vst v63  }
0x19d: {  	s16 =	rddreg [dreg:$0x14]  }
0x19e: {  	[tilespmem:s26], [sflag:$0x3] =	stream.indirect.gather [hbm4b:s6+s23], $0x80, s16, s23, $0xb8;
	[tilespmem:$0x1D880] =	vst v63  }
0x19f: {  	_ =	swait.ge [sflag:s11], $0x2000  }
0x1a0: {  	[sflag:s11] =	ssyncset.done $0x0  }
0x1a1: {  	[sflag:s11] =	ssyncadd.s32 $0xFFFFE000  }
0x1a2: {  	_ =	swait.ge [sflag:s11], $0x2000  }
0x1a3: {  	[sflag:s11] =	ssyncset.done $0x0  }
0x1a4: {  	s20 =	rddreg [dreg:$0x15];
	[sflag:s11] =	ssyncadd.s32 $0xFFFFE000  }
0x1a5: {  	[spmem:s2] =	stream.indirect.scatter.add.f32 [tilespmem:s30], [sflag:$0x5], $0x80, s20, s0, $0xb8;
	[tilespmem:$0x1D880] =	vst v63  }
0x1a6: {  	_ =	swait.ge [sflag:s19], $0x4000  }
0x1a7: {  	[sflag:s19] =	ssyncset.done $0x0  }
0x1a8: {  	s10 =	rddreg [dreg:$0x16];
	[sflag:s19] =	ssyncadd.s32 $0xFFFFC000  }
0x1a9: {  	[tilespmem:s30], [sflag:$0x4] =	stream.indirect.gather [hbm4b:s6+s23], $0x80, s10, s23, $0xb8;
	[tilespmem:$0x1D880] =	vst v63  }
0x1aa: {  	s16 =	rddreg [dreg:$0x17]  }
0x1ab: {  	[tilespmem:s31], [sflag:$0x4] =	stream.indirect.gather [hbm4b:s6+s23], $0x80, s16, s23, $0xb8;
	[tilespmem:$0x1D880] =	vst v63  }
0x1ac: {  	_ =	swait.ge [sflag:s1], $0x2000  }
0x1ad: {  	[sflag:s1] =	ssyncset.done $0x0  }
0x1ae: {  	[sflag:s1] =	ssyncadd.s32 $0xFFFFE000  }
0x1af: {  	_ =	swait.ge [sflag:s1], $0x2000  }
0x1b0: {  	[sflag:s1] =	ssyncset.done $0x0  }
0x1b1: {  	s20 =	rddreg [dreg:$0x18];
	[sflag:s1] =	ssyncadd.s32 $0xFFFFE000  }
0x1b2: {  	[spmem:s2] =	stream.indirect.scatter.add.f32 [tilespmem:s24], [sflag:$0x5], $0x80, s20, s0, $0xb8;
	[tilespmem:$0x1D880] =	vst v63  }
0x1b3: {  	_ =	swait.ge [sflag:s19], $0x4000  }
0x1b4: {  	[sflag:s19] =	ssyncset.done $0x0  }
0x1b5: {  	[sflag:s19] =	ssyncadd.s32 $0xFFFFC000  }
0x1b6: {  	_ =	swait.ge [sflag:s9], $0x400  }
0x1b7: {  	[sflag:s9] =	ssyncset.done $0x0  }
0x1b8: {  	[sflag:s9] =	ssyncadd.s32 $0xFFFFFC00  }
0x1b9: {  	_ =	swait.ge [sflag:s9], $0x400  }
0x1ba: {  	[sflag:s9] =	ssyncset.done $0x0  }
0x1bb: {  	[sflag:s9] =	ssyncadd.s32 $0xFFFFFC00  }
0x1bc: {  	[tilespmem:s24], [sflag:$0x3] =	stream.indirect.gather [hbm4b:s6+s23], $0x80, s28, s23, $0xb8;
	[tilespmem:$0x1D880] =	vst v63  }
0x1bd: {  	s10 =	rddreg [dreg:$0x19]  }
0x1be: {  	[tilespmem:s26], [sflag:$0x3] =	stream.indirect.gather [hbm4b:s6+s23], $0x80, s10, s23, $0xb8;
	[tilespmem:$0x1D880] =	vst v63  }
0x1bf: {  	_ =	swait.ge [sflag:s11], $0x2000  }
0x1c0: {  	[sflag:s11] =	ssyncset.done $0x0  }
0x1c1: {  	[sflag:s11] =	ssyncadd.s32 $0xFFFFE000  }
0x1c2: {  	_ =	swait.ge [sflag:s11], $0x2000  }
0x1c3: {  	s17 =	sadd.s32 $0x800, s17;
	[sflag:s11] =	ssyncset.done $0x0  }
0x1c4: {  	s14 =	smov.u32 s13;
	s16 =	rddreg [dreg:$0x1a];
	[sflag:s11] =	ssyncadd.s32 $0xFFFFE000  }
0x1c5: {  	[spmem:s2] =	stream.indirect.scatter.add.f32 [tilespmem:s30], [sflag:$0x5], $0x80, s16, s0, $0xb8;
	[tilespmem:$0x1D880] =	vst v63  }
0x1c6: {  	p3 =	seq.s32 s8, $0x400;
	s8 =	smov.u32 s14;
	_ =	swait.ge [sflag:s19], $0x4000  }
0x1c7: {  	s15 =	sshrl.u32 @!p3 s17, $0x3;
	s14 =	simm.s32 @!p3 $0x14880;
	[sflag:s19] =	ssyncset.done $0x0  }
0x1c8: {  	s20 =	sadd.s32 @!p3 s5, s15;
	s16 =	simm.s32 @!p3 $0x0;
	[sflag:s19] =	ssyncadd.s32 $0xFFFFC000  }
0x1c9: {  	[tilespmem:s14], [sflag:$0x1] =	stream.linear.gather @!p3 [hbm4b:s20+s16], $0x400, $0x38;
	[tilespmem:$0x1D880] =	vst v63  }
0x1ca: {  	s15 =	sadd.s32 @!p3 s4, s15;
	s20 =	simm.s32 @!p3 $0x14C80  }
0x1cb: {  	[tilespmem:s20], [sflag:$0x1] =	stream.linear.gather @!p3 [hbm4b:s15+s16], $0x400, $0x38;
	[tilespmem:$0x1D880] =	vst v63  }
0x1cc: {  	s10 =	rddreg [dreg:$0x1b]  }
0x1cd: {  	[tilespmem:s30], [sflag:$0x4] =	stream.indirect.gather [hbm4b:s6+s23], $0x80, s10, s23, $0xb8;
	[tilespmem:$0x1D880] =	vst v63  }
0x1ce: {  	s20 =	rddreg [dreg:$0x1c]  }
0x1cf: {  	[tilespmem:s31], [sflag:$0x4] =	stream.indirect.gather [hbm4b:s6+s23], $0x80, s20, s23, $0xb8;
	[tilespmem:$0x1D880] =	vst v63  }
0x1d0: {  	_ =	swait.ge [sflag:s1], $0x2000  }
0x1d1: {  	[sflag:s1] =	ssyncset.done $0x0  }
0x1d2: {  	[sflag:s1] =	ssyncadd.s32 $0xFFFFE000  }
0x1d3: {  	_ =	swait.ge [sflag:s1], $0x2000  }
0x1d4: {  	[sflag:s1] =	ssyncset.done $0x0  }
0x1d5: {  	[sflag:s1] =	ssyncadd.s32 $0xFFFFE000  }
0x1d6: {  	[spmem:s2] =	stream.indirect.scatter.add.f32 [tilespmem:s24], [sflag:$0x5], $0x80, s29, s0, $0xb8;
	[tilespmem:$0x1D880] =	vst v63  }
0x1d7: {  	_ =	swait.ge [sflag:s19], $0x4000  }
0x1d8: {  	[sflag:s19] =	ssyncset.done $0x0  }
0x1d9: {  	s16 =	rddreg [dreg:$0x1d];
	[sflag:s19] =	ssyncadd.s32 $0xFFFFC000  }
0x1da: {  	[tilespmem:s24], [sflag:$0x3] =	stream.indirect.gather [hbm4b:s6+s23], $0x80, s16, s23, $0xb8;
	[tilespmem:$0x1D880] =	vst v63  }
0x1db: {  	s20 =	rddreg [dreg:$0x1e]  }
0x1dc: {  	[tilespmem:s26], [sflag:$0x3] =	stream.indirect.gather [hbm4b:s6+s23], $0x80, s20, s23, $0xb8;
	[tilespmem:$0x1D880] =	vst v63  }
0x1dd: {  	_ =	swait.ge [sflag:s11], $0x2000  }
0x1de: {  	[sflag:s11] =	ssyncset.done $0x0  }
0x1df: {  	[sflag:s11] =	ssyncadd.s32 $0xFFFFE000  }
0x1e0: {  	_ =	swait.ge [sflag:s11], $0x2000  }
0x1e1: {  	[sflag:s11] =	ssyncset.done $0x0  }
0x1e2: {  	s15 =	rddreg [dreg:$0x1f];
	[sflag:s11] =	ssyncadd.s32 $0xFFFFE000  }
0x1e3: {  	[spmem:s2] =	stream.indirect.scatter.add.f32 [tilespmem:s30], [sflag:$0x5], $0x80, s15, s0, $0xb8;
	[tilespmem:$0x1D880] =	vst v63  }
0x1e4: {  	_ =	swait.ge [sflag:s19], $0x4000  }
0x1e5: {  	s16 =	sld [smem:$0x7EC]  }
0x1e6: {  	[sflag:s19] =	ssyncset.done $0x0  }
0x1e7: {  	s20 =	sld [smem:$0x7ED];
	[sflag:s19] =	ssyncadd.s32 $0xFFFFC000  }
0x1e8: {  	[tilespmem:s30], [sflag:$0x4] =	stream.indirect.gather [hbm4b:s6+s23], $0x80, s16, s23, $0xb8;
	[tilespmem:$0x1D880] =	vst v63  }
0x1e9: {  	_ = 	snop  }
0x1ea: {  	[tilespmem:s31], [sflag:$0x4] =	stream.indirect.gather [hbm4b:s6+s23], $0x80, s20, s23, $0xb8;
	[tilespmem:$0x1D880] =	vst v63  }
0x1eb: {  	_ =	swait.ge [sflag:s1], $0x2000  }
0x1ec: {  	[sflag:s1] =	ssyncset.done $0x0  }
0x1ed: {  	[sflag:s1] =	ssyncadd.s32 $0xFFFFE000  }
0x1ee: {  	_ =	swait.ge [sflag:s1], $0x2000  }
0x1ef: {  	s15 =	sld [smem:$0x7EE]  }
0x1f0: {  	[sflag:s1] =	ssyncset.done $0x0  }
0x1f1: {  	[sflag:s1] =	ssyncadd.s32 $0xFFFFE000  }
0x1f2: {  	[spmem:s2] =	stream.indirect.scatter.add.f32 [tilespmem:s24], [sflag:$0x5], $0x80, s15, s0, $0xb8;
	[tilespmem:$0x1D880] =	vst v63  }
0x1f3: {  	_ =	swait.ge [sflag:s19], $0x4000  }
0x1f4: {  	s16 =	sld [smem:$0x7F0]  }
0x1f5: {  	[sflag:s19] =	ssyncset.done $0x0  }
0x1f6: {  	s20 =	sld [smem:$0x7F2];
	[sflag:s19] =	ssyncadd.s32 $0xFFFFC000  }
0x1f7: {  	[tilespmem:s24], [sflag:$0x3] =	stream.indirect.gather [hbm4b:s6+s23], $0x80, s16, s23, $0xb8;
	[tilespmem:$0x1D880] =	vst v63  }
0x1f8: {  	_ = 	snop  }
0x1f9: {  	[tilespmem:s26], [sflag:$0x3] =	stream.indirect.gather [hbm4b:s6+s23], $0x80, s20, s23, $0xb8;
	[tilespmem:$0x1D880] =	vst v63  }
0x1fa: {  	_ =	swait.ge [sflag:s11], $0x2000  }
0x1fb: {  	[sflag:s11] =	ssyncset.done $0x0  }
0x1fc: {  	[sflag:s11] =	ssyncadd.s32 $0xFFFFE000  }
0x1fd: {  	_ =	swait.ge [sflag:s11], $0x2000  }
0x1fe: {  	s15 =	sld [smem:$0x7F3]  }
0x1ff: {  	[sflag:s11] =	ssyncset.done $0x0  }
0x200: {  	[sflag:s11] =	ssyncadd.s32 $0xFFFFE000  }
0x201: {  	[spmem:s2] =	stream.indirect.scatter.add.f32 [tilespmem:s30], [sflag:$0x5], $0x80, s15, s0, $0xb8;
	[tilespmem:$0x1D880] =	vst v63  }
0x202: {  	_ =	swait.ge [sflag:s19], $0x4000  }
0x203: {  	s16 =	sld [smem:$0x7F4]  }
0x204: {  	[sflag:s19] =	ssyncset.done $0x0  }
0x205: {  	s20 =	sld [smem:$0x7F5];
	[sflag:s19] =	ssyncadd.s32 $0xFFFFC000  }
0x206: {  	[tilespmem:s30], [sflag:$0x4] =	stream.indirect.gather [hbm4b:s6+s23], $0x80, s16, s23, $0xb8;
	[tilespmem:$0x1D880] =	vst v63  }
0x207: {  	_ = 	snop  }
0x208: {  	[tilespmem:s31], [sflag:$0x4] =	stream.indirect.gather [hbm4b:s6+s23], $0x80, s20, s23, $0xb8;
	[tilespmem:$0x1D880] =	vst v63  }
0x209: {  	_ =	swait.ge [sflag:s1], $0x2000  }
0x20a: {  	[sflag:s1] =	ssyncset.done $0x0  }
0x20b: {  	[sflag:s1] =	ssyncadd.s32 $0xFFFFE000  }
0x20c: {  	_ =	swait.ge [sflag:s1], $0x2000  }
0x20d: {  	s15 =	sld [smem:$0x7F6]  }
0x20e: {  	[sflag:s1] =	ssyncset.done $0x0  }
0x20f: {  	[sflag:s1] =	ssyncadd.s32 $0xFFFFE000  }
0x210: {  	[spmem:s2] =	stream.indirect.scatter.add.f32 [tilespmem:s24], [sflag:$0x5], $0x80, s15, s0, $0xb8;
	[tilespmem:$0x1D880] =	vst v63  }
0x211: {  	_ =	swait.ge [sflag:s19], $0x4000  }
0x212: {  	s16 =	sld [smem:$0x7F7]  }
0x213: {  	[sflag:s19] =	ssyncset.done $0x0  }
0x214: {  	s20 =	sld [smem:$0x7F8];
	[sflag:s19] =	ssyncadd.s32 $0xFFFFC000  }
0x215: {  	[tilespmem:s24], [sflag:$0x3] =	stream.indirect.gather [hbm4b:s6+s23], $0x80, s16, s23, $0xb8;
	[tilespmem:$0x1D880] =	vst v63  }
0x216: {  	_ = 	snop  }
0x217: {  	[tilespmem:s26], [sflag:$0x3] =	stream.indirect.gather [hbm4b:s6+s23], $0x80, s20, s23, $0xb8;
	[tilespmem:$0x1D880] =	vst v63  }
0x218: {  	_ =	swait.ge [sflag:s11], $0x2000  }
0x219: {  	[sflag:s11] =	ssyncset.done $0x0  }
0x21a: {  	[sflag:s11] =	ssyncadd.s32 $0xFFFFE000  }
0x21b: {  	_ =	swait.ge [sflag:s11], $0x2000  }
0x21c: {  	s15 =	sld [smem:$0x7F9]  }
0x21d: {  	[sflag:s11] =	ssyncset.done $0x0  }
0x21e: {  	[sflag:s11] =	ssyncadd.s32 $0xFFFFE000  }
0x21f: {  	[spmem:s2] =	stream.indirect.scatter.add.f32 [tilespmem:s30], [sflag:$0x5], $0x80, s15, s0, $0xb8;
	[tilespmem:$0x1D880] =	vst v63  }
0x220: {  	_ =	swait.ge [sflag:s19], $0x4000  }
0x221: {  	s16 =	sld [smem:$0x7FA]  }
0x222: {  	[sflag:s19] =	ssyncset.done $0x0  }
0x223: {  	s20 =	sld [smem:$0x7FB];
	[sflag:s19] =	ssyncadd.s32 $0xFFFFC000  }
0x224: {  	[tilespmem:s30], [sflag:$0x4] =	stream.indirect.gather [hbm4b:s6+s23], $0x80, s16, s23, $0xb8;
	[tilespmem:$0x1D880] =	vst v63  }
0x225: {  	_ = 	snop  }
0x226: {  	[tilespmem:s31], [sflag:$0x4] =	stream.indirect.gather [hbm4b:s6+s23], $0x80, s20, s23, $0xb8;
	[tilespmem:$0x1D880] =	vst v63  }
0x227: {  	_ =	swait.ge [sflag:s1], $0x2000  }
0x228: {  	[sflag:s1] =	ssyncset.done $0x0  }
0x229: {  	[sflag:s1] =	ssyncadd.s32 $0xFFFFE000  }
0x22a: {  	_ =	swait.ge [sflag:s1], $0x2000  }
0x22b: {  	s16 =	sld [smem:$0x7FC]  }
0x22c: {  	[sflag:s1] =	ssyncset.done $0x0  }
0x22d: {  	[sflag:s1] =	ssyncadd.s32 $0xFFFFE000  }
0x22e: {  	[spmem:s2] =	stream.indirect.scatter.add.f32 [tilespmem:s24], [sflag:$0x5], $0x80, s16, s0, $0xb8;
	[tilespmem:$0x1D880] =	vst v63  }
0x22f: {  	_ =	swait.ge [sflag:s19], $0x4000  }
0x230: {  	[sflag:s19] =	ssyncset.done $0x0  }
0x231: {  	s10 =	simm.s32 @!p3 $0x1;
	[sflag:s19] =	ssyncadd.s32 $0xFFFFC000  }
0x232: {  	_ =	swait.ge @!p3 [sflag:s10], $0x400  }
0x233: {  	[sflag:s10] =	ssyncset.done @!p3 $0x0  }
0x234: {  	[sflag:s10] =	ssyncadd.s32 @!p3 $0xFFFFFC00  }
0x235: {  	_ =	swait.ge @!p3 [sflag:s10], $0x400  }
0x236: {  	[sflag:s10] =	ssyncset.done @!p3 $0x0  }
0x237: {  	s15 =	simm.s32 @!p3 $0x15880;
	[sflag:s10] =	ssyncadd.s32 @!p3 $0xFFFFFC00;
	s10 =	simm.s32 @!p3 $0x40  }
0x238: {  	[tilespmem:s15], [sflag:$0x3] =	stream.indirect.gather @!p3 [hbm4b:s6+s10], $0x80, s14, s10, $0xb8;
	[tilespmem:$0x1D880] =	vst v63  }
0x239: {  	s14 =	simm.s32 @!p3 $0x148C0;
	s15 =	simm.s32 @!p3 $0x17880  }
0x23a: {  	[tilespmem:s15], [sflag:$0x3] =	stream.indirect.gather @!p3 [hbm4b:s6+s10], $0x80, s14, s10, $0xb8;
	[tilespmem:$0x1D880] =	vst v63  }
0x23b: {  	_ =	swait.ge [sflag:s11], $0x2000  }
0x23c: {  	[sflag:s11] =	ssyncset.done $0x0  }
0x23d: {  	[sflag:s11] =	ssyncadd.s32 $0xFFFFE000  }
0x23e: {  	s13 =	sadd.s32 $0x100, s13;
	_ =	swait.ge [sflag:s11], $0x2000  }
0x23f: {  	p2 =	sne.s32 s13, $0x500;
	s20 =	sld [smem:$0x7FD]  }
.Ltmp4:
0x240: {  	[sflag:s11] =	ssyncset.done $0x0;
	(pc) =	sbr.rel @p2 .LBB2_8-.Ltmp4, $4  }
0x241: {  	[sflag:s11] =	ssyncadd.s32 $0xFFFFE000  }
0x242: {  	[spmem:s2] =	stream.indirect.scatter.add.f32 [tilespmem:s30], [sflag:$0x5], $0x80, s20, s0, $0xb8;
	[tilespmem:$0x1D880] =	vst v63  }
0x243: {  	_ =	swait.ge [sflag:s19], $0x4000  }
0x244: {  	s15 =	rddreg [dreg:$0x4];
	[sflag:s19] =	ssyncset.done $0x0  }
0x245: {  	s10 =	rddreg [dreg:$0x3];
	[sflag:s19] =	ssyncadd.s32 $0xFFFFC000;
	s13 =	sadd.s32 s8, s15  }
0x246: {  	[tilespmem:s28], [sflag:$0x2] =	stream.linear.gather [hbm4b:s13+s3], $0x400, $0x38;
	[tilespmem:$0x1D880] =	vst v63  }
0x247: {  	s10 =	sadd.s32 s8, s10  }
0x248: {  	[tilespmem:s29], [sflag:$0x2] =	stream.linear.gather [hbm4b:s10+s3], $0x400, $0x38;
	[tilespmem:$0x1D880] =	vst v63  }
0x249: {  	s20 =	rddreg [dreg:$0x5]  }
0x24a: {  	[tilespmem:s30], [sflag:$0x4] =	stream.indirect.gather [hbm4b:s6+s23], $0x80, s20, s23, $0xb8;
	[tilespmem:$0x1D880] =	vst v63  }
0x24b: {  	s14 =	rddreg [dreg:$0x6]  }
0x24c: {  	[tilespmem:s31], [sflag:$0x4] =	stream.indirect.gather [hbm4b:s6+s23], $0x80, s14, s23, $0xb8;
	[tilespmem:$0x1D880] =	vst v63  }
0x24d: {  	_ =	swait.ge [sflag:s1], $0x2000  }
0x24e: {  	[sflag:s1] =	ssyncset.done $0x0  }
0x24f: {  	[sflag:s1] =	ssyncadd.s32 $0xFFFFE000  }
0x250: {  	_ =	swait.ge [sflag:s1], $0x2000  }
0x251: {  	[sflag:s1] =	ssyncset.done $0x0  }
0x252: {  	[sflag:s1] =	ssyncadd.s32 $0xFFFFE000  }
0x253: {  	[spmem:s2] =	stream.indirect.scatter.add.f32 [tilespmem:s24], [sflag:$0x5], $0x80, s21, s0, $0xb8;
	[tilespmem:$0x1D880] =	vst v63  }
0x254: {  	_ =	swait.ge [sflag:s19], $0x4000  }
0x255: {  	[sflag:s19] =	ssyncset.done $0x0  }
0x256: {  	s15 =	rddreg [dreg:$0x7];
	[sflag:s19] =	ssyncadd.s32 $0xFFFFC000  }
0x257: {  	[tilespmem:s24], [sflag:$0x3] =	stream.indirect.gather [hbm4b:s6+s23], $0x80, s15, s23, $0xb8;
	[tilespmem:$0x1D880] =	vst v63  }
0x258: {  	s16 =	rddreg [dreg:$0x8]  }
0x259: {  	[tilespmem:s26], [sflag:$0x3] =	stream.indirect.gather [hbm4b:s6+s23], $0x80, s16, s23, $0xb8;
	[tilespmem:$0x1D880] =	vst v63  }
0x25a: {  	_ =	swait.ge [sflag:s11], $0x2000  }
0x25b: {  	[sflag:s11] =	ssyncset.done $0x0  }
0x25c: {  	[sflag:s11] =	ssyncadd.s32 $0xFFFFE000  }
0x25d: {  	_ =	swait.ge [sflag:s11], $0x2000  }
0x25e: {  	[sflag:s11] =	ssyncset.done $0x0  }
0x25f: {  	s20 =	rddreg [dreg:$0x9];
	[sflag:s11] =	ssyncadd.s32 $0xFFFFE000  }
0x260: {  	[spmem:s2] =	stream.indirect.scatter.add.f32 [tilespmem:s30], [sflag:$0x5], $0x80, s20, s0, $0xb8;
	[tilespmem:$0x1D880] =	vst v63  }
0x261: {  	_ =	swait.ge [sflag:s19], $0x4000  }
0x262: {  	[sflag:s19] =	ssyncset.done $0x0  }
0x263: {  	s13 =	rddreg [dreg:$0xa];
	[sflag:s19] =	ssyncadd.s32 $0xFFFFC000  }
0x264: {  	[tilespmem:s30], [sflag:$0x4] =	stream.indirect.gather [hbm4b:s6+s23], $0x80, s13, s23, $0xb8;
	[tilespmem:$0x1D880] =	vst v63  }
0x265: {  	s14 =	rddreg [dreg:$0xb]  }
0x266: {  	[tilespmem:s31], [sflag:$0x4] =	stream.indirect.gather [hbm4b:s6+s23], $0x80, s14, s23, $0xb8;
	[tilespmem:$0x1D880] =	vst v63  }
0x267: {  	_ =	swait.ge [sflag:s1], $0x2000  }
0x268: {  	[sflag:s1] =	ssyncset.done $0x0  }
0x269: {  	[sflag:s1] =	ssyncadd.s32 $0xFFFFE000  }
0x26a: {  	_ =	swait.ge [sflag:s1], $0x2000  }
0x26b: {  	[sflag:s1] =	ssyncset.done $0x0  }
0x26c: {  	s15 =	rddreg [dreg:$0xc];
	[sflag:s1] =	ssyncadd.s32 $0xFFFFE000  }
0x26d: {  	[spmem:s2] =	stream.indirect.scatter.add.f32 [tilespmem:s24], [sflag:$0x5], $0x80, s15, s0, $0xb8;
	[tilespmem:$0x1D880] =	vst v63  }
0x26e: {  	_ =	swait.ge [sflag:s19], $0x4000  }
0x26f: {  	[sflag:s19] =	ssyncset.done $0x0  }
0x270: {  	s16 =	rddreg [dreg:$0xd];
	[sflag:s19] =	ssyncadd.s32 $0xFFFFC000  }
0x271: {  	[tilespmem:s24], [sflag:$0x3] =	stream.indirect.gather [hbm4b:s6+s23], $0x80, s16, s23, $0xb8;
	[tilespmem:$0x1D880] =	vst v63  }
0x272: {  	s20 =	rddreg [dreg:$0xe]  }
0x273: {  	[tilespmem:s26], [sflag:$0x3] =	stream.indirect.gather [hbm4b:s6+s23], $0x80, s20, s23, $0xb8;
	[tilespmem:$0x1D880] =	vst v63  }
0x274: {  	_ =	swait.ge [sflag:s11], $0x2000  }
0x275: {  	[sflag:s11] =	ssyncset.done $0x0  }
0x276: {  	[sflag:s11] =	ssyncadd.s32 $0xFFFFE000  }
0x277: {  	_ =	swait.ge [sflag:s11], $0x2000  }
0x278: {  	[sflag:s11] =	ssyncset.done $0x0  }
0x279: {  	s14 =	rddreg [dreg:$0xf];
	[sflag:s11] =	ssyncadd.s32 $0xFFFFE000  }
0x27a: {  	[spmem:s2] =	stream.indirect.scatter.add.f32 [tilespmem:s30], [sflag:$0x5], $0x80, s14, s0, $0xb8;
	[tilespmem:$0x1D880] =	vst v63  }
0x27b: {  	_ =	swait.ge [sflag:s19], $0x4000  }
0x27c: {  	[sflag:s19] =	ssyncset.done $0x0  }
0x27d: {  	s15 =	rddreg [dreg:$0x10];
	[sflag:s19] =	ssyncadd.s32 $0xFFFFC000  }
0x27e: {  	[tilespmem:s30], [sflag:$0x4] =	stream.indirect.gather [hbm4b:s6+s23], $0x80, s15, s23, $0xb8;
	[tilespmem:$0x1D880] =	vst v63  }
0x27f: {  	s16 =	rddreg [dreg:$0x11]  }
0x280: {  	[tilespmem:s31], [sflag:$0x4] =	stream.indirect.gather [hbm4b:s6+s23], $0x80, s16, s23, $0xb8;
	[tilespmem:$0x1D880] =	vst v63  }
0x281: {  	_ =	swait.ge [sflag:s1], $0x2000  }
0x282: {  	[sflag:s1] =	ssyncset.done $0x0  }
0x283: {  	[sflag:s1] =	ssyncadd.s32 $0xFFFFE000  }
0x284: {  	_ =	swait.ge [sflag:s1], $0x2000  }
0x285: {  	[sflag:s1] =	ssyncset.done $0x0  }
0x286: {  	s20 =	rddreg [dreg:$0x12];
	[sflag:s1] =	ssyncadd.s32 $0xFFFFE000  }
0x287: {  	[spmem:s2] =	stream.indirect.scatter.add.f32 [tilespmem:s24], [sflag:$0x5], $0x80, s20, s0, $0xb8;
	[tilespmem:$0x1D880] =	vst v63  }
0x288: {  	_ =	swait.ge [sflag:s19], $0x4000  }
0x289: {  	[sflag:s19] =	ssyncset.done $0x0  }
0x28a: {  	s13 =	rddreg [dreg:$0x13];
	[sflag:s19] =	ssyncadd.s32 $0xFFFFC000  }
0x28b: {  	[tilespmem:s24], [sflag:$0x3] =	stream.indirect.gather [hbm4b:s6+s23], $0x80, s13, s23, $0xb8;
	[tilespmem:$0x1D880] =	vst v63  }
0x28c: {  	s14 =	rddreg [dreg:$0x14]  }
0x28d: {  	[tilespmem:s26], [sflag:$0x3] =	stream.indirect.gather [hbm4b:s6+s23], $0x80, s14, s23, $0xb8;
	[tilespmem:$0x1D880] =	vst v63  }
0x28e: {  	_ =	swait.ge [sflag:s11], $0x2000  }
0x28f: {  	[sflag:s11] =	ssyncset.done $0x0  }
0x290: {  	[sflag:s11] =	ssyncadd.s32 $0xFFFFE000  }
0x291: {  	_ =	swait.ge [sflag:s11], $0x2000  }
0x292: {  	[sflag:s11] =	ssyncset.done $0x0  }
0x293: {  	s15 =	rddreg [dreg:$0x15];
	[sflag:s11] =	ssyncadd.s32 $0xFFFFE000  }
0x294: {  	[spmem:s2] =	stream.indirect.scatter.add.f32 [tilespmem:s30], [sflag:$0x5], $0x80, s15, s0, $0xb8;
	[tilespmem:$0x1D880] =	vst v63  }
0x295: {  	_ =	swait.ge [sflag:s19], $0x4000  }
0x296: {  	[sflag:s19] =	ssyncset.done $0x0  }
0x297: {  	s16 =	rddreg [dreg:$0x16];
	[sflag:s19] =	ssyncadd.s32 $0xFFFFC000  }
0x298: {  	[tilespmem:s30], [sflag:$0x4] =	stream.indirect.gather [hbm4b:s6+s23], $0x80, s16, s23, $0xb8;
	[tilespmem:$0x1D880] =	vst v63  }
0x299: {  	s20 =	rddreg [dreg:$0x17]  }
0x29a: {  	[tilespmem:s31], [sflag:$0x4] =	stream.indirect.gather [hbm4b:s6+s23], $0x80, s20, s23, $0xb8;
	[tilespmem:$0x1D880] =	vst v63  }
0x29b: {  	_ =	swait.ge [sflag:s1], $0x2000  }
0x29c: {  	[sflag:s1] =	ssyncset.done $0x0  }
0x29d: {  	[sflag:s1] =	ssyncadd.s32 $0xFFFFE000  }
0x29e: {  	_ =	swait.ge [sflag:s1], $0x2000  }
0x29f: {  	[sflag:s1] =	ssyncset.done $0x0  }
0x2a0: {  	s14 =	rddreg [dreg:$0x18];
	[sflag:s1] =	ssyncadd.s32 $0xFFFFE000  }
0x2a1: {  	[spmem:s2] =	stream.indirect.scatter.add.f32 [tilespmem:s24], [sflag:$0x5], $0x80, s14, s0, $0xb8;
	[tilespmem:$0x1D880] =	vst v63  }
0x2a2: {  	_ =	swait.ge [sflag:s19], $0x4000  }
0x2a3: {  	[sflag:s19] =	ssyncset.done $0x0  }
0x2a4: {  	[sflag:s19] =	ssyncadd.s32 $0xFFFFC000  }
0x2a5: {  	_ =	swait.ge [sflag:s9], $0x400  }
0x2a6: {  	[sflag:s9] =	ssyncset.done $0x0  }
0x2a7: {  	[sflag:s9] =	ssyncadd.s32 $0xFFFFFC00  }
0x2a8: {  	_ =	swait.ge [sflag:s9], $0x400  }
0x2a9: {  	[sflag:s9] =	ssyncset.done $0x0  }
0x2aa: {  	[sflag:s9] =	ssyncadd.s32 $0xFFFFFC00  }
0x2ab: {  	[tilespmem:s24], [sflag:$0x3] =	stream.indirect.gather [hbm4b:s6+s23], $0x80, s28, s23, $0xb8;
	[tilespmem:$0x1D880] =	vst v63  }
0x2ac: {  	s15 =	rddreg [dreg:$0x19]  }
0x2ad: {  	[tilespmem:s26], [sflag:$0x3] =	stream.indirect.gather [hbm4b:s6+s23], $0x80, s15, s23, $0xb8;
	[tilespmem:$0x1D880] =	vst v63  }
0x2ae: {  	_ =	swait.ge [sflag:s11], $0x2000  }
0x2af: {  	[sflag:s11] =	ssyncset.done $0x0  }
0x2b0: {  	[sflag:s11] =	ssyncadd.s32 $0xFFFFE000  }
0x2b1: {  	_ =	swait.ge [sflag:s11], $0x2000  }
0x2b2: {  	[sflag:s11] =	ssyncset.done $0x0  }
0x2b3: {  	s16 =	rddreg [dreg:$0x1a];
	[sflag:s11] =	ssyncadd.s32 $0xFFFFE000  }
0x2b4: {  	[spmem:s2] =	stream.indirect.scatter.add.f32 [tilespmem:s30], [sflag:$0x5], $0x80, s16, s0, $0xb8;
	[tilespmem:$0x1D880] =	vst v63  }
0x2b5: {  	p2 =	seq.s32 s8, $0x400;
	s10 =	sadd.s32 $0x800, s17;
	_ =	swait.ge [sflag:s19], $0x4000  }
0x2b6: {  	s8 =	simm.s32 @!p2 $0x14880;
	s10 =	sshrl.u32 @!p2 s10, $0x3;
	[sflag:s19] =	ssyncset.done $0x0  }
0x2b7: {  	s13 =	sadd.s32 @!p2 s5, s10;
	s14 =	simm.s32 @!p2 $0x0;
	[sflag:s19] =	ssyncadd.s32 $0xFFFFC000  }
0x2b8: {  	[tilespmem:s8], [sflag:$0x1] =	stream.linear.gather @!p2 [hbm4b:s13+s14], $0x400, $0x38;
	[tilespmem:$0x1D880] =	vst v63  }
0x2b9: {  	s10 =	sadd.s32 @!p2 s4, s10;
	s13 =	simm.s32 @!p2 $0x14C80  }
0x2ba: {  	[tilespmem:s13], [sflag:$0x1] =	stream.linear.gather @!p2 [hbm4b:s10+s14], $0x400, $0x38;
	[tilespmem:$0x1D880] =	vst v63  }
0x2bb: {  	s20 =	rddreg [dreg:$0x1b]  }
0x2bc: {  	[tilespmem:s30], [sflag:$0x4] =	stream.indirect.gather [hbm4b:s6+s23], $0x80, s20, s23, $0xb8;
	[tilespmem:$0x1D880] =	vst v63  }
0x2bd: {  	s14 =	rddreg [dreg:$0x1c]  }
0x2be: {  	[tilespmem:s31], [sflag:$0x4] =	stream.indirect.gather [hbm4b:s6+s23], $0x80, s14, s23, $0xb8;
	[tilespmem:$0x1D880] =	vst v63  }
0x2bf: {  	_ =	swait.ge [sflag:s1], $0x2000  }
0x2c0: {  	[sflag:s1] =	ssyncset.done $0x0  }
0x2c1: {  	[sflag:s1] =	ssyncadd.s32 $0xFFFFE000  }
0x2c2: {  	_ =	swait.ge [sflag:s1], $0x2000  }
0x2c3: {  	[sflag:s1] =	ssyncset.done $0x0  }
0x2c4: {  	[sflag:s1] =	ssyncadd.s32 $0xFFFFE000  }
0x2c5: {  	[spmem:s2] =	stream.indirect.scatter.add.f32 [tilespmem:s24], [sflag:$0x5], $0x80, s29, s0, $0xb8;
	[tilespmem:$0x1D880] =	vst v63  }
0x2c6: {  	_ =	swait.ge [sflag:s19], $0x4000  }
0x2c7: {  	[sflag:s19] =	ssyncset.done $0x0  }
0x2c8: {  	s16 =	rddreg [dreg:$0x1d];
	[sflag:s19] =	ssyncadd.s32 $0xFFFFC000  }
0x2c9: {  	[tilespmem:s24], [sflag:$0x3] =	stream.indirect.gather [hbm4b:s6+s23], $0x80, s16, s23, $0xb8;
	[tilespmem:$0x1D880] =	vst v63  }
0x2ca: {  	s17 =	rddreg [dreg:$0x1e]  }
0x2cb: {  	[tilespmem:s26], [sflag:$0x3] =	stream.indirect.gather [hbm4b:s6+s23], $0x80, s17, s23, $0xb8;
	[tilespmem:$0x1D880] =	vst v63  }
0x2cc: {  	_ =	swait.ge [sflag:s11], $0x2000  }
0x2cd: {  	[sflag:s11] =	ssyncset.done $0x0  }
0x2ce: {  	[sflag:s11] =	ssyncadd.s32 $0xFFFFE000  }
0x2cf: {  	_ =	swait.ge [sflag:s11], $0x2000  }
0x2d0: {  	[sflag:s11] =	ssyncset.done $0x0  }
0x2d1: {  	s20 =	rddreg [dreg:$0x1f];
	[sflag:s11] =	ssyncadd.s32 $0xFFFFE000  }
0x2d2: {  	[spmem:s2] =	stream.indirect.scatter.add.f32 [tilespmem:s30], [sflag:$0x5], $0x80, s20, s0, $0xb8;
	[tilespmem:$0x1D880] =	vst v63  }
0x2d3: {  	_ =	swait.ge [sflag:s19], $0x4000  }
0x2d4: {  	s13 =	sld [smem:$0x7EC]  }
0x2d5: {  	[sflag:s19] =	ssyncset.done $0x0  }
0x2d6: {  	s14 =	sld [smem:$0x7ED];
	[sflag:s19] =	ssyncadd.s32 $0xFFFFC000  }
0x2d7: {  	[tilespmem:s30], [sflag:$0x4] =	stream.indirect.gather [hbm4b:s6+s23], $0x80, s13, s23, $0xb8;
	[tilespmem:$0x1D880] =	vst v63  }
0x2d8: {  	_ = 	snop  }
0x2d9: {  	[tilespmem:s31], [sflag:$0x4] =	stream.indirect.gather [hbm4b:s6+s23], $0x80, s14, s23, $0xb8;
	[tilespmem:$0x1D880] =	vst v63  }
0x2da: {  	_ =	swait.ge [sflag:s1], $0x2000  }
0x2db: {  	[sflag:s1] =	ssyncset.done $0x0  }
0x2dc: {  	[sflag:s1] =	ssyncadd.s32 $0xFFFFE000  }
0x2dd: {  	_ =	swait.ge [sflag:s1], $0x2000  }
0x2de: {  	s15 =	sld [smem:$0x7EE]  }
0x2df: {  	[sflag:s1] =	ssyncset.done $0x0  }
0x2e0: {  	[sflag:s1] =	ssyncadd.s32 $0xFFFFE000  }
0x2e1: {  	[spmem:s2] =	stream.indirect.scatter.add.f32 [tilespmem:s24], [sflag:$0x5], $0x80, s15, s0, $0xb8;
	[tilespmem:$0x1D880] =	vst v63  }
0x2e2: {  	_ =	swait.ge [sflag:s19], $0x4000  }
0x2e3: {  	s16 =	sld [smem:$0x7F0]  }
0x2e4: {  	[sflag:s19] =	ssyncset.done $0x0  }
0x2e5: {  	s17 =	sld [smem:$0x7F2];
	[sflag:s19] =	ssyncadd.s32 $0xFFFFC000  }
0x2e6: {  	[tilespmem:s24], [sflag:$0x3] =	stream.indirect.gather [hbm4b:s6+s23], $0x80, s16, s23, $0xb8;
	[tilespmem:$0x1D880] =	vst v63  }
0x2e7: {  	_ = 	snop  }
0x2e8: {  	[tilespmem:s26], [sflag:$0x3] =	stream.indirect.gather [hbm4b:s6+s23], $0x80, s17, s23, $0xb8;
	[tilespmem:$0x1D880] =	vst v63  }
0x2e9: {  	_ =	swait.ge [sflag:s11], $0x2000  }
0x2ea: {  	[sflag:s11] =	ssyncset.done $0x0  }
0x2eb: {  	[sflag:s11] =	ssyncadd.s32 $0xFFFFE000  }
0x2ec: {  	_ =	swait.ge [sflag:s11], $0x2000  }
0x2ed: {  	s20 =	sld [smem:$0x7F3]  }
0x2ee: {  	[sflag:s11] =	ssyncset.done $0x0  }
0x2ef: {  	[sflag:s11] =	ssyncadd.s32 $0xFFFFE000  }
0x2f0: {  	[spmem:s2] =	stream.indirect.scatter.add.f32 [tilespmem:s30], [sflag:$0x5], $0x80, s20, s0, $0xb8;
	[tilespmem:$0x1D880] =	vst v63  }
0x2f1: {  	_ =	swait.ge [sflag:s19], $0x4000  }
0x2f2: {  	s13 =	sld [smem:$0x7F4]  }
0x2f3: {  	[sflag:s19] =	ssyncset.done $0x0  }
0x2f4: {  	s14 =	sld [smem:$0x7F5];
	[sflag:s19] =	ssyncadd.s32 $0xFFFFC000  }
0x2f5: {  	[tilespmem:s30], [sflag:$0x4] =	stream.indirect.gather [hbm4b:s6+s23], $0x80, s13, s23, $0xb8;
	[tilespmem:$0x1D880] =	vst v63  }
0x2f6: {  	_ = 	snop  }
0x2f7: {  	[tilespmem:s31], [sflag:$0x4] =	stream.indirect.gather [hbm4b:s6+s23], $0x80, s14, s23, $0xb8;
	[tilespmem:$0x1D880] =	vst v63  }
0x2f8: {  	_ =	swait.ge [sflag:s1], $0x2000  }
0x2f9: {  	[sflag:s1] =	ssyncset.done $0x0  }
0x2fa: {  	[sflag:s1] =	ssyncadd.s32 $0xFFFFE000  }
0x2fb: {  	_ =	swait.ge [sflag:s1], $0x2000  }
0x2fc: {  	s15 =	sld [smem:$0x7F6]  }
0x2fd: {  	[sflag:s1] =	ssyncset.done $0x0  }
0x2fe: {  	[sflag:s1] =	ssyncadd.s32 $0xFFFFE000  }
0x2ff: {  	[spmem:s2] =	stream.indirect.scatter.add.f32 [tilespmem:s24], [sflag:$0x5], $0x80, s15, s0, $0xb8;
	[tilespmem:$0x1D880] =	vst v63  }
0x300: {  	_ =	swait.ge [sflag:s19], $0x4000  }
0x301: {  	s16 =	sld [smem:$0x7F7]  }
0x302: {  	[sflag:s19] =	ssyncset.done $0x0  }
0x303: {  	s17 =	sld [smem:$0x7F8];
	[sflag:s19] =	ssyncadd.s32 $0xFFFFC000  }
0x304: {  	[tilespmem:s24], [sflag:$0x3] =	stream.indirect.gather [hbm4b:s6+s23], $0x80, s16, s23, $0xb8;
	[tilespmem:$0x1D880] =	vst v63  }
0x305: {  	_ = 	snop  }
0x306: {  	[tilespmem:s26], [sflag:$0x3] =	stream.indirect.gather [hbm4b:s6+s23], $0x80, s17, s23, $0xb8;
	[tilespmem:$0x1D880] =	vst v63  }
0x307: {  	_ =	swait.ge [sflag:s11], $0x2000  }
0x308: {  	[sflag:s11] =	ssyncset.done $0x0  }
0x309: {  	[sflag:s11] =	ssyncadd.s32 $0xFFFFE000  }
0x30a: {  	_ =	swait.ge [sflag:s11], $0x2000  }
0x30b: {  	s20 =	sld [smem:$0x7F9]  }
0x30c: {  	[sflag:s11] =	ssyncset.done $0x0  }
0x30d: {  	[sflag:s11] =	ssyncadd.s32 $0xFFFFE000  }
0x30e: {  	[spmem:s2] =	stream.indirect.scatter.add.f32 [tilespmem:s30], [sflag:$0x5], $0x80, s20, s0, $0xb8;
	[tilespmem:$0x1D880] =	vst v63  }
0x30f: {  	_ =	swait.ge [sflag:s19], $0x4000  }
0x310: {  	s13 =	sld [smem:$0x7FA]  }
0x311: {  	[sflag:s19] =	ssyncset.done $0x0  }
0x312: {  	s14 =	sld [smem:$0x7FB];
	[sflag:s19] =	ssyncadd.s32 $0xFFFFC000  }
0x313: {  	[tilespmem:s30], [sflag:$0x4] =	stream.indirect.gather [hbm4b:s6+s23], $0x80, s13, s23, $0xb8;
	[tilespmem:$0x1D880] =	vst v63  }
0x314: {  	_ = 	snop  }
0x315: {  	[tilespmem:s31], [sflag:$0x4] =	stream.indirect.gather [hbm4b:s6+s23], $0x80, s14, s23, $0xb8;
	[tilespmem:$0x1D880] =	vst v63  }
0x316: {  	_ =	swait.ge [sflag:s1], $0x2000  }
0x317: {  	[sflag:s1] =	ssyncset.done $0x0  }
0x318: {  	[sflag:s1] =	ssyncadd.s32 $0xFFFFE000  }
0x319: {  	_ =	swait.ge [sflag:s1], $0x2000  }
0x31a: {  	s15 =	sld [smem:$0x7FC]  }
0x31b: {  	[sflag:s1] =	ssyncset.done $0x0  }
0x31c: {  	[sflag:s1] =	ssyncadd.s32 $0xFFFFE000  }
0x31d: {  	[spmem:s2] =	stream.indirect.scatter.add.f32 [tilespmem:s24], [sflag:$0x5], $0x80, s15, s0, $0xb8;
	[tilespmem:$0x1D880] =	vst v63  }
0x31e: {  	_ =	swait.ge [sflag:s19], $0x4000  }
0x31f: {  	[sflag:s19] =	ssyncset.done $0x0  }
0x320: {  	s10 =	simm.s32 @!p2 $0x1;
	[sflag:s19] =	ssyncadd.s32 $0xFFFFC000  }
0x321: {  	_ =	swait.ge @!p2 [sflag:s10], $0x400  }
0x322: {  	[sflag:s10] =	ssyncset.done @!p2 $0x0  }
0x323: {  	[sflag:s10] =	ssyncadd.s32 @!p2 $0xFFFFFC00  }
0x324: {  	_ =	swait.ge @!p2 [sflag:s10], $0x400  }
0x325: {  	[sflag:s10] =	ssyncset.done @!p2 $0x0  }
0x326: {  	s13 =	simm.s32 @!p2 $0x15880;
	[sflag:s10] =	ssyncadd.s32 @!p2 $0xFFFFFC00;
	s10 =	simm.s32 @!p2 $0x40  }
0x327: {  	[tilespmem:s13], [sflag:$0x3] =	stream.indirect.gather @!p2 [hbm4b:s6+s10], $0x80, s8, s10, $0xb8;
	[tilespmem:$0x1D880] =	vst v63  }
0x328: {  	s8 =	simm.s32 @!p2 $0x148C0;
	s13 =	simm.s32 @!p2 $0x17880  }
0x329: {  	[tilespmem:s13], [sflag:$0x3] =	stream.indirect.gather @!p2 [hbm4b:s6+s10], $0x80, s8, s10, $0xb8;
	[tilespmem:$0x1D880] =	vst v63  }
0x32a: {  	_ =	swait.ge [sflag:s11], $0x2000  }
0x32b: {  	[sflag:s11] =	ssyncset.done $0x0  }
0x32c: {  	[sflag:s11] =	ssyncadd.s32 $0xFFFFE000  }
0x32d: {  	_ =	swait.ge [sflag:s11], $0x2000  }
0x32e: {  	s16 =	sld [smem:$0x7FD]  }
0x32f: {  	[sflag:s11] =	ssyncset.done $0x0  }
0x330: {  	[sflag:s11] =	ssyncadd.s32 $0xFFFFE000  }
0x331: {  	[spmem:s2] =	stream.indirect.scatter.add.f32 [tilespmem:s30], [sflag:$0x5], $0x80, s16, s0, $0xb8;
	[tilespmem:$0x1D880] =	vst v63  }
0x332: {  	_ =	swait.ge [sflag:s19], $0x4000  }
0x333: {  	[sflag:s19] =	ssyncset.done $0x0  }
0x334: {  	[sflag:s19] =	ssyncadd.s32 $0xFFFFC000  }
0x335: {  	[bflag:$0x0] =	sbarrier.arrive $0xFFFF  }
0x336: {  	s17 =	sld [smem:$0x7EB];
	_ =	sdelay $0x2  }
0x337: {  	[hbm:s17], [sflag:s18] =	dma.local [spmem:s7], $0x2700  }
0x338: {  	_ =	swait.ge [sflag:s19], $0x2700  }
0x339: {  	s7 =	sld [smem:$0x7E7]  }
0x33a: {  	s8 =	sld [smem:$0x7EF]  }
0x33b: {  	[sflag:s19] =	ssyncset.done $0x0  }
0x33c: {  	[sflag:s19] =	ssyncadd.s32 $0xFFFFD900;
	s7 =	sshrl.u32 @!p1 s7, $0x3  }
0x33d: {  	[hbm:s8], [sflag:s18] =	dma.local @!p1 [spmem:s7], $0x100  }
0x33e: {  	s7 =	simm.s32 @!p1 $0x5  }
0x33f: {  	_ =	swait.ge @!p1 [sflag:s7], $0x100  }
0x340: {  	s20 =	sld [smem:$0x7F1];
	_ =	sdelay $0x1  }
0x341: {  	s25 =	sadd.s32 $0x1, s25  }
0x342: {  	p2 =	sne.s32 s25, s20  }
.Ltmp5:
0x343: {  	_ = 	snop;
	(pc) =	sbr.rel @p2 .LBB2_1-.Ltmp5, $3  }
0x344: {  	_ =	sdelay $0x1  }
0x345: {  	[sflag:s7] =	ssyncset.done @!p1 $0x0  }
0x346: {  	[sflag:s7] =	ssyncadd.s32 @!p1 $0xFFFFFF00  }
0x347: {  	_ =	sfence.sel $0x180000  }
0x348: {  	[bflag:$0x0] =	sbarrier.arrive $0xFFFF  }
0x349: {  	_ =	strace $0x9000004A  }
0x34a: {  	s0 =	stileid.u32;
	[bflag:$0x2] =	sbarrier.arrive $0xFFFF  }
0x34b: {  	p0 =	sne.s32 s0, $0x0;
	s0 =	rddreg [dreg:$0x2]  }
0x34c: {  	s0 =	sadd.s32 @!p0 $0x100000, s0  }
0x34d: {  	[sflag:s0] =	ssyncadd.tile.s32 @!p0 $0x1;
	_ =	shalt  }
.Lfunc_end2:
_tile_overlayer_lowered:
.L_overlay_start_2:
0x34e: {  	(tag) =	ssettag $0x2  }
0x34f: {  	s0 =	rddreg [dreg:$0x0];
	s2 =	stileid.u32  }
0x350: {  	s1 =	rddreg [dreg:$0x1];
	p0 =	sne.s32 s2, $0x0  }
0x351: {  	s3 =	rddreg [dreg:$0x2];
	[bflag:$0x3] =	sbarrier.arrive $0xFFFF;
	s2 =	simm.s32 @!p0 $0x1C05  }
0x352: {  	[timem:s3], [sflag:s2] =	dma.local @!p0 [hbm:s0], s1  }
0x353: {  	s0 =	simm.s32 @!p0 $0x5  }
0x354: {  	_ =	swait.ge @!p0 [sflag:s0], s1  }
0x355: {  	s1 =	ssub.s32 @!p0 $0x0, s1;
	[sflag:s0] =	ssyncset.done @!p0 $0x0  }
0x356: {  	[sflag:s0] =	ssyncadd.s32 @!p0 s1  }
0x357: {  	[bflag:$0x3] =	sbarrier.arrive $0xFFFF  }
0x358: {  	_ =	shalt  }

</sc_bundles>
